<compile_context>
chip_gen: v7x
topology: tpu7x:2x2x1
jax: 0.10.2.dev20260603
libtpu: 0.0.44.dev20260713+nightly
codegen_flags: <defaults>
</compile_context>

<pallas_src>
import jax
import jax.numpy as jnp
from jax import lax
from jax.experimental import pallas as pl
from jax.experimental.pallas import tpu as pltpu
from jax.experimental.pallas import tpu_sc as plsc

N = 10000
E = 320000
NPAD = 10112
NBLK = 79
NC, NS, L = 2, 16, 16
NW = NC * NS
EPT = E // NW
CPT = NPAD // 128
EPT2 = E // NS
CPT2 = 158
EPAD2 = CPT2 * 128
STRIPE = NPAD // NS



def _wid():
    return lax.axis_index("s") * NC + lax.axis_index("c")


def _zero_vmem_2d(buf, nrows, ncols):
    z = jnp.zeros((L,), jnp.float32)

    def body(i, _):
        for k in range(ncols // L):
            buf[i, pl.ds(k * L, L)] = z
        return 0

    lax.fori_loop(0, nrows, body, 0)


def _zero_vmem_1d(buf, n):
    z = jnp.zeros((L,), jnp.float32)

    def body(i, _):
        buf[pl.ds(i * L, L)] = z
        return 0

    lax.fori_loop(0, n // L, body, 0)


def _zero_stripe(S_spmem, zbuf, F2):
    s = lax.axis_index("s")
    _zero_vmem_2d(zbuf, NBLK, F2)
    for k in range(STRIPE // NBLK):
        pltpu.sync_copy(zbuf, S_spmem.at[pl.ds(s * STRIPE + k * NBLK, NBLK)])


def _sc_deg_body(dstp_hbm, out_hbm, dst_v, hist_v):
    w = _wid()
    pltpu.sync_copy(dstp_hbm.at[w], dst_v)
    _zero_vmem_1d(hist_v, NPAD)
    ones = jnp.ones((L,), jnp.float32)

    def blk(j, _):
        for k in range(128 // L):
            idx = dst_v[j, pl.ds(k * L, L)]
            plsc.addupdate_scatter(hist_v, [idx], ones)
        return 0

    lax.fori_loop(0, CPT, blk, 0)
    pltpu.sync_copy(hist_v, out_hbm.at[w])


def _sc_gcn_body(hs_hbm, srcp_hbm, dstp_hbm, out_hbm,
                 src_v, dst_v, r0, r1, zbuf, S_spmem, g0, g1):
    c = lax.axis_index("c")
    s = lax.axis_index("s")
    rows = (r0, r1)
    gsem = (g0, g1)
    F2 = r0.shape[1]
    _zero_stripe(S_spmem, zbuf, F2)
    pltpu.sync_copy(srcp_hbm.at[s], src_v.at[pl.ds(0, CPT2)])
    pltpu.sync_copy(dstp_hbm.at[s], dst_v)
    trash = jnp.full((L,), N, jnp.int32)
    for r in (CPT2, CPT2 + 1):
        for k in range(128 // L):
            src_v[r, pl.ds(k * L, L)] = trash
    plsc.subcore_barrier()

    def chunk(j, _):
        pltpu.async_copy(hs_hbm.at[c].at[src_v.at[j]], rows[0], gsem[0]).wait()
        pltpu.sync_copy(rows[0], S_spmem.at[dst_v.at[j]], add=True)
        return 0

    lax.fori_loop(0, CPT2, chunk, 0)
    plsc.subcore_barrier()
    pltpu.sync_copy(S_spmem.at[pl.ds(s * STRIPE, STRIPE)],
                    out_hbm.at[c, pl.ds(s * STRIPE, STRIPE)])


def _sc_amax_body(asrc_hbm, adst_hbm, srcp_hbm, dstp_hbm, out_hbm,
                  src_v, dst_v, asrc_v, adst_v, mbuf_v):
    w = _wid()
    pltpu.sync_copy(srcp_hbm.at[w], src_v)
    pltpu.sync_copy(dstp_hbm.at[w], dst_v)
    pltpu.sync_copy(asrc_hbm, asrc_v)
    pltpu.sync_copy(adst_hbm, adst_v)

    def blk(j, m):
        for k in range(128 // L):
            s16 = src_v[j, pl.ds(k * L, L)]
            d16 = dst_v[j, pl.ds(k * L, L)]
            z = plsc.load_gather(asrc_v, [s16]) + plsc.load_gather(adst_v, [d16])
            m = jnp.maximum(m, jnp.maximum(z, 0.2 * z))
        return m

    m = lax.fori_loop(0, CPT, blk, jnp.full((L,), -3e38, jnp.float32))

    def selfblk(i, m):
        z = asrc_v[pl.ds(i * L, L)] + adst_v[pl.ds(i * L, L)]
        return jnp.maximum(m, jnp.maximum(z, 0.2 * z))

    m = lax.fori_loop(0, NPAD // L, selfblk, m)
    mbuf_v[...] = m
    pltpu.sync_copy(mbuf_v, out_hbm.at[w])


def _sc_gat_body(h2_hbm, asrc_hbm, adst_hbm, srcp_hbm, dstp_hbm, maxes_hbm,
                 outS_hbm, outD_hbm,
                 src_v, dst_v, asrc_v, adst_v, r0, r1, ex_v,
                 hist_v, max_v, S_spmem, g0, g1):
    c = lax.axis_index("c")
    s = lax.axis_index("s")
    rows = (r0, r1)
    gsem = (g0, g1)
    F2 = r0.shape[1]
    _zero_vmem_2d(r0, 128, F2)
    for kk in range(4):
        pltpu.sync_copy(r0, S_spmem.at[pl.ds(s * STRIPE + kk * 128, 128)])
    pltpu.sync_copy(r0.at[pl.ds(0, STRIPE - 512)],
                    S_spmem.at[pl.ds(s * STRIPE + 512, STRIPE - 512)])
    pltpu.sync_copy(srcp_hbm.at[s], src_v.at[pl.ds(0, CPT2)])
    pltpu.sync_copy(dstp_hbm.at[s], dst_v)
    pltpu.sync_copy(asrc_hbm, asrc_v)
    pltpu.sync_copy(adst_hbm, adst_v)
    pltpu.sync_copy(maxes_hbm, max_v)
    _zero_vmem_1d(hist_v, NPAD)

    m = jnp.full((L,), -3e38, jnp.float32)
    for i in range(NW):
        m = jnp.maximum(m, max_v[i])
    C = jnp.full((L,), lax.reduce_max(m, axes=(0,)), jnp.float32)
    plsc.subcore_barrier()

    trash = jnp.full((L,), N, jnp.int32)
    for r in (CPT2, CPT2 + 1):
        for k in range(128 // L):
            src_v[r, pl.ds(k * L, L)] = trash

    pltpu.async_copy(h2_hbm.at[c].at[src_v.at[0]], rows[0], gsem[0])
    pltpu.async_copy(h2_hbm.at[c].at[src_v.at[1]], rows[1], gsem[1])

    def pair(p, _):
        for q in range(2):
            j = 2 * p + q
            rv = rows[q]
            for k in range(128 // L):
                s16 = src_v[j, pl.ds(k * L, L)]
                d16 = dst_v[j, pl.ds(k * L, L)]
                z = (plsc.load_gather(asrc_v, [s16])
                     + plsc.load_gather(adst_v, [d16]))
                ex = jnp.exp(jnp.maximum(z, 0.2 * z) - C)
                plsc.addupdate_scatter(hist_v, [d16], ex)
                ex_v[pl.ds(k * L, L)] = ex
            pltpu.make_async_copy(h2_hbm.at[c].at[src_v.at[j]], rv, gsem[q]).wait()

            def scale(e2, _, rv=rv):
                for u in range(2):
                    e = 2 * e2 + u
                    sp = plsc.load_gather(ex_v, [jnp.zeros((L,), jnp.int32) + e])
                    for k in range(F2 // L):
                        rv[e, pl.ds(k * L, L)] = rv[e, pl.ds(k * L, L)] * sp
                return 0

            lax.fori_loop(0, 64, scale, 0)
            pltpu.sync_copy(rv, S_spmem.at[dst_v.at[j]], add=True)
            pltpu.async_copy(h2_hbm.at[c].at[src_v.at[j + 2]], rv, gsem[q])
        return 0

    lax.fori_loop(0, CPT2 // 2, pair, 0)
    for q in (0, 1):
        pltpu.make_async_copy(h2_hbm.at[c].at[src_v.at[0]], rows[q],
                              gsem[q]).wait()
    plsc.subcore_barrier()
    pltpu.sync_copy(S_spmem.at[pl.ds(s * STRIPE, STRIPE)],
                    outS_hbm.at[c, pl.ds(s * STRIPE, STRIPE)])
    pltpu.sync_copy(hist_v, outD_hbm.at[c, s])


_MESH = plsc.VectorSubcoreMesh(core_axis_name="c", subcore_axis_name="s")
_SC_PARAMS = pltpu.CompilerParams(needs_layout_passes=False, use_tc_tiling_on_sc=False)


def _sc_deg(dstp):
    return pl.kernel(
        _sc_deg_body,
        compiler_params=_SC_PARAMS,
        out_type=jax.ShapeDtypeStruct((NW, NPAD), jnp.float32),
        mesh=_MESH,
        scratch_types=[
            pltpu.VMEM((CPT, 128), jnp.int32),
            pltpu.VMEM((NPAD,), jnp.float32),
        ],
    )(dstp)


def _sc_gcn(hs_split, srcp, dstp, F2):
    return pl.kernel(
        _sc_gcn_body,
        compiler_params=_SC_PARAMS,
        out_type=jax.ShapeDtypeStruct((NC, NPAD, F2), jnp.float32),
        mesh=_MESH,
        scratch_types=[
            pltpu.VMEM((CPT2 + 2, 128), jnp.int32),
            pltpu.VMEM((CPT2, 128), jnp.int32),
            pltpu.VMEM((128, F2), jnp.float32),
            pltpu.VMEM((128, F2), jnp.float32),
            pltpu.VMEM((NBLK, F2), jnp.float32),
            pltpu.VMEM_SHARED((NPAD, F2), jnp.float32),
        ] + [pltpu.SemaphoreType.DMA] * 2,
    )(hs_split, srcp, dstp)


def _sc_amax(asrc, adst, srcp32, dstp32):
    return pl.kernel(
        _sc_amax_body,
        compiler_params=_SC_PARAMS,
        out_type=jax.ShapeDtypeStruct((NW, L), jnp.float32),
        mesh=_MESH,
        scratch_types=[
            pltpu.VMEM((CPT, 128), jnp.int32),
            pltpu.VMEM((CPT, 128), jnp.int32),
            pltpu.VMEM((NPAD,), jnp.float32),
            pltpu.VMEM((NPAD,), jnp.float32),
            pltpu.VMEM((L,), jnp.float32),
        ],
    )(asrc, adst, srcp32, dstp32)


def _sc_gat(h2_split, asrc, adst, srcp, dstp, maxes):
    return pl.kernel(
        _sc_gat_body,
        compiler_params=_SC_PARAMS,
        out_type=(jax.ShapeDtypeStruct((NC, NPAD, 64), jnp.float32),
                  jax.ShapeDtypeStruct((NC, NS, NPAD), jnp.float32)),
        mesh=_MESH,
        scratch_types=[
            pltpu.VMEM((CPT2 + 2, 128), jnp.int32),
            pltpu.VMEM((CPT2, 128), jnp.int32),
            pltpu.VMEM((NPAD,), jnp.float32),
            pltpu.VMEM((NPAD,), jnp.float32),
            pltpu.VMEM((128, 64), jnp.float32),
            pltpu.VMEM((128, 64), jnp.float32),
            pltpu.VMEM((128,), jnp.float32),
            pltpu.VMEM((NPAD,), jnp.float32),
            pltpu.VMEM((NW, L), jnp.float32),
            pltpu.VMEM_SHARED((NPAD, 64), jnp.float32),
        ] + [pltpu.SemaphoreType.DMA] * 2,
    )(h2_split, asrc, adst, srcp, dstp, maxes)



def _tc_a_body(x_ref, w1_ref, degp_ref, hs_ref, dinv_ref):
    i = pl.program_id(0)
    deg = jnp.sum(degp_ref[...], axis=0) + 1.0
    dinv = lax.rsqrt(deg)
    h = jnp.dot(x_ref[...], w1_ref[...], preferred_element_type=jnp.float32)
    ridx = i * 128 + lax.broadcasted_iota(jnp.int32, (128, 1), 0)
    hs = jnp.where(ridx < N, h * dinv[None, :].reshape(128, 1), 0.0)
    hs_ref[0] = hs[:, :64]
    hs_ref[1] = hs[:, 64:]
    dinv_ref[...] = dinv[None, None, :]


def _tc_a(x, W1, deg_parts):
    return pl.pallas_call(
        _tc_a_body,
        grid=(NBLK,),
        in_specs=[
            pl.BlockSpec((128, 192), lambda i: (i, 0)),
            pl.BlockSpec((192, 128), lambda i: (0, 0)),
            pl.BlockSpec((NW, 128), lambda i: (0, i)),
        ],
        out_specs=[
            pl.BlockSpec((2, 128, 64), lambda i: (0, i, 0)),
            pl.BlockSpec((1, 1, 128), lambda i: (i, 0, 0)),
        ],
        out_shape=[
            jax.ShapeDtypeStruct((2, NPAD, 64), jnp.float32),
            jax.ShapeDtypeStruct((NBLK, 1, 128), jnp.float32),
        ],
    )(x, W1, deg_parts)


def _tc_b_body(s1p_ref, hs1_ref, dinv_ref, b1_ref, wg_ref, asv_ref, adv_ref,
               h2_ref, asrc_ref, adst_ref):
    dv = dinv_ref[...].reshape(128, 1)
    S = jnp.concatenate([s1p_ref[0], s1p_ref[1]], axis=1)
    hs1 = jnp.concatenate([hs1_ref[0], hs1_ref[1]], axis=1)
    g1 = dv * (S + hs1) + b1_ref[...]
    h2 = jnp.dot(g1, wg_ref[...], preferred_element_type=jnp.float32)
    h2_ref[0] = h2[:, :64]
    h2_ref[1] = h2[:, 64:]
    asrc_ref[...] = jnp.sum(h2 * asv_ref[...], axis=1)[None, None, :]
    adst_ref[...] = jnp.sum(h2 * adv_ref[...], axis=1)[None, None, :]


def _tc_b(S1p, hs1, dinv3d, b1, Wg, att_src, att_dst):
    return pl.pallas_call(
        _tc_b_body,
        grid=(NBLK,),
        in_specs=[
            pl.BlockSpec((2, 128, 64), lambda i: (0, i, 0)),
            pl.BlockSpec((2, 128, 64), lambda i: (0, i, 0)),
            pl.BlockSpec((1, 1, 128), lambda i: (i, 0, 0)),
            pl.BlockSpec((1, 128), lambda i: (0, 0)),
            pl.BlockSpec((128, 128), lambda i: (0, 0)),
            pl.BlockSpec((1, 128), lambda i: (0, 0)),
            pl.BlockSpec((1, 128), lambda i: (0, 0)),
        ],
        out_specs=[
            pl.BlockSpec((2, 128, 64), lambda i: (0, i, 0)),
            pl.BlockSpec((1, 1, 128), lambda i: (i, 0, 0)),
            pl.BlockSpec((1, 1, 128), lambda i: (i, 0, 0)),
        ],
        out_shape=[
            jax.ShapeDtypeStruct((2, NPAD, 64), jnp.float32),
            jax.ShapeDtypeStruct((NBLK, 1, 128), jnp.float32),
            jax.ShapeDtypeStruct((NBLK, 1, 128), jnp.float32),
        ],
    )(S1p, hs1, dinv3d, b1, Wg, att_src, att_dst)


def _tc_c_body(s2p_ref, denp_ref, h2_ref, asrc_ref, adst_ref, maxes_ref,
               dinv_ref, bg_ref, w2_ref, hs3_ref):
    C = jnp.max(maxes_ref[...])
    z = asrc_ref[...] + adst_ref[...]
    es = jnp.exp(jnp.maximum(z, 0.2 * z) - C).reshape(128, 1)
    h2 = jnp.concatenate([h2_ref[0], h2_ref[1]], axis=1)
    Stot = jnp.concatenate([s2p_ref[0], s2p_ref[1]], axis=1) + es * h2
    den = jnp.sum(denp_ref[0], axis=0)[None, :].reshape(128, 1) + es
    out2 = jnp.maximum(Stot / (den + 1e-16) + bg_ref[...], 0.0)
    h3 = jnp.dot(out2, w2_ref[...], preferred_element_type=jnp.float32)
    hs3 = h3 * dinv_ref[...].reshape(128, 1)
    hs3_ref[0] = hs3[:, :32]
    hs3_ref[1] = hs3[:, 32:]


def _tc_c(S2p, den_parts, h2, asrc3d, adst3d, maxes, dinv3d, bg, W2):
    return pl.pallas_call(
        _tc_c_body,
        grid=(NBLK,),
        in_specs=[
            pl.BlockSpec((2, 128, 64), lambda i: (0, i, 0)),
            pl.BlockSpec((1, NS, 128), lambda i: (0, 0, i)),
            pl.BlockSpec((2, 128, 64), lambda i: (0, i, 0)),
            pl.BlockSpec((1, 1, 128), lambda i: (i, 0, 0)),
            pl.BlockSpec((1, 1, 128), lambda i: (i, 0, 0)),
            pl.BlockSpec((NW, L), lambda i: (0, 0)),
            pl.BlockSpec((1, 1, 128), lambda i: (i, 0, 0)),
            pl.BlockSpec((1, 128), lambda i: (0, 0)),
            pl.BlockSpec((128, 64), lambda i: (0, 0)),
        ],
        out_specs=[pl.BlockSpec((2, 128, 32), lambda i: (0, i, 0))],
        out_shape=[jax.ShapeDtypeStruct((2, NPAD, 32), jnp.float32)],
    )(S2p, den_parts, h2, asrc3d, adst3d, maxes, dinv3d, bg, W2)


def _tc_d_body(s3p_ref, hs3_ref, dinv_ref, b2_ref, wf_ref, bf_ref, out_ref):
    dv = dinv_ref[...].reshape(128, 1)
    S = jnp.concatenate([s3p_ref[0], s3p_ref[1]], axis=1)
    hs3 = jnp.concatenate([hs3_ref[0], hs3_ref[1]], axis=1)
    g3 = dv * (S + hs3) + b2_ref[...]
    out_ref[...] = (jnp.dot(g3, wf_ref[...], preferred_element_type=jnp.float32)
                    + bf_ref[...])


def _tc_d(S3p, hs3, dinv3d, b2, Wf, bf):
    return pl.pallas_call(
        _tc_d_body,
        grid=(NBLK,),
        in_specs=[
            pl.BlockSpec((2, 128, 32), lambda i: (0, i, 0)),
            pl.BlockSpec((2, 128, 32), lambda i: (0, i, 0)),
            pl.BlockSpec((1, 1, 128), lambda i: (i, 0, 0)),
            pl.BlockSpec((1, 64), lambda i: (0, 0)),
            pl.BlockSpec((64, 192), lambda i: (0, 0)),
            pl.BlockSpec((1, 192), lambda i: (0, 0)),
        ],
        out_specs=[pl.BlockSpec((128, 192), lambda i: (i, 0))],
        out_shape=[jax.ShapeDtypeStruct((NPAD, 192), jnp.float32)],
    )(S3p, hs3, dinv3d, b2, Wf, bf)



def kernel(x, edge_index, W1, b1, Wg, att_src, att_dst, bg, W2, b2, Wf, bf):
    src = edge_index[0].astype(jnp.int32)
    dst = edge_index[1].astype(jnp.int32)
    pad32 = ((0, 0), (0, NPAD - EPT))
    srcp32 = jnp.pad(src.reshape(NW, EPT), pad32, constant_values=N).reshape(NW, CPT, 128)
    dstp32 = jnp.pad(dst.reshape(NW, EPT), pad32, constant_values=N).reshape(NW, CPT, 128)
    pad16 = ((0, 0), (0, EPAD2 - EPT2))
    srcp16 = jnp.pad(src.reshape(NS, EPT2), pad16, constant_values=N).reshape(NS, CPT2, 128)
    dstp16 = jnp.pad(dst.reshape(NS, EPT2), pad16, constant_values=N).reshape(NS, CPT2, 128)
    deg_parts = _sc_deg(dstp32)
    hs1s, dinv3d = _tc_a(x, W1, deg_parts)
    S1p = _sc_gcn(hs1s, srcp16, dstp16, 64)
    h2s, asrc3d, adst3d = _tc_b(S1p, hs1s, dinv3d, b1.reshape(1, 128), Wg,
                                att_src.reshape(1, 128), att_dst.reshape(1, 128))
    asrc = asrc3d.reshape(NPAD)
    adst = adst3d.reshape(NPAD)
    maxes = _sc_amax(asrc, adst, srcp32, dstp32)
    S2p, den_parts = _sc_gat(h2s, asrc, adst, srcp16, dstp16, maxes)
    hs3s, = _tc_c(S2p, den_parts, h2s, asrc3d, adst3d, maxes, dinv3d,
                  bg.reshape(1, 128), W2)
    S3p = _sc_gcn(hs3s, srcp16, dstp16, 32)
    out, = _tc_d(S3p, hs3s, dinv3d, b2.reshape(1, 64), Wf, bf.reshape(1, 192))
    return out[:N]

# --- scband reference (transcript-rebuilt; emitter-appended) ---
"""Pipeline reference for scband-contrastive-gcn-40063454937414 (READ-ONLY COPY).

The authoritative reference and input builder live on the scoring server;
editing this copy changes nothing except your own understanding.
"""

import jax, jax.numpy as jnp
import numpy as np

N = 10000
E = 320000
NUM_FEATURES = 192
HIDDEN_DIM = 128
HIDDEN_FEATURES = 128
OUTPUT_DIM = 64


def setup_inputs(seed: int = 0) -> dict:
    key = jax.random.key(seed)
    ks = jax.random.split(key, 14)
    x = jax.random.normal(ks[0], (N, NUM_FEATURES), dtype=jnp.float32)
    edge_index = jax.random.randint(ks[1], (2, E), 0, N, dtype=jnp.int64)
    W1 = jax.random.normal(ks[2], (NUM_FEATURES, HIDDEN_DIM), dtype=jnp.float32) * 0.05
    b1 = jnp.zeros((HIDDEN_DIM,), dtype=jnp.float32)
    Wg = jax.random.normal(ks[3], (HIDDEN_DIM, HIDDEN_FEATURES), dtype=jnp.float32) * 0.05
    att_src = jax.random.normal(ks[4], (HIDDEN_FEATURES,), dtype=jnp.float32) * 0.05
    att_dst = jax.random.normal(ks[5], (HIDDEN_FEATURES,), dtype=jnp.float32) * 0.05
    bg = jnp.zeros((HIDDEN_FEATURES,), dtype=jnp.float32)
    W2 = jax.random.normal(ks[6], (HIDDEN_FEATURES, OUTPUT_DIM), dtype=jnp.float32) * 0.05
    b2 = jnp.zeros((OUTPUT_DIM,), dtype=jnp.float32)
    Wf = jax.random.normal(ks[7], (OUTPUT_DIM, NUM_FEATURES), dtype=jnp.float32) * 0.05
    bf = jnp.zeros((NUM_FEATURES,), dtype=jnp.float32)
    return {"x": x, "edge_index": edge_index, "W1": W1, "b1": b1, "Wg": Wg,
            "att_src": att_src, "att_dst": att_dst, "bg": bg,
            "W2": W2, "b2": b2, "Wf": Wf, "bf": bf}


def _add_self_loops(edge_index, n):
    loop = jnp.arange(n, dtype=edge_index.dtype)
    src = jnp.concatenate([edge_index[0], loop])
    dst = jnp.concatenate([edge_index[1], loop])
    return src, dst


def gcn_conv(x, edge_index, W, b, n):
    # PyG GCNConv: linear -> add self loops -> sym norm -> scatter-add -> bias
    h = x @ W
    src, dst = _add_self_loops(edge_index, n)
    deg = jax.ops.segment_sum(jnp.ones_like(src, dtype=h.dtype), dst, num_segments=n)
    dinv = jnp.where(deg > 0, deg ** -0.5, 0.0)
    norm = dinv[src] * dinv[dst]
    msg = h[src] * norm[:, None]
    out = jax.ops.segment_sum(msg, dst, num_segments=n)
    return out + b


def gat_conv(x, edge_index, W, att_src, att_dst, b, n):
    # PyG GATConv, heads=1: linear -> self loops -> edge attention softmax per dst -> aggregate
    h = x @ W
    src, dst = _add_self_loops(edge_index, n)
    a_src = (h * att_src).sum(-1)
    a_dst = (h * att_dst).sum(-1)
    alpha = a_src[src] + a_dst[dst]
    alpha = jax.nn.leaky_relu(alpha, negative_slope=0.2)
    amax = jax.ops.segment_max(alpha, dst, num_segments=n)
    amax = jnp.where(jnp.isfinite(amax), amax, 0.0)
    ex = jnp.exp(alpha - amax[dst])
    denom = jax.ops.segment_sum(ex, dst, num_segments=n)
    coef = ex / (denom[dst] + 1e-16)
    out = jax.ops.segment_sum(h[src] * coef[:, None], dst, num_segments=n)
    return out + b


def reference(x, edge_index, W1, b1, Wg, att_src, att_dst, bg, W2, b2, Wf, bf):
    n = x.shape[0]
    h = gcn_conv(x, edge_index, W1, b1, n)
    h = gat_conv(h, edge_index, Wg, att_src, att_dst, bg, n)
    h = jax.nn.relu(h)
    h = gcn_conv(h, edge_index, W2, b2, n)
    h = h @ Wf + bf
    return h

if __name__ == "__main__":
    import jax
    _d = setup_inputs()
    print(jax.jit(kernel)(*tuple(_d.values())))

</pallas_src>

<mosaic_0001>
#map = affine_map<(d0, d1) -> (0, 0, 0)>
#map1 = affine_map<(d0, d1) -> (0, 0)>
module attributes {stable_mosaic.version = 14 : i64} {
  func.func @_sc_deg_body(%arg0: i32, %arg1: i32, %arg2: memref<32x79x128xi32, #tpu.memory_space<hbm>>, %arg3: memref<32x10112xf32, #tpu.memory_space<hbm>>, %arg4: memref<79x128xi32, #tpu.memory_space<vmem>>, %arg5: memref<10112xf32, #tpu.memory_space<vmem>>) attributes {dimension_semantics = [#tpu.dimension_semantics<core_parallel>, #tpu.dimension_semantics<subcore_parallel>], iteration_bounds = array<i64: 2, 16>, scalar_prefetch = 0 : i64, scratch_operands = 2 : i64, tpu.core_type = #tpu.core_type<sc_vector_subcore>, window_params = [{transform_indices = #map}, {transform_indices = #map1}]} {
    %mul3A = arith.constant 2 : i32
    %mul3A_0 = arith.muli %arg1, %mul3A : i32
    %add3A = arith.addi %mul3A_0, %arg0 : i32
    "tpu.region"() ({
      %run_scoped3A = tpu.sem_alloc : memref<!tpu.dma_semaphore, #tpu.memory_space<semaphore_mem>>
      %dma_start3A = arith.constant 0 : i32
      %dma_start3A_17 = arith.constant 0 : i32
      %dma_start3A_18 = tpu.memref_slice %arg2[%add3A, %dma_start3A, %dma_start3A_17] : memref<32x79x128xi32, #tpu.memory_space<hbm>> -> memref<1x79x128xi32, #tpu.memory_space<hbm>>
      %dma_start3A_19 = tpu.memref_squeeze %dma_start3A_18 : memref<1x79x128xi32, #tpu.memory_space<hbm>> -> memref<79x128xi32, #tpu.memory_space<hbm>>
      %dma_start3A_20 = arith.constant 0 : i32
      %dma_start3A_21 = arith.constant 0 : i32
      %dma_start3A_22 = tpu.memref_slice %arg2[%add3A, %dma_start3A_20, %dma_start3A_21] : memref<32x79x128xi32, #tpu.memory_space<hbm>> -> memref<1x79x128xi32, #tpu.memory_space<hbm>>
      %dma_start3A_23 = tpu.memref_squeeze %dma_start3A_22 : memref<1x79x128xi32, #tpu.memory_space<hbm>> -> memref<79x128xi32, #tpu.memory_space<hbm>>
      tpu.enqueue_dma source(%dma_start3A_23 : memref<79x128xi32, #tpu.memory_space<hbm>>) target(%arg4 : memref<79x128xi32, #tpu.memory_space<vmem>>) target_semaphore(%run_scoped3A : memref<!tpu.dma_semaphore, #tpu.memory_space<semaphore_mem>>)
      %dma_wait3A = arith.constant 0 : i32
      %dma_wait3A_24 = arith.constant 0 : i32
      %dma_wait3A_25 = tpu.memref_slice %arg2[%add3A, %dma_wait3A, %dma_wait3A_24] : memref<32x79x128xi32, #tpu.memory_space<hbm>> -> memref<1x79x128xi32, #tpu.memory_space<hbm>>
      %dma_wait3A_26 = tpu.memref_squeeze %dma_wait3A_25 : memref<1x79x128xi32, #tpu.memory_space<hbm>> -> memref<79x128xi32, #tpu.memory_space<hbm>>
      %dma_wait3A_27 = arith.constant 0 : i32
      %dma_wait3A_28 = arith.constant 0 : i32
      %dma_wait3A_29 = tpu.memref_slice %arg2[%add3A, %dma_wait3A_27, %dma_wait3A_28] : memref<32x79x128xi32, #tpu.memory_space<hbm>> -> memref<1x79x128xi32, #tpu.memory_space<hbm>>
      %dma_wait3A_30 = tpu.memref_squeeze %dma_wait3A_29 : memref<1x79x128xi32, #tpu.memory_space<hbm>> -> memref<79x128xi32, #tpu.memory_space<hbm>>
      tpu.wait_dma2 semaphore(%run_scoped3A : memref<!tpu.dma_semaphore, #tpu.memory_space<semaphore_mem>>) src(%dma_wait3A_30 : memref<79x128xi32, #tpu.memory_space<hbm>>) dst(%arg4 : memref<79x128xi32, #tpu.memory_space<vmem>>)
      tpu.yield
    }) : () -> ()
    %broadcast_in_dim3A = arith.constant 0.000000e+00 : f32
    %broadcast_in_dim3A_1 = vector.broadcast %broadcast_in_dim3A : f32 to vector<16xf32>
    %scan3A = arith.constant 0 : i32
    %scan3A_2 = arith.constant 0 : i32
    %scan3A_3 = arith.constant 632 : i32
    %scan3A_4 = arith.addi %scan3A_2, %scan3A_3 : i32
    %scan3A_5 = arith.constant 1 : i32
    %scan3A_6 = scf.for %scan3A_17 = %scan3A_2 to %scan3A_4 step %scan3A_5 iter_args(%scan3A_18 = %scan3A) -> (i32)  : i32 {
      %mul3A_19 = arith.constant 16 : i32
      %mul3A_20 = arith.muli %scan3A_17, %mul3A_19 : i32
      %swap3A = arith.index_cast %mul3A_20 : i32 to index
      %swap3A_21 = tpu.vector_load %arg5[%swap3A] {strides = array<i32>} : memref<10112xf32, #tpu.memory_space<vmem>>, vector<16xf32>,
      tpu.vector_store %arg5[%swap3A], %broadcast_in_dim3A_1 {strides = array<i32>} : memref<10112xf32, #tpu.memory_space<vmem>>, vector<16xf32>,
      %scan3A_22 = arith.constant 0 : i32
      scf.yield %scan3A_22 : i32
    }
    %scan3A_7 = arith.constant 632 : i32
    %broadcast_in_dim3A_8 = arith.constant 1.000000e+00 : f32
    %broadcast_in_dim3A_9 = vector.broadcast %broadcast_in_dim3A_8 : f32 to vector<16xf32>
    %scan3A_10 = arith.constant 0 : i32
    %scan3A_11 = arith.constant 0 : i32
    %scan3A_12 = arith.constant 79 : i32
    %scan3A_13 = arith.addi %scan3A_11, %scan3A_12 : i32
    %scan3A_14 = arith.constant 1 : i32
    %scan3A_15 = scf.for %scan3A_17 = %scan3A_11 to %scan3A_13 step %scan3A_14 iter_args(%scan3A_18 = %scan3A_10) -> (i32)  : i32 {
      %get3A = arith.index_cast %scan3A_17 : i32 to index
      %get3A_19 = arith.constant 0 : index
      %get3A_20 = tpu.vector_load %arg4[%get3A, %get3A_19] {strides = array<i32>} : memref<79x128xi32, #tpu.memory_space<vmem>>, vector<16xi32>,
      tpu.vector_store_idx %arg5[%get3A_20], %broadcast_in_dim3A_9 {add = true} : memref<10112xf32, #tpu.memory_space<vmem>>[vector<16xi32>], vector<16xf32>,
      %get3A_21 = arith.index_cast %scan3A_17 : i32 to index
      %get3A_22 = arith.constant 16 : index
      %get3A_23 = tpu.vector_load %arg4[%get3A_21, %get3A_22] {strides = array<i32>} : memref<79x128xi32, #tpu.memory_space<vmem>>, vector<16xi32>,
      tpu.vector_store_idx %arg5[%get3A_23], %broadcast_in_dim3A_9 {add = true} : memref<10112xf32, #tpu.memory_space<vmem>>[vector<16xi32>], vector<16xf32>,
      %get3A_24 = arith.index_cast %scan3A_17 : i32 to index
      %get3A_25 = arith.constant 32 : index
      %get3A_26 = tpu.vector_load %arg4[%get3A_24, %get3A_25] {strides = array<i32>} : memref<79x128xi32, #tpu.memory_space<vmem>>, vector<16xi32>,
      tpu.vector_store_idx %arg5[%get3A_26], %broadcast_in_dim3A_9 {add = true} : memref<10112xf32, #tpu.memory_space<vmem>>[vector<16xi32>], vector<16xf32>,
      %get3A_27 = arith.index_cast %scan3A_17 : i32 to index
      %get3A_28 = arith.constant 48 : index
      %get3A_29 = tpu.vector_load %arg4[%get3A_27, %get3A_28] {strides = array<i32>} : memref<79x128xi32, #tpu.memory_space<vmem>>, vector<16xi32>,
      tpu.vector_store_idx %arg5[%get3A_29], %broadcast_in_dim3A_9 {add = true} : memref<10112xf32, #tpu.memory_space<vmem>>[vector<16xi32>], vector<16xf32>,
      %get3A_30 = arith.index_cast %scan3A_17 : i32 to index
      %get3A_31 = arith.constant 64 : index
      %get3A_32 = tpu.vector_load %arg4[%get3A_30, %get3A_31] {strides = array<i32>} : memref<79x128xi32, #tpu.memory_space<vmem>>, vector<16xi32>,
      tpu.vector_store_idx %arg5[%get3A_32], %broadcast_in_dim3A_9 {add = true} : memref<10112xf32, #tpu.memory_space<vmem>>[vector<16xi32>], vector<16xf32>,
      %get3A_33 = arith.index_cast %scan3A_17 : i32 to index
      %get3A_34 = arith.constant 80 : index
      %get3A_35 = tpu.vector_load %arg4[%get3A_33, %get3A_34] {strides = array<i32>} : memref<79x128xi32, #tpu.memory_space<vmem>>, vector<16xi32>,
      tpu.vector_store_idx %arg5[%get3A_35], %broadcast_in_dim3A_9 {add = true} : memref<10112xf32, #tpu.memory_space<vmem>>[vector<16xi32>], vector<16xf32>,
      %get3A_36 = arith.index_cast %scan3A_17 : i32 to index
      %get3A_37 = arith.constant 96 : index
      %get3A_38 = tpu.vector_load %arg4[%get3A_36, %get3A_37] {strides = array<i32>} : memref<79x128xi32, #tpu.memory_space<vmem>>, vector<16xi32>,
      tpu.vector_store_idx %arg5[%get3A_38], %broadcast_in_dim3A_9 {add = true} : memref<10112xf32, #tpu.memory_space<vmem>>[vector<16xi32>], vector<16xf32>,
      %get3A_39 = arith.index_cast %scan3A_17 : i32 to index
      %get3A_40 = arith.constant 112 : index
      %get3A_41 = tpu.vector_load %arg4[%get3A_39, %get3A_40] {strides = array<i32>} : memref<79x128xi32, #tpu.memory_space<vmem>>, vector<16xi32>,
      tpu.vector_store_idx %arg5[%get3A_41], %broadcast_in_dim3A_9 {add = true} : memref<10112xf32, #tpu.memory_space<vmem>>[vector<16xi32>], vector<16xf32>,
      %scan3A_42 = arith.constant 0 : i32
      scf.yield %scan3A_42 : i32
    }
    %scan3A_16 = arith.constant 79 : i32
    "tpu.region"() ({
      %run_scoped3A = tpu.sem_alloc : memref<!tpu.dma_semaphore, #tpu.memory_space<semaphore_mem>>
      %dma_start3A = arith.constant 0 : i32
      %dma_start3A_17 = tpu.memref_slice %arg3[%add3A, %dma_start3A] : memref<32x10112xf32, #tpu.memory_space<hbm>> -> memref<1x10112xf32, #tpu.memory_space<hbm>>
      %dma_start3A_18 = tpu.memref_squeeze %dma_start3A_17 : memref<1x10112xf32, #tpu.memory_space<hbm>> -> memref<10112xf32, #tpu.memory_space<hbm>>
      %dma_start3A_19 = arith.constant 0 : i32
      %dma_start3A_20 = tpu.memref_slice %arg3[%add3A, %dma_start3A_19] : memref<32x10112xf32, #tpu.memory_space<hbm>> -> memref<1x10112xf32, #tpu.memory_space<hbm>>
      %dma_start3A_21 = tpu.memref_squeeze %dma_start3A_20 : memref<1x10112xf32, #tpu.memory_space<hbm>> -> memref<10112xf32, #tpu.memory_space<hbm>>
      tpu.enqueue_dma source(%arg5 : memref<10112xf32, #tpu.memory_space<vmem>>) target(%dma_start3A_21 : memref<10112xf32, #tpu.memory_space<hbm>>) target_semaphore(%run_scoped3A : memref<!tpu.dma_semaphore, #tpu.memory_space<semaphore_mem>>)
      %dma_wait3A = arith.constant 0 : i32
      %dma_wait3A_22 = tpu.memref_slice %arg3[%add3A, %dma_wait3A] : memref<32x10112xf32, #tpu.memory_space<hbm>> -> memref<1x10112xf32, #tpu.memory_space<hbm>>
      %dma_wait3A_23 = tpu.memref_squeeze %dma_wait3A_22 : memref<1x10112xf32, #tpu.memory_space<hbm>> -> memref<10112xf32, #tpu.memory_space<hbm>>
      %dma_wait3A_24 = arith.constant 0 : i32
      %dma_wait3A_25 = tpu.memref_slice %arg3[%add3A, %dma_wait3A_24] : memref<32x10112xf32, #tpu.memory_space<hbm>> -> memref<1x10112xf32, #tpu.memory_space<hbm>>
      %dma_wait3A_26 = tpu.memref_squeeze %dma_wait3A_25 : memref<1x10112xf32, #tpu.memory_space<hbm>> -> memref<10112xf32, #tpu.memory_space<hbm>>
      tpu.wait_dma2 semaphore(%run_scoped3A : memref<!tpu.dma_semaphore, #tpu.memory_space<semaphore_mem>>) src(%arg5 : memref<10112xf32, #tpu.memory_space<vmem>>) dst(%dma_wait3A_26 : memref<10112xf32, #tpu.memory_space<hbm>>)
      tpu.yield
    }) : () -> ()
    return
  }
}

#map = affine_map<(d0, d1) -> (0, 0, 0)>
#map1 = affine_map<(d0, d1) -> (0)>
#map2 = affine_map<(d0, d1) -> (0, 0)>
module attributes {stable_mosaic.version = 14 : i64} {
  func.func @_sc_gat_body(%arg0: i32, %arg1: i32, %arg2: memref<2x10112x64xf32, #tpu.memory_space<hbm>>, %arg3: memref<10112xf32, #tpu.memory_space<hbm>>, %arg4: memref<10112xf32, #tpu.memory_space<hbm>>, %arg5: memref<16x158x128xi32, #tpu.memory_space<hbm>>, %arg6: memref<16x158x128xi32, #tpu.memory_space<hbm>>, %arg7: memref<32x16xf32, #tpu.memory_space<hbm>>, %arg8: memref<2x10112x64xf32, #tpu.memory_space<hbm>>, %arg9: memref<2x16x10112xf32, #tpu.memory_space<hbm>>, %arg10: memref<160x128xi32, #tpu.memory_space<vmem>>, %arg11: memref<158x128xi32, #tpu.memory_space<vmem>>, %arg12: memref<10112xf32, #tpu.memory_space<vmem>>, %arg13: memref<10112xf32, #tpu.memory_space<vmem>>, %arg14: memref<128x64xf32, #tpu.memory_space<vmem>>, %arg15: memref<128x64xf32, #tpu.memory_space<vmem>>, %arg16: memref<128xf32, #tpu.memory_space<vmem>>, %arg17: memref<10112xf32, #tpu.memory_space<vmem>>, %arg18: memref<32x16xf32, #tpu.memory_space<vmem>>, %arg19: memref<10112x64xf32, #tpu.memory_space<vmem_shared>>, %arg20: memref<!tpu.dma_semaphore, #tpu.memory_space<semaphore_mem>>, %arg21: memref<!tpu.dma_semaphore, #tpu.memory_space<semaphore_mem>>) attributes {dimension_semantics = [#tpu.dimension_semantics<core_parallel>, #tpu.dimension_semantics<subcore_parallel>], iteration_bounds = array<i64: 2, 16>, scalar_prefetch = 0 : i64, scratch_operands = 12 : i64, tpu.core_type = #tpu.core_type<sc_vector_subcore>, window_params = [{transform_indices = #map}, {transform_indices = #map1}, {transform_indices = #map1}, {transform_indices = #map}, {transform_indices = #map}, {transform_indices = #map2}, {transform_indices = #map}, {transform_indices = #map}]} {
    %broadcast_in_dim3A = arith.constant 0.000000e+00 : f32
    %broadcast_in_dim3A_0 = vector.broadcast %broadcast_in_dim3A : f32 to vector<16xf32>
    %scan3A = arith.constant 0 : i32
    %scan3A_1 = arith.constant 0 : i32
    %scan3A_2 = arith.constant 128 : i32
    %scan3A_3 = arith.addi %scan3A_1, %scan3A_2 : i32
    %scan3A_4 = arith.constant 1 : i32
    %scan3A_5 = scf.for %scan3A_317 = %scan3A_1 to %scan3A_3 step %scan3A_4 iter_args(%scan3A_318 = %scan3A) -> (i32)  : i32 {
      %swap3A_319 = arith.index_cast %scan3A_317 : i32 to index
      %swap3A_320 = arith.constant 0 : index
      %swap3A_321 = tpu.vector_load %arg14[%swap3A_319, %swap3A_320] {strides = array<i32>} : memref<128x64xf32, #tpu.memory_space<vmem>>, vector<16xf32>,
      tpu.vector_store %arg14[%swap3A_319, %swap3A_320], %broadcast_in_dim3A_0 {strides = array<i32>} : memref<128x64xf32, #tpu.memory_space<vmem>>, vector<16xf32>,
      %swap3A_322 = arith.index_cast %scan3A_317 : i32 to index
      %swap3A_323 = arith.constant 16 : index
      %swap3A_324 = tpu.vector_load %arg14[%swap3A_322, %swap3A_323] {strides = array<i32>} : memref<128x64xf32, #tpu.memory_space<vmem>>, vector<16xf32>,
      tpu.vector_store %arg14[%swap3A_322, %swap3A_323], %broadcast_in_dim3A_0 {strides = array<i32>} : memref<128x64xf32, #tpu.memory_space<vmem>>, vector<16xf32>,
      %swap3A_325 = arith.index_cast %scan3A_317 : i32 to index
      %swap3A_326 = arith.constant 32 : index
      %swap3A_327 = tpu.vector_load %arg14[%swap3A_325, %swap3A_326] {strides = array<i32>} : memref<128x64xf32, #tpu.memory_space<vmem>>, vector<16xf32>,
      tpu.vector_store %arg14[%swap3A_325, %swap3A_326], %broadcast_in_dim3A_0 {strides = array<i32>} : memref<128x64xf32, #tpu.memory_space<vmem>>, vector<16xf32>,
      %swap3A_328 = arith.index_cast %scan3A_317 : i32 to index
      %swap3A_329 = arith.constant 48 : index
      %swap3A_330 = tpu.vector_load %arg14[%swap3A_328, %swap3A_329] {strides = array<i32>} : memref<128x64xf32, #tpu.memory_space<vmem>>, vector<16xf32>,
      tpu.vector_store %arg14[%swap3A_328, %swap3A_329], %broadcast_in_dim3A_0 {strides = array<i32>} : memref<128x64xf32, #tpu.memory_space<vmem>>, vector<16xf32>,
      %scan3A_331 = arith.constant 0 : i32
      scf.yield %scan3A_331 : i32
    }
    %scan3A_6 = arith.constant 128 : i32
    %mul3A = arith.constant 632 : i32
    %mul3A_7 = arith.muli %arg1, %mul3A : i32
    %add3A = arith.constant 0 : i32
    %add3A_8 = arith.addi %mul3A_7, %add3A : i32
    "tpu.region"() ({
      %run_scoped3A = tpu.sem_alloc : memref<!tpu.dma_semaphore, #tpu.memory_space<semaphore_mem>>
      %dma_start3A_317 = arith.constant 0 : i32
      %dma_start3A_318 = tpu.memref_slice %arg19[%add3A_8, %dma_start3A_317] : memref<10112x64xf32, #tpu.memory_space<vmem_shared>> -> memref<128x64xf32, #tpu.memory_space<vmem_shared>>
      %dma_start3A_319 = arith.constant 0 : i32
      %dma_start3A_320 = tpu.memref_slice %arg19[%add3A_8, %dma_start3A_319] : memref<10112x64xf32, #tpu.memory_space<vmem_shared>> -> memref<128x64xf32, #tpu.memory_space<vmem_shared>>
      tpu.enqueue_dma source(%arg14 : memref<128x64xf32, #tpu.memory_space<vmem>>) target(%dma_start3A_320 : memref<128x64xf32, #tpu.memory_space<vmem_shared>>) target_semaphore(%run_scoped3A : memref<!tpu.dma_semaphore, #tpu.memory_space<semaphore_mem>>)
      %dma_wait3A_321 = arith.constant 0 : i32
      %dma_wait3A_322 = tpu.memref_slice %arg19[%add3A_8, %dma_wait3A_321] : memref<10112x64xf32, #tpu.memory_space<vmem_shared>> -> memref<128x64xf32, #tpu.memory_space<vmem_shared>>
      %dma_wait3A_323 = arith.constant 0 : i32
      %dma_wait3A_324 = tpu.memref_slice %arg19[%add3A_8, %dma_wait3A_323] : memref<10112x64xf32, #tpu.memory_space<vmem_shared>> -> memref<128x64xf32, #tpu.memory_space<vmem_shared>>
      tpu.wait_dma2 semaphore(%run_scoped3A : memref<!tpu.dma_semaphore, #tpu.memory_space<semaphore_mem>>) src(%arg14 : memref<128x64xf32, #tpu.memory_space<vmem>>) dst(%dma_wait3A_324 : memref<128x64xf32, #tpu.memory_space<vmem_shared>>)
      tpu.yield
    }) : () -> ()
    %mul3A_9 = arith.constant 632 : i32
    %mul3A_10 = arith.muli %arg1, %mul3A_9 : i32
    %add3A_11 = arith.constant 128 : i32
    %add3A_12 = arith.addi %mul3A_10, %add3A_11 : i32
    "tpu.region"() ({
      %run_scoped3A = tpu.sem_alloc : memref<!tpu.dma_semaphore, #tpu.memory_space<semaphore_mem>>
      %dma_start3A_317 = arith.constant 0 : i32
      %dma_start3A_318 = tpu.memref_slice %arg19[%add3A_12, %dma_start3A_317] : memref<10112x64xf32, #tpu.memory_space<vmem_shared>> -> memref<128x64xf32, #tpu.memory_space<vmem_shared>>
      %dma_start3A_319 = arith.constant 0 : i32
      %dma_start3A_320 = tpu.memref_slice %arg19[%add3A_12, %dma_start3A_319] : memref<10112x64xf32, #tpu.memory_space<vmem_shared>> -> memref<128x64xf32, #tpu.memory_space<vmem_shared>>
      tpu.enqueue_dma source(%arg14 : memref<128x64xf32, #tpu.memory_space<vmem>>) target(%dma_start3A_320 : memref<128x64xf32, #tpu.memory_space<vmem_shared>>) target_semaphore(%run_scoped3A : memref<!tpu.dma_semaphore, #tpu.memory_space<semaphore_mem>>)
      %dma_wait3A_321 = arith.constant 0 : i32
      %dma_wait3A_322 = tpu.memref_slice %arg19[%add3A_12, %dma_wait3A_321] : memref<10112x64xf32, #tpu.memory_space<vmem_shared>> -> memref<128x64xf32, #tpu.memory_space<vmem_shared>>
      %dma_wait3A_323 = arith.constant 0 : i32
      %dma_wait3A_324 = tpu.memref_slice %arg19[%add3A_12, %dma_wait3A_323] : memref<10112x64xf32, #tpu.memory_space<vmem_shared>> -> memref<128x64xf32, #tpu.memory_space<vmem_shared>>
      tpu.wait_dma2 semaphore(%run_scoped3A : memref<!tpu.dma_semaphore, #tpu.memory_space<semaphore_mem>>) src(%arg14 : memref<128x64xf32, #tpu.memory_space<vmem>>) dst(%dma_wait3A_324 : memref<128x64xf32, #tpu.memory_space<vmem_shared>>)
      tpu.yield
    }) : () -> ()
    %mul3A_13 = arith.constant 632 : i32
    %mul3A_14 = arith.muli %arg1, %mul3A_13 : i32
    %add3A_15 = arith.constant 256 : i32
    %add3A_16 = arith.addi %mul3A_14, %add3A_15 : i32
    "tpu.region"() ({
      %run_scoped3A = tpu.sem_alloc : memref<!tpu.dma_semaphore, #tpu.memory_space<semaphore_mem>>
      %dma_start3A_317 = arith.constant 0 : i32
      %dma_start3A_318 = tpu.memref_slice %arg19[%add3A_16, %dma_start3A_317] : memref<10112x64xf32, #tpu.memory_space<vmem_shared>> -> memref<128x64xf32, #tpu.memory_space<vmem_shared>>
      %dma_start3A_319 = arith.constant 0 : i32
      %dma_start3A_320 = tpu.memref_slice %arg19[%add3A_16, %dma_start3A_319] : memref<10112x64xf32, #tpu.memory_space<vmem_shared>> -> memref<128x64xf32, #tpu.memory_space<vmem_shared>>
      tpu.enqueue_dma source(%arg14 : memref<128x64xf32, #tpu.memory_space<vmem>>) target(%dma_start3A_320 : memref<128x64xf32, #tpu.memory_space<vmem_shared>>) target_semaphore(%run_scoped3A : memref<!tpu.dma_semaphore, #tpu.memory_space<semaphore_mem>>)
      %dma_wait3A_321 = arith.constant 0 : i32
      %dma_wait3A_322 = tpu.memref_slice %arg19[%add3A_16, %dma_wait3A_321] : memref<10112x64xf32, #tpu.memory_space<vmem_shared>> -> memref<128x64xf32, #tpu.memory_space<vmem_shared>>
      %dma_wait3A_323 = arith.constant 0 : i32
      %dma_wait3A_324 = tpu.memref_slice %arg19[%add3A_16, %dma_wait3A_323] : memref<10112x64xf32, #tpu.memory_space<vmem_shared>> -> memref<128x64xf32, #tpu.memory_space<vmem_shared>>
      tpu.wait_dma2 semaphore(%run_scoped3A : memref<!tpu.dma_semaphore, #tpu.memory_space<semaphore_mem>>) src(%arg14 : memref<128x64xf32, #tpu.memory_space<vmem>>) dst(%dma_wait3A_324 : memref<128x64xf32, #tpu.memory_space<vmem_shared>>)
      tpu.yield
    }) : () -> ()
    %mul3A_17 = arith.constant 632 : i32
    %mul3A_18 = arith.muli %arg1, %mul3A_17 : i32
    %add3A_19 = arith.constant 384 : i32
    %add3A_20 = arith.addi %mul3A_18, %add3A_19 : i32
    "tpu.region"() ({
      %run_scoped3A = tpu.sem_alloc : memref<!tpu.dma_semaphore, #tpu.memory_space<semaphore_mem>>
      %dma_start3A_317 = arith.constant 0 : i32
      %dma_start3A_318 = tpu.memref_slice %arg19[%add3A_20, %dma_start3A_317] : memref<10112x64xf32, #tpu.memory_space<vmem_shared>> -> memref<128x64xf32, #tpu.memory_space<vmem_shared>>
      %dma_start3A_319 = arith.constant 0 : i32
      %dma_start3A_320 = tpu.memref_slice %arg19[%add3A_20, %dma_start3A_319] : memref<10112x64xf32, #tpu.memory_space<vmem_shared>> -> memref<128x64xf32, #tpu.memory_space<vmem_shared>>
      tpu.enqueue_dma source(%arg14 : memref<128x64xf32, #tpu.memory_space<vmem>>) target(%dma_start3A_320 : memref<128x64xf32, #tpu.memory_space<vmem_shared>>) target_semaphore(%run_scoped3A : memref<!tpu.dma_semaphore, #tpu.memory_space<semaphore_mem>>)
      %dma_wait3A_321 = arith.constant 0 : i32
      %dma_wait3A_322 = tpu.memref_slice %arg19[%add3A_20, %dma_wait3A_321] : memref<10112x64xf32, #tpu.memory_space<vmem_shared>> -> memref<128x64xf32, #tpu.memory_space<vmem_shared>>
      %dma_wait3A_323 = arith.constant 0 : i32
      %dma_wait3A_324 = tpu.memref_slice %arg19[%add3A_20, %dma_wait3A_323] : memref<10112x64xf32, #tpu.memory_space<vmem_shared>> -> memref<128x64xf32, #tpu.memory_space<vmem_shared>>
      tpu.wait_dma2 semaphore(%run_scoped3A : memref<!tpu.dma_semaphore, #tpu.memory_space<semaphore_mem>>) src(%arg14 : memref<128x64xf32, #tpu.memory_space<vmem>>) dst(%dma_wait3A_324 : memref<128x64xf32, #tpu.memory_space<vmem_shared>>)
      tpu.yield
    }) : () -> ()
    %mul3A_21 = arith.constant 632 : i32
    %mul3A_22 = arith.muli %arg1, %mul3A_21 : i32
    %add3A_23 = arith.constant 512 : i32
    %add3A_24 = arith.addi %mul3A_22, %add3A_23 : i32
    "tpu.region"() ({
      %run_scoped3A = tpu.sem_alloc : memref<!tpu.dma_semaphore, #tpu.memory_space<semaphore_mem>>
      %dma_start3A_317 = arith.constant 0 : i32
      %dma_start3A_318 = arith.constant 0 : i32
      %dma_start3A_319 = tpu.memref_slice %arg14[%dma_start3A_317, %dma_start3A_318] : memref<128x64xf32, #tpu.memory_space<vmem>> -> memref<120x64xf32, #tpu.memory_space<vmem>>
      %dma_start3A_320 = arith.constant 0 : i32
      %dma_start3A_321 = tpu.memref_slice %arg19[%add3A_24, %dma_start3A_320] : memref<10112x64xf32, #tpu.memory_space<vmem_shared>> -> memref<120x64xf32, #tpu.memory_space<vmem_shared>>
      %dma_start3A_322 = arith.constant 0 : i32
      %dma_start3A_323 = tpu.memref_slice %arg19[%add3A_24, %dma_start3A_322] : memref<10112x64xf32, #tpu.memory_space<vmem_shared>> -> memref<120x64xf32, #tpu.memory_space<vmem_shared>>
      %dma_start3A_324 = arith.constant 0 : i32
      %dma_start3A_325 = arith.constant 0 : i32
      %dma_start3A_326 = tpu.memref_slice %arg14[%dma_start3A_324, %dma_start3A_325] : memref<128x64xf32, #tpu.memory_space<vmem>> -> memref<120x64xf32, #tpu.memory_space<vmem>>
      tpu.enqueue_dma source(%dma_start3A_326 : memref<120x64xf32, #tpu.memory_space<vmem>>) target(%dma_start3A_323 : memref<120x64xf32, #tpu.memory_space<vmem_shared>>) target_semaphore(%run_scoped3A : memref<!tpu.dma_semaphore, #tpu.memory_space<semaphore_mem>>)
      %dma_wait3A_327 = arith.constant 0 : i32
      %dma_wait3A_328 = arith.constant 0 : i32
      %dma_wait3A_329 = tpu.memref_slice %arg14[%dma_wait3A_327, %dma_wait3A_328] : memref<128x64xf32, #tpu.memory_space<vmem>> -> memref<120x64xf32, #tpu.memory_space<vmem>>
      %dma_wait3A_330 = arith.constant 0 : i32
      %dma_wait3A_331 = tpu.memref_slice %arg19[%add3A_24, %dma_wait3A_330] : memref<10112x64xf32, #tpu.memory_space<vmem_shared>> -> memref<120x64xf32, #tpu.memory_space<vmem_shared>>
      %dma_wait3A_332 = arith.constant 0 : i32
      %dma_wait3A_333 = tpu.memref_slice %arg19[%add3A_24, %dma_wait3A_332] : memref<10112x64xf32, #tpu.memory_space<vmem_shared>> -> memref<120x64xf32, #tpu.memory_space<vmem_shared>>
      %dma_wait3A_334 = arith.constant 0 : i32
      %dma_wait3A_335 = arith.constant 0 : i32
      %dma_wait3A_336 = tpu.memref_slice %arg14[%dma_wait3A_334, %dma_wait3A_335] : memref<128x64xf32, #tpu.memory_space<vmem>> -> memref<120x64xf32, #tpu.memory_space<vmem>>
      tpu.wait_dma2 semaphore(%run_scoped3A : memref<!tpu.dma_semaphore, #tpu.memory_space<semaphore_mem>>) src(%dma_wait3A_336 : memref<120x64xf32, #tpu.memory_space<vmem>>) dst(%dma_wait3A_333 : memref<120x64xf32, #tpu.memory_space<vmem_shared>>)
      tpu.yield
    }) : () -> ()
    "tpu.region"() ({
      %run_scoped3A = tpu.sem_alloc : memref<!tpu.dma_semaphore, #tpu.memory_space<semaphore_mem>>
      %dma_start3A_317 = arith.constant 0 : i32
      %dma_start3A_318 = arith.constant 0 : i32
      %dma_start3A_319 = tpu.memref_slice %arg10[%dma_start3A_317, %dma_start3A_318] : memref<160x128xi32, #tpu.memory_space<vmem>> -> memref<158x128xi32, #tpu.memory_space<vmem>>
      %dma_start3A_320 = arith.constant 0 : i32
      %dma_start3A_321 = arith.constant 0 : i32
      %dma_start3A_322 = tpu.memref_slice %arg5[%arg1, %dma_start3A_320, %dma_start3A_321] : memref<16x158x128xi32, #tpu.memory_space<hbm>> -> memref<1x158x128xi32, #tpu.memory_space<hbm>>
      %dma_start3A_323 = tpu.memref_squeeze %dma_start3A_322 : memref<1x158x128xi32, #tpu.memory_space<hbm>> -> memref<158x128xi32, #tpu.memory_space<hbm>>
      %dma_start3A_324 = arith.constant 0 : i32
      %dma_start3A_325 = arith.constant 0 : i32
      %dma_start3A_326 = tpu.memref_slice %arg10[%dma_start3A_324, %dma_start3A_325] : memref<160x128xi32, #tpu.memory_space<vmem>> -> memref<158x128xi32, #tpu.memory_space<vmem>>
      %dma_start3A_327 = arith.constant 0 : i32
      %dma_start3A_328 = arith.constant 0 : i32
      %dma_start3A_329 = tpu.memref_slice %arg5[%arg1, %dma_start3A_327, %dma_start3A_328] : memref<16x158x128xi32, #tpu.memory_space<hbm>> -> memref<1x158x128xi32, #tpu.memory_space<hbm>>
      %dma_start3A_330 = tpu.memref_squeeze %dma_start3A_329 : memref<1x158x128xi32, #tpu.memory_space<hbm>> -> memref<158x128xi32, #tpu.memory_space<hbm>>
      tpu.enqueue_dma source(%dma_start3A_330 : memref<158x128xi32, #tpu.memory_space<hbm>>) target(%dma_start3A_326 : memref<158x128xi32, #tpu.memory_space<vmem>>) target_semaphore(%run_scoped3A : memref<!tpu.dma_semaphore, #tpu.memory_space<semaphore_mem>>)
      %dma_wait3A_331 = arith.constant 0 : i32
      %dma_wait3A_332 = arith.constant 0 : i32
      %dma_wait3A_333 = tpu.memref_slice %arg10[%dma_wait3A_331, %dma_wait3A_332] : memref<160x128xi32, #tpu.memory_space<vmem>> -> memref<158x128xi32, #tpu.memory_space<vmem>>
      %dma_wait3A_334 = arith.constant 0 : i32
      %dma_wait3A_335 = arith.constant 0 : i32
      %dma_wait3A_336 = tpu.memref_slice %arg5[%arg1, %dma_wait3A_334, %dma_wait3A_335] : memref<16x158x128xi32, #tpu.memory_space<hbm>> -> memref<1x158x128xi32, #tpu.memory_space<hbm>>
      %dma_wait3A_337 = tpu.memref_squeeze %dma_wait3A_336 : memref<1x158x128xi32, #tpu.memory_space<hbm>> -> memref<158x128xi32, #tpu.memory_space<hbm>>
      %dma_wait3A_338 = arith.constant 0 : i32
      %dma_wait3A_339 = arith.constant 0 : i32
      %dma_wait3A_340 = tpu.memref_slice %arg10[%dma_wait3A_338, %dma_wait3A_339] : memref<160x128xi32, #tpu.memory_space<vmem>> -> memref<158x128xi32, #tpu.memory_space<vmem>>
      %dma_wait3A_341 = arith.constant 0 : i32
      %dma_wait3A_342 = arith.constant 0 : i32
      %dma_wait3A_343 = tpu.memref_slice %arg5[%arg1, %dma_wait3A_341, %dma_wait3A_342] : memref<16x158x128xi32, #tpu.memory_space<hbm>> -> memref<1x158x128xi32, #tpu.memory_space<hbm>>
      %dma_wait3A_344 = tpu.memref_squeeze %dma_wait3A_343 : memref<1x158x128xi32, #tpu.memory_space<hbm>> -> memref<158x128xi32, #tpu.memory_space<hbm>>
      tpu.wait_dma2 semaphore(%run_scoped3A : memref<!tpu.dma_semaphore, #tpu.memory_space<semaphore_mem>>) src(%dma_wait3A_344 : memref<158x128xi32, #tpu.memory_space<hbm>>) dst(%dma_wait3A_340 : memref<158x128xi32, #tpu.memory_space<vmem>>)
      tpu.yield
    }) : () -> ()
    "tpu.region"() ({
      %run_scoped3A = tpu.sem_alloc : memref<!tpu.dma_semaphore, #tpu.memory_space<semaphore_mem>>
      %dma_start3A_317 = arith.constant 0 : i32
      %dma_start3A_318 = arith.constant 0 : i32
      %dma_start3A_319 = tpu.memref_slice %arg6[%arg1, %dma_start3A_317, %dma_start3A_318] : memref<16x158x128xi32, #tpu.memory_space<hbm>> -> memref<1x158x128xi32, #tpu.memory_space<hbm>>
      %dma_start3A_320 = tpu.memref_squeeze %dma_start3A_319 : memref<1x158x128xi32, #tpu.memory_space<hbm>> -> memref<158x128xi32, #tpu.memory_space<hbm>>
      %dma_start3A_321 = arith.constant 0 : i32
      %dma_start3A_322 = arith.constant 0 : i32
      %dma_start3A_323 = tpu.memref_slice %arg6[%arg1, %dma_start3A_321, %dma_start3A_322] : memref<16x158x128xi32, #tpu.memory_space<hbm>> -> memref<1x158x128xi32, #tpu.memory_space<hbm>>
      %dma_start3A_324 = tpu.memref_squeeze %dma_start3A_323 : memref<1x158x128xi32, #tpu.memory_space<hbm>> -> memref<158x128xi32, #tpu.memory_space<hbm>>
      tpu.enqueue_dma source(%dma_start3A_324 : memref<158x128xi32, #tpu.memory_space<hbm>>) target(%arg11 : memref<158x128xi32, #tpu.memory_space<vmem>>) target_semaphore(%run_scoped3A : memref<!tpu.dma_semaphore, #tpu.memory_space<semaphore_mem>>)
      %dma_wait3A_325 = arith.constant 0 : i32
      %dma_wait3A_326 = arith.constant 0 : i32
      %dma_wait3A_327 = tpu.memref_slice %arg6[%arg1, %dma_wait3A_325, %dma_wait3A_326] : memref<16x158x128xi32, #tpu.memory_space<hbm>> -> memref<1x158x128xi32, #tpu.memory_space<hbm>>
      %dma_wait3A_328 = tpu.memref_squeeze %dma_wait3A_327 : memref<1x158x128xi32, #tpu.memory_space<hbm>> -> memref<158x128xi32, #tpu.memory_space<hbm>>
      %dma_wait3A_329 = arith.constant 0 : i32
      %dma_wait3A_330 = arith.constant 0 : i32
      %dma_wait3A_331 = tpu.memref_slice %arg6[%arg1, %dma_wait3A_329, %dma_wait3A_330] : memref<16x158x128xi32, #tpu.memory_space<hbm>> -> memref<1x158x128xi32, #tpu.memory_space<hbm>>
      %dma_wait3A_332 = tpu.memref_squeeze %dma_wait3A_331 : memref<1x158x128xi32, #tpu.memory_space<hbm>> -> memref<158x128xi32, #tpu.memory_space<hbm>>
      tpu.wait_dma2 semaphore(%run_scoped3A : memref<!tpu.dma_semaphore, #tpu.memory_space<semaphore_mem>>) src(%dma_wait3A_332 : memref<158x128xi32, #tpu.memory_space<hbm>>) dst(%arg11 : memref<158x128xi32, #tpu.memory_space<vmem>>)
      tpu.yield
    }) : () -> ()
    "tpu.region"() ({
      %run_scoped3A = tpu.sem_alloc : memref<!tpu.dma_semaphore, #tpu.memory_space<semaphore_mem>>
      tpu.enqueue_dma source(%arg3 : memref<10112xf32, #tpu.memory_space<hbm>>) target(%arg12 : memref<10112xf32, #tpu.memory_space<vmem>>) target_semaphore(%run_scoped3A : memref<!tpu.dma_semaphore, #tpu.memory_space<semaphore_mem>>)
      tpu.wait_dma2 semaphore(%run_scoped3A : memref<!tpu.dma_semaphore, #tpu.memory_space<semaphore_mem>>) src(%arg3 : memref<10112xf32, #tpu.memory_space<hbm>>) dst(%arg12 : memref<10112xf32, #tpu.memory_space<vmem>>)
      tpu.yield
    }) : () -> ()
    "tpu.region"() ({
      %run_scoped3A = tpu.sem_alloc : memref<!tpu.dma_semaphore, #tpu.memory_space<semaphore_mem>>
      tpu.enqueue_dma source(%arg4 : memref<10112xf32, #tpu.memory_space<hbm>>) target(%arg13 : memref<10112xf32, #tpu.memory_space<vmem>>) target_semaphore(%run_scoped3A : memref<!tpu.dma_semaphore, #tpu.memory_space<semaphore_mem>>)
      tpu.wait_dma2 semaphore(%run_scoped3A : memref<!tpu.dma_semaphore, #tpu.memory_space<semaphore_mem>>) src(%arg4 : memref<10112xf32, #tpu.memory_space<hbm>>) dst(%arg13 : memref<10112xf32, #tpu.memory_space<vmem>>)
      tpu.yield
    }) : () -> ()
    "tpu.region"() ({
      %run_scoped3A = tpu.sem_alloc : memref<!tpu.dma_semaphore, #tpu.memory_space<semaphore_mem>>
      tpu.enqueue_dma source(%arg7 : memref<32x16xf32, #tpu.memory_space<hbm>>) target(%arg18 : memref<32x16xf32, #tpu.memory_space<vmem>>) target_semaphore(%run_scoped3A : memref<!tpu.dma_semaphore, #tpu.memory_space<semaphore_mem>>)
      tpu.wait_dma2 semaphore(%run_scoped3A : memref<!tpu.dma_semaphore, #tpu.memory_space<semaphore_mem>>) src(%arg7 : memref<32x16xf32, #tpu.memory_space<hbm>>) dst(%arg18 : memref<32x16xf32, #tpu.memory_space<vmem>>)
      tpu.yield
    }) : () -> ()
    %broadcast_in_dim3A_25 = arith.constant 0.000000e+00 : f32
    %broadcast_in_dim3A_26 = vector.broadcast %broadcast_in_dim3A_25 : f32 to vector<16xf32>
    %scan3A_27 = arith.constant 0 : i32
    %scan3A_28 = arith.constant 0 : i32
    %scan3A_29 = arith.constant 632 : i32
    %scan3A_30 = arith.addi %scan3A_28, %scan3A_29 : i32
    %scan3A_31 = arith.constant 1 : i32
    %scan3A_32 = scf.for %scan3A_317 = %scan3A_28 to %scan3A_30 step %scan3A_31 iter_args(%scan3A_318 = %scan3A_27) -> (i32)  : i32 {
      %mul3A_319 = arith.constant 16 : i32
      %mul3A_320 = arith.muli %scan3A_317, %mul3A_319 : i32
      %swap3A_321 = arith.index_cast %mul3A_320 : i32 to index
      %swap3A_322 = tpu.vector_load %arg17[%swap3A_321] {strides = array<i32>} : memref<10112xf32, #tpu.memory_space<vmem>>, vector<16xf32>,
      tpu.vector_store %arg17[%swap3A_321], %broadcast_in_dim3A_26 {strides = array<i32>} : memref<10112xf32, #tpu.memory_space<vmem>>, vector<16xf32>,
      %scan3A_323 = arith.constant 0 : i32
      scf.yield %scan3A_323 : i32
    }
    %scan3A_33 = arith.constant 632 : i32
    %broadcast_in_dim3A_34 = arith.constant -3.000000e+38 : f32
    %broadcast_in_dim3A_35 = vector.broadcast %broadcast_in_dim3A_34 : f32 to vector<16xf32>
    %get3A = arith.constant 0 : i32
    %get3A_36 = arith.index_cast %get3A : i32 to index
    %get3A_37 = arith.constant 0 : index
    %get3A_38 = tpu.vector_load %arg18[%get3A_36, %get3A_37] {strides = array<i32>} : memref<32x16xf32, #tpu.memory_space<vmem>>, vector<16xf32>,
    %max3A = arith.maximumf %broadcast_in_dim3A_35, %get3A_38 : vector<16xf32>
    %get3A_39 = arith.constant 1 : i32
    %get3A_40 = arith.index_cast %get3A_39 : i32 to index
    %get3A_41 = arith.constant 0 : index
    %get3A_42 = tpu.vector_load %arg18[%get3A_40, %get3A_41] {strides = array<i32>} : memref<32x16xf32, #tpu.memory_space<vmem>>, vector<16xf32>,
    %max3A_43 = arith.maximumf %max3A, %get3A_42 : vector<16xf32>
    %get3A_44 = arith.constant 2 : i32
    %get3A_45 = arith.index_cast %get3A_44 : i32 to index
    %get3A_46 = arith.constant 0 : index
    %get3A_47 = tpu.vector_load %arg18[%get3A_45, %get3A_46] {strides = array<i32>} : memref<32x16xf32, #tpu.memory_space<vmem>>, vector<16xf32>,
    %max3A_48 = arith.maximumf %max3A_43, %get3A_47 : vector<16xf32>
    %get3A_49 = arith.constant 3 : i32
    %get3A_50 = arith.index_cast %get3A_49 : i32 to index
    %get3A_51 = arith.constant 0 : index
    %get3A_52 = tpu.vector_load %arg18[%get3A_50, %get3A_51] {strides = array<i32>} : memref<32x16xf32, #tpu.memory_space<vmem>>, vector<16xf32>,
    %max3A_53 = arith.maximumf %max3A_48, %get3A_52 : vector<16xf32>
    %get3A_54 = arith.constant 4 : i32
    %get3A_55 = arith.index_cast %get3A_54 : i32 to index
    %get3A_56 = arith.constant 0 : index
    %get3A_57 = tpu.vector_load %arg18[%get3A_55, %get3A_56] {strides = array<i32>} : memref<32x16xf32, #tpu.memory_space<vmem>>, vector<16xf32>,
    %max3A_58 = arith.maximumf %max3A_53, %get3A_57 : vector<16xf32>
    %get3A_59 = arith.constant 5 : i32
    %get3A_60 = arith.index_cast %get3A_59 : i32 to index
    %get3A_61 = arith.constant 0 : index
    %get3A_62 = tpu.vector_load %arg18[%get3A_60, %get3A_61] {strides = array<i32>} : memref<32x16xf32, #tpu.memory_space<vmem>>, vector<16xf32>,
    %max3A_63 = arith.maximumf %max3A_58, %get3A_62 : vector<16xf32>
    %get3A_64 = arith.constant 6 : i32
    %get3A_65 = arith.index_cast %get3A_64 : i32 to index
    %get3A_66 = arith.constant 0 : index
    %get3A_67 = tpu.vector_load %arg18[%get3A_65, %get3A_66] {strides = array<i32>} : memref<32x16xf32, #tpu.memory_space<vmem>>, vector<16xf32>,
    %max3A_68 = arith.maximumf %max3A_63, %get3A_67 : vector<16xf32>
    %get3A_69 = arith.constant 7 : i32
    %get3A_70 = arith.index_cast %get3A_69 : i32 to index
    %get3A_71 = arith.constant 0 : index
    %get3A_72 = tpu.vector_load %arg18[%get3A_70, %get3A_71] {strides = array<i32>} : memref<32x16xf32, #tpu.memory_space<vmem>>, vector<16xf32>,
    %max3A_73 = arith.maximumf %max3A_68, %get3A_72 : vector<16xf32>
    %get3A_74 = arith.constant 8 : i32
    %get3A_75 = arith.index_cast %get3A_74 : i32 to index
    %get3A_76 = arith.constant 0 : index
    %get3A_77 = tpu.vector_load %arg18[%get3A_75, %get3A_76] {strides = array<i32>} : memref<32x16xf32, #tpu.memory_space<vmem>>, vector<16xf32>,
    %max3A_78 = arith.maximumf %max3A_73, %get3A_77 : vector<16xf32>
    %get3A_79 = arith.constant 9 : i32
    %get3A_80 = arith.index_cast %get3A_79 : i32 to index
    %get3A_81 = arith.constant 0 : index
    %get3A_82 = tpu.vector_load %arg18[%get3A_80, %get3A_81] {strides = array<i32>} : memref<32x16xf32, #tpu.memory_space<vmem>>, vector<16xf32>,
    %max3A_83 = arith.maximumf %max3A_78, %get3A_82 : vector<16xf32>
    %get3A_84 = arith.constant 10 : i32
    %get3A_85 = arith.index_cast %get3A_84 : i32 to index
    %get3A_86 = arith.constant 0 : index
    %get3A_87 = tpu.vector_load %arg18[%get3A_85, %get3A_86] {strides = array<i32>} : memref<32x16xf32, #tpu.memory_space<vmem>>, vector<16xf32>,
    %max3A_88 = arith.maximumf %max3A_83, %get3A_87 : vector<16xf32>
    %get3A_89 = arith.constant 11 : i32
    %get3A_90 = arith.index_cast %get3A_89 : i32 to index
    %get3A_91 = arith.constant 0 : index
    %get3A_92 = tpu.vector_load %arg18[%get3A_90, %get3A_91] {strides = array<i32>} : memref<32x16xf32, #tpu.memory_space<vmem>>, vector<16xf32>,
    %max3A_93 = arith.maximumf %max3A_88, %get3A_92 : vector<16xf32>
    %get3A_94 = arith.constant 12 : i32
    %get3A_95 = arith.index_cast %get3A_94 : i32 to index
    %get3A_96 = arith.constant 0 : index
    %get3A_97 = tpu.vector_load %arg18[%get3A_95, %get3A_96] {strides = array<i32>} : memref<32x16xf32, #tpu.memory_space<vmem>>, vector<16xf32>,
    %max3A_98 = arith.maximumf %max3A_93, %get3A_97 : vector<16xf32>
    %get3A_99 = arith.constant 13 : i32
    %get3A_100 = arith.index_cast %get3A_99 : i32 to index
    %get3A_101 = arith.constant 0 : index
    %get3A_102 = tpu.vector_load %arg18[%get3A_100, %get3A_101] {strides = array<i32>} : memref<32x16xf32, #tpu.memory_space<vmem>>, vector<16xf32>,
    %max3A_103 = arith.maximumf %max3A_98, %get3A_102 : vector<16xf32>
    %get3A_104 = arith.constant 14 : i32
    %get3A_105 = arith.index_cast %get3A_104 : i32 to index
    %get3A_106 = arith.constant 0 : index
    %get3A_107 = tpu.vector_load %arg18[%get3A_105, %get3A_106] {strides = array<i32>} : memref<32x16xf32, #tpu.memory_space<vmem>>, vector<16xf32>,
    %max3A_108 = arith.maximumf %max3A_103, %get3A_107 : vector<16xf32>
    %get3A_109 = arith.constant 15 : i32
    %get3A_110 = arith.index_cast %get3A_109 : i32 to index
    %get3A_111 = arith.constant 0 : index
    %get3A_112 = tpu.vector_load %arg18[%get3A_110, %get3A_111] {strides = array<i32>} : memref<32x16xf32, #tpu.memory_space<vmem>>, vector<16xf32>,
    %max3A_113 = arith.maximumf %max3A_108, %get3A_112 : vector<16xf32>
    %get3A_114 = arith.constant 16 : i32
    %get3A_115 = arith.index_cast %get3A_114 : i32 to index
    %get3A_116 = arith.constant 0 : index
    %get3A_117 = tpu.vector_load %arg18[%get3A_115, %get3A_116] {strides = array<i32>} : memref<32x16xf32, #tpu.memory_space<vmem>>, vector<16xf32>,
    %max3A_118 = arith.maximumf %max3A_113, %get3A_117 : vector<16xf32>
    %get3A_119 = arith.constant 17 : i32
    %get3A_120 = arith.index_cast %get3A_119 : i32 to index
    %get3A_121 = arith.constant 0 : index
    %get3A_122 = tpu.vector_load %arg18[%get3A_120, %get3A_121] {strides = array<i32>} : memref<32x16xf32, #tpu.memory_space<vmem>>, vector<16xf32>,
    %max3A_123 = arith.maximumf %max3A_118, %get3A_122 : vector<16xf32>
    %get3A_124 = arith.constant 18 : i32
    %get3A_125 = arith.index_cast %get3A_124 : i32 to index
    %get3A_126 = arith.constant 0 : index
    %get3A_127 = tpu.vector_load %arg18[%get3A_125, %get3A_126] {strides = array<i32>} : memref<32x16xf32, #tpu.memory_space<vmem>>, vector<16xf32>,
    %max3A_128 = arith.maximumf %max3A_123, %get3A_127 : vector<16xf32>
    %get3A_129 = arith.constant 19 : i32
    %get3A_130 = arith.index_cast %get3A_129 : i32 to index
    %get3A_131 = arith.constant 0 : index
    %get3A_132 = tpu.vector_load %arg18[%get3A_130, %get3A_131] {strides = array<i32>} : memref<32x16xf32, #tpu.memory_space<vmem>>, vector<16xf32>,
    %max3A_133 = arith.maximumf %max3A_128, %get3A_132 : vector<16xf32>
    %get3A_134 = arith.constant 20 : i32
    %get3A_135 = arith.index_cast %get3A_134 : i32 to index
    %get3A_136 = arith.constant 0 : index
    %get3A_137 = tpu.vector_load %arg18[%get3A_135, %get3A_136] {strides = array<i32>} : memref<32x16xf32, #tpu.memory_space<vmem>>, vector<16xf32>,
    %max3A_138 = arith.maximumf %max3A_133, %get3A_137 : vector<16xf32>
    %get3A_139 = arith.constant 21 : i32
    %get3A_140 = arith.index_cast %get3A_139 : i32 to index
    %get3A_141 = arith.constant 0 : index
    %get3A_142 = tpu.vector_load %arg18[%get3A_140, %get3A_141] {strides = array<i32>} : memref<32x16xf32, #tpu.memory_space<vmem>>, vector<16xf32>,
    %max3A_143 = arith.maximumf %max3A_138, %get3A_142 : vector<16xf32>
    %get3A_144 = arith.constant 22 : i32
    %get3A_145 = arith.index_cast %get3A_144 : i32 to index
    %get3A_146 = arith.constant 0 : index
    %get3A_147 = tpu.vector_load %arg18[%get3A_145, %get3A_146] {strides = array<i32>} : memref<32x16xf32, #tpu.memory_space<vmem>>, vector<16xf32>,
    %max3A_148 = arith.maximumf %max3A_143, %get3A_147 : vector<16xf32>
    %get3A_149 = arith.constant 23 : i32
    %get3A_150 = arith.index_cast %get3A_149 : i32 to index
    %get3A_151 = arith.constant 0 : index
    %get3A_152 = tpu.vector_load %arg18[%get3A_150, %get3A_151] {strides = array<i32>} : memref<32x16xf32, #tpu.memory_space<vmem>>, vector<16xf32>,
    %max3A_153 = arith.maximumf %max3A_148, %get3A_152 : vector<16xf32>
    %get3A_154 = arith.constant 24 : i32
    %get3A_155 = arith.index_cast %get3A_154 : i32 to index
    %get3A_156 = arith.constant 0 : index
    %get3A_157 = tpu.vector_load %arg18[%get3A_155, %get3A_156] {strides = array<i32>} : memref<32x16xf32, #tpu.memory_space<vmem>>, vector<16xf32>,
    %max3A_158 = arith.maximumf %max3A_153, %get3A_157 : vector<16xf32>
    %get3A_159 = arith.constant 25 : i32
    %get3A_160 = arith.index_cast %get3A_159 : i32 to index
    %get3A_161 = arith.constant 0 : index
    %get3A_162 = tpu.vector_load %arg18[%get3A_160, %get3A_161] {strides = array<i32>} : memref<32x16xf32, #tpu.memory_space<vmem>>, vector<16xf32>,
    %max3A_163 = arith.maximumf %max3A_158, %get3A_162 : vector<16xf32>
    %get3A_164 = arith.constant 26 : i32
    %get3A_165 = arith.index_cast %get3A_164 : i32 to index
    %get3A_166 = arith.constant 0 : index
    %get3A_167 = tpu.vector_load %arg18[%get3A_165, %get3A_166] {strides = array<i32>} : memref<32x16xf32, #tpu.memory_space<vmem>>, vector<16xf32>,
    %max3A_168 = arith.maximumf %max3A_163, %get3A_167 : vector<16xf32>
    %get3A_169 = arith.constant 27 : i32
    %get3A_170 = arith.index_cast %get3A_169 : i32 to index
    %get3A_171 = arith.constant 0 : index
    %get3A_172 = tpu.vector_load %arg18[%get3A_170, %get3A_171] {strides = array<i32>} : memref<32x16xf32, #tpu.memory_space<vmem>>, vector<16xf32>,
    %max3A_173 = arith.maximumf %max3A_168, %get3A_172 : vector<16xf32>
    %get3A_174 = arith.constant 28 : i32
    %get3A_175 = arith.index_cast %get3A_174 : i32 to index
    %get3A_176 = arith.constant 0 : index
    %get3A_177 = tpu.vector_load %arg18[%get3A_175, %get3A_176] {strides = array<i32>} : memref<32x16xf32, #tpu.memory_space<vmem>>, vector<16xf32>,
    %max3A_178 = arith.maximumf %max3A_173, %get3A_177 : vector<16xf32>
    %get3A_179 = arith.constant 29 : i32
    %get3A_180 = arith.index_cast %get3A_179 : i32 to index
    %get3A_181 = arith.constant 0 : index
    %get3A_182 = tpu.vector_load %arg18[%get3A_180, %get3A_181] {strides = array<i32>} : memref<32x16xf32, #tpu.memory_space<vmem>>, vector<16xf32>,
    %max3A_183 = arith.maximumf %max3A_178, %get3A_182 : vector<16xf32>
    %get3A_184 = arith.constant 30 : i32
    %get3A_185 = arith.index_cast %get3A_184 : i32 to index
    %get3A_186 = arith.constant 0 : index
    %get3A_187 = tpu.vector_load %arg18[%get3A_185, %get3A_186] {strides = array<i32>} : memref<32x16xf32, #tpu.memory_space<vmem>>, vector<16xf32>,
    %max3A_188 = arith.maximumf %max3A_183, %get3A_187 : vector<16xf32>
    %get3A_189 = arith.constant 31 : i32
    %get3A_190 = arith.index_cast %get3A_189 : i32 to index
    %get3A_191 = arith.constant 0 : index
    %get3A_192 = tpu.vector_load %arg18[%get3A_190, %get3A_191] {strides = array<i32>} : memref<32x16xf32, #tpu.memory_space<vmem>>, vector<16xf32>,
    %max3A_193 = arith.maximumf %max3A_188, %get3A_192 : vector<16xf32>
    %reduce_max3A = arith.constant true
    %reduce_max3A_194 = vector.broadcast %reduce_max3A : i1 to vector<16xi1>
    %reduce_max3A_195 = tpu.scan <max>, %max3A_193 masked %reduce_max3A_194 : vector<16xf32>, vector<16xi1> -> vector<16xf32>
    %reduce_max3A_196 = vector.extract %reduce_max3A_195[15] : f32 from vector<16xf32>
    %broadcast_in_dim3A_197 = vector.broadcast %reduce_max3A_196 : f32 to vector<16xf32>
    %barrier3A = arith.constant 0 : index
    tpu.barrier barrier_id(%barrier3A)
    %broadcast_in_dim3A_198 = arith.constant 10000 : i32
    %broadcast_in_dim3A_199 = vector.broadcast %broadcast_in_dim3A_198 : i32 to vector<16xi32>
    %swap3A = arith.constant 158 : i32
    %swap3A_200 = arith.index_cast %swap3A : i32 to index
    %swap3A_201 = arith.constant 0 : index
    %swap3A_202 = tpu.vector_load %arg10[%swap3A_200, %swap3A_201] {strides = array<i32>} : memref<160x128xi32, #tpu.memory_space<vmem>>, vector<16xi32>,
    tpu.vector_store %arg10[%swap3A_200, %swap3A_201], %broadcast_in_dim3A_199 {strides = array<i32>} : memref<160x128xi32, #tpu.memory_space<vmem>>, vector<16xi32>,
    %swap3A_203 = arith.constant 158 : i32
    %swap3A_204 = arith.index_cast %swap3A_203 : i32 to index
    %swap3A_205 = arith.constant 16 : index
    %swap3A_206 = tpu.vector_load %arg10[%swap3A_204, %swap3A_205] {strides = array<i32>} : memref<160x128xi32, #tpu.memory_space<vmem>>, vector<16xi32>,
    tpu.vector_store %arg10[%swap3A_204, %swap3A_205], %broadcast_in_dim3A_199 {strides = array<i32>} : memref<160x128xi32, #tpu.memory_space<vmem>>, vector<16xi32>,
    %swap3A_207 = arith.constant 158 : i32
    %swap3A_208 = arith.index_cast %swap3A_207 : i32 to index
    %swap3A_209 = arith.constant 32 : index
    %swap3A_210 = tpu.vector_load %arg10[%swap3A_208, %swap3A_209] {strides = array<i32>} : memref<160x128xi32, #tpu.memory_space<vmem>>, vector<16xi32>,
    tpu.vector_store %arg10[%swap3A_208, %swap3A_209], %broadcast_in_dim3A_199 {strides = array<i32>} : memref<160x128xi32, #tpu.memory_space<vmem>>, vector<16xi32>,
    %swap3A_211 = arith.constant 158 : i32
    %swap3A_212 = arith.index_cast %swap3A_211 : i32 to index
    %swap3A_213 = arith.constant 48 : index
    %swap3A_214 = tpu.vector_load %arg10[%swap3A_212, %swap3A_213] {strides = array<i32>} : memref<160x128xi32, #tpu.memory_space<vmem>>, vector<16xi32>,
    tpu.vector_store %arg10[%swap3A_212, %swap3A_213], %broadcast_in_dim3A_199 {strides = array<i32>} : memref<160x128xi32, #tpu.memory_space<vmem>>, vector<16xi32>,
    %swap3A_215 = arith.constant 158 : i32
    %swap3A_216 = arith.index_cast %swap3A_215 : i32 to index
    %swap3A_217 = arith.constant 64 : index
    %swap3A_218 = tpu.vector_load %arg10[%swap3A_216, %swap3A_217] {strides = array<i32>} : memref<160x128xi32, #tpu.memory_space<vmem>>, vector<16xi32>,
    tpu.vector_store %arg10[%swap3A_216, %swap3A_217], %broadcast_in_dim3A_199 {strides = array<i32>} : memref<160x128xi32, #tpu.memory_space<vmem>>, vector<16xi32>,
    %swap3A_219 = arith.constant 158 : i32
    %swap3A_220 = arith.index_cast %swap3A_219 : i32 to index
    %swap3A_221 = arith.constant 80 : index
    %swap3A_222 = tpu.vector_load %arg10[%swap3A_220, %swap3A_221] {strides = array<i32>} : memref<160x128xi32, #tpu.memory_space<vmem>>, vector<16xi32>,
    tpu.vector_store %arg10[%swap3A_220, %swap3A_221], %broadcast_in_dim3A_199 {strides = array<i32>} : memref<160x128xi32, #tpu.memory_space<vmem>>, vector<16xi32>,
    %swap3A_223 = arith.constant 158 : i32
    %swap3A_224 = arith.index_cast %swap3A_223 : i32 to index
    %swap3A_225 = arith.constant 96 : index
    %swap3A_226 = tpu.vector_load %arg10[%swap3A_224, %swap3A_225] {strides = array<i32>} : memref<160x128xi32, #tpu.memory_space<vmem>>, vector<16xi32>,
    tpu.vector_store %arg10[%swap3A_224, %swap3A_225], %broadcast_in_dim3A_199 {strides = array<i32>} : memref<160x128xi32, #tpu.memory_space<vmem>>, vector<16xi32>,
    %swap3A_227 = arith.constant 158 : i32
    %swap3A_228 = arith.index_cast %swap3A_227 : i32 to index
    %swap3A_229 = arith.constant 112 : index
    %swap3A_230 = tpu.vector_load %arg10[%swap3A_228, %swap3A_229] {strides = array<i32>} : memref<160x128xi32, #tpu.memory_space<vmem>>, vector<16xi32>,
    tpu.vector_store %arg10[%swap3A_228, %swap3A_229], %broadcast_in_dim3A_199 {strides = array<i32>} : memref<160x128xi32, #tpu.memory_space<vmem>>, vector<16xi32>,
    %swap3A_231 = arith.constant 159 : i32
    %swap3A_232 = arith.index_cast %swap3A_231 : i32 to index
    %swap3A_233 = arith.constant 0 : index
    %swap3A_234 = tpu.vector_load %arg10[%swap3A_232, %swap3A_233] {strides = array<i32>} : memref<160x128xi32, #tpu.memory_space<vmem>>, vector<16xi32>,
    tpu.vector_store %arg10[%swap3A_232, %swap3A_233], %broadcast_in_dim3A_199 {strides = array<i32>} : memref<160x128xi32, #tpu.memory_space<vmem>>, vector<16xi32>,
    %swap3A_235 = arith.constant 159 : i32
    %swap3A_236 = arith.index_cast %swap3A_235 : i32 to index
    %swap3A_237 = arith.constant 16 : index
    %swap3A_238 = tpu.vector_load %arg10[%swap3A_236, %swap3A_237] {strides = array<i32>} : memref<160x128xi32, #tpu.memory_space<vmem>>, vector<16xi32>,
    tpu.vector_store %arg10[%swap3A_236, %swap3A_237], %broadcast_in_dim3A_199 {strides = array<i32>} : memref<160x128xi32, #tpu.memory_space<vmem>>, vector<16xi32>,
    %swap3A_239 = arith.constant 159 : i32
    %swap3A_240 = arith.index_cast %swap3A_239 : i32 to index
    %swap3A_241 = arith.constant 32 : index
    %swap3A_242 = tpu.vector_load %arg10[%swap3A_240, %swap3A_241] {strides = array<i32>} : memref<160x128xi32, #tpu.memory_space<vmem>>, vector<16xi32>,
    tpu.vector_store %arg10[%swap3A_240, %swap3A_241], %broadcast_in_dim3A_199 {strides = array<i32>} : memref<160x128xi32, #tpu.memory_space<vmem>>, vector<16xi32>,
    %swap3A_243 = arith.constant 159 : i32
    %swap3A_244 = arith.index_cast %swap3A_243 : i32 to index
    %swap3A_245 = arith.constant 48 : index
    %swap3A_246 = tpu.vector_load %arg10[%swap3A_244, %swap3A_245] {strides = array<i32>} : memref<160x128xi32, #tpu.memory_space<vmem>>, vector<16xi32>,
    tpu.vector_store %arg10[%swap3A_244, %swap3A_245], %broadcast_in_dim3A_199 {strides = array<i32>} : memref<160x128xi32, #tpu.memory_space<vmem>>, vector<16xi32>,
    %swap3A_247 = arith.constant 159 : i32
    %swap3A_248 = arith.index_cast %swap3A_247 : i32 to index
    %swap3A_249 = arith.constant 64 : index
    %swap3A_250 = tpu.vector_load %arg10[%swap3A_248, %swap3A_249] {strides = array<i32>} : memref<160x128xi32, #tpu.memory_space<vmem>>, vector<16xi32>,
    tpu.vector_store %arg10[%swap3A_248, %swap3A_249], %broadcast_in_dim3A_199 {strides = array<i32>} : memref<160x128xi32, #tpu.memory_space<vmem>>, vector<16xi32>,
    %swap3A_251 = arith.constant 159 : i32
    %swap3A_252 = arith.index_cast %swap3A_251 : i32 to index
    %swap3A_253 = arith.constant 80 : index
    %swap3A_254 = tpu.vector_load %arg10[%swap3A_252, %swap3A_253] {strides = array<i32>} : memref<160x128xi32, #tpu.memory_space<vmem>>, vector<16xi32>,
    tpu.vector_store %arg10[%swap3A_252, %swap3A_253], %broadcast_in_dim3A_199 {strides = array<i32>} : memref<160x128xi32, #tpu.memory_space<vmem>>, vector<16xi32>,
    %swap3A_255 = arith.constant 159 : i32
    %swap3A_256 = arith.index_cast %swap3A_255 : i32 to index
    %swap3A_257 = arith.constant 96 : index
    %swap3A_258 = tpu.vector_load %arg10[%swap3A_256, %swap3A_257] {strides = array<i32>} : memref<160x128xi32, #tpu.memory_space<vmem>>, vector<16xi32>,
    tpu.vector_store %arg10[%swap3A_256, %swap3A_257], %broadcast_in_dim3A_199 {strides = array<i32>} : memref<160x128xi32, #tpu.memory_space<vmem>>, vector<16xi32>,
    %swap3A_259 = arith.constant 159 : i32
    %swap3A_260 = arith.index_cast %swap3A_259 : i32 to index
    %swap3A_261 = arith.constant 112 : index
    %swap3A_262 = tpu.vector_load %arg10[%swap3A_260, %swap3A_261] {strides = array<i32>} : memref<160x128xi32, #tpu.memory_space<vmem>>, vector<16xi32>,
    tpu.vector_store %arg10[%swap3A_260, %swap3A_261], %broadcast_in_dim3A_199 {strides = array<i32>} : memref<160x128xi32, #tpu.memory_space<vmem>>, vector<16xi32>,
    %dma_start3A = arith.constant 0 : i32
    %dma_start3A_263 = arith.constant 0 : i32
    %dma_start3A_264 = tpu.memref_slice %arg10[%dma_start3A, %dma_start3A_263] : memref<160x128xi32, #tpu.memory_space<vmem>> -> memref<1x128xi32, #tpu.memory_space<vmem>>
    %dma_start3A_265 = tpu.memref_squeeze %dma_start3A_264 : memref<1x128xi32, #tpu.memory_space<vmem>> -> memref<128xi32, #tpu.memory_space<vmem>>
    %dma_start3A_266 = arith.constant 0 : i32
    %dma_start3A_267 = arith.constant 0 : i32
    %dma_start3A_268 = tpu.memref_slice %arg2[%arg0, %dma_start3A_266, %dma_start3A_267] : memref<2x10112x64xf32, #tpu.memory_space<hbm>> -> memref<1x10112x64xf32, #tpu.memory_space<hbm>>
    %dma_start3A_269 = tpu.memref_squeeze %dma_start3A_268 : memref<1x10112x64xf32, #tpu.memory_space<hbm>> -> memref<10112x64xf32, #tpu.memory_space<hbm>>
    %dma_start3A_270 = arith.constant 0 : i32
    %dma_start3A_271 = arith.constant 0 : i32
    %dma_start3A_272 = tpu.memref_slice %dma_start3A_269[%dma_start3A_270, %dma_start3A_271] : memref<10112x64xf32, #tpu.memory_space<hbm>> -> memref<10112x64xf32, #tpu.memory_space<hbm>>
    tpu.enqueue_indirect_dma source(%dma_start3A_272 : memref<10112x64xf32, #tpu.memory_space<hbm>>) target(%arg14 : memref<128x64xf32, #tpu.memory_space<vmem>>) offsets(%dma_start3A_265 : memref<128xi32, #tpu.memory_space<vmem>>) semaphore(%arg20 : memref<!tpu.dma_semaphore, #tpu.memory_space<semaphore_mem>>)
    %dma_start3A_273 = arith.constant 1 : i32
    %dma_start3A_274 = arith.constant 0 : i32
    %dma_start3A_275 = tpu.memref_slice %arg10[%dma_start3A_273, %dma_start3A_274] : memref<160x128xi32, #tpu.memory_space<vmem>> -> memref<1x128xi32, #tpu.memory_space<vmem>>
    %dma_start3A_276 = tpu.memref_squeeze %dma_start3A_275 : memref<1x128xi32, #tpu.memory_space<vmem>> -> memref<128xi32, #tpu.memory_space<vmem>>
    %dma_start3A_277 = arith.constant 0 : i32
    %dma_start3A_278 = arith.constant 0 : i32
    %dma_start3A_279 = tpu.memref_slice %arg2[%arg0, %dma_start3A_277, %dma_start3A_278] : memref<2x10112x64xf32, #tpu.memory_space<hbm>> -> memref<1x10112x64xf32, #tpu.memory_space<hbm>>
    %dma_start3A_280 = tpu.memref_squeeze %dma_start3A_279 : memref<1x10112x64xf32, #tpu.memory_space<hbm>> -> memref<10112x64xf32, #tpu.memory_space<hbm>>
    %dma_start3A_281 = arith.constant 0 : i32
    %dma_start3A_282 = arith.constant 0 : i32
    %dma_start3A_283 = tpu.memref_slice %dma_start3A_280[%dma_start3A_281, %dma_start3A_282] : memref<10112x64xf32, #tpu.memory_space<hbm>> -> memref<10112x64xf32, #tpu.memory_space<hbm>>
    tpu.enqueue_indirect_dma source(%dma_start3A_283 : memref<10112x64xf32, #tpu.memory_space<hbm>>) target(%arg15 : memref<128x64xf32, #tpu.memory_space<vmem>>) offsets(%dma_start3A_276 : memref<128xi32, #tpu.memory_space<vmem>>) semaphore(%arg21 : memref<!tpu.dma_semaphore, #tpu.memory_space<semaphore_mem>>)
    %scan3A_284 = arith.constant 0 : i32
    %scan3A_285 = arith.constant 0 : i32
    %scan3A_286 = arith.constant 79 : i32
    %scan3A_287 = arith.addi %scan3A_285, %scan3A_286 : i32
    %scan3A_288 = arith.constant 1 : i32
    %scan3A_289 = scf.for %scan3A_317 = %scan3A_285 to %scan3A_287 step %scan3A_288 iter_args(%scan3A_318 = %scan3A_284) -> (i32)  : i32 {
      %mul3A_319 = arith.constant 2 : i32
      %mul3A_320 = arith.muli %mul3A_319, %scan3A_317 : i32
      %add3A_321 = arith.constant 0 : i32
      %add3A_322 = arith.addi %mul3A_320, %add3A_321 : i32
      %get3A_323 = arith.index_cast %add3A_322 : i32 to index
      %get3A_324 = arith.constant 0 : index
      %get3A_325 = tpu.vector_load %arg10[%get3A_323, %get3A_324] {strides = array<i32>} : memref<160x128xi32, #tpu.memory_space<vmem>>, vector<16xi32>,
      %get3A_326 = arith.index_cast %add3A_322 : i32 to index
      %get3A_327 = arith.constant 0 : index
      %get3A_328 = tpu.vector_load %arg11[%get3A_326, %get3A_327] {strides = array<i32>} : memref<158x128xi32, #tpu.memory_space<vmem>>, vector<16xi32>,
      %gather3A = tpu.vector_load_idx %arg12[%get3A_325] : memref<10112xf32, #tpu.memory_space<vmem>>[vector<16xi32>], vector<16xf32>,
      %gather3A_329 = tpu.vector_load_idx %arg13[%get3A_328] : memref<10112xf32, #tpu.memory_space<vmem>>[vector<16xi32>], vector<16xf32>,
      %add3A_330 = arith.addf %gather3A, %gather3A_329 : vector<16xf32>
      %mul3A_331 = arith.constant 2.000000e-01 : f32
      %mul3A_332 = vector.broadcast %mul3A_331 : f32 to vector<16xf32>
      %mul3A_333 = arith.mulf %mul3A_332, %add3A_330 : vector<16xf32>
      %max3A_334 = arith.maximumf %add3A_330, %mul3A_333 : vector<16xf32>
      %sub3A = arith.subf %max3A_334, %broadcast_in_dim3A_197 : vector<16xf32>
      %exp3A = math.exp %sub3A : vector<16xf32>
      tpu.vector_store_idx %arg17[%get3A_328], %exp3A {add = true} : memref<10112xf32, #tpu.memory_space<vmem>>[vector<16xi32>], vector<16xf32>,
      %swap3A_335 = arith.constant 0 : index
      %swap3A_336 = tpu.vector_load %arg16[%swap3A_335] {strides = array<i32>} : memref<128xf32, #tpu.memory_space<vmem>>, vector<16xf32>,
      tpu.vector_store %arg16[%swap3A_335], %exp3A {strides = array<i32>} : memref<128xf32, #tpu.memory_space<vmem>>, vector<16xf32>,
      %get3A_337 = arith.index_cast %add3A_322 : i32 to index
      %get3A_338 = arith.constant 16 : index
      %get3A_339 = tpu.vector_load %arg10[%get3A_337, %get3A_338] {strides = array<i32>} : memref<160x128xi32, #tpu.memory_space<vmem>>, vector<16xi32>,
      %get3A_340 = arith.index_cast %add3A_322 : i32 to index
      %get3A_341 = arith.constant 16 : index
      %get3A_342 = tpu.vector_load %arg11[%get3A_340, %get3A_341] {strides = array<i32>} : memref<158x128xi32, #tpu.memory_space<vmem>>, vector<16xi32>,
      %gather3A_343 = tpu.vector_load_idx %arg12[%get3A_339] : memref<10112xf32, #tpu.memory_space<vmem>>[vector<16xi32>], vector<16xf32>,
      %gather3A_344 = tpu.vector_load_idx %arg13[%get3A_342] : memref<10112xf32, #tpu.memory_space<vmem>>[vector<16xi32>], vector<16xf32>,
      %add3A_345 = arith.addf %gather3A_343, %gather3A_344 : vector<16xf32>
      %mul3A_346 = arith.constant 2.000000e-01 : f32
      %mul3A_347 = vector.broadcast %mul3A_346 : f32 to vector<16xf32>
      %mul3A_348 = arith.mulf %mul3A_347, %add3A_345 : vector<16xf32>
      %max3A_349 = arith.maximumf %add3A_345, %mul3A_348 : vector<16xf32>
      %sub3A_350 = arith.subf %max3A_349, %broadcast_in_dim3A_197 : vector<16xf32>
      %exp3A_351 = math.exp %sub3A_350 : vector<16xf32>
      tpu.vector_store_idx %arg17[%get3A_342], %exp3A_351 {add = true} : memref<10112xf32, #tpu.memory_space<vmem>>[vector<16xi32>], vector<16xf32>,
      %swap3A_352 = arith.constant 16 : index
      %swap3A_353 = tpu.vector_load %arg16[%swap3A_352] {strides = array<i32>} : memref<128xf32, #tpu.memory_space<vmem>>, vector<16xf32>,
      tpu.vector_store %arg16[%swap3A_352], %exp3A_351 {strides = array<i32>} : memref<128xf32, #tpu.memory_space<vmem>>, vector<16xf32>,
      %get3A_354 = arith.index_cast %add3A_322 : i32 to index
      %get3A_355 = arith.constant 32 : index
      %get3A_356 = tpu.vector_load %arg10[%get3A_354, %get3A_355] {strides = array<i32>} : memref<160x128xi32, #tpu.memory_space<vmem>>, vector<16xi32>,
      %get3A_357 = arith.index_cast %add3A_322 : i32 to index
      %get3A_358 = arith.constant 32 : index
      %get3A_359 = tpu.vector_load %arg11[%get3A_357, %get3A_358] {strides = array<i32>} : memref<158x128xi32, #tpu.memory_space<vmem>>, vector<16xi32>,
      %gather3A_360 = tpu.vector_load_idx %arg12[%get3A_356] : memref<10112xf32, #tpu.memory_space<vmem>>[vector<16xi32>], vector<16xf32>,
      %gather3A_361 = tpu.vector_load_idx %arg13[%get3A_359] : memref<10112xf32, #tpu.memory_space<vmem>>[vector<16xi32>], vector<16xf32>,
      %add3A_362 = arith.addf %gather3A_360, %gather3A_361 : vector<16xf32>
      %mul3A_363 = arith.constant 2.000000e-01 : f32
      %mul3A_364 = vector.broadcast %mul3A_363 : f32 to vector<16xf32>
      %mul3A_365 = arith.mulf %mul3A_364, %add3A_362 : vector<16xf32>
      %max3A_366 = arith.maximumf %add3A_362, %mul3A_365 : vector<16xf32>
      %sub3A_367 = arith.subf %max3A_366, %broadcast_in_dim3A_197 : vector<16xf32>
      %exp3A_368 = math.exp %sub3A_367 : vector<16xf32>
      tpu.vector_store_idx %arg17[%get3A_359], %exp3A_368 {add = true} : memref<10112xf32, #tpu.memory_space<vmem>>[vector<16xi32>], vector<16xf32>,
      %swap3A_369 = arith.constant 32 : index
      %swap3A_370 = tpu.vector_load %arg16[%swap3A_369] {strides = array<i32>} : memref<128xf32, #tpu.memory_space<vmem>>, vector<16xf32>,
      tpu.vector_store %arg16[%swap3A_369], %exp3A_368 {strides = array<i32>} : memref<128xf32, #tpu.memory_space<vmem>>, vector<16xf32>,
      %get3A_371 = arith.index_cast %add3A_322 : i32 to index
      %get3A_372 = arith.constant 48 : index
      %get3A_373 = tpu.vector_load %arg10[%get3A_371, %get3A_372] {strides = array<i32>} : memref<160x128xi32, #tpu.memory_space<vmem>>, vector<16xi32>,
      %get3A_374 = arith.index_cast %add3A_322 : i32 to index
      %get3A_375 = arith.constant 48 : index
      %get3A_376 = tpu.vector_load %arg11[%get3A_374, %get3A_375] {strides = array<i32>} : memref<158x128xi32, #tpu.memory_space<vmem>>, vector<16xi32>,
      %gather3A_377 = tpu.vector_load_idx %arg12[%get3A_373] : memref<10112xf32, #tpu.memory_space<vmem>>[vector<16xi32>], vector<16xf32>,
      %gather3A_378 = tpu.vector_load_idx %arg13[%get3A_376] : memref<10112xf32, #tpu.memory_space<vmem>>[vector<16xi32>], vector<16xf32>,
      %add3A_379 = arith.addf %gather3A_377, %gather3A_378 : vector<16xf32>
      %mul3A_380 = arith.constant 2.000000e-01 : f32
      %mul3A_381 = vector.broadcast %mul3A_380 : f32 to vector<16xf32>
      %mul3A_382 = arith.mulf %mul3A_381, %add3A_379 : vector<16xf32>
      %max3A_383 = arith.maximumf %add3A_379, %mul3A_382 : vector<16xf32>
      %sub3A_384 = arith.subf %max3A_383, %broadcast_in_dim3A_197 : vector<16xf32>
      %exp3A_385 = math.exp %sub3A_384 : vector<16xf32>
      tpu.vector_store_idx %arg17[%get3A_376], %exp3A_385 {add = true} : memref<10112xf32, #tpu.memory_space<vmem>>[vector<16xi32>], vector<16xf32>,
      %swap3A_386 = arith.constant 48 : index
      %swap3A_387 = tpu.vector_load %arg16[%swap3A_386] {strides = array<i32>} : memref<128xf32, #tpu.memory_space<vmem>>, vector<16xf32>,
      tpu.vector_store %arg16[%swap3A_386], %exp3A_385 {strides = array<i32>} : memref<128xf32, #tpu.memory_space<vmem>>, vector<16xf32>,
      %get3A_388 = arith.index_cast %add3A_322 : i32 to index
      %get3A_389 = arith.constant 64 : index
      %get3A_390 = tpu.vector_load %arg10[%get3A_388, %get3A_389] {strides = array<i32>} : memref<160x128xi32, #tpu.memory_space<vmem>>, vector<16xi32>,
      %get3A_391 = arith.index_cast %add3A_322 : i32 to index
      %get3A_392 = arith.constant 64 : index
      %get3A_393 = tpu.vector_load %arg11[%get3A_391, %get3A_392] {strides = array<i32>} : memref<158x128xi32, #tpu.memory_space<vmem>>, vector<16xi32>,
      %gather3A_394 = tpu.vector_load_idx %arg12[%get3A_390] : memref<10112xf32, #tpu.memory_space<vmem>>[vector<16xi32>], vector<16xf32>,
      %gather3A_395 = tpu.vector_load_idx %arg13[%get3A_393] : memref<10112xf32, #tpu.memory_space<vmem>>[vector<16xi32>], vector<16xf32>,
      %add3A_396 = arith.addf %gather3A_394, %gather3A_395 : vector<16xf32>
      %mul3A_397 = arith.constant 2.000000e-01 : f32
      %mul3A_398 = vector.broadcast %mul3A_397 : f32 to vector<16xf32>
      %mul3A_399 = arith.mulf %mul3A_398, %add3A_396 : vector<16xf32>
      %max3A_400 = arith.maximumf %add3A_396, %mul3A_399 : vector<16xf32>
      %sub3A_401 = arith.subf %max3A_400, %broadcast_in_dim3A_197 : vector<16xf32>
      %exp3A_402 = math.exp %sub3A_401 : vector<16xf32>
      tpu.vector_store_idx %arg17[%get3A_393], %exp3A_402 {add = true} : memref<10112xf32, #tpu.memory_space<vmem>>[vector<16xi32>], vector<16xf32>,
      %swap3A_403 = arith.constant 64 : index
      %swap3A_404 = tpu.vector_load %arg16[%swap3A_403] {strides = array<i32>} : memref<128xf32, #tpu.memory_space<vmem>>, vector<16xf32>,
      tpu.vector_store %arg16[%swap3A_403], %exp3A_402 {strides = array<i32>} : memref<128xf32, #tpu.memory_space<vmem>>, vector<16xf32>,
      %get3A_405 = arith.index_cast %add3A_322 : i32 to index
      %get3A_406 = arith.constant 80 : index
      %get3A_407 = tpu.vector_load %arg10[%get3A_405, %get3A_406] {strides = array<i32>} : memref<160x128xi32, #tpu.memory_space<vmem>>, vector<16xi32>,
      %get3A_408 = arith.index_cast %add3A_322 : i32 to index
      %get3A_409 = arith.constant 80 : index
      %get3A_410 = tpu.vector_load %arg11[%get3A_408, %get3A_409] {strides = array<i32>} : memref<158x128xi32, #tpu.memory_space<vmem>>, vector<16xi32>,
      %gather3A_411 = tpu.vector_load_idx %arg12[%get3A_407] : memref<10112xf32, #tpu.memory_space<vmem>>[vector<16xi32>], vector<16xf32>,
      %gather3A_412 = tpu.vector_load_idx %arg13[%get3A_410] : memref<10112xf32, #tpu.memory_space<vmem>>[vector<16xi32>], vector<16xf32>,
      %add3A_413 = arith.addf %gather3A_411, %gather3A_412 : vector<16xf32>
      %mul3A_414 = arith.constant 2.000000e-01 : f32
      %mul3A_415 = vector.broadcast %mul3A_414 : f32 to vector<16xf32>
      %mul3A_416 = arith.mulf %mul3A_415, %add3A_413 : vector<16xf32>
      %max3A_417 = arith.maximumf %add3A_413, %mul3A_416 : vector<16xf32>
      %sub3A_418 = arith.subf %max3A_417, %broadcast_in_dim3A_197 : vector<16xf32>
      %exp3A_419 = math.exp %sub3A_418 : vector<16xf32>
      tpu.vector_store_idx %arg17[%get3A_410], %exp3A_419 {add = true} : memref<10112xf32, #tpu.memory_space<vmem>>[vector<16xi32>], vector<16xf32>,
      %swap3A_420 = arith.constant 80 : index
      %swap3A_421 = tpu.vector_load %arg16[%swap3A_420] {strides = array<i32>} : memref<128xf32, #tpu.memory_space<vmem>>, vector<16xf32>,
      tpu.vector_store %arg16[%swap3A_420], %exp3A_419 {strides = array<i32>} : memref<128xf32, #tpu.memory_space<vmem>>, vector<16xf32>,
      %get3A_422 = arith.index_cast %add3A_322 : i32 to index
      %get3A_423 = arith.constant 96 : index
      %get3A_424 = tpu.vector_load %arg10[%get3A_422, %get3A_423] {strides = array<i32>} : memref<160x128xi32, #tpu.memory_space<vmem>>, vector<16xi32>,
      %get3A_425 = arith.index_cast %add3A_322 : i32 to index
      %get3A_426 = arith.constant 96 : index
      %get3A_427 = tpu.vector_load %arg11[%get3A_425, %get3A_426] {strides = array<i32>} : memref<158x128xi32, #tpu.memory_space<vmem>>, vector<16xi32>,
      %gather3A_428 = tpu.vector_load_idx %arg12[%get3A_424] : memref<10112xf32, #tpu.memory_space<vmem>>[vector<16xi32>], vector<16xf32>,
      %gather3A_429 = tpu.vector_load_idx %arg13[%get3A_427] : memref<10112xf32, #tpu.memory_space<vmem>>[vector<16xi32>], vector<16xf32>,
      %add3A_430 = arith.addf %gather3A_428, %gather3A_429 : vector<16xf32>
      %mul3A_431 = arith.constant 2.000000e-01 : f32
      %mul3A_432 = vector.broadcast %mul3A_431 : f32 to vector<16xf32>
      %mul3A_433 = arith.mulf %mul3A_432, %add3A_430 : vector<16xf32>
      %max3A_434 = arith.maximumf %add3A_430, %mul3A_433 : vector<16xf32>
      %sub3A_435 = arith.subf %max3A_434, %broadcast_in_dim3A_197 : vector<16xf32>
      %exp3A_436 = math.exp %sub3A_435 : vector<16xf32>
      tpu.vector_store_idx %arg17[%get3A_427], %exp3A_436 {add = true} : memref<10112xf32, #tpu.memory_space<vmem>>[vector<16xi32>], vector<16xf32>,
      %swap3A_437 = arith.constant 96 : index
      %swap3A_438 = tpu.vector_load %arg16[%swap3A_437] {strides = array<i32>} : memref<128xf32, #tpu.memory_space<vmem>>, vector<16xf32>,
      tpu.vector_store %arg16[%swap3A_437], %exp3A_436 {strides = array<i32>} : memref<128xf32, #tpu.memory_space<vmem>>, vector<16xf32>,
      %get3A_439 = arith.index_cast %add3A_322 : i32 to index
      %get3A_440 = arith.constant 112 : index
      %get3A_441 = tpu.vector_load %arg10[%get3A_439, %get3A_440] {strides = array<i32>} : memref<160x128xi32, #tpu.memory_space<vmem>>, vector<16xi32>,
      %get3A_442 = arith.index_cast %add3A_322 : i32 to index
      %get3A_443 = arith.constant 112 : index
      %get3A_444 = tpu.vector_load %arg11[%get3A_442, %get3A_443] {strides = array<i32>} : memref<158x128xi32, #tpu.memory_space<vmem>>, vector<16xi32>,
      %gather3A_445 = tpu.vector_load_idx %arg12[%get3A_441] : memref<10112xf32, #tpu.memory_space<vmem>>[vector<16xi32>], vector<16xf32>,
      %gather3A_446 = tpu.vector_load_idx %arg13[%get3A_444] : memref<10112xf32, #tpu.memory_space<vmem>>[vector<16xi32>], vector<16xf32>,
      %add3A_447 = arith.addf %gather3A_445, %gather3A_446 : vector<16xf32>
      %mul3A_448 = arith.constant 2.000000e-01 : f32
      %mul3A_449 = vector.broadcast %mul3A_448 : f32 to vector<16xf32>
      %mul3A_450 = arith.mulf %mul3A_449, %add3A_447 : vector<16xf32>
      %max3A_451 = arith.maximumf %add3A_447, %mul3A_450 : vector<16xf32>
      %sub3A_452 = arith.subf %max3A_451, %broadcast_in_dim3A_197 : vector<16xf32>
      %exp3A_453 = math.exp %sub3A_452 : vector<16xf32>
      tpu.vector_store_idx %arg17[%get3A_444], %exp3A_453 {add = true} : memref<10112xf32, #tpu.memory_space<vmem>>[vector<16xi32>], vector<16xf32>,
      %swap3A_454 = arith.constant 112 : index
      %swap3A_455 = tpu.vector_load %arg16[%swap3A_454] {strides = array<i32>} : memref<128xf32, #tpu.memory_space<vmem>>, vector<16xf32>,
      tpu.vector_store %arg16[%swap3A_454], %exp3A_453 {strides = array<i32>} : memref<128xf32, #tpu.memory_space<vmem>>, vector<16xf32>,
      %dma_wait3A_456 = arith.constant 0 : i32
      %dma_wait3A_457 = tpu.memref_slice %arg10[%add3A_322, %dma_wait3A_456] : memref<160x128xi32, #tpu.memory_space<vmem>> -> memref<1x128xi32, #tpu.memory_space<vmem>>
      %dma_wait3A_458 = tpu.memref_squeeze %dma_wait3A_457 : memref<1x128xi32, #tpu.memory_space<vmem>> -> memref<128xi32, #tpu.memory_space<vmem>>
      %dma_wait3A_459 = arith.constant 0 : i32
      %dma_wait3A_460 = arith.constant 0 : i32
      %dma_wait3A_461 = tpu.memref_slice %arg2[%arg0, %dma_wait3A_459, %dma_wait3A_460] : memref<2x10112x64xf32, #tpu.memory_space<hbm>> -> memref<1x10112x64xf32, #tpu.memory_space<hbm>>
      %dma_wait3A_462 = tpu.memref_squeeze %dma_wait3A_461 : memref<1x10112x64xf32, #tpu.memory_space<hbm>> -> memref<10112x64xf32, #tpu.memory_space<hbm>>
      %dma_wait3A_463 = arith.constant 0 : i32
      %dma_wait3A_464 = arith.constant 0 : i32
      %dma_wait3A_465 = tpu.memref_slice %dma_wait3A_462[%dma_wait3A_463, %dma_wait3A_464] : memref<10112x64xf32, #tpu.memory_space<hbm>> -> memref<10112x64xf32, #tpu.memory_space<hbm>>
      tpu.wait_indirect_dma semaphore(%arg20 : memref<!tpu.dma_semaphore, #tpu.memory_space<semaphore_mem>>) src(%dma_wait3A_465 : memref<10112x64xf32, #tpu.memory_space<hbm>>) dst(%arg14 : memref<128x64xf32, #tpu.memory_space<vmem>>)
      %scan3A_466 = arith.constant 0 : i32
      %scan3A_467 = arith.constant 0 : i32
      %scan3A_468 = arith.constant 64 : i32
      %scan3A_469 = arith.addi %scan3A_467, %scan3A_468 : i32
      %scan3A_470 = arith.constant 1 : i32
      %scan3A_471 = scf.for %scan3A_655 = %scan3A_467 to %scan3A_469 step %scan3A_470 iter_args(%scan3A_656 = %scan3A_466) -> (i32)  : i32 {
        %mul3A_657 = arith.constant 2 : i32
        %mul3A_658 = arith.muli %mul3A_657, %scan3A_655 : i32
        %add3A_659 = arith.constant 0 : i32
        %add3A_660 = arith.addi %mul3A_658, %add3A_659 : i32
        %broadcast_in_dim3A_661 = arith.constant 0 : i32
        %broadcast_in_dim3A_662 = vector.broadcast %broadcast_in_dim3A_661 : i32 to vector<16xi32>
        %add3A_663 = vector.broadcast %add3A_660 : i32 to vector<16xi32>
        %add3A_664 = arith.addi %broadcast_in_dim3A_662, %add3A_663 : vector<16xi32>
        %gather3A_665 = tpu.vector_load_idx %arg16[%add3A_664] : memref<128xf32, #tpu.memory_space<vmem>>[vector<16xi32>], vector<16xf32>,
        %get3A_666 = arith.index_cast %add3A_660 : i32 to index
        %get3A_667 = arith.constant 0 : index
        %get3A_668 = tpu.vector_load %arg14[%get3A_666, %get3A_667] {strides = array<i32>} : memref<128x64xf32, #tpu.memory_space<vmem>>, vector<16xf32>,
        %mul3A_669 = arith.mulf %get3A_668, %gather3A_665 : vector<16xf32>
        %swap3A_670 = arith.index_cast %add3A_660 : i32 to index
        %swap3A_671 = arith.constant 0 : index
        %swap3A_672 = tpu.vector_load %arg14[%swap3A_670, %swap3A_671] {strides = array<i32>} : memref<128x64xf32, #tpu.memory_space<vmem>>, vector<16xf32>,
        tpu.vector_store %arg14[%swap3A_670, %swap3A_671], %mul3A_669 {strides = array<i32>} : memref<128x64xf32, #tpu.memory_space<vmem>>, vector<16xf32>,
        %get3A_673 = arith.index_cast %add3A_660 : i32 to index
        %get3A_674 = arith.constant 16 : index
        %get3A_675 = tpu.vector_load %arg14[%get3A_673, %get3A_674] {strides = array<i32>} : memref<128x64xf32, #tpu.memory_space<vmem>>, vector<16xf32>,
        %mul3A_676 = arith.mulf %get3A_675, %gather3A_665 : vector<16xf32>
        %swap3A_677 = arith.index_cast %add3A_660 : i32 to index
        %swap3A_678 = arith.constant 16 : index
        %swap3A_679 = tpu.vector_load %arg14[%swap3A_677, %swap3A_678] {strides = array<i32>} : memref<128x64xf32, #tpu.memory_space<vmem>>, vector<16xf32>,
        tpu.vector_store %arg14[%swap3A_677, %swap3A_678], %mul3A_676 {strides = array<i32>} : memref<128x64xf32, #tpu.memory_space<vmem>>, vector<16xf32>,
        %get3A_680 = arith.index_cast %add3A_660 : i32 to index
        %get3A_681 = arith.constant 32 : index
        %get3A_682 = tpu.vector_load %arg14[%get3A_680, %get3A_681] {strides = array<i32>} : memref<128x64xf32, #tpu.memory_space<vmem>>, vector<16xf32>,
        %mul3A_683 = arith.mulf %get3A_682, %gather3A_665 : vector<16xf32>
        %swap3A_684 = arith.index_cast %add3A_660 : i32 to index
        %swap3A_685 = arith.constant 32 : index
        %swap3A_686 = tpu.vector_load %arg14[%swap3A_684, %swap3A_685] {strides = array<i32>} : memref<128x64xf32, #tpu.memory_space<vmem>>, vector<16xf32>,
        tpu.vector_store %arg14[%swap3A_684, %swap3A_685], %mul3A_683 {strides = array<i32>} : memref<128x64xf32, #tpu.memory_space<vmem>>, vector<16xf32>,
        %get3A_687 = arith.index_cast %add3A_660 : i32 to index
        %get3A_688 = arith.constant 48 : index
        %get3A_689 = tpu.vector_load %arg14[%get3A_687, %get3A_688] {strides = array<i32>} : memref<128x64xf32, #tpu.memory_space<vmem>>, vector<16xf32>,
        %mul3A_690 = arith.mulf %get3A_689, %gather3A_665 : vector<16xf32>
        %swap3A_691 = arith.index_cast %add3A_660 : i32 to index
        %swap3A_692 = arith.constant 48 : index
        %swap3A_693 = tpu.vector_load %arg14[%swap3A_691, %swap3A_692] {strides = array<i32>} : memref<128x64xf32, #tpu.memory_space<vmem>>, vector<16xf32>,
        tpu.vector_store %arg14[%swap3A_691, %swap3A_692], %mul3A_690 {strides = array<i32>} : memref<128x64xf32, #tpu.memory_space<vmem>>, vector<16xf32>,
        %mul3A_694 = arith.constant 2 : i32
        %mul3A_695 = arith.muli %mul3A_694, %scan3A_655 : i32
        %add3A_696 = arith.constant 1 : i32
        %add3A_697 = arith.addi %mul3A_695, %add3A_696 : i32
        %broadcast_in_dim3A_698 = arith.constant 0 : i32
        %broadcast_in_dim3A_699 = vector.broadcast %broadcast_in_dim3A_698 : i32 to vector<16xi32>
        %add3A_700 = vector.broadcast %add3A_697 : i32 to vector<16xi32>
        %add3A_701 = arith.addi %broadcast_in_dim3A_699, %add3A_700 : vector<16xi32>
        %gather3A_702 = tpu.vector_load_idx %arg16[%add3A_701] : memref<128xf32, #tpu.memory_space<vmem>>[vector<16xi32>], vector<16xf32>,
        %get3A_703 = arith.index_cast %add3A_697 : i32 to index
        %get3A_704 = arith.constant 0 : index
        %get3A_705 = tpu.vector_load %arg14[%get3A_703, %get3A_704] {strides = array<i32>} : memref<128x64xf32, #tpu.memory_space<vmem>>, vector<16xf32>,
        %mul3A_706 = arith.mulf %get3A_705, %gather3A_702 : vector<16xf32>
        %swap3A_707 = arith.index_cast %add3A_697 : i32 to index
        %swap3A_708 = arith.constant 0 : index
        %swap3A_709 = tpu.vector_load %arg14[%swap3A_707, %swap3A_708] {strides = array<i32>} : memref<128x64xf32, #tpu.memory_space<vmem>>, vector<16xf32>,
        tpu.vector_store %arg14[%swap3A_707, %swap3A_708], %mul3A_706 {strides = array<i32>} : memref<128x64xf32, #tpu.memory_space<vmem>>, vector<16xf32>,
        %get3A_710 = arith.index_cast %add3A_697 : i32 to index
        %get3A_711 = arith.constant 16 : index
        %get3A_712 = tpu.vector_load %arg14[%get3A_710, %get3A_711] {strides = array<i32>} : memref<128x64xf32, #tpu.memory_space<vmem>>, vector<16xf32>,
        %mul3A_713 = arith.mulf %get3A_712, %gather3A_702 : vector<16xf32>
        %swap3A_714 = arith.index_cast %add3A_697 : i32 to index
        %swap3A_715 = arith.constant 16 : index
        %swap3A_716 = tpu.vector_load %arg14[%swap3A_714, %swap3A_715] {strides = array<i32>} : memref<128x64xf32, #tpu.memory_space<vmem>>, vector<16xf32>,
        tpu.vector_store %arg14[%swap3A_714, %swap3A_715], %mul3A_713 {strides = array<i32>} : memref<128x64xf32, #tpu.memory_space<vmem>>, vector<16xf32>,
        %get3A_717 = arith.index_cast %add3A_697 : i32 to index
        %get3A_718 = arith.constant 32 : index
        %get3A_719 = tpu.vector_load %arg14[%get3A_717, %get3A_718] {strides = array<i32>} : memref<128x64xf32, #tpu.memory_space<vmem>>, vector<16xf32>,
        %mul3A_720 = arith.mulf %get3A_719, %gather3A_702 : vector<16xf32>
        %swap3A_721 = arith.index_cast %add3A_697 : i32 to index
        %swap3A_722 = arith.constant 32 : index
        %swap3A_723 = tpu.vector_load %arg14[%swap3A_721, %swap3A_722] {strides = array<i32>} : memref<128x64xf32, #tpu.memory_space<vmem>>, vector<16xf32>,
        tpu.vector_store %arg14[%swap3A_721, %swap3A_722], %mul3A_720 {strides = array<i32>} : memref<128x64xf32, #tpu.memory_space<vmem>>, vector<16xf32>,
        %get3A_724 = arith.index_cast %add3A_697 : i32 to index
        %get3A_725 = arith.constant 48 : index
        %get3A_726 = tpu.vector_load %arg14[%get3A_724, %get3A_725] {strides = array<i32>} : memref<128x64xf32, #tpu.memory_space<vmem>>, vector<16xf32>,
        %mul3A_727 = arith.mulf %get3A_726, %gather3A_702 : vector<16xf32>
        %swap3A_728 = arith.index_cast %add3A_697 : i32 to index
        %swap3A_729 = arith.constant 48 : index
        %swap3A_730 = tpu.vector_load %arg14[%swap3A_728, %swap3A_729] {strides = array<i32>} : memref<128x64xf32, #tpu.memory_space<vmem>>, vector<16xf32>,
        tpu.vector_store %arg14[%swap3A_728, %swap3A_729], %mul3A_727 {strides = array<i32>} : memref<128x64xf32, #tpu.memory_space<vmem>>, vector<16xf32>,
        %scan3A_731 = arith.constant 0 : i32
        scf.yield %scan3A_731 : i32
      }
      %scan3A_472 = arith.constant 64 : i32
      "tpu.region"() ({
        %run_scoped3A = tpu.sem_alloc : memref<!tpu.dma_semaphore, #tpu.memory_space<semaphore_mem>>
        %dma_start3A_655 = arith.constant 0 : i32
        %dma_start3A_656 = tpu.memref_slice %arg11[%add3A_322, %dma_start3A_655] : memref<158x128xi32, #tpu.memory_space<vmem>> -> memref<1x128xi32, #tpu.memory_space<vmem>>
        %dma_start3A_657 = tpu.memref_squeeze %dma_start3A_656 : memref<1x128xi32, #tpu.memory_space<vmem>> -> memref<128xi32, #tpu.memory_space<vmem>>
        %dma_start3A_658 = arith.constant 0 : i32
        %dma_start3A_659 = arith.constant 0 : i32
        %dma_start3A_660 = tpu.memref_slice %arg19[%dma_start3A_658, %dma_start3A_659] : memref<10112x64xf32, #tpu.memory_space<vmem_shared>> -> memref<10112x64xf32, #tpu.memory_space<vmem_shared>>
        tpu.enqueue_indirect_dma source(%arg14 : memref<128x64xf32, #tpu.memory_space<vmem>>) target(%dma_start3A_660 : memref<10112x64xf32, #tpu.memory_space<vmem_shared>>) offsets(%dma_start3A_657 : memref<128xi32, #tpu.memory_space<vmem>>) semaphore(%run_scoped3A : memref<!tpu.dma_semaphore, #tpu.memory_space<semaphore_mem>>) {add = true}
        %dma_wait3A_661 = arith.constant 0 : i32
        %dma_wait3A_662 = tpu.memref_slice %arg11[%add3A_322, %dma_wait3A_661] : memref<158x128xi32, #tpu.memory_space<vmem>> -> memref<1x128xi32, #tpu.memory_space<vmem>>
        %dma_wait3A_663 = tpu.memref_squeeze %dma_wait3A_662 : memref<1x128xi32, #tpu.memory_space<vmem>> -> memref<128xi32, #tpu.memory_space<vmem>>
        %dma_wait3A_664 = arith.constant 0 : i32
        %dma_wait3A_665 = arith.constant 0 : i32
        %dma_wait3A_666 = tpu.memref_slice %arg19[%dma_wait3A_664, %dma_wait3A_665] : memref<10112x64xf32, #tpu.memory_space<vmem_shared>> -> memref<10112x64xf32, #tpu.memory_space<vmem_shared>>
        tpu.wait_indirect_dma semaphore(%run_scoped3A : memref<!tpu.dma_semaphore, #tpu.memory_space<semaphore_mem>>) src(%arg14 : memref<128x64xf32, #tpu.memory_space<vmem>>) dst(%dma_wait3A_666 : memref<10112x64xf32, #tpu.memory_space<vmem_shared>>)
        tpu.yield
      }) : () -> ()
      %add3A_473 = arith.constant 2 : i32
      %add3A_474 = arith.addi %add3A_322, %add3A_473 : i32
      %dma_start3A_475 = arith.constant 0 : i32
      %dma_start3A_476 = tpu.memref_slice %arg10[%add3A_474, %dma_start3A_475] : memref<160x128xi32, #tpu.memory_space<vmem>> -> memref<1x128xi32, #tpu.memory_space<vmem>>
      %dma_start3A_477 = tpu.memref_squeeze %dma_start3A_476 : memref<1x128xi32, #tpu.memory_space<vmem>> -> memref<128xi32, #tpu.memory_space<vmem>>
      %dma_start3A_478 = arith.constant 0 : i32
      %dma_start3A_479 = arith.constant 0 : i32
      %dma_start3A_480 = tpu.memref_slice %arg2[%arg0, %dma_start3A_478, %dma_start3A_479] : memref<2x10112x64xf32, #tpu.memory_space<hbm>> -> memref<1x10112x64xf32, #tpu.memory_space<hbm>>
      %dma_start3A_481 = tpu.memref_squeeze %dma_start3A_480 : memref<1x10112x64xf32, #tpu.memory_space<hbm>> -> memref<10112x64xf32, #tpu.memory_space<hbm>>
      %dma_start3A_482 = arith.constant 0 : i32
      %dma_start3A_483 = arith.constant 0 : i32
      %dma_start3A_484 = tpu.memref_slice %dma_start3A_481[%dma_start3A_482, %dma_start3A_483] : memref<10112x64xf32, #tpu.memory_space<hbm>> -> memref<10112x64xf32, #tpu.memory_space<hbm>>
      tpu.enqueue_indirect_dma source(%dma_start3A_484 : memref<10112x64xf32, #tpu.memory_space<hbm>>) target(%arg14 : memref<128x64xf32, #tpu.memory_space<vmem>>) offsets(%dma_start3A_477 : memref<128xi32, #tpu.memory_space<vmem>>) semaphore(%arg20 : memref<!tpu.dma_semaphore, #tpu.memory_space<semaphore_mem>>)
      %mul3A_485 = arith.constant 2 : i32
      %mul3A_486 = arith.muli %mul3A_485, %scan3A_317 : i32
      %add3A_487 = arith.constant 1 : i32
      %add3A_488 = arith.addi %mul3A_486, %add3A_487 : i32
      %get3A_489 = arith.index_cast %add3A_488 : i32 to index
      %get3A_490 = arith.constant 0 : index
      %get3A_491 = tpu.vector_load %arg10[%get3A_489, %get3A_490] {strides = array<i32>} : memref<160x128xi32, #tpu.memory_space<vmem>>, vector<16xi32>,
      %get3A_492 = arith.index_cast %add3A_488 : i32 to index
      %get3A_493 = arith.constant 0 : index
      %get3A_494 = tpu.vector_load %arg11[%get3A_492, %get3A_493] {strides = array<i32>} : memref<158x128xi32, #tpu.memory_space<vmem>>, vector<16xi32>,
      %gather3A_495 = tpu.vector_load_idx %arg12[%get3A_491] : memref<10112xf32, #tpu.memory_space<vmem>>[vector<16xi32>], vector<16xf32>,
      %gather3A_496 = tpu.vector_load_idx %arg13[%get3A_494] : memref<10112xf32, #tpu.memory_space<vmem>>[vector<16xi32>], vector<16xf32>,
      %add3A_497 = arith.addf %gather3A_495, %gather3A_496 : vector<16xf32>
      %mul3A_498 = arith.constant 2.000000e-01 : f32
      %mul3A_499 = vector.broadcast %mul3A_498 : f32 to vector<16xf32>
      %mul3A_500 = arith.mulf %mul3A_499, %add3A_497 : vector<16xf32>
      %max3A_501 = arith.maximumf %add3A_497, %mul3A_500 : vector<16xf32>
      %sub3A_502 = arith.subf %max3A_501, %broadcast_in_dim3A_197 : vector<16xf32>
      %exp3A_503 = math.exp %sub3A_502 : vector<16xf32>
      tpu.vector_store_idx %arg17[%get3A_494], %exp3A_503 {add = true} : memref<10112xf32, #tpu.memory_space<vmem>>[vector<16xi32>], vector<16xf32>,
      %swap3A_504 = arith.constant 0 : index
      %swap3A_505 = tpu.vector_load %arg16[%swap3A_504] {strides = array<i32>} : memref<128xf32, #tpu.memory_space<vmem>>, vector<16xf32>,
      tpu.vector_store %arg16[%swap3A_504], %exp3A_503 {strides = array<i32>} : memref<128xf32, #tpu.memory_space<vmem>>, vector<16xf32>,
      %get3A_506 = arith.index_cast %add3A_488 : i32 to index
      %get3A_507 = arith.constant 16 : index
      %get3A_508 = tpu.vector_load %arg10[%get3A_506, %get3A_507] {strides = array<i32>} : memref<160x128xi32, #tpu.memory_space<vmem>>, vector<16xi32>,
      %get3A_509 = arith.index_cast %add3A_488 : i32 to index
      %get3A_510 = arith.constant 16 : index
      %get3A_511 = tpu.vector_load %arg11[%get3A_509, %get3A_510] {strides = array<i32>} : memref<158x128xi32, #tpu.memory_space<vmem>>, vector<16xi32>,
      %gather3A_512 = tpu.vector_load_idx %arg12[%get3A_508] : memref<10112xf32, #tpu.memory_space<vmem>>[vector<16xi32>], vector<16xf32>,
      %gather3A_513 = tpu.vector_load_idx %arg13[%get3A_511] : memref<10112xf32, #tpu.memory_space<vmem>>[vector<16xi32>], vector<16xf32>,
      %add3A_514 = arith.addf %gather3A_512, %gather3A_513 : vector<16xf32>
      %mul3A_515 = arith.constant 2.000000e-01 : f32
      %mul3A_516 = vector.broadcast %mul3A_515 : f32 to vector<16xf32>
      %mul3A_517 = arith.mulf %mul3A_516, %add3A_514 : vector<16xf32>
      %max3A_518 = arith.maximumf %add3A_514, %mul3A_517 : vector<16xf32>
      %sub3A_519 = arith.subf %max3A_518, %broadcast_in_dim3A_197 : vector<16xf32>
      %exp3A_520 = math.exp %sub3A_519 : vector<16xf32>
      tpu.vector_store_idx %arg17[%get3A_511], %exp3A_520 {add = true} : memref<10112xf32, #tpu.memory_space<vmem>>[vector<16xi32>], vector<16xf32>,
      %swap3A_521 = arith.constant 16 : index
      %swap3A_522 = tpu.vector_load %arg16[%swap3A_521] {strides = array<i32>} : memref<128xf32, #tpu.memory_space<vmem>>, vector<16xf32>,
      tpu.vector_store %arg16[%swap3A_521], %exp3A_520 {strides = array<i32>} : memref<128xf32, #tpu.memory_space<vmem>>, vector<16xf32>,
      %get3A_523 = arith.index_cast %add3A_488 : i32 to index
      %get3A_524 = arith.constant 32 : index
      %get3A_525 = tpu.vector_load %arg10[%get3A_523, %get3A_524] {strides = array<i32>} : memref<160x128xi32, #tpu.memory_space<vmem>>, vector<16xi32>,
      %get3A_526 = arith.index_cast %add3A_488 : i32 to index
      %get3A_527 = arith.constant 32 : index
      %get3A_528 = tpu.vector_load %arg11[%get3A_526, %get3A_527] {strides = array<i32>} : memref<158x128xi32, #tpu.memory_space<vmem>>, vector<16xi32>,
      %gather3A_529 = tpu.vector_load_idx %arg12[%get3A_525] : memref<10112xf32, #tpu.memory_space<vmem>>[vector<16xi32>], vector<16xf32>,
      %gather3A_530 = tpu.vector_load_idx %arg13[%get3A_528] : memref<10112xf32, #tpu.memory_space<vmem>>[vector<16xi32>], vector<16xf32>,
      %add3A_531 = arith.addf %gather3A_529, %gather3A_530 : vector<16xf32>
      %mul3A_532 = arith.constant 2.000000e-01 : f32
      %mul3A_533 = vector.broadcast %mul3A_532 : f32 to vector<16xf32>
      %mul3A_534 = arith.mulf %mul3A_533, %add3A_531 : vector<16xf32>
      %max3A_535 = arith.maximumf %add3A_531, %mul3A_534 : vector<16xf32>
      %sub3A_536 = arith.subf %max3A_535, %broadcast_in_dim3A_197 : vector<16xf32>
      %exp3A_537 = math.exp %sub3A_536 : vector<16xf32>
      tpu.vector_store_idx %arg17[%get3A_528], %exp3A_537 {add = true} : memref<10112xf32, #tpu.memory_space<vmem>>[vector<16xi32>], vector<16xf32>,
      %swap3A_538 = arith.constant 32 : index
      %swap3A_539 = tpu.vector_load %arg16[%swap3A_538] {strides = array<i32>} : memref<128xf32, #tpu.memory_space<vmem>>, vector<16xf32>,
      tpu.vector_store %arg16[%swap3A_538], %exp3A_537 {strides = array<i32>} : memref<128xf32, #tpu.memory_space<vmem>>, vector<16xf32>,
      %get3A_540 = arith.index_cast %add3A_488 : i32 to index
      %get3A_541 = arith.constant 48 : index
      %get3A_542 = tpu.vector_load %arg10[%get3A_540, %get3A_541] {strides = array<i32>} : memref<160x128xi32, #tpu.memory_space<vmem>>, vector<16xi32>,
      %get3A_543 = arith.index_cast %add3A_488 : i32 to index
      %get3A_544 = arith.constant 48 : index
      %get3A_545 = tpu.vector_load %arg11[%get3A_543, %get3A_544] {strides = array<i32>} : memref<158x128xi32, #tpu.memory_space<vmem>>, vector<16xi32>,
      %gather3A_546 = tpu.vector_load_idx %arg12[%get3A_542] : memref<10112xf32, #tpu.memory_space<vmem>>[vector<16xi32>], vector<16xf32>,
      %gather3A_547 = tpu.vector_load_idx %arg13[%get3A_545] : memref<10112xf32, #tpu.memory_space<vmem>>[vector<16xi32>], vector<16xf32>,
      %add3A_548 = arith.addf %gather3A_546, %gather3A_547 : vector<16xf32>
      %mul3A_549 = arith.constant 2.000000e-01 : f32
      %mul3A_550 = vector.broadcast %mul3A_549 : f32 to vector<16xf32>
      %mul3A_551 = arith.mulf %mul3A_550, %add3A_548 : vector<16xf32>
      %max3A_552 = arith.maximumf %add3A_548, %mul3A_551 : vector<16xf32>
      %sub3A_553 = arith.subf %max3A_552, %broadcast_in_dim3A_197 : vector<16xf32>
      %exp3A_554 = math.exp %sub3A_553 : vector<16xf32>
      tpu.vector_store_idx %arg17[%get3A_545], %exp3A_554 {add = true} : memref<10112xf32, #tpu.memory_space<vmem>>[vector<16xi32>], vector<16xf32>,
      %swap3A_555 = arith.constant 48 : index
      %swap3A_556 = tpu.vector_load %arg16[%swap3A_555] {strides = array<i32>} : memref<128xf32, #tpu.memory_space<vmem>>, vector<16xf32>,
      tpu.vector_store %arg16[%swap3A_555], %exp3A_554 {strides = array<i32>} : memref<128xf32, #tpu.memory_space<vmem>>, vector<16xf32>,
      %get3A_557 = arith.index_cast %add3A_488 : i32 to index
      %get3A_558 = arith.constant 64 : index
      %get3A_559 = tpu.vector_load %arg10[%get3A_557, %get3A_558] {strides = array<i32>} : memref<160x128xi32, #tpu.memory_space<vmem>>, vector<16xi32>,
      %get3A_560 = arith.index_cast %add3A_488 : i32 to index
      %get3A_561 = arith.constant 64 : index
      %get3A_562 = tpu.vector_load %arg11[%get3A_560, %get3A_561] {strides = array<i32>} : memref<158x128xi32, #tpu.memory_space<vmem>>, vector<16xi32>,
      %gather3A_563 = tpu.vector_load_idx %arg12[%get3A_559] : memref<10112xf32, #tpu.memory_space<vmem>>[vector<16xi32>], vector<16xf32>,
      %gather3A_564 = tpu.vector_load_idx %arg13[%get3A_562] : memref<10112xf32, #tpu.memory_space<vmem>>[vector<16xi32>], vector<16xf32>,
      %add3A_565 = arith.addf %gather3A_563, %gather3A_564 : vector<16xf32>
      %mul3A_566 = arith.constant 2.000000e-01 : f32
      %mul3A_567 = vector.broadcast %mul3A_566 : f32 to vector<16xf32>
      %mul3A_568 = arith.mulf %mul3A_567, %add3A_565 : vector<16xf32>
      %max3A_569 = arith.maximumf %add3A_565, %mul3A_568 : vector<16xf32>
      %sub3A_570 = arith.subf %max3A_569, %broadcast_in_dim3A_197 : vector<16xf32>
      %exp3A_571 = math.exp %sub3A_570 : vector<16xf32>
      tpu.vector_store_idx %arg17[%get3A_562], %exp3A_571 {add = true} : memref<10112xf32, #tpu.memory_space<vmem>>[vector<16xi32>], vector<16xf32>,
      %swap3A_572 = arith.constant 64 : index
      %swap3A_573 = tpu.vector_load %arg16[%swap3A_572] {strides = array<i32>} : memref<128xf32, #tpu.memory_space<vmem>>, vector<16xf32>,
      tpu.vector_store %arg16[%swap3A_572], %exp3A_571 {strides = array<i32>} : memref<128xf32, #tpu.memory_space<vmem>>, vector<16xf32>,
      %get3A_574 = arith.index_cast %add3A_488 : i32 to index
      %get3A_575 = arith.constant 80 : index
      %get3A_576 = tpu.vector_load %arg10[%get3A_574, %get3A_575] {strides = array<i32>} : memref<160x128xi32, #tpu.memory_space<vmem>>, vector<16xi32>,
      %get3A_577 = arith.index_cast %add3A_488 : i32 to index
      %get3A_578 = arith.constant 80 : index
      %get3A_579 = tpu.vector_load %arg11[%get3A_577, %get3A_578] {strides = array<i32>} : memref<158x128xi32, #tpu.memory_space<vmem>>, vector<16xi32>,
      %gather3A_580 = tpu.vector_load_idx %arg12[%get3A_576] : memref<10112xf32, #tpu.memory_space<vmem>>[vector<16xi32>], vector<16xf32>,
      %gather3A_581 = tpu.vector_load_idx %arg13[%get3A_579] : memref<10112xf32, #tpu.memory_space<vmem>>[vector<16xi32>], vector<16xf32>,
      %add3A_582 = arith.addf %gather3A_580, %gather3A_581 : vector<16xf32>
      %mul3A_583 = arith.constant 2.000000e-01 : f32
      %mul3A_584 = vector.broadcast %mul3A_583 : f32 to vector<16xf32>
      %mul3A_585 = arith.mulf %mul3A_584, %add3A_582 : vector<16xf32>
      %max3A_586 = arith.maximumf %add3A_582, %mul3A_585 : vector<16xf32>
      %sub3A_587 = arith.subf %max3A_586, %broadcast_in_dim3A_197 : vector<16xf32>
      %exp3A_588 = math.exp %sub3A_587 : vector<16xf32>
      tpu.vector_store_idx %arg17[%get3A_579], %exp3A_588 {add = true} : memref<10112xf32, #tpu.memory_space<vmem>>[vector<16xi32>], vector<16xf32>,
      %swap3A_589 = arith.constant 80 : index
      %swap3A_590 = tpu.vector_load %arg16[%swap3A_589] {strides = array<i32>} : memref<128xf32, #tpu.memory_space<vmem>>, vector<16xf32>,
      tpu.vector_store %arg16[%swap3A_589], %exp3A_588 {strides = array<i32>} : memref<128xf32, #tpu.memory_space<vmem>>, vector<16xf32>,
      %get3A_591 = arith.index_cast %add3A_488 : i32 to index
      %get3A_592 = arith.constant 96 : index
      %get3A_593 = tpu.vector_load %arg10[%get3A_591, %get3A_592] {strides = array<i32>} : memref<160x128xi32, #tpu.memory_space<vmem>>, vector<16xi32>,
      %get3A_594 = arith.index_cast %add3A_488 : i32 to index
      %get3A_595 = arith.constant 96 : index
      %get3A_596 = tpu.vector_load %arg11[%get3A_594, %get3A_595] {strides = array<i32>} : memref<158x128xi32, #tpu.memory_space<vmem>>, vector<16xi32>,
      %gather3A_597 = tpu.vector_load_idx %arg12[%get3A_593] : memref<10112xf32, #tpu.memory_space<vmem>>[vector<16xi32>], vector<16xf32>,
      %gather3A_598 = tpu.vector_load_idx %arg13[%get3A_596] : memref<10112xf32, #tpu.memory_space<vmem>>[vector<16xi32>], vector<16xf32>,
      %add3A_599 = arith.addf %gather3A_597, %gather3A_598 : vector<16xf32>
      %mul3A_600 = arith.constant 2.000000e-01 : f32
      %mul3A_601 = vector.broadcast %mul3A_600 : f32 to vector<16xf32>
      %mul3A_602 = arith.mulf %mul3A_601, %add3A_599 : vector<16xf32>
      %max3A_603 = arith.maximumf %add3A_599, %mul3A_602 : vector<16xf32>
      %sub3A_604 = arith.subf %max3A_603, %broadcast_in_dim3A_197 : vector<16xf32>
      %exp3A_605 = math.exp %sub3A_604 : vector<16xf32>
      tpu.vector_store_idx %arg17[%get3A_596], %exp3A_605 {add = true} : memref<10112xf32, #tpu.memory_space<vmem>>[vector<16xi32>], vector<16xf32>,
      %swap3A_606 = arith.constant 96 : index
      %swap3A_607 = tpu.vector_load %arg16[%swap3A_606] {strides = array<i32>} : memref<128xf32, #tpu.memory_space<vmem>>, vector<16xf32>,
      tpu.vector_store %arg16[%swap3A_606], %exp3A_605 {strides = array<i32>} : memref<128xf32, #tpu.memory_space<vmem>>, vector<16xf32>,
      %get3A_608 = arith.index_cast %add3A_488 : i32 to index
      %get3A_609 = arith.constant 112 : index
      %get3A_610 = tpu.vector_load %arg10[%get3A_608, %get3A_609] {strides = array<i32>} : memref<160x128xi32, #tpu.memory_space<vmem>>, vector<16xi32>,
      %get3A_611 = arith.index_cast %add3A_488 : i32 to index
      %get3A_612 = arith.constant 112 : index
      %get3A_613 = tpu.vector_load %arg11[%get3A_611, %get3A_612] {strides = array<i32>} : memref<158x128xi32, #tpu.memory_space<vmem>>, vector<16xi32>,
      %gather3A_614 = tpu.vector_load_idx %arg12[%get3A_610] : memref<10112xf32, #tpu.memory_space<vmem>>[vector<16xi32>], vector<16xf32>,
      %gather3A_615 = tpu.vector_load_idx %arg13[%get3A_613] : memref<10112xf32, #tpu.memory_space<vmem>>[vector<16xi32>], vector<16xf32>,
      %add3A_616 = arith.addf %gather3A_614, %gather3A_615 : vector<16xf32>
      %mul3A_617 = arith.constant 2.000000e-01 : f32
      %mul3A_618 = vector.broadcast %mul3A_617 : f32 to vector<16xf32>
      %mul3A_619 = arith.mulf %mul3A_618, %add3A_616 : vector<16xf32>
      %max3A_620 = arith.maximumf %add3A_616, %mul3A_619 : vector<16xf32>
      %sub3A_621 = arith.subf %max3A_620, %broadcast_in_dim3A_197 : vector<16xf32>
      %exp3A_622 = math.exp %sub3A_621 : vector<16xf32>
      tpu.vector_store_idx %arg17[%get3A_613], %exp3A_622 {add = true} : memref<10112xf32, #tpu.memory_space<vmem>>[vector<16xi32>], vector<16xf32>,
      %swap3A_623 = arith.constant 112 : index
      %swap3A_624 = tpu.vector_load %arg16[%swap3A_623] {strides = array<i32>} : memref<128xf32, #tpu.memory_space<vmem>>, vector<16xf32>,
      tpu.vector_store %arg16[%swap3A_623], %exp3A_622 {strides = array<i32>} : memref<128xf32, #tpu.memory_space<vmem>>, vector<16xf32>,
      %dma_wait3A_625 = arith.constant 0 : i32
      %dma_wait3A_626 = tpu.memref_slice %arg10[%add3A_488, %dma_wait3A_625] : memref<160x128xi32, #tpu.memory_space<vmem>> -> memref<1x128xi32, #tpu.memory_space<vmem>>
      %dma_wait3A_627 = tpu.memref_squeeze %dma_wait3A_626 : memref<1x128xi32, #tpu.memory_space<vmem>> -> memref<128xi32, #tpu.memory_space<vmem>>
      %dma_wait3A_628 = arith.constant 0 : i32
      %dma_wait3A_629 = arith.constant 0 : i32
      %dma_wait3A_630 = tpu.memref_slice %arg2[%arg0, %dma_wait3A_628, %dma_wait3A_629] : memref<2x10112x64xf32, #tpu.memory_space<hbm>> -> memref<1x10112x64xf32, #tpu.memory_space<hbm>>
      %dma_wait3A_631 = tpu.memref_squeeze %dma_wait3A_630 : memref<1x10112x64xf32, #tpu.memory_space<hbm>> -> memref<10112x64xf32, #tpu.memory_space<hbm>>
      %dma_wait3A_632 = arith.constant 0 : i32
      %dma_wait3A_633 = arith.constant 0 : i32
      %dma_wait3A_634 = tpu.memref_slice %dma_wait3A_631[%dma_wait3A_632, %dma_wait3A_633] : memref<10112x64xf32, #tpu.memory_space<hbm>> -> memref<10112x64xf32, #tpu.memory_space<hbm>>
      tpu.wait_indirect_dma semaphore(%arg21 : memref<!tpu.dma_semaphore, #tpu.memory_space<semaphore_mem>>) src(%dma_wait3A_634 : memref<10112x64xf32, #tpu.memory_space<hbm>>) dst(%arg15 : memref<128x64xf32, #tpu.memory_space<vmem>>)
      %scan3A_635 = arith.constant 0 : i32
      %scan3A_636 = arith.constant 0 : i32
      %scan3A_637 = arith.constant 64 : i32
      %scan3A_638 = arith.addi %scan3A_636, %scan3A_637 : i32
      %scan3A_639 = arith.constant 1 : i32
      %scan3A_640 = scf.for %scan3A_655 = %scan3A_636 to %scan3A_638 step %scan3A_639 iter_args(%scan3A_656 = %scan3A_635) -> (i32)  : i32 {
        %mul3A_657 = arith.constant 2 : i32
        %mul3A_658 = arith.muli %mul3A_657, %scan3A_655 : i32
        %add3A_659 = arith.constant 0 : i32
        %add3A_660 = arith.addi %mul3A_658, %add3A_659 : i32
        %broadcast_in_dim3A_661 = arith.constant 0 : i32
        %broadcast_in_dim3A_662 = vector.broadcast %broadcast_in_dim3A_661 : i32 to vector<16xi32>
        %add3A_663 = vector.broadcast %add3A_660 : i32 to vector<16xi32>
        %add3A_664 = arith.addi %broadcast_in_dim3A_662, %add3A_663 : vector<16xi32>
        %gather3A_665 = tpu.vector_load_idx %arg16[%add3A_664] : memref<128xf32, #tpu.memory_space<vmem>>[vector<16xi32>], vector<16xf32>,
        %get3A_666 = arith.index_cast %add3A_660 : i32 to index
        %get3A_667 = arith.constant 0 : index
        %get3A_668 = tpu.vector_load %arg15[%get3A_666, %get3A_667] {strides = array<i32>} : memref<128x64xf32, #tpu.memory_space<vmem>>, vector<16xf32>,
        %mul3A_669 = arith.mulf %get3A_668, %gather3A_665 : vector<16xf32>
        %swap3A_670 = arith.index_cast %add3A_660 : i32 to index
        %swap3A_671 = arith.constant 0 : index
        %swap3A_672 = tpu.vector_load %arg15[%swap3A_670, %swap3A_671] {strides = array<i32>} : memref<128x64xf32, #tpu.memory_space<vmem>>, vector<16xf32>,
        tpu.vector_store %arg15[%swap3A_670, %swap3A_671], %mul3A_669 {strides = array<i32>} : memref<128x64xf32, #tpu.memory_space<vmem>>, vector<16xf32>,
        %get3A_673 = arith.index_cast %add3A_660 : i32 to index
        %get3A_674 = arith.constant 16 : index
        %get3A_675 = tpu.vector_load %arg15[%get3A_673, %get3A_674] {strides = array<i32>} : memref<128x64xf32, #tpu.memory_space<vmem>>, vector<16xf32>,
        %mul3A_676 = arith.mulf %get3A_675, %gather3A_665 : vector<16xf32>
        %swap3A_677 = arith.index_cast %add3A_660 : i32 to index
        %swap3A_678 = arith.constant 16 : index
        %swap3A_679 = tpu.vector_load %arg15[%swap3A_677, %swap3A_678] {strides = array<i32>} : memref<128x64xf32, #tpu.memory_space<vmem>>, vector<16xf32>,
        tpu.vector_store %arg15[%swap3A_677, %swap3A_678], %mul3A_676 {strides = array<i32>} : memref<128x64xf32, #tpu.memory_space<vmem>>, vector<16xf32>,
        %get3A_680 = arith.index_cast %add3A_660 : i32 to index
        %get3A_681 = arith.constant 32 : index
        %get3A_682 = tpu.vector_load %arg15[%get3A_680, %get3A_681] {strides = array<i32>} : memref<128x64xf32, #tpu.memory_space<vmem>>, vector<16xf32>,
        %mul3A_683 = arith.mulf %get3A_682, %gather3A_665 : vector<16xf32>
        %swap3A_684 = arith.index_cast %add3A_660 : i32 to index
        %swap3A_685 = arith.constant 32 : index
        %swap3A_686 = tpu.vector_load %arg15[%swap3A_684, %swap3A_685] {strides = array<i32>} : memref<128x64xf32, #tpu.memory_space<vmem>>, vector<16xf32>,
        tpu.vector_store %arg15[%swap3A_684, %swap3A_685], %mul3A_683 {strides = array<i32>} : memref<128x64xf32, #tpu.memory_space<vmem>>, vector<16xf32>,
        %get3A_687 = arith.index_cast %add3A_660 : i32 to index
        %get3A_688 = arith.constant 48 : index
        %get3A_689 = tpu.vector_load %arg15[%get3A_687, %get3A_688] {strides = array<i32>} : memref<128x64xf32, #tpu.memory_space<vmem>>, vector<16xf32>,
        %mul3A_690 = arith.mulf %get3A_689, %gather3A_665 : vector<16xf32>
        %swap3A_691 = arith.index_cast %add3A_660 : i32 to index
        %swap3A_692 = arith.constant 48 : index
        %swap3A_693 = tpu.vector_load %arg15[%swap3A_691, %swap3A_692] {strides = array<i32>} : memref<128x64xf32, #tpu.memory_space<vmem>>, vector<16xf32>,
        tpu.vector_store %arg15[%swap3A_691, %swap3A_692], %mul3A_690 {strides = array<i32>} : memref<128x64xf32, #tpu.memory_space<vmem>>, vector<16xf32>,
        %mul3A_694 = arith.constant 2 : i32
        %mul3A_695 = arith.muli %mul3A_694, %scan3A_655 : i32
        %add3A_696 = arith.constant 1 : i32
        %add3A_697 = arith.addi %mul3A_695, %add3A_696 : i32
        %broadcast_in_dim3A_698 = arith.constant 0 : i32
        %broadcast_in_dim3A_699 = vector.broadcast %broadcast_in_dim3A_698 : i32 to vector<16xi32>
        %add3A_700 = vector.broadcast %add3A_697 : i32 to vector<16xi32>
        %add3A_701 = arith.addi %broadcast_in_dim3A_699, %add3A_700 : vector<16xi32>
        %gather3A_702 = tpu.vector_load_idx %arg16[%add3A_701] : memref<128xf32, #tpu.memory_space<vmem>>[vector<16xi32>], vector<16xf32>,
        %get3A_703 = arith.index_cast %add3A_697 : i32 to index
        %get3A_704 = arith.constant 0 : index
        %get3A_705 = tpu.vector_load %arg15[%get3A_703, %get3A_704] {strides = array<i32>} : memref<128x64xf32, #tpu.memory_space<vmem>>, vector<16xf32>,
        %mul3A_706 = arith.mulf %get3A_705, %gather3A_702 : vector<16xf32>
        %swap3A_707 = arith.index_cast %add3A_697 : i32 to index
        %swap3A_708 = arith.constant 0 : index
        %swap3A_709 = tpu.vector_load %arg15[%swap3A_707, %swap3A_708] {strides = array<i32>} : memref<128x64xf32, #tpu.memory_space<vmem>>, vector<16xf32>,
        tpu.vector_store %arg15[%swap3A_707, %swap3A_708], %mul3A_706 {strides = array<i32>} : memref<128x64xf32, #tpu.memory_space<vmem>>, vector<16xf32>,
        %get3A_710 = arith.index_cast %add3A_697 : i32 to index
        %get3A_711 = arith.constant 16 : index
        %get3A_712 = tpu.vector_load %arg15[%get3A_710, %get3A_711] {strides = array<i32>} : memref<128x64xf32, #tpu.memory_space<vmem>>, vector<16xf32>,
        %mul3A_713 = arith.mulf %get3A_712, %gather3A_702 : vector<16xf32>
        %swap3A_714 = arith.index_cast %add3A_697 : i32 to index
        %swap3A_715 = arith.constant 16 : index
        %swap3A_716 = tpu.vector_load %arg15[%swap3A_714, %swap3A_715] {strides = array<i32>} : memref<128x64xf32, #tpu.memory_space<vmem>>, vector<16xf32>,
        tpu.vector_store %arg15[%swap3A_714, %swap3A_715], %mul3A_713 {strides = array<i32>} : memref<128x64xf32, #tpu.memory_space<vmem>>, vector<16xf32>,
        %get3A_717 = arith.index_cast %add3A_697 : i32 to index
        %get3A_718 = arith.constant 32 : index
        %get3A_719 = tpu.vector_load %arg15[%get3A_717, %get3A_718] {strides = array<i32>} : memref<128x64xf32, #tpu.memory_space<vmem>>, vector<16xf32>,
        %mul3A_720 = arith.mulf %get3A_719, %gather3A_702 : vector<16xf32>
        %swap3A_721 = arith.index_cast %add3A_697 : i32 to index
        %swap3A_722 = arith.constant 32 : index
        %swap3A_723 = tpu.vector_load %arg15[%swap3A_721, %swap3A_722] {strides = array<i32>} : memref<128x64xf32, #tpu.memory_space<vmem>>, vector<16xf32>,
        tpu.vector_store %arg15[%swap3A_721, %swap3A_722], %mul3A_720 {strides = array<i32>} : memref<128x64xf32, #tpu.memory_space<vmem>>, vector<16xf32>,
        %get3A_724 = arith.index_cast %add3A_697 : i32 to index
        %get3A_725 = arith.constant 48 : index
        %get3A_726 = tpu.vector_load %arg15[%get3A_724, %get3A_725] {strides = array<i32>} : memref<128x64xf32, #tpu.memory_space<vmem>>, vector<16xf32>,
        %mul3A_727 = arith.mulf %get3A_726, %gather3A_702 : vector<16xf32>
        %swap3A_728 = arith.index_cast %add3A_697 : i32 to index
        %swap3A_729 = arith.constant 48 : index
        %swap3A_730 = tpu.vector_load %arg15[%swap3A_728, %swap3A_729] {strides = array<i32>} : memref<128x64xf32, #tpu.memory_space<vmem>>, vector<16xf32>,
        tpu.vector_store %arg15[%swap3A_728, %swap3A_729], %mul3A_727 {strides = array<i32>} : memref<128x64xf32, #tpu.memory_space<vmem>>, vector<16xf32>,
        %scan3A_731 = arith.constant 0 : i32
        scf.yield %scan3A_731 : i32
      }
      %scan3A_641 = arith.constant 64 : i32
      "tpu.region"() ({
        %run_scoped3A = tpu.sem_alloc : memref<!tpu.dma_semaphore, #tpu.memory_space<semaphore_mem>>
        %dma_start3A_655 = arith.constant 0 : i32
        %dma_start3A_656 = tpu.memref_slice %arg11[%add3A_488, %dma_start3A_655] : memref<158x128xi32, #tpu.memory_space<vmem>> -> memref<1x128xi32, #tpu.memory_space<vmem>>
        %dma_start3A_657 = tpu.memref_squeeze %dma_start3A_656 : memref<1x128xi32, #tpu.memory_space<vmem>> -> memref<128xi32, #tpu.memory_space<vmem>>
        %dma_start3A_658 = arith.constant 0 : i32
        %dma_start3A_659 = arith.constant 0 : i32
        %dma_start3A_660 = tpu.memref_slice %arg19[%dma_start3A_658, %dma_start3A_659] : memref<10112x64xf32, #tpu.memory_space<vmem_shared>> -> memref<10112x64xf32, #tpu.memory_space<vmem_shared>>
        tpu.enqueue_indirect_dma source(%arg15 : memref<128x64xf32, #tpu.memory_space<vmem>>) target(%dma_start3A_660 : memref<10112x64xf32, #tpu.memory_space<vmem_shared>>) offsets(%dma_start3A_657 : memref<128xi32, #tpu.memory_space<vmem>>) semaphore(%run_scoped3A : memref<!tpu.dma_semaphore, #tpu.memory_space<semaphore_mem>>) {add = true}
        %dma_wait3A_661 = arith.constant 0 : i32
        %dma_wait3A_662 = tpu.memref_slice %arg11[%add3A_488, %dma_wait3A_661] : memref<158x128xi32, #tpu.memory_space<vmem>> -> memref<1x128xi32, #tpu.memory_space<vmem>>
        %dma_wait3A_663 = tpu.memref_squeeze %dma_wait3A_662 : memref<1x128xi32, #tpu.memory_space<vmem>> -> memref<128xi32, #tpu.memory_space<vmem>>
        %dma_wait3A_664 = arith.constant 0 : i32
        %dma_wait3A_665 = arith.constant 0 : i32
        %dma_wait3A_666 = tpu.memref_slice %arg19[%dma_wait3A_664, %dma_wait3A_665] : memref<10112x64xf32, #tpu.memory_space<vmem_shared>> -> memref<10112x64xf32, #tpu.memory_space<vmem_shared>>
        tpu.wait_indirect_dma semaphore(%run_scoped3A : memref<!tpu.dma_semaphore, #tpu.memory_space<semaphore_mem>>) src(%arg15 : memref<128x64xf32, #tpu.memory_space<vmem>>) dst(%dma_wait3A_666 : memref<10112x64xf32, #tpu.memory_space<vmem_shared>>)
        tpu.yield
      }) : () -> ()
      %add3A_642 = arith.constant 2 : i32
      %add3A_643 = arith.addi %add3A_488, %add3A_642 : i32
      %dma_start3A_644 = arith.constant 0 : i32
      %dma_start3A_645 = tpu.memref_slice %arg10[%add3A_643, %dma_start3A_644] : memref<160x128xi32, #tpu.memory_space<vmem>> -> memref<1x128xi32, #tpu.memory_space<vmem>>
      %dma_start3A_646 = tpu.memref_squeeze %dma_start3A_645 : memref<1x128xi32, #tpu.memory_space<vmem>> -> memref<128xi32, #tpu.memory_space<vmem>>
      %dma_start3A_647 = arith.constant 0 : i32
      %dma_start3A_648 = arith.constant 0 : i32
      %dma_start3A_649 = tpu.memref_slice %arg2[%arg0, %dma_start3A_647, %dma_start3A_648] : memref<2x10112x64xf32, #tpu.memory_space<hbm>> -> memref<1x10112x64xf32, #tpu.memory_space<hbm>>
      %dma_start3A_650 = tpu.memref_squeeze %dma_start3A_649 : memref<1x10112x64xf32, #tpu.memory_space<hbm>> -> memref<10112x64xf32, #tpu.memory_space<hbm>>
      %dma_start3A_651 = arith.constant 0 : i32
      %dma_start3A_652 = arith.constant 0 : i32
      %dma_start3A_653 = tpu.memref_slice %dma_start3A_650[%dma_start3A_651, %dma_start3A_652] : memref<10112x64xf32, #tpu.memory_space<hbm>> -> memref<10112x64xf32, #tpu.memory_space<hbm>>
      tpu.enqueue_indirect_dma source(%dma_start3A_653 : memref<10112x64xf32, #tpu.memory_space<hbm>>) target(%arg15 : memref<128x64xf32, #tpu.memory_space<vmem>>) offsets(%dma_start3A_646 : memref<128xi32, #tpu.memory_space<vmem>>) semaphore(%arg21 : memref<!tpu.dma_semaphore, #tpu.memory_space<semaphore_mem>>)
      %scan3A_654 = arith.constant 0 : i32
      scf.yield %scan3A_654 : i32
    }
    %scan3A_290 = arith.constant 79 : i32
    %dma_wait3A = arith.constant 0 : i32
    %dma_wait3A_291 = arith.constant 0 : i32
    %dma_wait3A_292 = tpu.memref_slice %arg10[%dma_wait3A, %dma_wait3A_291] : memref<160x128xi32, #tpu.memory_space<vmem>> -> memref<1x128xi32, #tpu.memory_space<vmem>>
    %dma_wait3A_293 = tpu.memref_squeeze %dma_wait3A_292 : memref<1x128xi32, #tpu.memory_space<vmem>> -> memref<128xi32, #tpu.memory_space<vmem>>
    %dma_wait3A_294 = arith.constant 0 : i32
    %dma_wait3A_295 = arith.constant 0 : i32
    %dma_wait3A_296 = tpu.memref_slice %arg2[%arg0, %dma_wait3A_294, %dma_wait3A_295] : memref<2x10112x64xf32, #tpu.memory_space<hbm>> -> memref<1x10112x64xf32, #tpu.memory_space<hbm>>
    %dma_wait3A_297 = tpu.memref_squeeze %dma_wait3A_296 : memref<1x10112x64xf32, #tpu.memory_space<hbm>> -> memref<10112x64xf32, #tpu.memory_space<hbm>>
    %dma_wait3A_298 = arith.constant 0 : i32
    %dma_wait3A_299 = arith.constant 0 : i32
    %dma_wait3A_300 = tpu.memref_slice %dma_wait3A_297[%dma_wait3A_298, %dma_wait3A_299] : memref<10112x64xf32, #tpu.memory_space<hbm>> -> memref<10112x64xf32, #tpu.memory_space<hbm>>
    tpu.wait_indirect_dma semaphore(%arg20 : memref<!tpu.dma_semaphore, #tpu.memory_space<semaphore_mem>>) src(%dma_wait3A_300 : memref<10112x64xf32, #tpu.memory_space<hbm>>) dst(%arg14 : memref<128x64xf32, #tpu.memory_space<vmem>>)
    %dma_wait3A_301 = arith.constant 0 : i32
    %dma_wait3A_302 = arith.constant 0 : i32
    %dma_wait3A_303 = tpu.memref_slice %arg10[%dma_wait3A_301, %dma_wait3A_302] : memref<160x128xi32, #tpu.memory_space<vmem>> -> memref<1x128xi32, #tpu.memory_space<vmem>>
    %dma_wait3A_304 = tpu.memref_squeeze %dma_wait3A_303 : memref<1x128xi32, #tpu.memory_space<vmem>> -> memref<128xi32, #tpu.memory_space<vmem>>
    %dma_wait3A_305 = arith.constant 0 : i32
    %dma_wait3A_306 = arith.constant 0 : i32
    %dma_wait3A_307 = tpu.memref_slice %arg2[%arg0, %dma_wait3A_305, %dma_wait3A_306] : memref<2x10112x64xf32, #tpu.memory_space<hbm>> -> memref<1x10112x64xf32, #tpu.memory_space<hbm>>
    %dma_wait3A_308 = tpu.memref_squeeze %dma_wait3A_307 : memref<1x10112x64xf32, #tpu.memory_space<hbm>> -> memref<10112x64xf32, #tpu.memory_space<hbm>>
    %dma_wait3A_309 = arith.constant 0 : i32
    %dma_wait3A_310 = arith.constant 0 : i32
    %dma_wait3A_311 = tpu.memref_slice %dma_wait3A_308[%dma_wait3A_309, %dma_wait3A_310] : memref<10112x64xf32, #tpu.memory_space<hbm>> -> memref<10112x64xf32, #tpu.memory_space<hbm>>
    tpu.wait_indirect_dma semaphore(%arg21 : memref<!tpu.dma_semaphore, #tpu.memory_space<semaphore_mem>>) src(%dma_wait3A_311 : memref<10112x64xf32, #tpu.memory_space<hbm>>) dst(%arg15 : memref<128x64xf32, #tpu.memory_space<vmem>>)
    %barrier3A_312 = arith.constant 0 : index
    tpu.barrier barrier_id(%barrier3A_312)
    %mul3A_313 = arith.constant 632 : i32
    %mul3A_314 = arith.muli %arg1, %mul3A_313 : i32
    %mul3A_315 = arith.constant 632 : i32
    %mul3A_316 = arith.muli %arg1, %mul3A_315 : i32
    "tpu.region"() ({
      %run_scoped3A = tpu.sem_alloc : memref<!tpu.dma_semaphore, #tpu.memory_space<semaphore_mem>>
      %dma_start3A_317 = arith.constant 0 : i32
      %dma_start3A_318 = tpu.memref_slice %arg8[%arg0, %mul3A_316, %dma_start3A_317] : memref<2x10112x64xf32, #tpu.memory_space<hbm>> -> memref<1x632x64xf32, #tpu.memory_space<hbm>>
      %dma_start3A_319 = tpu.memref_squeeze %dma_start3A_318 : memref<1x632x64xf32, #tpu.memory_space<hbm>> -> memref<632x64xf32, #tpu.memory_space<hbm>>
      %dma_start3A_320 = arith.constant 0 : i32
      %dma_start3A_321 = tpu.memref_slice %arg19[%mul3A_314, %dma_start3A_320] : memref<10112x64xf32, #tpu.memory_space<vmem_shared>> -> memref<632x64xf32, #tpu.memory_space<vmem_shared>>
      tpu.enqueue_dma source(%dma_start3A_321 : memref<632x64xf32, #tpu.memory_space<vmem_shared>>) target(%dma_start3A_319 : memref<632x64xf32, #tpu.memory_space<hbm>>) target_semaphore(%run_scoped3A : memref<!tpu.dma_semaphore, #tpu.memory_space<semaphore_mem>>)
      %dma_wait3A_322 = arith.constant 0 : i32
      %dma_wait3A_323 = tpu.memref_slice %arg8[%arg0, %mul3A_316, %dma_wait3A_322] : memref<2x10112x64xf32, #tpu.memory_space<hbm>> -> memref<1x632x64xf32, #tpu.memory_space<hbm>>
      %dma_wait3A_324 = tpu.memref_squeeze %dma_wait3A_323 : memref<1x632x64xf32, #tpu.memory_space<hbm>> -> memref<632x64xf32, #tpu.memory_space<hbm>>
      %dma_wait3A_325 = arith.constant 0 : i32
      %dma_wait3A_326 = tpu.memref_slice %arg19[%mul3A_314, %dma_wait3A_325] : memref<10112x64xf32, #tpu.memory_space<vmem_shared>> -> memref<632x64xf32, #tpu.memory_space<vmem_shared>>
      tpu.wait_dma2 semaphore(%run_scoped3A : memref<!tpu.dma_semaphore, #tpu.memory_space<semaphore_mem>>) src(%dma_wait3A_326 : memref<632x64xf32, #tpu.memory_space<vmem_shared>>) dst(%dma_wait3A_324 : memref<632x64xf32, #tpu.memory_space<hbm>>)
      tpu.yield
    }) : () -> ()
    "tpu.region"() ({
      %run_scoped3A = tpu.sem_alloc : memref<!tpu.dma_semaphore, #tpu.memory_space<semaphore_mem>>
      %dma_start3A_317 = arith.constant 0 : i32
      %dma_start3A_318 = tpu.memref_slice %arg9[%arg0, %arg1, %dma_start3A_317] : memref<2x16x10112xf32, #tpu.memory_space<hbm>> -> memref<1x1x10112xf32, #tpu.memory_space<hbm>>
      %dma_start3A_319 = tpu.memref_squeeze %dma_start3A_318 : memref<1x1x10112xf32, #tpu.memory_space<hbm>> -> memref<10112xf32, #tpu.memory_space<hbm>>
      %dma_start3A_320 = arith.constant 0 : i32
      %dma_start3A_321 = tpu.memref_slice %arg9[%arg0, %arg1, %dma_start3A_320] : memref<2x16x10112xf32, #tpu.memory_space<hbm>> -> memref<1x1x10112xf32, #tpu.memory_space<hbm>>
      %dma_start3A_322 = tpu.memref_squeeze %dma_start3A_321 : memref<1x1x10112xf32, #tpu.memory_space<hbm>> -> memref<10112xf32, #tpu.memory_space<hbm>>
      tpu.enqueue_dma source(%arg17 : memref<10112xf32, #tpu.memory_space<vmem>>) target(%dma_start3A_322 : memref<10112xf32, #tpu.memory_space<hbm>>) target_semaphore(%run_scoped3A : memref<!tpu.dma_semaphore, #tpu.memory_space<semaphore_mem>>)
      %dma_wait3A_323 = arith.constant 0 : i32
      %dma_wait3A_324 = tpu.memref_slice %arg9[%arg0, %arg1, %dma_wait3A_323] : memref<2x16x10112xf32, #tpu.memory_space<hbm>> -> memref<1x1x10112xf32, #tpu.memory_space<hbm>>
      %dma_wait3A_325 = tpu.memref_squeeze %dma_wait3A_324 : memref<1x1x10112xf32, #tpu.memory_space<hbm>> -> memref<10112xf32, #tpu.memory_space<hbm>>
      %dma_wait3A_326 = arith.constant 0 : i32
      %dma_wait3A_327 = tpu.memref_slice %arg9[%arg0, %arg1, %dma_wait3A_326] : memref<2x16x10112xf32, #tpu.memory_space<hbm>> -> memref<1x1x10112xf32, #tpu.memory_space<hbm>>
      %dma_wait3A_328 = tpu.memref_squeeze %dma_wait3A_327 : memref<1x1x10112xf32, #tpu.memory_space<hbm>> -> memref<10112xf32, #tpu.memory_space<hbm>>
      tpu.wait_dma2 semaphore(%run_scoped3A : memref<!tpu.dma_semaphore, #tpu.memory_space<semaphore_mem>>) src(%arg17 : memref<10112xf32, #tpu.memory_space<vmem>>) dst(%dma_wait3A_328 : memref<10112xf32, #tpu.memory_space<hbm>>)
      tpu.yield
    }) : () -> ()
    return
  }
}

#map = affine_map<(d0, d1) -> (0)>
#map1 = affine_map<(d0, d1) -> (0, 0, 0)>
#map2 = affine_map<(d0, d1) -> (0, 0)>
module attributes {stable_mosaic.version = 14 : i64} {
  func.func @_sc_amax_body(%arg0: i32, %arg1: i32, %arg2: memref<10112xf32, #tpu.memory_space<hbm>>, %arg3: memref<10112xf32, #tpu.memory_space<hbm>>, %arg4: memref<32x79x128xi32, #tpu.memory_space<hbm>>, %arg5: memref<32x79x128xi32, #tpu.memory_space<hbm>>, %arg6: memref<32x16xf32, #tpu.memory_space<hbm>>, %arg7: memref<79x128xi32, #tpu.memory_space<vmem>>, %arg8: memref<79x128xi32, #tpu.memory_space<vmem>>, %arg9: memref<10112xf32, #tpu.memory_space<vmem>>, %arg10: memref<10112xf32, #tpu.memory_space<vmem>>, %arg11: memref<16xf32, #tpu.memory_space<vmem>>) attributes {dimension_semantics = [#tpu.dimension_semantics<core_parallel>, #tpu.dimension_semantics<subcore_parallel>], iteration_bounds = array<i64: 2, 16>, scalar_prefetch = 0 : i64, scratch_operands = 5 : i64, tpu.core_type = #tpu.core_type<sc_vector_subcore>, window_params = [{transform_indices = #map}, {transform_indices = #map}, {transform_indices = #map1}, {transform_indices = #map1}, {transform_indices = #map2}]} {
    %mul3A = arith.constant 2 : i32
    %mul3A_0 = arith.muli %arg1, %mul3A : i32
    %add3A = arith.addi %mul3A_0, %arg0 : i32
    "tpu.region"() ({
      %run_scoped3A = tpu.sem_alloc : memref<!tpu.dma_semaphore, #tpu.memory_space<semaphore_mem>>
      %dma_start3A = arith.constant 0 : i32
      %dma_start3A_14 = arith.constant 0 : i32
      %dma_start3A_15 = tpu.memref_slice %arg4[%add3A, %dma_start3A, %dma_start3A_14] : memref<32x79x128xi32, #tpu.memory_space<hbm>> -> memref<1x79x128xi32, #tpu.memory_space<hbm>>
      %dma_start3A_16 = tpu.memref_squeeze %dma_start3A_15 : memref<1x79x128xi32, #tpu.memory_space<hbm>> -> memref<79x128xi32, #tpu.memory_space<hbm>>
      %dma_start3A_17 = arith.constant 0 : i32
      %dma_start3A_18 = arith.constant 0 : i32
      %dma_start3A_19 = tpu.memref_slice %arg4[%add3A, %dma_start3A_17, %dma_start3A_18] : memref<32x79x128xi32, #tpu.memory_space<hbm>> -> memref<1x79x128xi32, #tpu.memory_space<hbm>>
      %dma_start3A_20 = tpu.memref_squeeze %dma_start3A_19 : memref<1x79x128xi32, #tpu.memory_space<hbm>> -> memref<79x128xi32, #tpu.memory_space<hbm>>
      tpu.enqueue_dma source(%dma_start3A_20 : memref<79x128xi32, #tpu.memory_space<hbm>>) target(%arg7 : memref<79x128xi32, #tpu.memory_space<vmem>>) target_semaphore(%run_scoped3A : memref<!tpu.dma_semaphore, #tpu.memory_space<semaphore_mem>>)
      %dma_wait3A = arith.constant 0 : i32
      %dma_wait3A_21 = arith.constant 0 : i32
      %dma_wait3A_22 = tpu.memref_slice %arg4[%add3A, %dma_wait3A, %dma_wait3A_21] : memref<32x79x128xi32, #tpu.memory_space<hbm>> -> memref<1x79x128xi32, #tpu.memory_space<hbm>>
      %dma_wait3A_23 = tpu.memref_squeeze %dma_wait3A_22 : memref<1x79x128xi32, #tpu.memory_space<hbm>> -> memref<79x128xi32, #tpu.memory_space<hbm>>
      %dma_wait3A_24 = arith.constant 0 : i32
      %dma_wait3A_25 = arith.constant 0 : i32
      %dma_wait3A_26 = tpu.memref_slice %arg4[%add3A, %dma_wait3A_24, %dma_wait3A_25] : memref<32x79x128xi32, #tpu.memory_space<hbm>> -> memref<1x79x128xi32, #tpu.memory_space<hbm>>
      %dma_wait3A_27 = tpu.memref_squeeze %dma_wait3A_26 : memref<1x79x128xi32, #tpu.memory_space<hbm>> -> memref<79x128xi32, #tpu.memory_space<hbm>>
      tpu.wait_dma2 semaphore(%run_scoped3A : memref<!tpu.dma_semaphore, #tpu.memory_space<semaphore_mem>>) src(%dma_wait3A_27 : memref<79x128xi32, #tpu.memory_space<hbm>>) dst(%arg7 : memref<79x128xi32, #tpu.memory_space<vmem>>)
      tpu.yield
    }) : () -> ()
    "tpu.region"() ({
      %run_scoped3A = tpu.sem_alloc : memref<!tpu.dma_semaphore, #tpu.memory_space<semaphore_mem>>
      %dma_start3A = arith.constant 0 : i32
      %dma_start3A_14 = arith.constant 0 : i32
      %dma_start3A_15 = tpu.memref_slice %arg5[%add3A, %dma_start3A, %dma_start3A_14] : memref<32x79x128xi32, #tpu.memory_space<hbm>> -> memref<1x79x128xi32, #tpu.memory_space<hbm>>
      %dma_start3A_16 = tpu.memref_squeeze %dma_start3A_15 : memref<1x79x128xi32, #tpu.memory_space<hbm>> -> memref<79x128xi32, #tpu.memory_space<hbm>>
      %dma_start3A_17 = arith.constant 0 : i32
      %dma_start3A_18 = arith.constant 0 : i32
      %dma_start3A_19 = tpu.memref_slice %arg5[%add3A, %dma_start3A_17, %dma_start3A_18] : memref<32x79x128xi32, #tpu.memory_space<hbm>> -> memref<1x79x128xi32, #tpu.memory_space<hbm>>
      %dma_start3A_20 = tpu.memref_squeeze %dma_start3A_19 : memref<1x79x128xi32, #tpu.memory_space<hbm>> -> memref<79x128xi32, #tpu.memory_space<hbm>>
      tpu.enqueue_dma source(%dma_start3A_20 : memref<79x128xi32, #tpu.memory_space<hbm>>) target(%arg8 : memref<79x128xi32, #tpu.memory_space<vmem>>) target_semaphore(%run_scoped3A : memref<!tpu.dma_semaphore, #tpu.memory_space<semaphore_mem>>)
      %dma_wait3A = arith.constant 0 : i32
      %dma_wait3A_21 = arith.constant 0 : i32
      %dma_wait3A_22 = tpu.memref_slice %arg5[%add3A, %dma_wait3A, %dma_wait3A_21] : memref<32x79x128xi32, #tpu.memory_space<hbm>> -> memref<1x79x128xi32, #tpu.memory_space<hbm>>
      %dma_wait3A_23 = tpu.memref_squeeze %dma_wait3A_22 : memref<1x79x128xi32, #tpu.memory_space<hbm>> -> memref<79x128xi32, #tpu.memory_space<hbm>>
      %dma_wait3A_24 = arith.constant 0 : i32
      %dma_wait3A_25 = arith.constant 0 : i32
      %dma_wait3A_26 = tpu.memref_slice %arg5[%add3A, %dma_wait3A_24, %dma_wait3A_25] : memref<32x79x128xi32, #tpu.memory_space<hbm>> -> memref<1x79x128xi32, #tpu.memory_space<hbm>>
      %dma_wait3A_27 = tpu.memref_squeeze %dma_wait3A_26 : memref<1x79x128xi32, #tpu.memory_space<hbm>> -> memref<79x128xi32, #tpu.memory_space<hbm>>
      tpu.wait_dma2 semaphore(%run_scoped3A : memref<!tpu.dma_semaphore, #tpu.memory_space<semaphore_mem>>) src(%dma_wait3A_27 : memref<79x128xi32, #tpu.memory_space<hbm>>) dst(%arg8 : memref<79x128xi32, #tpu.memory_space<vmem>>)
      tpu.yield
    }) : () -> ()
    "tpu.region"() ({
      %run_scoped3A = tpu.sem_alloc : memref<!tpu.dma_semaphore, #tpu.memory_space<semaphore_mem>>
      tpu.enqueue_dma source(%arg2 : memref<10112xf32, #tpu.memory_space<hbm>>) target(%arg9 : memref<10112xf32, #tpu.memory_space<vmem>>) target_semaphore(%run_scoped3A : memref<!tpu.dma_semaphore, #tpu.memory_space<semaphore_mem>>)
      tpu.wait_dma2 semaphore(%run_scoped3A : memref<!tpu.dma_semaphore, #tpu.memory_space<semaphore_mem>>) src(%arg2 : memref<10112xf32, #tpu.memory_space<hbm>>) dst(%arg9 : memref<10112xf32, #tpu.memory_space<vmem>>)
      tpu.yield
    }) : () -> ()
    "tpu.region"() ({
      %run_scoped3A = tpu.sem_alloc : memref<!tpu.dma_semaphore, #tpu.memory_space<semaphore_mem>>
      tpu.enqueue_dma source(%arg3 : memref<10112xf32, #tpu.memory_space<hbm>>) target(%arg10 : memref<10112xf32, #tpu.memory_space<vmem>>) target_semaphore(%run_scoped3A : memref<!tpu.dma_semaphore, #tpu.memory_space<semaphore_mem>>)
      tpu.wait_dma2 semaphore(%run_scoped3A : memref<!tpu.dma_semaphore, #tpu.memory_space<semaphore_mem>>) src(%arg3 : memref<10112xf32, #tpu.memory_space<hbm>>) dst(%arg10 : memref<10112xf32, #tpu.memory_space<vmem>>)
      tpu.yield
    }) : () -> ()
    %broadcast_in_dim3A = arith.constant -3.000000e+38 : f32
    %broadcast_in_dim3A_1 = vector.broadcast %broadcast_in_dim3A : f32 to vector<16xf32>
    %scan3A = arith.constant 0 : i32
    %scan3A_2 = arith.constant 79 : i32
    %scan3A_3 = arith.addi %scan3A, %scan3A_2 : i32
    %scan3A_4 = arith.constant 1 : i32
    %scan3A_5 = scf.for %scan3A_14 = %scan3A to %scan3A_3 step %scan3A_4 iter_args(%scan3A_15 = %broadcast_in_dim3A_1) -> (vector<16xf32>)  : i32 {
      %get3A = arith.index_cast %scan3A_14 : i32 to index
      %get3A_16 = arith.constant 0 : index
      %get3A_17 = tpu.vector_load %arg7[%get3A, %get3A_16] {strides = array<i32>} : memref<79x128xi32, #tpu.memory_space<vmem>>, vector<16xi32>,
      %get3A_18 = arith.index_cast %scan3A_14 : i32 to index
      %get3A_19 = arith.constant 0 : index
      %get3A_20 = tpu.vector_load %arg8[%get3A_18, %get3A_19] {strides = array<i32>} : memref<79x128xi32, #tpu.memory_space<vmem>>, vector<16xi32>,
      %gather3A = tpu.vector_load_idx %arg9[%get3A_17] : memref<10112xf32, #tpu.memory_space<vmem>>[vector<16xi32>], vector<16xf32>,
      %gather3A_21 = tpu.vector_load_idx %arg10[%get3A_20] : memref<10112xf32, #tpu.memory_space<vmem>>[vector<16xi32>], vector<16xf32>,
      %add3A_22 = arith.addf %gather3A, %gather3A_21 : vector<16xf32>
      %mul3A_23 = arith.constant 2.000000e-01 : f32
      %mul3A_24 = vector.broadcast %mul3A_23 : f32 to vector<16xf32>
      %mul3A_25 = arith.mulf %mul3A_24, %add3A_22 : vector<16xf32>
      %max3A = arith.maximumf %add3A_22, %mul3A_25 : vector<16xf32>
      %max3A_26 = arith.maximumf %scan3A_15, %max3A : vector<16xf32>
      %get3A_27 = arith.index_cast %scan3A_14 : i32 to index
      %get3A_28 = arith.constant 16 : index
      %get3A_29 = tpu.vector_load %arg7[%get3A_27, %get3A_28] {strides = array<i32>} : memref<79x128xi32, #tpu.memory_space<vmem>>, vector<16xi32>,
      %get3A_30 = arith.index_cast %scan3A_14 : i32 to index
      %get3A_31 = arith.constant 16 : index
      %get3A_32 = tpu.vector_load %arg8[%get3A_30, %get3A_31] {strides = array<i32>} : memref<79x128xi32, #tpu.memory_space<vmem>>, vector<16xi32>,
      %gather3A_33 = tpu.vector_load_idx %arg9[%get3A_29] : memref<10112xf32, #tpu.memory_space<vmem>>[vector<16xi32>], vector<16xf32>,
      %gather3A_34 = tpu.vector_load_idx %arg10[%get3A_32] : memref<10112xf32, #tpu.memory_space<vmem>>[vector<16xi32>], vector<16xf32>,
      %add3A_35 = arith.addf %gather3A_33, %gather3A_34 : vector<16xf32>
      %mul3A_36 = arith.constant 2.000000e-01 : f32
      %mul3A_37 = vector.broadcast %mul3A_36 : f32 to vector<16xf32>
      %mul3A_38 = arith.mulf %mul3A_37, %add3A_35 : vector<16xf32>
      %max3A_39 = arith.maximumf %add3A_35, %mul3A_38 : vector<16xf32>
      %max3A_40 = arith.maximumf %max3A_26, %max3A_39 : vector<16xf32>
      %get3A_41 = arith.index_cast %scan3A_14 : i32 to index
      %get3A_42 = arith.constant 32 : index
      %get3A_43 = tpu.vector_load %arg7[%get3A_41, %get3A_42] {strides = array<i32>} : memref<79x128xi32, #tpu.memory_space<vmem>>, vector<16xi32>,
      %get3A_44 = arith.index_cast %scan3A_14 : i32 to index
      %get3A_45 = arith.constant 32 : index
      %get3A_46 = tpu.vector_load %arg8[%get3A_44, %get3A_45] {strides = array<i32>} : memref<79x128xi32, #tpu.memory_space<vmem>>, vector<16xi32>,
      %gather3A_47 = tpu.vector_load_idx %arg9[%get3A_43] : memref<10112xf32, #tpu.memory_space<vmem>>[vector<16xi32>], vector<16xf32>,
      %gather3A_48 = tpu.vector_load_idx %arg10[%get3A_46] : memref<10112xf32, #tpu.memory_space<vmem>>[vector<16xi32>], vector<16xf32>,
      %add3A_49 = arith.addf %gather3A_47, %gather3A_48 : vector<16xf32>
      %mul3A_50 = arith.constant 2.000000e-01 : f32
      %mul3A_51 = vector.broadcast %mul3A_50 : f32 to vector<16xf32>
      %mul3A_52 = arith.mulf %mul3A_51, %add3A_49 : vector<16xf32>
      %max3A_53 = arith.maximumf %add3A_49, %mul3A_52 : vector<16xf32>
      %max3A_54 = arith.maximumf %max3A_40, %max3A_53 : vector<16xf32>
      %get3A_55 = arith.index_cast %scan3A_14 : i32 to index
      %get3A_56 = arith.constant 48 : index
      %get3A_57 = tpu.vector_load %arg7[%get3A_55, %get3A_56] {strides = array<i32>} : memref<79x128xi32, #tpu.memory_space<vmem>>, vector<16xi32>,
      %get3A_58 = arith.index_cast %scan3A_14 : i32 to index
      %get3A_59 = arith.constant 48 : index
      %get3A_60 = tpu.vector_load %arg8[%get3A_58, %get3A_59] {strides = array<i32>} : memref<79x128xi32, #tpu.memory_space<vmem>>, vector<16xi32>,
      %gather3A_61 = tpu.vector_load_idx %arg9[%get3A_57] : memref<10112xf32, #tpu.memory_space<vmem>>[vector<16xi32>], vector<16xf32>,
      %gather3A_62 = tpu.vector_load_idx %arg10[%get3A_60] : memref<10112xf32, #tpu.memory_space<vmem>>[vector<16xi32>], vector<16xf32>,
      %add3A_63 = arith.addf %gather3A_61, %gather3A_62 : vector<16xf32>
      %mul3A_64 = arith.constant 2.000000e-01 : f32
      %mul3A_65 = vector.broadcast %mul3A_64 : f32 to vector<16xf32>
      %mul3A_66 = arith.mulf %mul3A_65, %add3A_63 : vector<16xf32>
      %max3A_67 = arith.maximumf %add3A_63, %mul3A_66 : vector<16xf32>
      %max3A_68 = arith.maximumf %max3A_54, %max3A_67 : vector<16xf32>
      %get3A_69 = arith.index_cast %scan3A_14 : i32 to index
      %get3A_70 = arith.constant 64 : index
      %get3A_71 = tpu.vector_load %arg7[%get3A_69, %get3A_70] {strides = array<i32>} : memref<79x128xi32, #tpu.memory_space<vmem>>, vector<16xi32>,
      %get3A_72 = arith.index_cast %scan3A_14 : i32 to index
      %get3A_73 = arith.constant 64 : index
      %get3A_74 = tpu.vector_load %arg8[%get3A_72, %get3A_73] {strides = array<i32>} : memref<79x128xi32, #tpu.memory_space<vmem>>, vector<16xi32>,
      %gather3A_75 = tpu.vector_load_idx %arg9[%get3A_71] : memref<10112xf32, #tpu.memory_space<vmem>>[vector<16xi32>], vector<16xf32>,
      %gather3A_76 = tpu.vector_load_idx %arg10[%get3A_74] : memref<10112xf32, #tpu.memory_space<vmem>>[vector<16xi32>], vector<16xf32>,
      %add3A_77 = arith.addf %gather3A_75, %gather3A_76 : vector<16xf32>
      %mul3A_78 = arith.constant 2.000000e-01 : f32
      %mul3A_79 = vector.broadcast %mul3A_78 : f32 to vector<16xf32>
      %mul3A_80 = arith.mulf %mul3A_79, %add3A_77 : vector<16xf32>
      %max3A_81 = arith.maximumf %add3A_77, %mul3A_80 : vector<16xf32>
      %max3A_82 = arith.maximumf %max3A_68, %max3A_81 : vector<16xf32>
      %get3A_83 = arith.index_cast %scan3A_14 : i32 to index
      %get3A_84 = arith.constant 80 : index
      %get3A_85 = tpu.vector_load %arg7[%get3A_83, %get3A_84] {strides = array<i32>} : memref<79x128xi32, #tpu.memory_space<vmem>>, vector<16xi32>,
      %get3A_86 = arith.index_cast %scan3A_14 : i32 to index
      %get3A_87 = arith.constant 80 : index
      %get3A_88 = tpu.vector_load %arg8[%get3A_86, %get3A_87] {strides = array<i32>} : memref<79x128xi32, #tpu.memory_space<vmem>>, vector<16xi32>,
      %gather3A_89 = tpu.vector_load_idx %arg9[%get3A_85] : memref<10112xf32, #tpu.memory_space<vmem>>[vector<16xi32>], vector<16xf32>,
      %gather3A_90 = tpu.vector_load_idx %arg10[%get3A_88] : memref<10112xf32, #tpu.memory_space<vmem>>[vector<16xi32>], vector<16xf32>,
      %add3A_91 = arith.addf %gather3A_89, %gather3A_90 : vector<16xf32>
      %mul3A_92 = arith.constant 2.000000e-01 : f32
      %mul3A_93 = vector.broadcast %mul3A_92 : f32 to vector<16xf32>
      %mul3A_94 = arith.mulf %mul3A_93, %add3A_91 : vector<16xf32>
      %max3A_95 = arith.maximumf %add3A_91, %mul3A_94 : vector<16xf32>
      %max3A_96 = arith.maximumf %max3A_82, %max3A_95 : vector<16xf32>
      %get3A_97 = arith.index_cast %scan3A_14 : i32 to index
      %get3A_98 = arith.constant 96 : index
      %get3A_99 = tpu.vector_load %arg7[%get3A_97, %get3A_98] {strides = array<i32>} : memref<79x128xi32, #tpu.memory_space<vmem>>, vector<16xi32>,
      %get3A_100 = arith.index_cast %scan3A_14 : i32 to index
      %get3A_101 = arith.constant 96 : index
      %get3A_102 = tpu.vector_load %arg8[%get3A_100, %get3A_101] {strides = array<i32>} : memref<79x128xi32, #tpu.memory_space<vmem>>, vector<16xi32>,
      %gather3A_103 = tpu.vector_load_idx %arg9[%get3A_99] : memref<10112xf32, #tpu.memory_space<vmem>>[vector<16xi32>], vector<16xf32>,
      %gather3A_104 = tpu.vector_load_idx %arg10[%get3A_102] : memref<10112xf32, #tpu.memory_space<vmem>>[vector<16xi32>], vector<16xf32>,
      %add3A_105 = arith.addf %gather3A_103, %gather3A_104 : vector<16xf32>
      %mul3A_106 = arith.constant 2.000000e-01 : f32
      %mul3A_107 = vector.broadcast %mul3A_106 : f32 to vector<16xf32>
      %mul3A_108 = arith.mulf %mul3A_107, %add3A_105 : vector<16xf32>
      %max3A_109 = arith.maximumf %add3A_105, %mul3A_108 : vector<16xf32>
      %max3A_110 = arith.maximumf %max3A_96, %max3A_109 : vector<16xf32>
      %get3A_111 = arith.index_cast %scan3A_14 : i32 to index
      %get3A_112 = arith.constant 112 : index
      %get3A_113 = tpu.vector_load %arg7[%get3A_111, %get3A_112] {strides = array<i32>} : memref<79x128xi32, #tpu.memory_space<vmem>>, vector<16xi32>,
      %get3A_114 = arith.index_cast %scan3A_14 : i32 to index
      %get3A_115 = arith.constant 112 : index
      %get3A_116 = tpu.vector_load %arg8[%get3A_114, %get3A_115] {strides = array<i32>} : memref<79x128xi32, #tpu.memory_space<vmem>>, vector<16xi32>,
      %gather3A_117 = tpu.vector_load_idx %arg9[%get3A_113] : memref<10112xf32, #tpu.memory_space<vmem>>[vector<16xi32>], vector<16xf32>,
      %gather3A_118 = tpu.vector_load_idx %arg10[%get3A_116] : memref<10112xf32, #tpu.memory_space<vmem>>[vector<16xi32>], vector<16xf32>,
      %add3A_119 = arith.addf %gather3A_117, %gather3A_118 : vector<16xf32>
      %mul3A_120 = arith.constant 2.000000e-01 : f32
      %mul3A_121 = vector.broadcast %mul3A_120 : f32 to vector<16xf32>
      %mul3A_122 = arith.mulf %mul3A_121, %add3A_119 : vector<16xf32>
      %max3A_123 = arith.maximumf %add3A_119, %mul3A_122 : vector<16xf32>
      %max3A_124 = arith.maximumf %max3A_110, %max3A_123 : vector<16xf32>
      scf.yield %max3A_124 : vector<16xf32>
    }
    %scan3A_6 = arith.constant 79 : i32
    %scan3A_7 = arith.constant 0 : i32
    %scan3A_8 = arith.constant 632 : i32
    %scan3A_9 = arith.addi %scan3A_7, %scan3A_8 : i32
    %scan3A_10 = arith.constant 1 : i32
    %scan3A_11 = scf.for %scan3A_14 = %scan3A_7 to %scan3A_9 step %scan3A_10 iter_args(%scan3A_15 = %scan3A_5) -> (vector<16xf32>)  : i32 {
      %mul3A_16 = arith.constant 16 : i32
      %mul3A_17 = arith.muli %scan3A_14, %mul3A_16 : i32
      %get3A = arith.index_cast %mul3A_17 : i32 to index
      %get3A_18 = tpu.vector_load %arg9[%get3A] {strides = array<i32>} : memref<10112xf32, #tpu.memory_space<vmem>>, vector<16xf32>,
      %mul3A_19 = arith.constant 16 : i32
      %mul3A_20 = arith.muli %scan3A_14, %mul3A_19 : i32
      %get3A_21 = arith.index_cast %mul3A_20 : i32 to index
      %get3A_22 = tpu.vector_load %arg10[%get3A_21] {strides = array<i32>} : memref<10112xf32, #tpu.memory_space<vmem>>, vector<16xf32>,
      %add3A_23 = arith.addf %get3A_18, %get3A_22 : vector<16xf32>
      %mul3A_24 = arith.constant 2.000000e-01 : f32
      %mul3A_25 = vector.broadcast %mul3A_24 : f32 to vector<16xf32>
      %mul3A_26 = arith.mulf %mul3A_25, %add3A_23 : vector<16xf32>
      %max3A = arith.maximumf %add3A_23, %mul3A_26 : vector<16xf32>
      %max3A_27 = arith.maximumf %scan3A_15, %max3A : vector<16xf32>
      scf.yield %max3A_27 : vector<16xf32>
    }
    %scan3A_12 = arith.constant 632 : i32
    %swap3A = arith.constant 0 : index
    %swap3A_13 = tpu.vector_load %arg11[%swap3A] {strides = array<i32>} : memref<16xf32, #tpu.memory_space<vmem>>, vector<16xf32>,
    tpu.vector_store %arg11[%swap3A], %scan3A_11 {strides = array<i32>} : memref<16xf32, #tpu.memory_space<vmem>>, vector<16xf32>,
    "tpu.region"() ({
      %run_scoped3A = tpu.sem_alloc : memref<!tpu.dma_semaphore, #tpu.memory_space<semaphore_mem>>
      %dma_start3A = arith.constant 0 : i32
      %dma_start3A_14 = tpu.memref_slice %arg6[%add3A, %dma_start3A] : memref<32x16xf32, #tpu.memory_space<hbm>> -> memref<1x16xf32, #tpu.memory_space<hbm>>
      %dma_start3A_15 = tpu.memref_squeeze %dma_start3A_14 : memref<1x16xf32, #tpu.memory_space<hbm>> -> memref<16xf32, #tpu.memory_space<hbm>>
      %dma_start3A_16 = arith.constant 0 : i32
      %dma_start3A_17 = tpu.memref_slice %arg6[%add3A, %dma_start3A_16] : memref<32x16xf32, #tpu.memory_space<hbm>> -> memref<1x16xf32, #tpu.memory_space<hbm>>
      %dma_start3A_18 = tpu.memref_squeeze %dma_start3A_17 : memref<1x16xf32, #tpu.memory_space<hbm>> -> memref<16xf32, #tpu.memory_space<hbm>>
      tpu.enqueue_dma source(%arg11 : memref<16xf32, #tpu.memory_space<vmem>>) target(%dma_start3A_18 : memref<16xf32, #tpu.memory_space<hbm>>) target_semaphore(%run_scoped3A : memref<!tpu.dma_semaphore, #tpu.memory_space<semaphore_mem>>)
      %dma_wait3A = arith.constant 0 : i32
      %dma_wait3A_19 = tpu.memref_slice %arg6[%add3A, %dma_wait3A] : memref<32x16xf32, #tpu.memory_space<hbm>> -> memref<1x16xf32, #tpu.memory_space<hbm>>
      %dma_wait3A_20 = tpu.memref_squeeze %dma_wait3A_19 : memref<1x16xf32, #tpu.memory_space<hbm>> -> memref<16xf32, #tpu.memory_space<hbm>>
      %dma_wait3A_21 = arith.constant 0 : i32
      %dma_wait3A_22 = tpu.memref_slice %arg6[%add3A, %dma_wait3A_21] : memref<32x16xf32, #tpu.memory_space<hbm>> -> memref<1x16xf32, #tpu.memory_space<hbm>>
      %dma_wait3A_23 = tpu.memref_squeeze %dma_wait3A_22 : memref<1x16xf32, #tpu.memory_space<hbm>> -> memref<16xf32, #tpu.memory_space<hbm>>
      tpu.wait_dma2 semaphore(%run_scoped3A : memref<!tpu.dma_semaphore, #tpu.memory_space<semaphore_mem>>) src(%arg11 : memref<16xf32, #tpu.memory_space<vmem>>) dst(%dma_wait3A_23 : memref<16xf32, #tpu.memory_space<hbm>>)
      tpu.yield
    }) : () -> ()
    return
  }
}

#map = affine_map<(d0, d1) -> (0, 0, 0)>
module attributes {stable_mosaic.version = 14 : i64} {
  func.func @_sc_gcn_body(%arg0: i32, %arg1: i32, %arg2: memref<2x10112x64xf32, #tpu.memory_space<hbm>>, %arg3: memref<16x158x128xi32, #tpu.memory_space<hbm>>, %arg4: memref<16x158x128xi32, #tpu.memory_space<hbm>>, %arg5: memref<2x10112x64xf32, #tpu.memory_space<hbm>>, %arg6: memref<160x128xi32, #tpu.memory_space<vmem>>, %arg7: memref<158x128xi32, #tpu.memory_space<vmem>>, %arg8: memref<128x64xf32, #tpu.memory_space<vmem>>, %arg9: memref<128x64xf32, #tpu.memory_space<vmem>>, %arg10: memref<79x64xf32, #tpu.memory_space<vmem>>, %arg11: memref<10112x64xf32, #tpu.memory_space<vmem_shared>>, %arg12: memref<!tpu.dma_semaphore, #tpu.memory_space<semaphore_mem>>, %arg13: memref<!tpu.dma_semaphore, #tpu.memory_space<semaphore_mem>>) attributes {dimension_semantics = [#tpu.dimension_semantics<core_parallel>, #tpu.dimension_semantics<subcore_parallel>], iteration_bounds = array<i64: 2, 16>, scalar_prefetch = 0 : i64, scratch_operands = 8 : i64, tpu.core_type = #tpu.core_type<sc_vector_subcore>, window_params = [{transform_indices = #map}, {transform_indices = #map}, {transform_indices = #map}, {transform_indices = #map}]} {
    %broadcast_in_dim3A = arith.constant 0.000000e+00 : f32
    %broadcast_in_dim3A_0 = vector.broadcast %broadcast_in_dim3A : f32 to vector<16xf32>
    %scan3A = arith.constant 0 : i32
    %scan3A_1 = arith.constant 0 : i32
    %scan3A_2 = arith.constant 79 : i32
    %scan3A_3 = arith.addi %scan3A_1, %scan3A_2 : i32
    %scan3A_4 = arith.constant 1 : i32
    %scan3A_5 = scf.for %scan3A_114 = %scan3A_1 to %scan3A_3 step %scan3A_4 iter_args(%scan3A_115 = %scan3A) -> (i32)  : i32 {
      %swap3A_116 = arith.index_cast %scan3A_114 : i32 to index
      %swap3A_117 = arith.constant 0 : index
      %swap3A_118 = tpu.vector_load %arg10[%swap3A_116, %swap3A_117] {strides = array<i32>} : memref<79x64xf32, #tpu.memory_space<vmem>>, vector<16xf32>,
      tpu.vector_store %arg10[%swap3A_116, %swap3A_117], %broadcast_in_dim3A_0 {strides = array<i32>} : memref<79x64xf32, #tpu.memory_space<vmem>>, vector<16xf32>,
      %swap3A_119 = arith.index_cast %scan3A_114 : i32 to index
      %swap3A_120 = arith.constant 16 : index
      %swap3A_121 = tpu.vector_load %arg10[%swap3A_119, %swap3A_120] {strides = array<i32>} : memref<79x64xf32, #tpu.memory_space<vmem>>, vector<16xf32>,
      tpu.vector_store %arg10[%swap3A_119, %swap3A_120], %broadcast_in_dim3A_0 {strides = array<i32>} : memref<79x64xf32, #tpu.memory_space<vmem>>, vector<16xf32>,
      %swap3A_122 = arith.index_cast %scan3A_114 : i32 to index
      %swap3A_123 = arith.constant 32 : index
      %swap3A_124 = tpu.vector_load %arg10[%swap3A_122, %swap3A_123] {strides = array<i32>} : memref<79x64xf32, #tpu.memory_space<vmem>>, vector<16xf32>,
      tpu.vector_store %arg10[%swap3A_122, %swap3A_123], %broadcast_in_dim3A_0 {strides = array<i32>} : memref<79x64xf32, #tpu.memory_space<vmem>>, vector<16xf32>,
      %swap3A_125 = arith.index_cast %scan3A_114 : i32 to index
      %swap3A_126 = arith.constant 48 : index
      %swap3A_127 = tpu.vector_load %arg10[%swap3A_125, %swap3A_126] {strides = array<i32>} : memref<79x64xf32, #tpu.memory_space<vmem>>, vector<16xf32>,
      tpu.vector_store %arg10[%swap3A_125, %swap3A_126], %broadcast_in_dim3A_0 {strides = array<i32>} : memref<79x64xf32, #tpu.memory_space<vmem>>, vector<16xf32>,
      %scan3A_128 = arith.constant 0 : i32
      scf.yield %scan3A_128 : i32
    }
    %scan3A_6 = arith.constant 79 : i32
    %mul3A = arith.constant 632 : i32
    %mul3A_7 = arith.muli %arg1, %mul3A : i32
    %add3A = arith.constant 0 : i32
    %add3A_8 = arith.addi %mul3A_7, %add3A : i32
    "tpu.region"() ({
      %run_scoped3A = tpu.sem_alloc : memref<!tpu.dma_semaphore, #tpu.memory_space<semaphore_mem>>
      %dma_start3A = arith.constant 0 : i32
      %dma_start3A_114 = tpu.memref_slice %arg11[%add3A_8, %dma_start3A] : memref<10112x64xf32, #tpu.memory_space<vmem_shared>> -> memref<79x64xf32, #tpu.memory_space<vmem_shared>>
      %dma_start3A_115 = arith.constant 0 : i32
      %dma_start3A_116 = tpu.memref_slice %arg11[%add3A_8, %dma_start3A_115] : memref<10112x64xf32, #tpu.memory_space<vmem_shared>> -> memref<79x64xf32, #tpu.memory_space<vmem_shared>>
      tpu.enqueue_dma source(%arg10 : memref<79x64xf32, #tpu.memory_space<vmem>>) target(%dma_start3A_116 : memref<79x64xf32, #tpu.memory_space<vmem_shared>>) target_semaphore(%run_scoped3A : memref<!tpu.dma_semaphore, #tpu.memory_space<semaphore_mem>>)
      %dma_wait3A = arith.constant 0 : i32
      %dma_wait3A_117 = tpu.memref_slice %arg11[%add3A_8, %dma_wait3A] : memref<10112x64xf32, #tpu.memory_space<vmem_shared>> -> memref<79x64xf32, #tpu.memory_space<vmem_shared>>
      %dma_wait3A_118 = arith.constant 0 : i32
      %dma_wait3A_119 = tpu.memref_slice %arg11[%add3A_8, %dma_wait3A_118] : memref<10112x64xf32, #tpu.memory_space<vmem_shared>> -> memref<79x64xf32, #tpu.memory_space<vmem_shared>>
      tpu.wait_dma2 semaphore(%run_scoped3A : memref<!tpu.dma_semaphore, #tpu.memory_space<semaphore_mem>>) src(%arg10 : memref<79x64xf32, #tpu.memory_space<vmem>>) dst(%dma_wait3A_119 : memref<79x64xf32, #tpu.memory_space<vmem_shared>>)
      tpu.yield
    }) : () -> ()
    %mul3A_9 = arith.constant 632 : i32
    %mul3A_10 = arith.muli %arg1, %mul3A_9 : i32
    %add3A_11 = arith.constant 79 : i32
    %add3A_12 = arith.addi %mul3A_10, %add3A_11 : i32
    "tpu.region"() ({
      %run_scoped3A = tpu.sem_alloc : memref<!tpu.dma_semaphore, #tpu.memory_space<semaphore_mem>>
      %dma_start3A = arith.constant 0 : i32
      %dma_start3A_114 = tpu.memref_slice %arg11[%add3A_12, %dma_start3A] : memref<10112x64xf32, #tpu.memory_space<vmem_shared>> -> memref<79x64xf32, #tpu.memory_space<vmem_shared>>
      %dma_start3A_115 = arith.constant 0 : i32
      %dma_start3A_116 = tpu.memref_slice %arg11[%add3A_12, %dma_start3A_115] : memref<10112x64xf32, #tpu.memory_space<vmem_shared>> -> memref<79x64xf32, #tpu.memory_space<vmem_shared>>
      tpu.enqueue_dma source(%arg10 : memref<79x64xf32, #tpu.memory_space<vmem>>) target(%dma_start3A_116 : memref<79x64xf32, #tpu.memory_space<vmem_shared>>) target_semaphore(%run_scoped3A : memref<!tpu.dma_semaphore, #tpu.memory_space<semaphore_mem>>)
      %dma_wait3A = arith.constant 0 : i32
      %dma_wait3A_117 = tpu.memref_slice %arg11[%add3A_12, %dma_wait3A] : memref<10112x64xf32, #tpu.memory_space<vmem_shared>> -> memref<79x64xf32, #tpu.memory_space<vmem_shared>>
      %dma_wait3A_118 = arith.constant 0 : i32
      %dma_wait3A_119 = tpu.memref_slice %arg11[%add3A_12, %dma_wait3A_118] : memref<10112x64xf32, #tpu.memory_space<vmem_shared>> -> memref<79x64xf32, #tpu.memory_space<vmem_shared>>
      tpu.wait_dma2 semaphore(%run_scoped3A : memref<!tpu.dma_semaphore, #tpu.memory_space<semaphore_mem>>) src(%arg10 : memref<79x64xf32, #tpu.memory_space<vmem>>) dst(%dma_wait3A_119 : memref<79x64xf32, #tpu.memory_space<vmem_shared>>)
      tpu.yield
    }) : () -> ()
    %mul3A_13 = arith.constant 632 : i32
    %mul3A_14 = arith.muli %arg1, %mul3A_13 : i32
    %add3A_15 = arith.constant 158 : i32
    %add3A_16 = arith.addi %mul3A_14, %add3A_15 : i32
    "tpu.region"() ({
      %run_scoped3A = tpu.sem_alloc : memref<!tpu.dma_semaphore, #tpu.memory_space<semaphore_mem>>
      %dma_start3A = arith.constant 0 : i32
      %dma_start3A_114 = tpu.memref_slice %arg11[%add3A_16, %dma_start3A] : memref<10112x64xf32, #tpu.memory_space<vmem_shared>> -> memref<79x64xf32, #tpu.memory_space<vmem_shared>>
      %dma_start3A_115 = arith.constant 0 : i32
      %dma_start3A_116 = tpu.memref_slice %arg11[%add3A_16, %dma_start3A_115] : memref<10112x64xf32, #tpu.memory_space<vmem_shared>> -> memref<79x64xf32, #tpu.memory_space<vmem_shared>>
      tpu.enqueue_dma source(%arg10 : memref<79x64xf32, #tpu.memory_space<vmem>>) target(%dma_start3A_116 : memref<79x64xf32, #tpu.memory_space<vmem_shared>>) target_semaphore(%run_scoped3A : memref<!tpu.dma_semaphore, #tpu.memory_space<semaphore_mem>>)
      %dma_wait3A = arith.constant 0 : i32
      %dma_wait3A_117 = tpu.memref_slice %arg11[%add3A_16, %dma_wait3A] : memref<10112x64xf32, #tpu.memory_space<vmem_shared>> -> memref<79x64xf32, #tpu.memory_space<vmem_shared>>
      %dma_wait3A_118 = arith.constant 0 : i32
      %dma_wait3A_119 = tpu.memref_slice %arg11[%add3A_16, %dma_wait3A_118] : memref<10112x64xf32, #tpu.memory_space<vmem_shared>> -> memref<79x64xf32, #tpu.memory_space<vmem_shared>>
      tpu.wait_dma2 semaphore(%run_scoped3A : memref<!tpu.dma_semaphore, #tpu.memory_space<semaphore_mem>>) src(%arg10 : memref<79x64xf32, #tpu.memory_space<vmem>>) dst(%dma_wait3A_119 : memref<79x64xf32, #tpu.memory_space<vmem_shared>>)
      tpu.yield
    }) : () -> ()
    %mul3A_17 = arith.constant 632 : i32
    %mul3A_18 = arith.muli %arg1, %mul3A_17 : i32
    %add3A_19 = arith.constant 237 : i32
    %add3A_20 = arith.addi %mul3A_18, %add3A_19 : i32
    "tpu.region"() ({
      %run_scoped3A = tpu.sem_alloc : memref<!tpu.dma_semaphore, #tpu.memory_space<semaphore_mem>>
      %dma_start3A = arith.constant 0 : i32
      %dma_start3A_114 = tpu.memref_slice %arg11[%add3A_20, %dma_start3A] : memref<10112x64xf32, #tpu.memory_space<vmem_shared>> -> memref<79x64xf32, #tpu.memory_space<vmem_shared>>
      %dma_start3A_115 = arith.constant 0 : i32
      %dma_start3A_116 = tpu.memref_slice %arg11[%add3A_20, %dma_start3A_115] : memref<10112x64xf32, #tpu.memory_space<vmem_shared>> -> memref<79x64xf32, #tpu.memory_space<vmem_shared>>
      tpu.enqueue_dma source(%arg10 : memref<79x64xf32, #tpu.memory_space<vmem>>) target(%dma_start3A_116 : memref<79x64xf32, #tpu.memory_space<vmem_shared>>) target_semaphore(%run_scoped3A : memref<!tpu.dma_semaphore, #tpu.memory_space<semaphore_mem>>)
      %dma_wait3A = arith.constant 0 : i32
      %dma_wait3A_117 = tpu.memref_slice %arg11[%add3A_20, %dma_wait3A] : memref<10112x64xf32, #tpu.memory_space<vmem_shared>> -> memref<79x64xf32, #tpu.memory_space<vmem_shared>>
      %dma_wait3A_118 = arith.constant 0 : i32
      %dma_wait3A_119 = tpu.memref_slice %arg11[%add3A_20, %dma_wait3A_118] : memref<10112x64xf32, #tpu.memory_space<vmem_shared>> -> memref<79x64xf32, #tpu.memory_space<vmem_shared>>
      tpu.wait_dma2 semaphore(%run_scoped3A : memref<!tpu.dma_semaphore, #tpu.memory_space<semaphore_mem>>) src(%arg10 : memref<79x64xf32, #tpu.memory_space<vmem>>) dst(%dma_wait3A_119 : memref<79x64xf32, #tpu.memory_space<vmem_shared>>)
      tpu.yield
    }) : () -> ()
    %mul3A_21 = arith.constant 632 : i32
    %mul3A_22 = arith.muli %arg1, %mul3A_21 : i32
    %add3A_23 = arith.constant 316 : i32
    %add3A_24 = arith.addi %mul3A_22, %add3A_23 : i32
    "tpu.region"() ({
      %run_scoped3A = tpu.sem_alloc : memref<!tpu.dma_semaphore, #tpu.memory_space<semaphore_mem>>
      %dma_start3A = arith.constant 0 : i32
      %dma_start3A_114 = tpu.memref_slice %arg11[%add3A_24, %dma_start3A] : memref<10112x64xf32, #tpu.memory_space<vmem_shared>> -> memref<79x64xf32, #tpu.memory_space<vmem_shared>>
      %dma_start3A_115 = arith.constant 0 : i32
      %dma_start3A_116 = tpu.memref_slice %arg11[%add3A_24, %dma_start3A_115] : memref<10112x64xf32, #tpu.memory_space<vmem_shared>> -> memref<79x64xf32, #tpu.memory_space<vmem_shared>>
      tpu.enqueue_dma source(%arg10 : memref<79x64xf32, #tpu.memory_space<vmem>>) target(%dma_start3A_116 : memref<79x64xf32, #tpu.memory_space<vmem_shared>>) target_semaphore(%run_scoped3A : memref<!tpu.dma_semaphore, #tpu.memory_space<semaphore_mem>>)
      %dma_wait3A = arith.constant 0 : i32
      %dma_wait3A_117 = tpu.memref_slice %arg11[%add3A_24, %dma_wait3A] : memref<10112x64xf32, #tpu.memory_space<vmem_shared>> -> memref<79x64xf32, #tpu.memory_space<vmem_shared>>
      %dma_wait3A_118 = arith.constant 0 : i32
      %dma_wait3A_119 = tpu.memref_slice %arg11[%add3A_24, %dma_wait3A_118] : memref<10112x64xf32, #tpu.memory_space<vmem_shared>> -> memref<79x64xf32, #tpu.memory_space<vmem_shared>>
      tpu.wait_dma2 semaphore(%run_scoped3A : memref<!tpu.dma_semaphore, #tpu.memory_space<semaphore_mem>>) src(%arg10 : memref<79x64xf32, #tpu.memory_space<vmem>>) dst(%dma_wait3A_119 : memref<79x64xf32, #tpu.memory_space<vmem_shared>>)
      tpu.yield
    }) : () -> ()
    %mul3A_25 = arith.constant 632 : i32
    %mul3A_26 = arith.muli %arg1, %mul3A_25 : i32
    %add3A_27 = arith.constant 395 : i32
    %add3A_28 = arith.addi %mul3A_26, %add3A_27 : i32
    "tpu.region"() ({
      %run_scoped3A = tpu.sem_alloc : memref<!tpu.dma_semaphore, #tpu.memory_space<semaphore_mem>>
      %dma_start3A = arith.constant 0 : i32
      %dma_start3A_114 = tpu.memref_slice %arg11[%add3A_28, %dma_start3A] : memref<10112x64xf32, #tpu.memory_space<vmem_shared>> -> memref<79x64xf32, #tpu.memory_space<vmem_shared>>
      %dma_start3A_115 = arith.constant 0 : i32
      %dma_start3A_116 = tpu.memref_slice %arg11[%add3A_28, %dma_start3A_115] : memref<10112x64xf32, #tpu.memory_space<vmem_shared>> -> memref<79x64xf32, #tpu.memory_space<vmem_shared>>
      tpu.enqueue_dma source(%arg10 : memref<79x64xf32, #tpu.memory_space<vmem>>) target(%dma_start3A_116 : memref<79x64xf32, #tpu.memory_space<vmem_shared>>) target_semaphore(%run_scoped3A : memref<!tpu.dma_semaphore, #tpu.memory_space<semaphore_mem>>)
      %dma_wait3A = arith.constant 0 : i32
      %dma_wait3A_117 = tpu.memref_slice %arg11[%add3A_28, %dma_wait3A] : memref<10112x64xf32, #tpu.memory_space<vmem_shared>> -> memref<79x64xf32, #tpu.memory_space<vmem_shared>>
      %dma_wait3A_118 = arith.constant 0 : i32
      %dma_wait3A_119 = tpu.memref_slice %arg11[%add3A_28, %dma_wait3A_118] : memref<10112x64xf32, #tpu.memory_space<vmem_shared>> -> memref<79x64xf32, #tpu.memory_space<vmem_shared>>
      tpu.wait_dma2 semaphore(%run_scoped3A : memref<!tpu.dma_semaphore, #tpu.memory_space<semaphore_mem>>) src(%arg10 : memref<79x64xf32, #tpu.memory_space<vmem>>) dst(%dma_wait3A_119 : memref<79x64xf32, #tpu.memory_space<vmem_shared>>)
      tpu.yield
    }) : () -> ()
    %mul3A_29 = arith.constant 632 : i32
    %mul3A_30 = arith.muli %arg1, %mul3A_29 : i32
    %add3A_31 = arith.constant 474 : i32
    %add3A_32 = arith.addi %mul3A_30, %add3A_31 : i32
    "tpu.region"() ({
      %run_scoped3A = tpu.sem_alloc : memref<!tpu.dma_semaphore, #tpu.memory_space<semaphore_mem>>
      %dma_start3A = arith.constant 0 : i32
      %dma_start3A_114 = tpu.memref_slice %arg11[%add3A_32, %dma_start3A] : memref<10112x64xf32, #tpu.memory_space<vmem_shared>> -> memref<79x64xf32, #tpu.memory_space<vmem_shared>>
      %dma_start3A_115 = arith.constant 0 : i32
      %dma_start3A_116 = tpu.memref_slice %arg11[%add3A_32, %dma_start3A_115] : memref<10112x64xf32, #tpu.memory_space<vmem_shared>> -> memref<79x64xf32, #tpu.memory_space<vmem_shared>>
      tpu.enqueue_dma source(%arg10 : memref<79x64xf32, #tpu.memory_space<vmem>>) target(%dma_start3A_116 : memref<79x64xf32, #tpu.memory_space<vmem_shared>>) target_semaphore(%run_scoped3A : memref<!tpu.dma_semaphore, #tpu.memory_space<semaphore_mem>>)
      %dma_wait3A = arith.constant 0 : i32
      %dma_wait3A_117 = tpu.memref_slice %arg11[%add3A_32, %dma_wait3A] : memref<10112x64xf32, #tpu.memory_space<vmem_shared>> -> memref<79x64xf32, #tpu.memory_space<vmem_shared>>
      %dma_wait3A_118 = arith.constant 0 : i32
      %dma_wait3A_119 = tpu.memref_slice %arg11[%add3A_32, %dma_wait3A_118] : memref<10112x64xf32, #tpu.memory_space<vmem_shared>> -> memref<79x64xf32, #tpu.memory_space<vmem_shared>>
      tpu.wait_dma2 semaphore(%run_scoped3A : memref<!tpu.dma_semaphore, #tpu.memory_space<semaphore_mem>>) src(%arg10 : memref<79x64xf32, #tpu.memory_space<vmem>>) dst(%dma_wait3A_119 : memref<79x64xf32, #tpu.memory_space<vmem_shared>>)
      tpu.yield
    }) : () -> ()
    %mul3A_33 = arith.constant 632 : i32
    %mul3A_34 = arith.muli %arg1, %mul3A_33 : i32
    %add3A_35 = arith.constant 553 : i32
    %add3A_36 = arith.addi %mul3A_34, %add3A_35 : i32
    "tpu.region"() ({
      %run_scoped3A = tpu.sem_alloc : memref<!tpu.dma_semaphore, #tpu.memory_space<semaphore_mem>>
      %dma_start3A = arith.constant 0 : i32
      %dma_start3A_114 = tpu.memref_slice %arg11[%add3A_36, %dma_start3A] : memref<10112x64xf32, #tpu.memory_space<vmem_shared>> -> memref<79x64xf32, #tpu.memory_space<vmem_shared>>
      %dma_start3A_115 = arith.constant 0 : i32
      %dma_start3A_116 = tpu.memref_slice %arg11[%add3A_36, %dma_start3A_115] : memref<10112x64xf32, #tpu.memory_space<vmem_shared>> -> memref<79x64xf32, #tpu.memory_space<vmem_shared>>
      tpu.enqueue_dma source(%arg10 : memref<79x64xf32, #tpu.memory_space<vmem>>) target(%dma_start3A_116 : memref<79x64xf32, #tpu.memory_space<vmem_shared>>) target_semaphore(%run_scoped3A : memref<!tpu.dma_semaphore, #tpu.memory_space<semaphore_mem>>)
      %dma_wait3A = arith.constant 0 : i32
      %dma_wait3A_117 = tpu.memref_slice %arg11[%add3A_36, %dma_wait3A] : memref<10112x64xf32, #tpu.memory_space<vmem_shared>> -> memref<79x64xf32, #tpu.memory_space<vmem_shared>>
      %dma_wait3A_118 = arith.constant 0 : i32
      %dma_wait3A_119 = tpu.memref_slice %arg11[%add3A_36, %dma_wait3A_118] : memref<10112x64xf32, #tpu.memory_space<vmem_shared>> -> memref<79x64xf32, #tpu.memory_space<vmem_shared>>
      tpu.wait_dma2 semaphore(%run_scoped3A : memref<!tpu.dma_semaphore, #tpu.memory_space<semaphore_mem>>) src(%arg10 : memref<79x64xf32, #tpu.memory_space<vmem>>) dst(%dma_wait3A_119 : memref<79x64xf32, #tpu.memory_space<vmem_shared>>)
      tpu.yield
    }) : () -> ()
    "tpu.region"() ({
      %run_scoped3A = tpu.sem_alloc : memref<!tpu.dma_semaphore, #tpu.memory_space<semaphore_mem>>
      %dma_start3A = arith.constant 0 : i32
      %dma_start3A_114 = arith.constant 0 : i32
      %dma_start3A_115 = tpu.memref_slice %arg6[%dma_start3A, %dma_start3A_114] : memref<160x128xi32, #tpu.memory_space<vmem>> -> memref<158x128xi32, #tpu.memory_space<vmem>>
      %dma_start3A_116 = arith.constant 0 : i32
      %dma_start3A_117 = arith.constant 0 : i32
      %dma_start3A_118 = tpu.memref_slice %arg3[%arg1, %dma_start3A_116, %dma_start3A_117] : memref<16x158x128xi32, #tpu.memory_space<hbm>> -> memref<1x158x128xi32, #tpu.memory_space<hbm>>
      %dma_start3A_119 = tpu.memref_squeeze %dma_start3A_118 : memref<1x158x128xi32, #tpu.memory_space<hbm>> -> memref<158x128xi32, #tpu.memory_space<hbm>>
      %dma_start3A_120 = arith.constant 0 : i32
      %dma_start3A_121 = arith.constant 0 : i32
      %dma_start3A_122 = tpu.memref_slice %arg6[%dma_start3A_120, %dma_start3A_121] : memref<160x128xi32, #tpu.memory_space<vmem>> -> memref<158x128xi32, #tpu.memory_space<vmem>>
      %dma_start3A_123 = arith.constant 0 : i32
      %dma_start3A_124 = arith.constant 0 : i32
      %dma_start3A_125 = tpu.memref_slice %arg3[%arg1, %dma_start3A_123, %dma_start3A_124] : memref<16x158x128xi32, #tpu.memory_space<hbm>> -> memref<1x158x128xi32, #tpu.memory_space<hbm>>
      %dma_start3A_126 = tpu.memref_squeeze %dma_start3A_125 : memref<1x158x128xi32, #tpu.memory_space<hbm>> -> memref<158x128xi32, #tpu.memory_space<hbm>>
      tpu.enqueue_dma source(%dma_start3A_126 : memref<158x128xi32, #tpu.memory_space<hbm>>) target(%dma_start3A_122 : memref<158x128xi32, #tpu.memory_space<vmem>>) target_semaphore(%run_scoped3A : memref<!tpu.dma_semaphore, #tpu.memory_space<semaphore_mem>>)
      %dma_wait3A = arith.constant 0 : i32
      %dma_wait3A_127 = arith.constant 0 : i32
      %dma_wait3A_128 = tpu.memref_slice %arg6[%dma_wait3A, %dma_wait3A_127] : memref<160x128xi32, #tpu.memory_space<vmem>> -> memref<158x128xi32, #tpu.memory_space<vmem>>
      %dma_wait3A_129 = arith.constant 0 : i32
      %dma_wait3A_130 = arith.constant 0 : i32
      %dma_wait3A_131 = tpu.memref_slice %arg3[%arg1, %dma_wait3A_129, %dma_wait3A_130] : memref<16x158x128xi32, #tpu.memory_space<hbm>> -> memref<1x158x128xi32, #tpu.memory_space<hbm>>
      %dma_wait3A_132 = tpu.memref_squeeze %dma_wait3A_131 : memref<1x158x128xi32, #tpu.memory_space<hbm>> -> memref<158x128xi32, #tpu.memory_space<hbm>>
      %dma_wait3A_133 = arith.constant 0 : i32
      %dma_wait3A_134 = arith.constant 0 : i32
      %dma_wait3A_135 = tpu.memref_slice %arg6[%dma_wait3A_133, %dma_wait3A_134] : memref<160x128xi32, #tpu.memory_space<vmem>> -> memref<158x128xi32, #tpu.memory_space<vmem>>
      %dma_wait3A_136 = arith.constant 0 : i32
      %dma_wait3A_137 = arith.constant 0 : i32
      %dma_wait3A_138 = tpu.memref_slice %arg3[%arg1, %dma_wait3A_136, %dma_wait3A_137] : memref<16x158x128xi32, #tpu.memory_space<hbm>> -> memref<1x158x128xi32, #tpu.memory_space<hbm>>
      %dma_wait3A_139 = tpu.memref_squeeze %dma_wait3A_138 : memref<1x158x128xi32, #tpu.memory_space<hbm>> -> memref<158x128xi32, #tpu.memory_space<hbm>>
      tpu.wait_dma2 semaphore(%run_scoped3A : memref<!tpu.dma_semaphore, #tpu.memory_space<semaphore_mem>>) src(%dma_wait3A_139 : memref<158x128xi32, #tpu.memory_space<hbm>>) dst(%dma_wait3A_135 : memref<158x128xi32, #tpu.memory_space<vmem>>)
      tpu.yield
    }) : () -> ()
    "tpu.region"() ({
      %run_scoped3A = tpu.sem_alloc : memref<!tpu.dma_semaphore, #tpu.memory_space<semaphore_mem>>
      %dma_start3A = arith.constant 0 : i32
      %dma_start3A_114 = arith.constant 0 : i32
      %dma_start3A_115 = tpu.memref_slice %arg4[%arg1, %dma_start3A, %dma_start3A_114] : memref<16x158x128xi32, #tpu.memory_space<hbm>> -> memref<1x158x128xi32, #tpu.memory_space<hbm>>
      %dma_start3A_116 = tpu.memref_squeeze %dma_start3A_115 : memref<1x158x128xi32, #tpu.memory_space<hbm>> -> memref<158x128xi32, #tpu.memory_space<hbm>>
      %dma_start3A_117 = arith.constant 0 : i32
      %dma_start3A_118 = arith.constant 0 : i32
      %dma_start3A_119 = tpu.memref_slice %arg4[%arg1, %dma_start3A_117, %dma_start3A_118] : memref<16x158x128xi32, #tpu.memory_space<hbm>> -> memref<1x158x128xi32, #tpu.memory_space<hbm>>
      %dma_start3A_120 = tpu.memref_squeeze %dma_start3A_119 : memref<1x158x128xi32, #tpu.memory_space<hbm>> -> memref<158x128xi32, #tpu.memory_space<hbm>>
      tpu.enqueue_dma source(%dma_start3A_120 : memref<158x128xi32, #tpu.memory_space<hbm>>) target(%arg7 : memref<158x128xi32, #tpu.memory_space<vmem>>) target_semaphore(%run_scoped3A : memref<!tpu.dma_semaphore, #tpu.memory_space<semaphore_mem>>)
      %dma_wait3A = arith.constant 0 : i32
      %dma_wait3A_121 = arith.constant 0 : i32
      %dma_wait3A_122 = tpu.memref_slice %arg4[%arg1, %dma_wait3A, %dma_wait3A_121] : memref<16x158x128xi32, #tpu.memory_space<hbm>> -> memref<1x158x128xi32, #tpu.memory_space<hbm>>
      %dma_wait3A_123 = tpu.memref_squeeze %dma_wait3A_122 : memref<1x158x128xi32, #tpu.memory_space<hbm>> -> memref<158x128xi32, #tpu.memory_space<hbm>>
      %dma_wait3A_124 = arith.constant 0 : i32
      %dma_wait3A_125 = arith.constant 0 : i32
      %dma_wait3A_126 = tpu.memref_slice %arg4[%arg1, %dma_wait3A_124, %dma_wait3A_125] : memref<16x158x128xi32, #tpu.memory_space<hbm>> -> memref<1x158x128xi32, #tpu.memory_space<hbm>>
      %dma_wait3A_127 = tpu.memref_squeeze %dma_wait3A_126 : memref<1x158x128xi32, #tpu.memory_space<hbm>> -> memref<158x128xi32, #tpu.memory_space<hbm>>
      tpu.wait_dma2 semaphore(%run_scoped3A : memref<!tpu.dma_semaphore, #tpu.memory_space<semaphore_mem>>) src(%dma_wait3A_127 : memref<158x128xi32, #tpu.memory_space<hbm>>) dst(%arg7 : memref<158x128xi32, #tpu.memory_space<vmem>>)
      tpu.yield
    }) : () -> ()
    %broadcast_in_dim3A_37 = arith.constant 10000 : i32
    %broadcast_in_dim3A_38 = vector.broadcast %broadcast_in_dim3A_37 : i32 to vector<16xi32>
    %swap3A = arith.constant 158 : i32
    %swap3A_39 = arith.index_cast %swap3A : i32 to index
    %swap3A_40 = arith.constant 0 : index
    %swap3A_41 = tpu.vector_load %arg6[%swap3A_39, %swap3A_40] {strides = array<i32>} : memref<160x128xi32, #tpu.memory_space<vmem>>, vector<16xi32>,
    tpu.vector_store %arg6[%swap3A_39, %swap3A_40], %broadcast_in_dim3A_38 {strides = array<i32>} : memref<160x128xi32, #tpu.memory_space<vmem>>, vector<16xi32>,
    %swap3A_42 = arith.constant 158 : i32
    %swap3A_43 = arith.index_cast %swap3A_42 : i32 to index
    %swap3A_44 = arith.constant 16 : index
    %swap3A_45 = tpu.vector_load %arg6[%swap3A_43, %swap3A_44] {strides = array<i32>} : memref<160x128xi32, #tpu.memory_space<vmem>>, vector<16xi32>,
    tpu.vector_store %arg6[%swap3A_43, %swap3A_44], %broadcast_in_dim3A_38 {strides = array<i32>} : memref<160x128xi32, #tpu.memory_space<vmem>>, vector<16xi32>,
    %swap3A_46 = arith.constant 158 : i32
    %swap3A_47 = arith.index_cast %swap3A_46 : i32 to index
    %swap3A_48 = arith.constant 32 : index
    %swap3A_49 = tpu.vector_load %arg6[%swap3A_47, %swap3A_48] {strides = array<i32>} : memref<160x128xi32, #tpu.memory_space<vmem>>, vector<16xi32>,
    tpu.vector_store %arg6[%swap3A_47, %swap3A_48], %broadcast_in_dim3A_38 {strides = array<i32>} : memref<160x128xi32, #tpu.memory_space<vmem>>, vector<16xi32>,
    %swap3A_50 = arith.constant 158 : i32
    %swap3A_51 = arith.index_cast %swap3A_50 : i32 to index
    %swap3A_52 = arith.constant 48 : index
    %swap3A_53 = tpu.vector_load %arg6[%swap3A_51, %swap3A_52] {strides = array<i32>} : memref<160x128xi32, #tpu.memory_space<vmem>>, vector<16xi32>,
    tpu.vector_store %arg6[%swap3A_51, %swap3A_52], %broadcast_in_dim3A_38 {strides = array<i32>} : memref<160x128xi32, #tpu.memory_space<vmem>>, vector<16xi32>,
    %swap3A_54 = arith.constant 158 : i32
    %swap3A_55 = arith.index_cast %swap3A_54 : i32 to index
    %swap3A_56 = arith.constant 64 : index
    %swap3A_57 = tpu.vector_load %arg6[%swap3A_55, %swap3A_56] {strides = array<i32>} : memref<160x128xi32, #tpu.memory_space<vmem>>, vector<16xi32>,
    tpu.vector_store %arg6[%swap3A_55, %swap3A_56], %broadcast_in_dim3A_38 {strides = array<i32>} : memref<160x128xi32, #tpu.memory_space<vmem>>, vector<16xi32>,
    %swap3A_58 = arith.constant 158 : i32
    %swap3A_59 = arith.index_cast %swap3A_58 : i32 to index
    %swap3A_60 = arith.constant 80 : index
    %swap3A_61 = tpu.vector_load %arg6[%swap3A_59, %swap3A_60] {strides = array<i32>} : memref<160x128xi32, #tpu.memory_space<vmem>>, vector<16xi32>,
    tpu.vector_store %arg6[%swap3A_59, %swap3A_60], %broadcast_in_dim3A_38 {strides = array<i32>} : memref<160x128xi32, #tpu.memory_space<vmem>>, vector<16xi32>,
    %swap3A_62 = arith.constant 158 : i32
    %swap3A_63 = arith.index_cast %swap3A_62 : i32 to index
    %swap3A_64 = arith.constant 96 : index
    %swap3A_65 = tpu.vector_load %arg6[%swap3A_63, %swap3A_64] {strides = array<i32>} : memref<160x128xi32, #tpu.memory_space<vmem>>, vector<16xi32>,
    tpu.vector_store %arg6[%swap3A_63, %swap3A_64], %broadcast_in_dim3A_38 {strides = array<i32>} : memref<160x128xi32, #tpu.memory_space<vmem>>, vector<16xi32>,
    %swap3A_66 = arith.constant 158 : i32
    %swap3A_67 = arith.index_cast %swap3A_66 : i32 to index
    %swap3A_68 = arith.constant 112 : index
    %swap3A_69 = tpu.vector_load %arg6[%swap3A_67, %swap3A_68] {strides = array<i32>} : memref<160x128xi32, #tpu.memory_space<vmem>>, vector<16xi32>,
    tpu.vector_store %arg6[%swap3A_67, %swap3A_68], %broadcast_in_dim3A_38 {strides = array<i32>} : memref<160x128xi32, #tpu.memory_space<vmem>>, vector<16xi32>,
    %swap3A_70 = arith.constant 159 : i32
    %swap3A_71 = arith.index_cast %swap3A_70 : i32 to index
    %swap3A_72 = arith.constant 0 : index
    %swap3A_73 = tpu.vector_load %arg6[%swap3A_71, %swap3A_72] {strides = array<i32>} : memref<160x128xi32, #tpu.memory_space<vmem>>, vector<16xi32>,
    tpu.vector_store %arg6[%swap3A_71, %swap3A_72], %broadcast_in_dim3A_38 {strides = array<i32>} : memref<160x128xi32, #tpu.memory_space<vmem>>, vector<16xi32>,
    %swap3A_74 = arith.constant 159 : i32
    %swap3A_75 = arith.index_cast %swap3A_74 : i32 to index
    %swap3A_76 = arith.constant 16 : index
    %swap3A_77 = tpu.vector_load %arg6[%swap3A_75, %swap3A_76] {strides = array<i32>} : memref<160x128xi32, #tpu.memory_space<vmem>>, vector<16xi32>,
    tpu.vector_store %arg6[%swap3A_75, %swap3A_76], %broadcast_in_dim3A_38 {strides = array<i32>} : memref<160x128xi32, #tpu.memory_space<vmem>>, vector<16xi32>,
    %swap3A_78 = arith.constant 159 : i32
    %swap3A_79 = arith.index_cast %swap3A_78 : i32 to index
    %swap3A_80 = arith.constant 32 : index
    %swap3A_81 = tpu.vector_load %arg6[%swap3A_79, %swap3A_80] {strides = array<i32>} : memref<160x128xi32, #tpu.memory_space<vmem>>, vector<16xi32>,
    tpu.vector_store %arg6[%swap3A_79, %swap3A_80], %broadcast_in_dim3A_38 {strides = array<i32>} : memref<160x128xi32, #tpu.memory_space<vmem>>, vector<16xi32>,
    %swap3A_82 = arith.constant 159 : i32
    %swap3A_83 = arith.index_cast %swap3A_82 : i32 to index
    %swap3A_84 = arith.constant 48 : index
    %swap3A_85 = tpu.vector_load %arg6[%swap3A_83, %swap3A_84] {strides = array<i32>} : memref<160x128xi32, #tpu.memory_space<vmem>>, vector<16xi32>,
    tpu.vector_store %arg6[%swap3A_83, %swap3A_84], %broadcast_in_dim3A_38 {strides = array<i32>} : memref<160x128xi32, #tpu.memory_space<vmem>>, vector<16xi32>,
    %swap3A_86 = arith.constant 159 : i32
    %swap3A_87 = arith.index_cast %swap3A_86 : i32 to index
    %swap3A_88 = arith.constant 64 : index
    %swap3A_89 = tpu.vector_load %arg6[%swap3A_87, %swap3A_88] {strides = array<i32>} : memref<160x128xi32, #tpu.memory_space<vmem>>, vector<16xi32>,
    tpu.vector_store %arg6[%swap3A_87, %swap3A_88], %broadcast_in_dim3A_38 {strides = array<i32>} : memref<160x128xi32, #tpu.memory_space<vmem>>, vector<16xi32>,
    %swap3A_90 = arith.constant 159 : i32
    %swap3A_91 = arith.index_cast %swap3A_90 : i32 to index
    %swap3A_92 = arith.constant 80 : index
    %swap3A_93 = tpu.vector_load %arg6[%swap3A_91, %swap3A_92] {strides = array<i32>} : memref<160x128xi32, #tpu.memory_space<vmem>>, vector<16xi32>,
    tpu.vector_store %arg6[%swap3A_91, %swap3A_92], %broadcast_in_dim3A_38 {strides = array<i32>} : memref<160x128xi32, #tpu.memory_space<vmem>>, vector<16xi32>,
    %swap3A_94 = arith.constant 159 : i32
    %swap3A_95 = arith.index_cast %swap3A_94 : i32 to index
    %swap3A_96 = arith.constant 96 : index
    %swap3A_97 = tpu.vector_load %arg6[%swap3A_95, %swap3A_96] {strides = array<i32>} : memref<160x128xi32, #tpu.memory_space<vmem>>, vector<16xi32>,
    tpu.vector_store %arg6[%swap3A_95, %swap3A_96], %broadcast_in_dim3A_38 {strides = array<i32>} : memref<160x128xi32, #tpu.memory_space<vmem>>, vector<16xi32>,
    %swap3A_98 = arith.constant 159 : i32
    %swap3A_99 = arith.index_cast %swap3A_98 : i32 to index
    %swap3A_100 = arith.constant 112 : index
    %swap3A_101 = tpu.vector_load %arg6[%swap3A_99, %swap3A_100] {strides = array<i32>} : memref<160x128xi32, #tpu.memory_space<vmem>>, vector<16xi32>,
    tpu.vector_store %arg6[%swap3A_99, %swap3A_100], %broadcast_in_dim3A_38 {strides = array<i32>} : memref<160x128xi32, #tpu.memory_space<vmem>>, vector<16xi32>,
    %barrier3A = arith.constant 0 : index
    tpu.barrier barrier_id(%barrier3A)
    %scan3A_102 = arith.constant 0 : i32
    %scan3A_103 = arith.constant 0 : i32
    %scan3A_104 = arith.constant 158 : i32
    %scan3A_105 = arith.addi %scan3A_103, %scan3A_104 : i32
    %scan3A_106 = arith.constant 1 : i32
    %scan3A_107 = scf.for %scan3A_114 = %scan3A_103 to %scan3A_105 step %scan3A_106 iter_args(%scan3A_115 = %scan3A_102) -> (i32)  : i32 {
      %dma_start3A = arith.constant 0 : i32
      %dma_start3A_116 = tpu.memref_slice %arg6[%scan3A_114, %dma_start3A] : memref<160x128xi32, #tpu.memory_space<vmem>> -> memref<1x128xi32, #tpu.memory_space<vmem>>
      %dma_start3A_117 = tpu.memref_squeeze %dma_start3A_116 : memref<1x128xi32, #tpu.memory_space<vmem>> -> memref<128xi32, #tpu.memory_space<vmem>>
      %dma_start3A_118 = arith.constant 0 : i32
      %dma_start3A_119 = arith.constant 0 : i32
      %dma_start3A_120 = tpu.memref_slice %arg2[%arg0, %dma_start3A_118, %dma_start3A_119] : memref<2x10112x64xf32, #tpu.memory_space<hbm>> -> memref<1x10112x64xf32, #tpu.memory_space<hbm>>
      %dma_start3A_121 = tpu.memref_squeeze %dma_start3A_120 : memref<1x10112x64xf32, #tpu.memory_space<hbm>> -> memref<10112x64xf32, #tpu.memory_space<hbm>>
      %dma_start3A_122 = arith.constant 0 : i32
      %dma_start3A_123 = arith.constant 0 : i32
      %dma_start3A_124 = tpu.memref_slice %dma_start3A_121[%dma_start3A_122, %dma_start3A_123] : memref<10112x64xf32, #tpu.memory_space<hbm>> -> memref<10112x64xf32, #tpu.memory_space<hbm>>
      tpu.enqueue_indirect_dma source(%dma_start3A_124 : memref<10112x64xf32, #tpu.memory_space<hbm>>) target(%arg8 : memref<128x64xf32, #tpu.memory_space<vmem>>) offsets(%dma_start3A_117 : memref<128xi32, #tpu.memory_space<vmem>>) semaphore(%arg12 : memref<!tpu.dma_semaphore, #tpu.memory_space<semaphore_mem>>)
      %dma_wait3A = arith.constant 0 : i32
      %dma_wait3A_125 = tpu.memref_slice %arg6[%scan3A_114, %dma_wait3A] : memref<160x128xi32, #tpu.memory_space<vmem>> -> memref<1x128xi32, #tpu.memory_space<vmem>>
      %dma_wait3A_126 = tpu.memref_squeeze %dma_wait3A_125 : memref<1x128xi32, #tpu.memory_space<vmem>> -> memref<128xi32, #tpu.memory_space<vmem>>
      %dma_wait3A_127 = arith.constant 0 : i32
      %dma_wait3A_128 = arith.constant 0 : i32
      %dma_wait3A_129 = tpu.memref_slice %arg2[%arg0, %dma_wait3A_127, %dma_wait3A_128] : memref<2x10112x64xf32, #tpu.memory_space<hbm>> -> memref<1x10112x64xf32, #tpu.memory_space<hbm>>
      %dma_wait3A_130 = tpu.memref_squeeze %dma_wait3A_129 : memref<1x10112x64xf32, #tpu.memory_space<hbm>> -> memref<10112x64xf32, #tpu.memory_space<hbm>>
      %dma_wait3A_131 = arith.constant 0 : i32
      %dma_wait3A_132 = arith.constant 0 : i32
      %dma_wait3A_133 = tpu.memref_slice %dma_wait3A_130[%dma_wait3A_131, %dma_wait3A_132] : memref<10112x64xf32, #tpu.memory_space<hbm>> -> memref<10112x64xf32, #tpu.memory_space<hbm>>
      tpu.wait_indirect_dma semaphore(%arg12 : memref<!tpu.dma_semaphore, #tpu.memory_space<semaphore_mem>>) src(%dma_wait3A_133 : memref<10112x64xf32, #tpu.memory_space<hbm>>) dst(%arg8 : memref<128x64xf32, #tpu.memory_space<vmem>>)
      "tpu.region"() ({
        %run_scoped3A = tpu.sem_alloc : memref<!tpu.dma_semaphore, #tpu.memory_space<semaphore_mem>>
        %dma_start3A_135 = arith.constant 0 : i32
        %dma_start3A_136 = tpu.memref_slice %arg7[%scan3A_114, %dma_start3A_135] : memref<158x128xi32, #tpu.memory_space<vmem>> -> memref<1x128xi32, #tpu.memory_space<vmem>>
        %dma_start3A_137 = tpu.memref_squeeze %dma_start3A_136 : memref<1x128xi32, #tpu.memory_space<vmem>> -> memref<128xi32, #tpu.memory_space<vmem>>
        %dma_start3A_138 = arith.constant 0 : i32
        %dma_start3A_139 = arith.constant 0 : i32
        %dma_start3A_140 = tpu.memref_slice %arg11[%dma_start3A_138, %dma_start3A_139] : memref<10112x64xf32, #tpu.memory_space<vmem_shared>> -> memref<10112x64xf32, #tpu.memory_space<vmem_shared>>
        tpu.enqueue_indirect_dma source(%arg8 : memref<128x64xf32, #tpu.memory_space<vmem>>) target(%dma_start3A_140 : memref<10112x64xf32, #tpu.memory_space<vmem_shared>>) offsets(%dma_start3A_137 : memref<128xi32, #tpu.memory_space<vmem>>) semaphore(%run_scoped3A : memref<!tpu.dma_semaphore, #tpu.memory_space<semaphore_mem>>) {add = true}
        %dma_wait3A_141 = arith.constant 0 : i32
        %dma_wait3A_142 = tpu.memref_slice %arg7[%scan3A_114, %dma_wait3A_141] : memref<158x128xi32, #tpu.memory_space<vmem>> -> memref<1x128xi32, #tpu.memory_space<vmem>>
        %dma_wait3A_143 = tpu.memref_squeeze %dma_wait3A_142 : memref<1x128xi32, #tpu.memory_space<vmem>> -> memref<128xi32, #tpu.memory_space<vmem>>
        %dma_wait3A_144 = arith.constant 0 : i32
        %dma_wait3A_145 = arith.constant 0 : i32
        %dma_wait3A_146 = tpu.memref_slice %arg11[%dma_wait3A_144, %dma_wait3A_145] : memref<10112x64xf32, #tpu.memory_space<vmem_shared>> -> memref<10112x64xf32, #tpu.memory_space<vmem_shared>>
        tpu.wait_indirect_dma semaphore(%run_scoped3A : memref<!tpu.dma_semaphore, #tpu.memory_space<semaphore_mem>>) src(%arg8 : memref<128x64xf32, #tpu.memory_space<vmem>>) dst(%dma_wait3A_146 : memref<10112x64xf32, #tpu.memory_space<vmem_shared>>)
        tpu.yield
      }) : () -> ()
      %scan3A_134 = arith.constant 0 : i32
      scf.yield %scan3A_134 : i32
    }
    %scan3A_108 = arith.constant 158 : i32
    %barrier3A_109 = arith.constant 0 : index
    tpu.barrier barrier_id(%barrier3A_109)
    %mul3A_110 = arith.constant 632 : i32
    %mul3A_111 = arith.muli %arg1, %mul3A_110 : i32
    %mul3A_112 = arith.constant 632 : i32
    %mul3A_113 = arith.muli %arg1, %mul3A_112 : i32
    "tpu.region"() ({
      %run_scoped3A = tpu.sem_alloc : memref<!tpu.dma_semaphore, #tpu.memory_space<semaphore_mem>>
      %dma_start3A = arith.constant 0 : i32
      %dma_start3A_114 = tpu.memref_slice %arg5[%arg0, %mul3A_113, %dma_start3A] : memref<2x10112x64xf32, #tpu.memory_space<hbm>> -> memref<1x632x64xf32, #tpu.memory_space<hbm>>
      %dma_start3A_115 = tpu.memref_squeeze %dma_start3A_114 : memref<1x632x64xf32, #tpu.memory_space<hbm>> -> memref<632x64xf32, #tpu.memory_space<hbm>>
      %dma_start3A_116 = arith.constant 0 : i32
      %dma_start3A_117 = tpu.memref_slice %arg11[%mul3A_111, %dma_start3A_116] : memref<10112x64xf32, #tpu.memory_space<vmem_shared>> -> memref<632x64xf32, #tpu.memory_space<vmem_shared>>
      tpu.enqueue_dma source(%dma_start3A_117 : memref<632x64xf32, #tpu.memory_space<vmem_shared>>) target(%dma_start3A_115 : memref<632x64xf32, #tpu.memory_space<hbm>>) target_semaphore(%run_scoped3A : memref<!tpu.dma_semaphore, #tpu.memory_space<semaphore_mem>>)
      %dma_wait3A = arith.constant 0 : i32
      %dma_wait3A_118 = tpu.memref_slice %arg5[%arg0, %mul3A_113, %dma_wait3A] : memref<2x10112x64xf32, #tpu.memory_space<hbm>> -> memref<1x632x64xf32, #tpu.memory_space<hbm>>
      %dma_wait3A_119 = tpu.memref_squeeze %dma_wait3A_118 : memref<1x632x64xf32, #tpu.memory_space<hbm>> -> memref<632x64xf32, #tpu.memory_space<hbm>>
      %dma_wait3A_120 = arith.constant 0 : i32
      %dma_wait3A_121 = tpu.memref_slice %arg11[%mul3A_111, %dma_wait3A_120] : memref<10112x64xf32, #tpu.memory_space<vmem_shared>> -> memref<632x64xf32, #tpu.memory_space<vmem_shared>>
      tpu.wait_dma2 semaphore(%run_scoped3A : memref<!tpu.dma_semaphore, #tpu.memory_space<semaphore_mem>>) src(%dma_wait3A_121 : memref<632x64xf32, #tpu.memory_space<vmem_shared>>) dst(%dma_wait3A_119 : memref<632x64xf32, #tpu.memory_space<hbm>>)
      tpu.yield
    }) : () -> ()
    return
  }
}

#map = affine_map<(d0, d1) -> (0, 0, 0)>
module attributes {stable_mosaic.version = 14 : i64} {
  func.func @_sc_gcn_body(%arg0: i32, %arg1: i32, %arg2: memref<2x10112x32xf32, #tpu.memory_space<hbm>>, %arg3: memref<16x158x128xi32, #tpu.memory_space<hbm>>, %arg4: memref<16x158x128xi32, #tpu.memory_space<hbm>>, %arg5: memref<2x10112x32xf32, #tpu.memory_space<hbm>>, %arg6: memref<160x128xi32, #tpu.memory_space<vmem>>, %arg7: memref<158x128xi32, #tpu.memory_space<vmem>>, %arg8: memref<128x32xf32, #tpu.memory_space<vmem>>, %arg9: memref<128x32xf32, #tpu.memory_space<vmem>>, %arg10: memref<79x32xf32, #tpu.memory_space<vmem>>, %arg11: memref<10112x32xf32, #tpu.memory_space<vmem_shared>>, %arg12: memref<!tpu.dma_semaphore, #tpu.memory_space<semaphore_mem>>, %arg13: memref<!tpu.dma_semaphore, #tpu.memory_space<semaphore_mem>>) attributes {dimension_semantics = [#tpu.dimension_semantics<core_parallel>, #tpu.dimension_semantics<subcore_parallel>], iteration_bounds = array<i64: 2, 16>, scalar_prefetch = 0 : i64, scratch_operands = 8 : i64, tpu.core_type = #tpu.core_type<sc_vector_subcore>, window_params = [{transform_indices = #map}, {transform_indices = #map}, {transform_indices = #map}, {transform_indices = #map}]} {
    %broadcast_in_dim3A = arith.constant 0.000000e+00 : f32
    %broadcast_in_dim3A_0 = vector.broadcast %broadcast_in_dim3A : f32 to vector<16xf32>
    %scan3A = arith.constant 0 : i32
    %scan3A_1 = arith.constant 0 : i32
    %scan3A_2 = arith.constant 79 : i32
    %scan3A_3 = arith.addi %scan3A_1, %scan3A_2 : i32
    %scan3A_4 = arith.constant 1 : i32
    %scan3A_5 = scf.for %scan3A_114 = %scan3A_1 to %scan3A_3 step %scan3A_4 iter_args(%scan3A_115 = %scan3A) -> (i32)  : i32 {
      %swap3A_116 = arith.index_cast %scan3A_114 : i32 to index
      %swap3A_117 = arith.constant 0 : index
      %swap3A_118 = tpu.vector_load %arg10[%swap3A_116, %swap3A_117] {strides = array<i32>} : memref<79x32xf32, #tpu.memory_space<vmem>>, vector<16xf32>,
      tpu.vector_store %arg10[%swap3A_116, %swap3A_117], %broadcast_in_dim3A_0 {strides = array<i32>} : memref<79x32xf32, #tpu.memory_space<vmem>>, vector<16xf32>,
      %swap3A_119 = arith.index_cast %scan3A_114 : i32 to index
      %swap3A_120 = arith.constant 16 : index
      %swap3A_121 = tpu.vector_load %arg10[%swap3A_119, %swap3A_120] {strides = array<i32>} : memref<79x32xf32, #tpu.memory_space<vmem>>, vector<16xf32>,
      tpu.vector_store %arg10[%swap3A_119, %swap3A_120], %broadcast_in_dim3A_0 {strides = array<i32>} : memref<79x32xf32, #tpu.memory_space<vmem>>, vector<16xf32>,
      %scan3A_122 = arith.constant 0 : i32
      scf.yield %scan3A_122 : i32
    }
    %scan3A_6 = arith.constant 79 : i32
    %mul3A = arith.constant 632 : i32
    %mul3A_7 = arith.muli %arg1, %mul3A : i32
    %add3A = arith.constant 0 : i32
    %add3A_8 = arith.addi %mul3A_7, %add3A : i32
    "tpu.region"() ({
      %run_scoped3A = tpu.sem_alloc : memref<!tpu.dma_semaphore, #tpu.memory_space<semaphore_mem>>
      %dma_start3A = arith.constant 0 : i32
      %dma_start3A_114 = tpu.memref_slice %arg11[%add3A_8, %dma_start3A] : memref<10112x32xf32, #tpu.memory_space<vmem_shared>> -> memref<79x32xf32, #tpu.memory_space<vmem_shared>>
      %dma_start3A_115 = arith.constant 0 : i32
      %dma_start3A_116 = tpu.memref_slice %arg11[%add3A_8, %dma_start3A_115] : memref<10112x32xf32, #tpu.memory_space<vmem_shared>> -> memref<79x32xf32, #tpu.memory_space<vmem_shared>>
      tpu.enqueue_dma source(%arg10 : memref<79x32xf32, #tpu.memory_space<vmem>>) target(%dma_start3A_116 : memref<79x32xf32, #tpu.memory_space<vmem_shared>>) target_semaphore(%run_scoped3A : memref<!tpu.dma_semaphore, #tpu.memory_space<semaphore_mem>>)
      %dma_wait3A = arith.constant 0 : i32
      %dma_wait3A_117 = tpu.memref_slice %arg11[%add3A_8, %dma_wait3A] : memref<10112x32xf32, #tpu.memory_space<vmem_shared>> -> memref<79x32xf32, #tpu.memory_space<vmem_shared>>
      %dma_wait3A_118 = arith.constant 0 : i32
      %dma_wait3A_119 = tpu.memref_slice %arg11[%add3A_8, %dma_wait3A_118] : memref<10112x32xf32, #tpu.memory_space<vmem_shared>> -> memref<79x32xf32, #tpu.memory_space<vmem_shared>>
      tpu.wait_dma2 semaphore(%run_scoped3A : memref<!tpu.dma_semaphore, #tpu.memory_space<semaphore_mem>>) src(%arg10 : memref<79x32xf32, #tpu.memory_space<vmem>>) dst(%dma_wait3A_119 : memref<79x32xf32, #tpu.memory_space<vmem_shared>>)
      tpu.yield
    }) : () -> ()
    %mul3A_9 = arith.constant 632 : i32
    %mul3A_10 = arith.muli %arg1, %mul3A_9 : i32
    %add3A_11 = arith.constant 79 : i32
    %add3A_12 = arith.addi %mul3A_10, %add3A_11 : i32
    "tpu.region"() ({
      %run_scoped3A = tpu.sem_alloc : memref<!tpu.dma_semaphore, #tpu.memory_space<semaphore_mem>>
      %dma_start3A = arith.constant 0 : i32
      %dma_start3A_114 = tpu.memref_slice %arg11[%add3A_12, %dma_start3A] : memref<10112x32xf32, #tpu.memory_space<vmem_shared>> -> memref<79x32xf32, #tpu.memory_space<vmem_shared>>
      %dma_start3A_115 = arith.constant 0 : i32
      %dma_start3A_116 = tpu.memref_slice %arg11[%add3A_12, %dma_start3A_115] : memref<10112x32xf32, #tpu.memory_space<vmem_shared>> -> memref<79x32xf32, #tpu.memory_space<vmem_shared>>
      tpu.enqueue_dma source(%arg10 : memref<79x32xf32, #tpu.memory_space<vmem>>) target(%dma_start3A_116 : memref<79x32xf32, #tpu.memory_space<vmem_shared>>) target_semaphore(%run_scoped3A : memref<!tpu.dma_semaphore, #tpu.memory_space<semaphore_mem>>)
      %dma_wait3A = arith.constant 0 : i32
      %dma_wait3A_117 = tpu.memref_slice %arg11[%add3A_12, %dma_wait3A] : memref<10112x32xf32, #tpu.memory_space<vmem_shared>> -> memref<79x32xf32, #tpu.memory_space<vmem_shared>>
      %dma_wait3A_118 = arith.constant 0 : i32
      %dma_wait3A_119 = tpu.memref_slice %arg11[%add3A_12, %dma_wait3A_118] : memref<10112x32xf32, #tpu.memory_space<vmem_shared>> -> memref<79x32xf32, #tpu.memory_space<vmem_shared>>
      tpu.wait_dma2 semaphore(%run_scoped3A : memref<!tpu.dma_semaphore, #tpu.memory_space<semaphore_mem>>) src(%arg10 : memref<79x32xf32, #tpu.memory_space<vmem>>) dst(%dma_wait3A_119 : memref<79x32xf32, #tpu.memory_space<vmem_shared>>)
      tpu.yield
    }) : () -> ()
    %mul3A_13 = arith.constant 632 : i32
    %mul3A_14 = arith.muli %arg1, %mul3A_13 : i32
    %add3A_15 = arith.constant 158 : i32
    %add3A_16 = arith.addi %mul3A_14, %add3A_15 : i32
    "tpu.region"() ({
      %run_scoped3A = tpu.sem_alloc : memref<!tpu.dma_semaphore, #tpu.memory_space<semaphore_mem>>
      %dma_start3A = arith.constant 0 : i32
      %dma_start3A_114 = tpu.memref_slice %arg11[%add3A_16, %dma_start3A] : memref<10112x32xf32, #tpu.memory_space<vmem_shared>> -> memref<79x32xf32, #tpu.memory_space<vmem_shared>>
      %dma_start3A_115 = arith.constant 0 : i32
      %dma_start3A_116 = tpu.memref_slice %arg11[%add3A_16, %dma_start3A_115] : memref<10112x32xf32, #tpu.memory_space<vmem_shared>> -> memref<79x32xf32, #tpu.memory_space<vmem_shared>>
      tpu.enqueue_dma source(%arg10 : memref<79x32xf32, #tpu.memory_space<vmem>>) target(%dma_start3A_116 : memref<79x32xf32, #tpu.memory_space<vmem_shared>>) target_semaphore(%run_scoped3A : memref<!tpu.dma_semaphore, #tpu.memory_space<semaphore_mem>>)
      %dma_wait3A = arith.constant 0 : i32
      %dma_wait3A_117 = tpu.memref_slice %arg11[%add3A_16, %dma_wait3A] : memref<10112x32xf32, #tpu.memory_space<vmem_shared>> -> memref<79x32xf32, #tpu.memory_space<vmem_shared>>
      %dma_wait3A_118 = arith.constant 0 : i32
      %dma_wait3A_119 = tpu.memref_slice %arg11[%add3A_16, %dma_wait3A_118] : memref<10112x32xf32, #tpu.memory_space<vmem_shared>> -> memref<79x32xf32, #tpu.memory_space<vmem_shared>>
      tpu.wait_dma2 semaphore(%run_scoped3A : memref<!tpu.dma_semaphore, #tpu.memory_space<semaphore_mem>>) src(%arg10 : memref<79x32xf32, #tpu.memory_space<vmem>>) dst(%dma_wait3A_119 : memref<79x32xf32, #tpu.memory_space<vmem_shared>>)
      tpu.yield
    }) : () -> ()
    %mul3A_17 = arith.constant 632 : i32
    %mul3A_18 = arith.muli %arg1, %mul3A_17 : i32
    %add3A_19 = arith.constant 237 : i32
    %add3A_20 = arith.addi %mul3A_18, %add3A_19 : i32
    "tpu.region"() ({
      %run_scoped3A = tpu.sem_alloc : memref<!tpu.dma_semaphore, #tpu.memory_space<semaphore_mem>>
      %dma_start3A = arith.constant 0 : i32
      %dma_start3A_114 = tpu.memref_slice %arg11[%add3A_20, %dma_start3A] : memref<10112x32xf32, #tpu.memory_space<vmem_shared>> -> memref<79x32xf32, #tpu.memory_space<vmem_shared>>
      %dma_start3A_115 = arith.constant 0 : i32
      %dma_start3A_116 = tpu.memref_slice %arg11[%add3A_20, %dma_start3A_115] : memref<10112x32xf32, #tpu.memory_space<vmem_shared>> -> memref<79x32xf32, #tpu.memory_space<vmem_shared>>
      tpu.enqueue_dma source(%arg10 : memref<79x32xf32, #tpu.memory_space<vmem>>) target(%dma_start3A_116 : memref<79x32xf32, #tpu.memory_space<vmem_shared>>) target_semaphore(%run_scoped3A : memref<!tpu.dma_semaphore, #tpu.memory_space<semaphore_mem>>)
      %dma_wait3A = arith.constant 0 : i32
      %dma_wait3A_117 = tpu.memref_slice %arg11[%add3A_20, %dma_wait3A] : memref<10112x32xf32, #tpu.memory_space<vmem_shared>> -> memref<79x32xf32, #tpu.memory_space<vmem_shared>>
      %dma_wait3A_118 = arith.constant 0 : i32
      %dma_wait3A_119 = tpu.memref_slice %arg11[%add3A_20, %dma_wait3A_118] : memref<10112x32xf32, #tpu.memory_space<vmem_shared>> -> memref<79x32xf32, #tpu.memory_space<vmem_shared>>
      tpu.wait_dma2 semaphore(%run_scoped3A : memref<!tpu.dma_semaphore, #tpu.memory_space<semaphore_mem>>) src(%arg10 : memref<79x32xf32, #tpu.memory_space<vmem>>) dst(%dma_wait3A_119 : memref<79x32xf32, #tpu.memory_space<vmem_shared>>)
      tpu.yield
    }) : () -> ()
    %mul3A_21 = arith.constant 632 : i32
    %mul3A_22 = arith.muli %arg1, %mul3A_21 : i32
    %add3A_23 = arith.constant 316 : i32
    %add3A_24 = arith.addi %mul3A_22, %add3A_23 : i32
    "tpu.region"() ({
      %run_scoped3A = tpu.sem_alloc : memref<!tpu.dma_semaphore, #tpu.memory_space<semaphore_mem>>
      %dma_start3A = arith.constant 0 : i32
      %dma_start3A_114 = tpu.memref_slice %arg11[%add3A_24, %dma_start3A] : memref<10112x32xf32, #tpu.memory_space<vmem_shared>> -> memref<79x32xf32, #tpu.memory_space<vmem_shared>>
      %dma_start3A_115 = arith.constant 0 : i32
      %dma_start3A_116 = tpu.memref_slice %arg11[%add3A_24, %dma_start3A_115] : memref<10112x32xf32, #tpu.memory_space<vmem_shared>> -> memref<79x32xf32, #tpu.memory_space<vmem_shared>>
      tpu.enqueue_dma source(%arg10 : memref<79x32xf32, #tpu.memory_space<vmem>>) target(%dma_start3A_116 : memref<79x32xf32, #tpu.memory_space<vmem_shared>>) target_semaphore(%run_scoped3A : memref<!tpu.dma_semaphore, #tpu.memory_space<semaphore_mem>>)
      %dma_wait3A = arith.constant 0 : i32
      %dma_wait3A_117 = tpu.memref_slice %arg11[%add3A_24, %dma_wait3A] : memref<10112x32xf32, #tpu.memory_space<vmem_shared>> -> memref<79x32xf32, #tpu.memory_space<vmem_shared>>
      %dma_wait3A_118 = arith.constant 0 : i32
      %dma_wait3A_119 = tpu.memref_slice %arg11[%add3A_24, %dma_wait3A_118] : memref<10112x32xf32, #tpu.memory_space<vmem_shared>> -> memref<79x32xf32, #tpu.memory_space<vmem_shared>>
      tpu.wait_dma2 semaphore(%run_scoped3A : memref<!tpu.dma_semaphore, #tpu.memory_space<semaphore_mem>>) src(%arg10 : memref<79x32xf32, #tpu.memory_space<vmem>>) dst(%dma_wait3A_119 : memref<79x32xf32, #tpu.memory_space<vmem_shared>>)
      tpu.yield
    }) : () -> ()
    %mul3A_25 = arith.constant 632 : i32
    %mul3A_26 = arith.muli %arg1, %mul3A_25 : i32
    %add3A_27 = arith.constant 395 : i32
    %add3A_28 = arith.addi %mul3A_26, %add3A_27 : i32
    "tpu.region"() ({
      %run_scoped3A = tpu.sem_alloc : memref<!tpu.dma_semaphore, #tpu.memory_space<semaphore_mem>>
      %dma_start3A = arith.constant 0 : i32
      %dma_start3A_114 = tpu.memref_slice %arg11[%add3A_28, %dma_start3A] : memref<10112x32xf32, #tpu.memory_space<vmem_shared>> -> memref<79x32xf32, #tpu.memory_space<vmem_shared>>
      %dma_start3A_115 = arith.constant 0 : i32
      %dma_start3A_116 = tpu.memref_slice %arg11[%add3A_28, %dma_start3A_115] : memref<10112x32xf32, #tpu.memory_space<vmem_shared>> -> memref<79x32xf32, #tpu.memory_space<vmem_shared>>
      tpu.enqueue_dma source(%arg10 : memref<79x32xf32, #tpu.memory_space<vmem>>) target(%dma_start3A_116 : memref<79x32xf32, #tpu.memory_space<vmem_shared>>) target_semaphore(%run_scoped3A : memref<!tpu.dma_semaphore, #tpu.memory_space<semaphore_mem>>)
      %dma_wait3A = arith.constant 0 : i32
      %dma_wait3A_117 = tpu.memref_slice %arg11[%add3A_28, %dma_wait3A] : memref<10112x32xf32, #tpu.memory_space<vmem_shared>> -> memref<79x32xf32, #tpu.memory_space<vmem_shared>>
      %dma_wait3A_118 = arith.constant 0 : i32
      %dma_wait3A_119 = tpu.memref_slice %arg11[%add3A_28, %dma_wait3A_118] : memref<10112x32xf32, #tpu.memory_space<vmem_shared>> -> memref<79x32xf32, #tpu.memory_space<vmem_shared>>
      tpu.wait_dma2 semaphore(%run_scoped3A : memref<!tpu.dma_semaphore, #tpu.memory_space<semaphore_mem>>) src(%arg10 : memref<79x32xf32, #tpu.memory_space<vmem>>) dst(%dma_wait3A_119 : memref<79x32xf32, #tpu.memory_space<vmem_shared>>)
      tpu.yield
    }) : () -> ()
    %mul3A_29 = arith.constant 632 : i32
    %mul3A_30 = arith.muli %arg1, %mul3A_29 : i32
    %add3A_31 = arith.constant 474 : i32
    %add3A_32 = arith.addi %mul3A_30, %add3A_31 : i32
    "tpu.region"() ({
      %run_scoped3A = tpu.sem_alloc : memref<!tpu.dma_semaphore, #tpu.memory_space<semaphore_mem>>
      %dma_start3A = arith.constant 0 : i32
      %dma_start3A_114 = tpu.memref_slice %arg11[%add3A_32, %dma_start3A] : memref<10112x32xf32, #tpu.memory_space<vmem_shared>> -> memref<79x32xf32, #tpu.memory_space<vmem_shared>>
      %dma_start3A_115 = arith.constant 0 : i32
      %dma_start3A_116 = tpu.memref_slice %arg11[%add3A_32, %dma_start3A_115] : memref<10112x32xf32, #tpu.memory_space<vmem_shared>> -> memref<79x32xf32, #tpu.memory_space<vmem_shared>>
      tpu.enqueue_dma source(%arg10 : memref<79x32xf32, #tpu.memory_space<vmem>>) target(%dma_start3A_116 : memref<79x32xf32, #tpu.memory_space<vmem_shared>>) target_semaphore(%run_scoped3A : memref<!tpu.dma_semaphore, #tpu.memory_space<semaphore_mem>>)
      %dma_wait3A = arith.constant 0 : i32
      %dma_wait3A_117 = tpu.memref_slice %arg11[%add3A_32, %dma_wait3A] : memref<10112x32xf32, #tpu.memory_space<vmem_shared>> -> memref<79x32xf32, #tpu.memory_space<vmem_shared>>
      %dma_wait3A_118 = arith.constant 0 : i32
      %dma_wait3A_119 = tpu.memref_slice %arg11[%add3A_32, %dma_wait3A_118] : memref<10112x32xf32, #tpu.memory_space<vmem_shared>> -> memref<79x32xf32, #tpu.memory_space<vmem_shared>>
      tpu.wait_dma2 semaphore(%run_scoped3A : memref<!tpu.dma_semaphore, #tpu.memory_space<semaphore_mem>>) src(%arg10 : memref<79x32xf32, #tpu.memory_space<vmem>>) dst(%dma_wait3A_119 : memref<79x32xf32, #tpu.memory_space<vmem_shared>>)
      tpu.yield
    }) : () -> ()
    %mul3A_33 = arith.constant 632 : i32
    %mul3A_34 = arith.muli %arg1, %mul3A_33 : i32
    %add3A_35 = arith.constant 553 : i32
    %add3A_36 = arith.addi %mul3A_34, %add3A_35 : i32
    "tpu.region"() ({
      %run_scoped3A = tpu.sem_alloc : memref<!tpu.dma_semaphore, #tpu.memory_space<semaphore_mem>>
      %dma_start3A = arith.constant 0 : i32
      %dma_start3A_114 = tpu.memref_slice %arg11[%add3A_36, %dma_start3A] : memref<10112x32xf32, #tpu.memory_space<vmem_shared>> -> memref<79x32xf32, #tpu.memory_space<vmem_shared>>
      %dma_start3A_115 = arith.constant 0 : i32
      %dma_start3A_116 = tpu.memref_slice %arg11[%add3A_36, %dma_start3A_115] : memref<10112x32xf32, #tpu.memory_space<vmem_shared>> -> memref<79x32xf32, #tpu.memory_space<vmem_shared>>
      tpu.enqueue_dma source(%arg10 : memref<79x32xf32, #tpu.memory_space<vmem>>) target(%dma_start3A_116 : memref<79x32xf32, #tpu.memory_space<vmem_shared>>) target_semaphore(%run_scoped3A : memref<!tpu.dma_semaphore, #tpu.memory_space<semaphore_mem>>)
      %dma_wait3A = arith.constant 0 : i32
      %dma_wait3A_117 = tpu.memref_slice %arg11[%add3A_36, %dma_wait3A] : memref<10112x32xf32, #tpu.memory_space<vmem_shared>> -> memref<79x32xf32, #tpu.memory_space<vmem_shared>>
      %dma_wait3A_118 = arith.constant 0 : i32
      %dma_wait3A_119 = tpu.memref_slice %arg11[%add3A_36, %dma_wait3A_118] : memref<10112x32xf32, #tpu.memory_space<vmem_shared>> -> memref<79x32xf32, #tpu.memory_space<vmem_shared>>
      tpu.wait_dma2 semaphore(%run_scoped3A : memref<!tpu.dma_semaphore, #tpu.memory_space<semaphore_mem>>) src(%arg10 : memref<79x32xf32, #tpu.memory_space<vmem>>) dst(%dma_wait3A_119 : memref<79x32xf32, #tpu.memory_space<vmem_shared>>)
      tpu.yield
    }) : () -> ()
    "tpu.region"() ({
      %run_scoped3A = tpu.sem_alloc : memref<!tpu.dma_semaphore, #tpu.memory_space<semaphore_mem>>
      %dma_start3A = arith.constant 0 : i32
      %dma_start3A_114 = arith.constant 0 : i32
      %dma_start3A_115 = tpu.memref_slice %arg6[%dma_start3A, %dma_start3A_114] : memref<160x128xi32, #tpu.memory_space<vmem>> -> memref<158x128xi32, #tpu.memory_space<vmem>>
      %dma_start3A_116 = arith.constant 0 : i32
      %dma_start3A_117 = arith.constant 0 : i32
      %dma_start3A_118 = tpu.memref_slice %arg3[%arg1, %dma_start3A_116, %dma_start3A_117] : memref<16x158x128xi32, #tpu.memory_space<hbm>> -> memref<1x158x128xi32, #tpu.memory_space<hbm>>
      %dma_start3A_119 = tpu.memref_squeeze %dma_start3A_118 : memref<1x158x128xi32, #tpu.memory_space<hbm>> -> memref<158x128xi32, #tpu.memory_space<hbm>>
      %dma_start3A_120 = arith.constant 0 : i32
      %dma_start3A_121 = arith.constant 0 : i32
      %dma_start3A_122 = tpu.memref_slice %arg6[%dma_start3A_120, %dma_start3A_121] : memref<160x128xi32, #tpu.memory_space<vmem>> -> memref<158x128xi32, #tpu.memory_space<vmem>>
      %dma_start3A_123 = arith.constant 0 : i32
      %dma_start3A_124 = arith.constant 0 : i32
      %dma_start3A_125 = tpu.memref_slice %arg3[%arg1, %dma_start3A_123, %dma_start3A_124] : memref<16x158x128xi32, #tpu.memory_space<hbm>> -> memref<1x158x128xi32, #tpu.memory_space<hbm>>
      %dma_start3A_126 = tpu.memref_squeeze %dma_start3A_125 : memref<1x158x128xi32, #tpu.memory_space<hbm>> -> memref<158x128xi32, #tpu.memory_space<hbm>>
      tpu.enqueue_dma source(%dma_start3A_126 : memref<158x128xi32, #tpu.memory_space<hbm>>) target(%dma_start3A_122 : memref<158x128xi32, #tpu.memory_space<vmem>>) target_semaphore(%run_scoped3A : memref<!tpu.dma_semaphore, #tpu.memory_space<semaphore_mem>>)
      %dma_wait3A = arith.constant 0 : i32
      %dma_wait3A_127 = arith.constant 0 : i32
      %dma_wait3A_128 = tpu.memref_slice %arg6[%dma_wait3A, %dma_wait3A_127] : memref<160x128xi32, #tpu.memory_space<vmem>> -> memref<158x128xi32, #tpu.memory_space<vmem>>
      %dma_wait3A_129 = arith.constant 0 : i32
      %dma_wait3A_130 = arith.constant 0 : i32
      %dma_wait3A_131 = tpu.memref_slice %arg3[%arg1, %dma_wait3A_129, %dma_wait3A_130] : memref<16x158x128xi32, #tpu.memory_space<hbm>> -> memref<1x158x128xi32, #tpu.memory_space<hbm>>
      %dma_wait3A_132 = tpu.memref_squeeze %dma_wait3A_131 : memref<1x158x128xi32, #tpu.memory_space<hbm>> -> memref<158x128xi32, #tpu.memory_space<hbm>>
      %dma_wait3A_133 = arith.constant 0 : i32
      %dma_wait3A_134 = arith.constant 0 : i32
      %dma_wait3A_135 = tpu.memref_slice %arg6[%dma_wait3A_133, %dma_wait3A_134] : memref<160x128xi32, #tpu.memory_space<vmem>> -> memref<158x128xi32, #tpu.memory_space<vmem>>
      %dma_wait3A_136 = arith.constant 0 : i32
      %dma_wait3A_137 = arith.constant 0 : i32
      %dma_wait3A_138 = tpu.memref_slice %arg3[%arg1, %dma_wait3A_136, %dma_wait3A_137] : memref<16x158x128xi32, #tpu.memory_space<hbm>> -> memref<1x158x128xi32, #tpu.memory_space<hbm>>
      %dma_wait3A_139 = tpu.memref_squeeze %dma_wait3A_138 : memref<1x158x128xi32, #tpu.memory_space<hbm>> -> memref<158x128xi32, #tpu.memory_space<hbm>>
      tpu.wait_dma2 semaphore(%run_scoped3A : memref<!tpu.dma_semaphore, #tpu.memory_space<semaphore_mem>>) src(%dma_wait3A_139 : memref<158x128xi32, #tpu.memory_space<hbm>>) dst(%dma_wait3A_135 : memref<158x128xi32, #tpu.memory_space<vmem>>)
      tpu.yield
    }) : () -> ()
    "tpu.region"() ({
      %run_scoped3A = tpu.sem_alloc : memref<!tpu.dma_semaphore, #tpu.memory_space<semaphore_mem>>
      %dma_start3A = arith.constant 0 : i32
      %dma_start3A_114 = arith.constant 0 : i32
      %dma_start3A_115 = tpu.memref_slice %arg4[%arg1, %dma_start3A, %dma_start3A_114] : memref<16x158x128xi32, #tpu.memory_space<hbm>> -> memref<1x158x128xi32, #tpu.memory_space<hbm>>
      %dma_start3A_116 = tpu.memref_squeeze %dma_start3A_115 : memref<1x158x128xi32, #tpu.memory_space<hbm>> -> memref<158x128xi32, #tpu.memory_space<hbm>>
      %dma_start3A_117 = arith.constant 0 : i32
      %dma_start3A_118 = arith.constant 0 : i32
      %dma_start3A_119 = tpu.memref_slice %arg4[%arg1, %dma_start3A_117, %dma_start3A_118] : memref<16x158x128xi32, #tpu.memory_space<hbm>> -> memref<1x158x128xi32, #tpu.memory_space<hbm>>
      %dma_start3A_120 = tpu.memref_squeeze %dma_start3A_119 : memref<1x158x128xi32, #tpu.memory_space<hbm>> -> memref<158x128xi32, #tpu.memory_space<hbm>>
      tpu.enqueue_dma source(%dma_start3A_120 : memref<158x128xi32, #tpu.memory_space<hbm>>) target(%arg7 : memref<158x128xi32, #tpu.memory_space<vmem>>) target_semaphore(%run_scoped3A : memref<!tpu.dma_semaphore, #tpu.memory_space<semaphore_mem>>)
      %dma_wait3A = arith.constant 0 : i32
      %dma_wait3A_121 = arith.constant 0 : i32
      %dma_wait3A_122 = tpu.memref_slice %arg4[%arg1, %dma_wait3A, %dma_wait3A_121] : memref<16x158x128xi32, #tpu.memory_space<hbm>> -> memref<1x158x128xi32, #tpu.memory_space<hbm>>
      %dma_wait3A_123 = tpu.memref_squeeze %dma_wait3A_122 : memref<1x158x128xi32, #tpu.memory_space<hbm>> -> memref<158x128xi32, #tpu.memory_space<hbm>>
      %dma_wait3A_124 = arith.constant 0 : i32
      %dma_wait3A_125 = arith.constant 0 : i32
      %dma_wait3A_126 = tpu.memref_slice %arg4[%arg1, %dma_wait3A_124, %dma_wait3A_125] : memref<16x158x128xi32, #tpu.memory_space<hbm>> -> memref<1x158x128xi32, #tpu.memory_space<hbm>>
      %dma_wait3A_127 = tpu.memref_squeeze %dma_wait3A_126 : memref<1x158x128xi32, #tpu.memory_space<hbm>> -> memref<158x128xi32, #tpu.memory_space<hbm>>
      tpu.wait_dma2 semaphore(%run_scoped3A : memref<!tpu.dma_semaphore, #tpu.memory_space<semaphore_mem>>) src(%dma_wait3A_127 : memref<158x128xi32, #tpu.memory_space<hbm>>) dst(%arg7 : memref<158x128xi32, #tpu.memory_space<vmem>>)
      tpu.yield
    }) : () -> ()
    %broadcast_in_dim3A_37 = arith.constant 10000 : i32
    %broadcast_in_dim3A_38 = vector.broadcast %broadcast_in_dim3A_37 : i32 to vector<16xi32>
    %swap3A = arith.constant 158 : i32
    %swap3A_39 = arith.index_cast %swap3A : i32 to index
    %swap3A_40 = arith.constant 0 : index
    %swap3A_41 = tpu.vector_load %arg6[%swap3A_39, %swap3A_40] {strides = array<i32>} : memref<160x128xi32, #tpu.memory_space<vmem>>, vector<16xi32>,
    tpu.vector_store %arg6[%swap3A_39, %swap3A_40], %broadcast_in_dim3A_38 {strides = array<i32>} : memref<160x128xi32, #tpu.memory_space<vmem>>, vector<16xi32>,
    %swap3A_42 = arith.constant 158 : i32
    %swap3A_43 = arith.index_cast %swap3A_42 : i32 to index
    %swap3A_44 = arith.constant 16 : index
    %swap3A_45 = tpu.vector_load %arg6[%swap3A_43, %swap3A_44] {strides = array<i32>} : memref<160x128xi32, #tpu.memory_space<vmem>>, vector<16xi32>,
    tpu.vector_store %arg6[%swap3A_43, %swap3A_44], %broadcast_in_dim3A_38 {strides = array<i32>} : memref<160x128xi32, #tpu.memory_space<vmem>>, vector<16xi32>,
    %swap3A_46 = arith.constant 158 : i32
    %swap3A_47 = arith.index_cast %swap3A_46 : i32 to index
    %swap3A_48 = arith.constant 32 : index
    %swap3A_49 = tpu.vector_load %arg6[%swap3A_47, %swap3A_48] {strides = array<i32>} : memref<160x128xi32, #tpu.memory_space<vmem>>, vector<16xi32>,
    tpu.vector_store %arg6[%swap3A_47, %swap3A_48], %broadcast_in_dim3A_38 {strides = array<i32>} : memref<160x128xi32, #tpu.memory_space<vmem>>, vector<16xi32>,
    %swap3A_50 = arith.constant 158 : i32
    %swap3A_51 = arith.index_cast %swap3A_50 : i32 to index
    %swap3A_52 = arith.constant 48 : index
    %swap3A_53 = tpu.vector_load %arg6[%swap3A_51, %swap3A_52] {strides = array<i32>} : memref<160x128xi32, #tpu.memory_space<vmem>>, vector<16xi32>,
    tpu.vector_store %arg6[%swap3A_51, %swap3A_52], %broadcast_in_dim3A_38 {strides = array<i32>} : memref<160x128xi32, #tpu.memory_space<vmem>>, vector<16xi32>,
    %swap3A_54 = arith.constant 158 : i32
    %swap3A_55 = arith.index_cast %swap3A_54 : i32 to index
    %swap3A_56 = arith.constant 64 : index
    %swap3A_57 = tpu.vector_load %arg6[%swap3A_55, %swap3A_56] {strides = array<i32>} : memref<160x128xi32, #tpu.memory_space<vmem>>, vector<16xi32>,
    tpu.vector_store %arg6[%swap3A_55, %swap3A_56], %broadcast_in_dim3A_38 {strides = array<i32>} : memref<160x128xi32, #tpu.memory_space<vmem>>, vector<16xi32>,
    %swap3A_58 = arith.constant 158 : i32
    %swap3A_59 = arith.index_cast %swap3A_58 : i32 to index
    %swap3A_60 = arith.constant 80 : index
    %swap3A_61 = tpu.vector_load %arg6[%swap3A_59, %swap3A_60] {strides = array<i32>} : memref<160x128xi32, #tpu.memory_space<vmem>>, vector<16xi32>,
    tpu.vector_store %arg6[%swap3A_59, %swap3A_60], %broadcast_in_dim3A_38 {strides = array<i32>} : memref<160x128xi32, #tpu.memory_space<vmem>>, vector<16xi32>,
    %swap3A_62 = arith.constant 158 : i32
    %swap3A_63 = arith.index_cast %swap3A_62 : i32 to index
    %swap3A_64 = arith.constant 96 : index
    %swap3A_65 = tpu.vector_load %arg6[%swap3A_63, %swap3A_64] {strides = array<i32>} : memref<160x128xi32, #tpu.memory_space<vmem>>, vector<16xi32>,
    tpu.vector_store %arg6[%swap3A_63, %swap3A_64], %broadcast_in_dim3A_38 {strides = array<i32>} : memref<160x128xi32, #tpu.memory_space<vmem>>, vector<16xi32>,
    %swap3A_66 = arith.constant 158 : i32
    %swap3A_67 = arith.index_cast %swap3A_66 : i32 to index
    %swap3A_68 = arith.constant 112 : index
    %swap3A_69 = tpu.vector_load %arg6[%swap3A_67, %swap3A_68] {strides = array<i32>} : memref<160x128xi32, #tpu.memory_space<vmem>>, vector<16xi32>,
    tpu.vector_store %arg6[%swap3A_67, %swap3A_68], %broadcast_in_dim3A_38 {strides = array<i32>} : memref<160x128xi32, #tpu.memory_space<vmem>>, vector<16xi32>,
    %swap3A_70 = arith.constant 159 : i32
    %swap3A_71 = arith.index_cast %swap3A_70 : i32 to index
    %swap3A_72 = arith.constant 0 : index
    %swap3A_73 = tpu.vector_load %arg6[%swap3A_71, %swap3A_72] {strides = array<i32>} : memref<160x128xi32, #tpu.memory_space<vmem>>, vector<16xi32>,
    tpu.vector_store %arg6[%swap3A_71, %swap3A_72], %broadcast_in_dim3A_38 {strides = array<i32>} : memref<160x128xi32, #tpu.memory_space<vmem>>, vector<16xi32>,
    %swap3A_74 = arith.constant 159 : i32
    %swap3A_75 = arith.index_cast %swap3A_74 : i32 to index
    %swap3A_76 = arith.constant 16 : index
    %swap3A_77 = tpu.vector_load %arg6[%swap3A_75, %swap3A_76] {strides = array<i32>} : memref<160x128xi32, #tpu.memory_space<vmem>>, vector<16xi32>,
    tpu.vector_store %arg6[%swap3A_75, %swap3A_76], %broadcast_in_dim3A_38 {strides = array<i32>} : memref<160x128xi32, #tpu.memory_space<vmem>>, vector<16xi32>,
    %swap3A_78 = arith.constant 159 : i32
    %swap3A_79 = arith.index_cast %swap3A_78 : i32 to index
    %swap3A_80 = arith.constant 32 : index
    %swap3A_81 = tpu.vector_load %arg6[%swap3A_79, %swap3A_80] {strides = array<i32>} : memref<160x128xi32, #tpu.memory_space<vmem>>, vector<16xi32>,
    tpu.vector_store %arg6[%swap3A_79, %swap3A_80], %broadcast_in_dim3A_38 {strides = array<i32>} : memref<160x128xi32, #tpu.memory_space<vmem>>, vector<16xi32>,
    %swap3A_82 = arith.constant 159 : i32
    %swap3A_83 = arith.index_cast %swap3A_82 : i32 to index
    %swap3A_84 = arith.constant 48 : index
    %swap3A_85 = tpu.vector_load %arg6[%swap3A_83, %swap3A_84] {strides = array<i32>} : memref<160x128xi32, #tpu.memory_space<vmem>>, vector<16xi32>,
    tpu.vector_store %arg6[%swap3A_83, %swap3A_84], %broadcast_in_dim3A_38 {strides = array<i32>} : memref<160x128xi32, #tpu.memory_space<vmem>>, vector<16xi32>,
    %swap3A_86 = arith.constant 159 : i32
    %swap3A_87 = arith.index_cast %swap3A_86 : i32 to index
    %swap3A_88 = arith.constant 64 : index
    %swap3A_89 = tpu.vector_load %arg6[%swap3A_87, %swap3A_88] {strides = array<i32>} : memref<160x128xi32, #tpu.memory_space<vmem>>, vector<16xi32>,
    tpu.vector_store %arg6[%swap3A_87, %swap3A_88], %broadcast_in_dim3A_38 {strides = array<i32>} : memref<160x128xi32, #tpu.memory_space<vmem>>, vector<16xi32>,
    %swap3A_90 = arith.constant 159 : i32
    %swap3A_91 = arith.index_cast %swap3A_90 : i32 to index
    %swap3A_92 = arith.constant 80 : index
    %swap3A_93 = tpu.vector_load %arg6[%swap3A_91, %swap3A_92] {strides = array<i32>} : memref<160x128xi32, #tpu.memory_space<vmem>>, vector<16xi32>,
    tpu.vector_store %arg6[%swap3A_91, %swap3A_92], %broadcast_in_dim3A_38 {strides = array<i32>} : memref<160x128xi32, #tpu.memory_space<vmem>>, vector<16xi32>,
    %swap3A_94 = arith.constant 159 : i32
    %swap3A_95 = arith.index_cast %swap3A_94 : i32 to index
    %swap3A_96 = arith.constant 96 : index
    %swap3A_97 = tpu.vector_load %arg6[%swap3A_95, %swap3A_96] {strides = array<i32>} : memref<160x128xi32, #tpu.memory_space<vmem>>, vector<16xi32>,
    tpu.vector_store %arg6[%swap3A_95, %swap3A_96], %broadcast_in_dim3A_38 {strides = array<i32>} : memref<160x128xi32, #tpu.memory_space<vmem>>, vector<16xi32>,
    %swap3A_98 = arith.constant 159 : i32
    %swap3A_99 = arith.index_cast %swap3A_98 : i32 to index
    %swap3A_100 = arith.constant 112 : index
    %swap3A_101 = tpu.vector_load %arg6[%swap3A_99, %swap3A_100] {strides = array<i32>} : memref<160x128xi32, #tpu.memory_space<vmem>>, vector<16xi32>,
    tpu.vector_store %arg6[%swap3A_99, %swap3A_100], %broadcast_in_dim3A_38 {strides = array<i32>} : memref<160x128xi32, #tpu.memory_space<vmem>>, vector<16xi32>,
    %barrier3A = arith.constant 0 : index
    tpu.barrier barrier_id(%barrier3A)
    %scan3A_102 = arith.constant 0 : i32
    %scan3A_103 = arith.constant 0 : i32
    %scan3A_104 = arith.constant 158 : i32
    %scan3A_105 = arith.addi %scan3A_103, %scan3A_104 : i32
    %scan3A_106 = arith.constant 1 : i32
    %scan3A_107 = scf.for %scan3A_114 = %scan3A_103 to %scan3A_105 step %scan3A_106 iter_args(%scan3A_115 = %scan3A_102) -> (i32)  : i32 {
      %dma_start3A = arith.constant 0 : i32
      %dma_start3A_116 = tpu.memref_slice %arg6[%scan3A_114, %dma_start3A] : memref<160x128xi32, #tpu.memory_space<vmem>> -> memref<1x128xi32, #tpu.memory_space<vmem>>
      %dma_start3A_117 = tpu.memref_squeeze %dma_start3A_116 : memref<1x128xi32, #tpu.memory_space<vmem>> -> memref<128xi32, #tpu.memory_space<vmem>>
      %dma_start3A_118 = arith.constant 0 : i32
      %dma_start3A_119 = arith.constant 0 : i32
      %dma_start3A_120 = tpu.memref_slice %arg2[%arg0, %dma_start3A_118, %dma_start3A_119] : memref<2x10112x32xf32, #tpu.memory_space<hbm>> -> memref<1x10112x32xf32, #tpu.memory_space<hbm>>
      %dma_start3A_121 = tpu.memref_squeeze %dma_start3A_120 : memref<1x10112x32xf32, #tpu.memory_space<hbm>> -> memref<10112x32xf32, #tpu.memory_space<hbm>>
      %dma_start3A_122 = arith.constant 0 : i32
      %dma_start3A_123 = arith.constant 0 : i32
      %dma_start3A_124 = tpu.memref_slice %dma_start3A_121[%dma_start3A_122, %dma_start3A_123] : memref<10112x32xf32, #tpu.memory_space<hbm>> -> memref<10112x32xf32, #tpu.memory_space<hbm>>
      tpu.enqueue_indirect_dma source(%dma_start3A_124 : memref<10112x32xf32, #tpu.memory_space<hbm>>) target(%arg8 : memref<128x32xf32, #tpu.memory_space<vmem>>) offsets(%dma_start3A_117 : memref<128xi32, #tpu.memory_space<vmem>>) semaphore(%arg12 : memref<!tpu.dma_semaphore, #tpu.memory_space<semaphore_mem>>)
      %dma_wait3A = arith.constant 0 : i32
      %dma_wait3A_125 = tpu.memref_slice %arg6[%scan3A_114, %dma_wait3A] : memref<160x128xi32, #tpu.memory_space<vmem>> -> memref<1x128xi32, #tpu.memory_space<vmem>>
      %dma_wait3A_126 = tpu.memref_squeeze %dma_wait3A_125 : memref<1x128xi32, #tpu.memory_space<vmem>> -> memref<128xi32, #tpu.memory_space<vmem>>
      %dma_wait3A_127 = arith.constant 0 : i32
      %dma_wait3A_128 = arith.constant 0 : i32
      %dma_wait3A_129 = tpu.memref_slice %arg2[%arg0, %dma_wait3A_127, %dma_wait3A_128] : memref<2x10112x32xf32, #tpu.memory_space<hbm>> -> memref<1x10112x32xf32, #tpu.memory_space<hbm>>
      %dma_wait3A_130 = tpu.memref_squeeze %dma_wait3A_129 : memref<1x10112x32xf32, #tpu.memory_space<hbm>> -> memref<10112x32xf32, #tpu.memory_space<hbm>>
      %dma_wait3A_131 = arith.constant 0 : i32
      %dma_wait3A_132 = arith.constant 0 : i32
      %dma_wait3A_133 = tpu.memref_slice %dma_wait3A_130[%dma_wait3A_131, %dma_wait3A_132] : memref<10112x32xf32, #tpu.memory_space<hbm>> -> memref<10112x32xf32, #tpu.memory_space<hbm>>
      tpu.wait_indirect_dma semaphore(%arg12 : memref<!tpu.dma_semaphore, #tpu.memory_space<semaphore_mem>>) src(%dma_wait3A_133 : memref<10112x32xf32, #tpu.memory_space<hbm>>) dst(%arg8 : memref<128x32xf32, #tpu.memory_space<vmem>>)
      "tpu.region"() ({
        %run_scoped3A = tpu.sem_alloc : memref<!tpu.dma_semaphore, #tpu.memory_space<semaphore_mem>>
        %dma_start3A_135 = arith.constant 0 : i32
        %dma_start3A_136 = tpu.memref_slice %arg7[%scan3A_114, %dma_start3A_135] : memref<158x128xi32, #tpu.memory_space<vmem>> -> memref<1x128xi32, #tpu.memory_space<vmem>>
        %dma_start3A_137 = tpu.memref_squeeze %dma_start3A_136 : memref<1x128xi32, #tpu.memory_space<vmem>> -> memref<128xi32, #tpu.memory_space<vmem>>
        %dma_start3A_138 = arith.constant 0 : i32
        %dma_start3A_139 = arith.constant 0 : i32
        %dma_start3A_140 = tpu.memref_slice %arg11[%dma_start3A_138, %dma_start3A_139] : memref<10112x32xf32, #tpu.memory_space<vmem_shared>> -> memref<10112x32xf32, #tpu.memory_space<vmem_shared>>
        tpu.enqueue_indirect_dma source(%arg8 : memref<128x32xf32, #tpu.memory_space<vmem>>) target(%dma_start3A_140 : memref<10112x32xf32, #tpu.memory_space<vmem_shared>>) offsets(%dma_start3A_137 : memref<128xi32, #tpu.memory_space<vmem>>) semaphore(%run_scoped3A : memref<!tpu.dma_semaphore, #tpu.memory_space<semaphore_mem>>) {add = true}
        %dma_wait3A_141 = arith.constant 0 : i32
        %dma_wait3A_142 = tpu.memref_slice %arg7[%scan3A_114, %dma_wait3A_141] : memref<158x128xi32, #tpu.memory_space<vmem>> -> memref<1x128xi32, #tpu.memory_space<vmem>>
        %dma_wait3A_143 = tpu.memref_squeeze %dma_wait3A_142 : memref<1x128xi32, #tpu.memory_space<vmem>> -> memref<128xi32, #tpu.memory_space<vmem>>
        %dma_wait3A_144 = arith.constant 0 : i32
        %dma_wait3A_145 = arith.constant 0 : i32
        %dma_wait3A_146 = tpu.memref_slice %arg11[%dma_wait3A_144, %dma_wait3A_145] : memref<10112x32xf32, #tpu.memory_space<vmem_shared>> -> memref<10112x32xf32, #tpu.memory_space<vmem_shared>>
        tpu.wait_indirect_dma semaphore(%run_scoped3A : memref<!tpu.dma_semaphore, #tpu.memory_space<semaphore_mem>>) src(%arg8 : memref<128x32xf32, #tpu.memory_space<vmem>>) dst(%dma_wait3A_146 : memref<10112x32xf32, #tpu.memory_space<vmem_shared>>)
        tpu.yield
      }) : () -> ()
      %scan3A_134 = arith.constant 0 : i32
      scf.yield %scan3A_134 : i32
    }
    %scan3A_108 = arith.constant 158 : i32
    %barrier3A_109 = arith.constant 0 : index
    tpu.barrier barrier_id(%barrier3A_109)
    %mul3A_110 = arith.constant 632 : i32
    %mul3A_111 = arith.muli %arg1, %mul3A_110 : i32
    %mul3A_112 = arith.constant 632 : i32
    %mul3A_113 = arith.muli %arg1, %mul3A_112 : i32
    "tpu.region"() ({
      %run_scoped3A = tpu.sem_alloc : memref<!tpu.dma_semaphore, #tpu.memory_space<semaphore_mem>>
      %dma_start3A = arith.constant 0 : i32
      %dma_start3A_114 = tpu.memref_slice %arg5[%arg0, %mul3A_113, %dma_start3A] : memref<2x10112x32xf32, #tpu.memory_space<hbm>> -> memref<1x632x32xf32, #tpu.memory_space<hbm>>
      %dma_start3A_115 = tpu.memref_squeeze %dma_start3A_114 : memref<1x632x32xf32, #tpu.memory_space<hbm>> -> memref<632x32xf32, #tpu.memory_space<hbm>>
      %dma_start3A_116 = arith.constant 0 : i32
      %dma_start3A_117 = tpu.memref_slice %arg11[%mul3A_111, %dma_start3A_116] : memref<10112x32xf32, #tpu.memory_space<vmem_shared>> -> memref<632x32xf32, #tpu.memory_space<vmem_shared>>
      tpu.enqueue_dma source(%dma_start3A_117 : memref<632x32xf32, #tpu.memory_space<vmem_shared>>) target(%dma_start3A_115 : memref<632x32xf32, #tpu.memory_space<hbm>>) target_semaphore(%run_scoped3A : memref<!tpu.dma_semaphore, #tpu.memory_space<semaphore_mem>>)
      %dma_wait3A = arith.constant 0 : i32
      %dma_wait3A_118 = tpu.memref_slice %arg5[%arg0, %mul3A_113, %dma_wait3A] : memref<2x10112x32xf32, #tpu.memory_space<hbm>> -> memref<1x632x32xf32, #tpu.memory_space<hbm>>
      %dma_wait3A_119 = tpu.memref_squeeze %dma_wait3A_118 : memref<1x632x32xf32, #tpu.memory_space<hbm>> -> memref<632x32xf32, #tpu.memory_space<hbm>>
      %dma_wait3A_120 = arith.constant 0 : i32
      %dma_wait3A_121 = tpu.memref_slice %arg11[%mul3A_111, %dma_wait3A_120] : memref<10112x32xf32, #tpu.memory_space<vmem_shared>> -> memref<632x32xf32, #tpu.memory_space<vmem_shared>>
      tpu.wait_dma2 semaphore(%run_scoped3A : memref<!tpu.dma_semaphore, #tpu.memory_space<semaphore_mem>>) src(%dma_wait3A_121 : memref<632x32xf32, #tpu.memory_space<vmem_shared>>) dst(%dma_wait3A_119 : memref<632x32xf32, #tpu.memory_space<hbm>>)
      tpu.yield
    }) : () -> ()
    return
  }
}

module attributes {stable_mosaic.version = 14 : i64} {
  func.func @_tc_a_body(%arg0: i32, %arg1: memref<128x192xf32, #tpu.memory_space<vmem>>, %arg2: memref<192x128xf32, #tpu.memory_space<vmem>>, %arg3: memref<32x128xf32, #tpu.memory_space<vmem>>, %arg4: memref<2x128x64xf32, #tpu.memory_space<vmem>>, %arg5: memref<1x1x128xf32, #tpu.memory_space<vmem>>) attributes {dimension_semantics = [#tpu.dimension_semantics<arbitrary>], iteration_bounds = array<i64: 79>, scalar_prefetch = 0 : i64, scratch_operands = 0 : i64, tpu.core_type = #tpu.core_type<tc>, window_params = [{transform_indices = @transform_0, window_bounds = array<i64: 128, 192>}, {pipeline_mode = #tpu.pipeline_mode<synchronous>, transform_indices = @transform_1, window_bounds = array<i64: 192, 128>}, {transform_indices = @transform_2, window_bounds = array<i64: 32, 128>}, {transform_indices = @transform_3, window_bounds = array<i64: 2, 128, 64>}, {transform_indices = @transform_4, window_bounds = array<i64: 1, 1, 128>}]} {
    %get3A = arith.constant 0 : index
    %get3A_0 = arith.constant 0 : index
    %get3A_1 = vector.load %arg3[%get3A, %get3A_0] : memref<32x128xf32, #tpu.memory_space<vmem>>, vector<32x128xf32>
    %reduce_sum3A = arith.constant dense<0.000000e+00> : vector<128xf32>
    %reduce_sum3A_2 = vector.multi_reduction <add>, %get3A_1, %reduce_sum3A [0] : vector<32x128xf32> to vector<128xf32>
    %add3A = arith.constant 1.000000e+00 : f32
    %add3A_3 = vector.broadcast %add3A : f32 to vector<128xf32>
    %add3A_4 = arith.addf %reduce_sum3A_2, %add3A_3 : vector<128xf32>
    %rsqrt3A = math.rsqrt %add3A_4 : vector<128xf32>
    %get3A_5 = arith.constant 0 : index
    %get3A_6 = arith.constant 0 : index
    %get3A_7 = vector.load %arg1[%get3A_5, %get3A_6] : memref<128x192xf32, #tpu.memory_space<vmem>>, vector<128x192xf32>
    %get3A_8 = arith.constant 0 : index
    %get3A_9 = arith.constant 0 : index
    %get3A_10 = vector.load %arg2[%get3A_8, %get3A_9] : memref<192x128xf32, #tpu.memory_space<vmem>>, vector<192x128xf32>
    %dot_general3A = arith.constant dense<0.000000e+00> : vector<128x128xf32>
    %dot_general3A_11 = tpu.matmul %get3A_7, %get3A_10, %dot_general3A {dimension_numbers = #tpu.dot_dimension_numbers<[1], [0], [0], [1], [0, 0, 1, 1], [], []>, transpose_lhs_hint = false} : vector<128x192xf32>, vector<192x128xf32>, vector<128x128xf32> -> vector<128x128xf32>
    %mul3A = arith.constant 128 : i32
    %mul3A_12 = arith.muli %arg0, %mul3A : i32
    %iota3A = tpu.iota {dimensions = array<i32: 0>} : vector<128x1xi32>
    %add3A_13 = vector.broadcast %mul3A_12 : i32 to vector<128x1xi32>
    %add3A_14 = arith.addi %add3A_13, %iota3A : vector<128x1xi32>
    %lt3A = arith.constant 10000 : i32
    %lt3A_15 = vector.broadcast %lt3A : i32 to vector<128x1xi32>
    %lt3A_16 = arith.cmpi slt, %add3A_14, %lt3A_15 : vector<128x1xi32>
    %broadcast_in_dim3A = vector.shape_cast %rsqrt3A : vector<128xf32> to vector<1x128xf32>
    %reshape3A = vector.shape_cast %broadcast_in_dim3A : vector<1x128xf32> to vector<128x1xf32>
    %mul3A_17 = vector.broadcast %reshape3A : vector<128x1xf32> to vector<128x128xf32>
    %mul3A_18 = arith.mulf %dot_general3A_11, %mul3A_17 : vector<128x128xf32>
    %jit3A = arith.constant 0.000000e+00 : f32
    %broadcast_in_dim3A_19 = vector.shape_cast %lt3A_16 : vector<128x1xi1> to vector<128x1xi1>
    %broadcast_in_dim3A_20 = vector.broadcast %broadcast_in_dim3A_19 : vector<128x1xi1> to vector<128x128xi1>
    %broadcast_in_dim3A_21 = vector.broadcast %jit3A : f32 to vector<128x128xf32>
    %select_n3A = arith.select %broadcast_in_dim3A_20, %mul3A_18, %broadcast_in_dim3A_21 : vector<128x128xi1>, vector<128x128xf32>
    %slice3A = vector.extract_strided_slice %select_n3A {offsets = [0, 0], sizes = [128, 64], strides = [1, 1]} : vector<128x128xf32> to vector<128x64xf32>
    %swap3A = arith.constant 0 : index
    %swap3A_22 = arith.constant 0 : index
    %swap3A_23 = arith.constant 0 : index
    %swap3A_24 = vector.load %arg4[%swap3A, %swap3A_22, %swap3A_23] : memref<2x128x64xf32, #tpu.memory_space<vmem>>, vector<1x128x64xf32>
    %swap3A_25 = vector.shape_cast %swap3A_24 : vector<1x128x64xf32> to vector<128x64xf32>
    %swap3A_26 = vector.shape_cast %slice3A : vector<128x64xf32> to vector<1x128x64xf32>
    tpu.vector_store %arg4[%swap3A, %swap3A_22, %swap3A_23], %swap3A_26 {strides = array<i32>} : memref<2x128x64xf32, #tpu.memory_space<vmem>>, vector<1x128x64xf32>,
    %slice3A_27 = vector.extract_strided_slice %select_n3A {offsets = [0, 64], sizes = [128, 64], strides = [1, 1]} : vector<128x128xf32> to vector<128x64xf32>
    %swap3A_28 = arith.constant 1 : index
    %swap3A_29 = arith.constant 0 : index
    %swap3A_30 = arith.constant 0 : index
    %swap3A_31 = vector.load %arg4[%swap3A_28, %swap3A_29, %swap3A_30] : memref<2x128x64xf32, #tpu.memory_space<vmem>>, vector<1x128x64xf32>
    %swap3A_32 = vector.shape_cast %swap3A_31 : vector<1x128x64xf32> to vector<128x64xf32>
    %swap3A_33 = vector.shape_cast %slice3A_27 : vector<128x64xf32> to vector<1x128x64xf32>
    tpu.vector_store %arg4[%swap3A_28, %swap3A_29, %swap3A_30], %swap3A_33 {strides = array<i32>} : memref<2x128x64xf32, #tpu.memory_space<vmem>>, vector<1x128x64xf32>,
    %broadcast_in_dim3A_34 = vector.shape_cast %rsqrt3A : vector<128xf32> to vector<1x1x128xf32>
    %swap3A_35 = arith.constant 0 : index
    %swap3A_36 = arith.constant 0 : index
    %swap3A_37 = arith.constant 0 : index
    %swap3A_38 = vector.load %arg5[%swap3A_35, %swap3A_36, %swap3A_37] : memref<1x1x128xf32, #tpu.memory_space<vmem>>, vector<1x1x128xf32>
    tpu.vector_store %arg5[%swap3A_35, %swap3A_36, %swap3A_37], %broadcast_in_dim3A_34 {strides = array<i32>} : memref<1x1x128xf32, #tpu.memory_space<vmem>>, vector<1x1x128xf32>,
    return
  }
  func.func @transform_0(%arg0: i32) -> (i32, i32) {
    %c0_i32 = arith.constant 0 : i32
    %c0_i32_0 = arith.constant 0 : i32
    return %arg0, %c0_i32 : i32, i32
  }
  func.func @transform_1(%arg0: i32) -> (i32, i32) {
    %c0_i32 = arith.constant 0 : i32
    %c0_i32_0 = arith.constant 0 : i32
    %c0_i32_1 = arith.constant 0 : i32
    return %c0_i32, %c0_i32_0 : i32, i32
  }
  func.func @transform_2(%arg0: i32) -> (i32, i32) {
    %c0_i32 = arith.constant 0 : i32
    %c0_i32_0 = arith.constant 0 : i32
    return %c0_i32, %arg0 : i32, i32
  }
  func.func @transform_3(%arg0: i32) -> (i32, i32, i32) {
    %c0_i32 = arith.constant 0 : i32
    %c0_i32_0 = arith.constant 0 : i32
    %c0_i32_1 = arith.constant 0 : i32
    return %c0_i32, %arg0, %c0_i32_0 : i32, i32, i32
  }
  func.func @transform_4(%arg0: i32) -> (i32, i32, i32) {
    %c0_i32 = arith.constant 0 : i32
    %c0_i32_0 = arith.constant 0 : i32
    %c0_i32_1 = arith.constant 0 : i32
    return %arg0, %c0_i32, %c0_i32_0 : i32, i32, i32
  }
}

module attributes {stable_mosaic.version = 14 : i64} {
  func.func @_tc_b_body(%arg0: i32, %arg1: memref<2x128x64xf32, #tpu.memory_space<vmem>>, %arg2: memref<2x128x64xf32, #tpu.memory_space<vmem>>, %arg3: memref<1x1x128xf32, #tpu.memory_space<vmem>>, %arg4: memref<1x128xf32, #tpu.memory_space<vmem>>, %arg5: memref<128x128xf32, #tpu.memory_space<vmem>>, %arg6: memref<1x128xf32, #tpu.memory_space<vmem>>, %arg7: memref<1x128xf32, #tpu.memory_space<vmem>>, %arg8: memref<2x128x64xf32, #tpu.memory_space<vmem>>, %arg9: memref<1x1x128xf32, #tpu.memory_space<vmem>>, %arg10: memref<1x1x128xf32, #tpu.memory_space<vmem>>) attributes {dimension_semantics = [#tpu.dimension_semantics<arbitrary>], iteration_bounds = array<i64: 79>, scalar_prefetch = 0 : i64, scratch_operands = 0 : i64, tpu.core_type = #tpu.core_type<tc>, window_params = [{transform_indices = @transform_0, window_bounds = array<i64: 2, 128, 64>}, {transform_indices = @transform_1, window_bounds = array<i64: 2, 128, 64>}, {transform_indices = @transform_2, window_bounds = array<i64: 1, 1, 128>}, {pipeline_mode = #tpu.pipeline_mode<synchronous>, transform_indices = @transform_3, window_bounds = array<i64: 1, 128>}, {pipeline_mode = #tpu.pipeline_mode<synchronous>, transform_indices = @transform_4, window_bounds = array<i64: 128, 128>}, {pipeline_mode = #tpu.pipeline_mode<synchronous>, transform_indices = @transform_5, window_bounds = array<i64: 1, 128>}, {pipeline_mode = #tpu.pipeline_mode<synchronous>, transform_indices = @transform_6, window_bounds = array<i64: 1, 128>}, {transform_indices = @transform_7, window_bounds = array<i64: 2, 128, 64>}, {transform_indices = @transform_8, window_bounds = array<i64: 1, 1, 128>}, {transform_indices = @transform_9, window_bounds = array<i64: 1, 1, 128>}]} {
    %get3A = arith.constant 0 : index
    %get3A_0 = arith.constant 0 : index
    %get3A_1 = arith.constant 0 : index
    %get3A_2 = vector.load %arg3[%get3A, %get3A_0, %get3A_1] : memref<1x1x128xf32, #tpu.memory_space<vmem>>, vector<1x1x128xf32>
    %reshape3A = vector.shape_cast %get3A_2 : vector<1x1x128xf32> to vector<128x1xf32>
    %get3A_3 = arith.constant 0 : index
    %get3A_4 = arith.constant 0 : index
    %get3A_5 = arith.constant 0 : index
    %get3A_6 = vector.load %arg1[%get3A_3, %get3A_4, %get3A_5] : memref<2x128x64xf32, #tpu.memory_space<vmem>>, vector<1x128x64xf32>
    %get3A_7 = vector.shape_cast %get3A_6 : vector<1x128x64xf32> to vector<128x64xf32>
    %get3A_8 = arith.constant 1 : index
    %get3A_9 = arith.constant 0 : index
    %get3A_10 = arith.constant 0 : index
    %get3A_11 = vector.load %arg1[%get3A_8, %get3A_9, %get3A_10] : memref<2x128x64xf32, #tpu.memory_space<vmem>>, vector<1x128x64xf32>
    %get3A_12 = vector.shape_cast %get3A_11 : vector<1x128x64xf32> to vector<128x64xf32>
    %concatenate3A = tpu.concatenate %get3A_7, %get3A_12 in 1 : vector<128x64xf32>, vector<128x64xf32> -> vector<128x128xf32>
    %get3A_13 = arith.constant 0 : index
    %get3A_14 = arith.constant 0 : index
    %get3A_15 = arith.constant 0 : index
    %get3A_16 = vector.load %arg2[%get3A_13, %get3A_14, %get3A_15] : memref<2x128x64xf32, #tpu.memory_space<vmem>>, vector<1x128x64xf32>
    %get3A_17 = vector.shape_cast %get3A_16 : vector<1x128x64xf32> to vector<128x64xf32>
    %get3A_18 = arith.constant 1 : index
    %get3A_19 = arith.constant 0 : index
    %get3A_20 = arith.constant 0 : index
    %get3A_21 = vector.load %arg2[%get3A_18, %get3A_19, %get3A_20] : memref<2x128x64xf32, #tpu.memory_space<vmem>>, vector<1x128x64xf32>
    %get3A_22 = vector.shape_cast %get3A_21 : vector<1x128x64xf32> to vector<128x64xf32>
    %concatenate3A_23 = tpu.concatenate %get3A_17, %get3A_22 in 1 : vector<128x64xf32>, vector<128x64xf32> -> vector<128x128xf32>
    %add3A = arith.addf %concatenate3A, %concatenate3A_23 : vector<128x128xf32>
    %mul3A = vector.broadcast %reshape3A : vector<128x1xf32> to vector<128x128xf32>
    %mul3A_24 = arith.mulf %mul3A, %add3A : vector<128x128xf32>
    %get3A_25 = arith.constant 0 : index
    %get3A_26 = arith.constant 0 : index
    %get3A_27 = vector.load %arg4[%get3A_25, %get3A_26] : memref<1x128xf32, #tpu.memory_space<vmem>>, vector<1x128xf32>
    %add3A_28 = vector.broadcast %get3A_27 : vector<1x128xf32> to vector<128x128xf32>
    %add3A_29 = arith.addf %mul3A_24, %add3A_28 : vector<128x128xf32>
    %get3A_30 = arith.constant 0 : index
    %get3A_31 = arith.constant 0 : index
    %get3A_32 = vector.load %arg5[%get3A_30, %get3A_31] : memref<128x128xf32, #tpu.memory_space<vmem>>, vector<128x128xf32>
    %dot_general3A = arith.constant dense<0.000000e+00> : vector<128x128xf32>
    %dot_general3A_33 = tpu.matmul %add3A_29, %get3A_32, %dot_general3A {dimension_numbers = #tpu.dot_dimension_numbers<[1], [0], [0], [1], [0, 0, 1, 1], [], []>, transpose_lhs_hint = false} : vector<128x128xf32>, vector<128x128xf32>, vector<128x128xf32> -> vector<128x128xf32>
    %slice3A = vector.extract_strided_slice %dot_general3A_33 {offsets = [0, 0], sizes = [128, 64], strides = [1, 1]} : vector<128x128xf32> to vector<128x64xf32>
    %swap3A = arith.constant 0 : index
    %swap3A_34 = arith.constant 0 : index
    %swap3A_35 = arith.constant 0 : index
    %swap3A_36 = vector.load %arg8[%swap3A, %swap3A_34, %swap3A_35] : memref<2x128x64xf32, #tpu.memory_space<vmem>>, vector<1x128x64xf32>
    %swap3A_37 = vector.shape_cast %swap3A_36 : vector<1x128x64xf32> to vector<128x64xf32>
    %swap3A_38 = vector.shape_cast %slice3A : vector<128x64xf32> to vector<1x128x64xf32>
    tpu.vector_store %arg8[%swap3A, %swap3A_34, %swap3A_35], %swap3A_38 {strides = array<i32>} : memref<2x128x64xf32, #tpu.memory_space<vmem>>, vector<1x128x64xf32>,
    %slice3A_39 = vector.extract_strided_slice %dot_general3A_33 {offsets = [0, 64], sizes = [128, 64], strides = [1, 1]} : vector<128x128xf32> to vector<128x64xf32>
    %swap3A_40 = arith.constant 1 : index
    %swap3A_41 = arith.constant 0 : index
    %swap3A_42 = arith.constant 0 : index
    %swap3A_43 = vector.load %arg8[%swap3A_40, %swap3A_41, %swap3A_42] : memref<2x128x64xf32, #tpu.memory_space<vmem>>, vector<1x128x64xf32>
    %swap3A_44 = vector.shape_cast %swap3A_43 : vector<1x128x64xf32> to vector<128x64xf32>
    %swap3A_45 = vector.shape_cast %slice3A_39 : vector<128x64xf32> to vector<1x128x64xf32>
    tpu.vector_store %arg8[%swap3A_40, %swap3A_41, %swap3A_42], %swap3A_45 {strides = array<i32>} : memref<2x128x64xf32, #tpu.memory_space<vmem>>, vector<1x128x64xf32>,
    %get3A_46 = arith.constant 0 : index
    %get3A_47 = arith.constant 0 : index
    %get3A_48 = vector.load %arg6[%get3A_46, %get3A_47] : memref<1x128xf32, #tpu.memory_space<vmem>>, vector<1x128xf32>
    %mul3A_49 = vector.broadcast %get3A_48 : vector<1x128xf32> to vector<128x128xf32>
    %mul3A_50 = arith.mulf %dot_general3A_33, %mul3A_49 : vector<128x128xf32>
    %reduce_sum3A = arith.constant dense<0.000000e+00> : vector<128xf32>
    %reduce_sum3A_51 = vector.multi_reduction <add>, %mul3A_50, %reduce_sum3A [1] : vector<128x128xf32> to vector<128xf32>
    %broadcast_in_dim3A = vector.shape_cast %reduce_sum3A_51 : vector<128xf32> to vector<1x1x128xf32>
    %swap3A_52 = arith.constant 0 : index
    %swap3A_53 = arith.constant 0 : index
    %swap3A_54 = arith.constant 0 : index
    %swap3A_55 = vector.load %arg9[%swap3A_52, %swap3A_53, %swap3A_54] : memref<1x1x128xf32, #tpu.memory_space<vmem>>, vector<1x1x128xf32>
    tpu.vector_store %arg9[%swap3A_52, %swap3A_53, %swap3A_54], %broadcast_in_dim3A {strides = array<i32>} : memref<1x1x128xf32, #tpu.memory_space<vmem>>, vector<1x1x128xf32>,
    %get3A_56 = arith.constant 0 : index
    %get3A_57 = arith.constant 0 : index
    %get3A_58 = vector.load %arg7[%get3A_56, %get3A_57] : memref<1x128xf32, #tpu.memory_space<vmem>>, vector<1x128xf32>
    %mul3A_59 = vector.broadcast %get3A_58 : vector<1x128xf32> to vector<128x128xf32>
    %mul3A_60 = arith.mulf %dot_general3A_33, %mul3A_59 : vector<128x128xf32>
    %reduce_sum3A_61 = arith.constant dense<0.000000e+00> : vector<128xf32>
    %reduce_sum3A_62 = vector.multi_reduction <add>, %mul3A_60, %reduce_sum3A_61 [1] : vector<128x128xf32> to vector<128xf32>
    %broadcast_in_dim3A_63 = vector.shape_cast %reduce_sum3A_62 : vector<128xf32> to vector<1x1x128xf32>
    %swap3A_64 = arith.constant 0 : index
    %swap3A_65 = arith.constant 0 : index
    %swap3A_66 = arith.constant 0 : index
    %swap3A_67 = vector.load %arg10[%swap3A_64, %swap3A_65, %swap3A_66] : memref<1x1x128xf32, #tpu.memory_space<vmem>>, vector<1x1x128xf32>
    tpu.vector_store %arg10[%swap3A_64, %swap3A_65, %swap3A_66], %broadcast_in_dim3A_63 {strides = array<i32>} : memref<1x1x128xf32, #tpu.memory_space<vmem>>, vector<1x1x128xf32>,
    return
  }
  func.func @transform_0(%arg0: i32) -> (i32, i32, i32) {
    %c0_i32 = arith.constant 0 : i32
    %c0_i32_0 = arith.constant 0 : i32
    %c0_i32_1 = arith.constant 0 : i32
    return %c0_i32, %arg0, %c0_i32_0 : i32, i32, i32
  }
  func.func @transform_1(%arg0: i32) -> (i32, i32, i32) {
    %c0_i32 = arith.constant 0 : i32
    %c0_i32_0 = arith.constant 0 : i32
    %c0_i32_1 = arith.constant 0 : i32
    return %c0_i32, %arg0, %c0_i32_0 : i32, i32, i32
  }
  func.func @transform_2(%arg0: i32) -> (i32, i32, i32) {
    %c0_i32 = arith.constant 0 : i32
    %c0_i32_0 = arith.constant 0 : i32
    %c0_i32_1 = arith.constant 0 : i32
    return %arg0, %c0_i32, %c0_i32_0 : i32, i32, i32
  }
  func.func @transform_3(%arg0: i32) -> (i32, i32) {
    %c0_i32 = arith.constant 0 : i32
    %c0_i32_0 = arith.constant 0 : i32
    %c0_i32_1 = arith.constant 0 : i32
    return %c0_i32, %c0_i32_0 : i32, i32
  }
  func.func @transform_4(%arg0: i32) -> (i32, i32) {
    %c0_i32 = arith.constant 0 : i32
    %c0_i32_0 = arith.constant 0 : i32
    %c0_i32_1 = arith.constant 0 : i32
    return %c0_i32, %c0_i32_0 : i32, i32
  }
  func.func @transform_5(%arg0: i32) -> (i32, i32) {
    %c0_i32 = arith.constant 0 : i32
    %c0_i32_0 = arith.constant 0 : i32
    %c0_i32_1 = arith.constant 0 : i32
    return %c0_i32, %c0_i32_0 : i32, i32
  }
  func.func @transform_6(%arg0: i32) -> (i32, i32) {
    %c0_i32 = arith.constant 0 : i32
    %c0_i32_0 = arith.constant 0 : i32
    %c0_i32_1 = arith.constant 0 : i32
    return %c0_i32, %c0_i32_0 : i32, i32
  }
  func.func @transform_7(%arg0: i32) -> (i32, i32, i32) {
    %c0_i32 = arith.constant 0 : i32
    %c0_i32_0 = arith.constant 0 : i32
    %c0_i32_1 = arith.constant 0 : i32
    return %c0_i32, %arg0, %c0_i32_0 : i32, i32, i32
  }
  func.func @transform_8(%arg0: i32) -> (i32, i32, i32) {
    %c0_i32 = arith.constant 0 : i32
    %c0_i32_0 = arith.constant 0 : i32
    %c0_i32_1 = arith.constant 0 : i32
    return %arg0, %c0_i32, %c0_i32_0 : i32, i32, i32
  }
  func.func @transform_9(%arg0: i32) -> (i32, i32, i32) {
    %c0_i32 = arith.constant 0 : i32
    %c0_i32_0 = arith.constant 0 : i32
    %c0_i32_1 = arith.constant 0 : i32
    return %arg0, %c0_i32, %c0_i32_0 : i32, i32, i32
  }
}

module attributes {stable_mosaic.version = 14 : i64} {
  func.func @_tc_c_body(%arg0: i32, %arg1: memref<2x128x64xf32, #tpu.memory_space<vmem>>, %arg2: memref<1x16x128xf32, #tpu.memory_space<vmem>>, %arg3: memref<2x128x64xf32, #tpu.memory_space<vmem>>, %arg4: memref<1x1x128xf32, #tpu.memory_space<vmem>>, %arg5: memref<1x1x128xf32, #tpu.memory_space<vmem>>, %arg6: memref<32x16xf32, #tpu.memory_space<vmem>>, %arg7: memref<1x1x128xf32, #tpu.memory_space<vmem>>, %arg8: memref<1x128xf32, #tpu.memory_space<vmem>>, %arg9: memref<128x64xf32, #tpu.memory_space<vmem>>, %arg10: memref<2x128x32xf32, #tpu.memory_space<vmem>>) attributes {dimension_semantics = [#tpu.dimension_semantics<arbitrary>], iteration_bounds = array<i64: 79>, scalar_prefetch = 0 : i64, scratch_operands = 0 : i64, tpu.core_type = #tpu.core_type<tc>, window_params = [{transform_indices = @transform_0, window_bounds = array<i64: 2, 128, 64>}, {transform_indices = @transform_1, window_bounds = array<i64: 1, 16, 128>}, {transform_indices = @transform_2, window_bounds = array<i64: 2, 128, 64>}, {transform_indices = @transform_3, window_bounds = array<i64: 1, 1, 128>}, {transform_indices = @transform_4, window_bounds = array<i64: 1, 1, 128>}, {pipeline_mode = #tpu.pipeline_mode<synchronous>, transform_indices = @transform_5, window_bounds = array<i64: 32, 16>}, {transform_indices = @transform_6, window_bounds = array<i64: 1, 1, 128>}, {pipeline_mode = #tpu.pipeline_mode<synchronous>, transform_indices = @transform_7, window_bounds = array<i64: 1, 128>}, {pipeline_mode = #tpu.pipeline_mode<synchronous>, transform_indices = @transform_8, window_bounds = array<i64: 128, 64>}, {transform_indices = @transform_9, window_bounds = array<i64: 2, 128, 32>}]} {
    %get3A = arith.constant 0 : index
    %get3A_0 = arith.constant 0 : index
    %get3A_1 = vector.load %arg6[%get3A, %get3A_0] : memref<32x16xf32, #tpu.memory_space<vmem>>, vector<32x16xf32>
    %reduce_max3A = vector.shape_cast %get3A_1 : vector<32x16xf32> to vector<1x32x16xf32>
    %reduce_max3A_2 = arith.constant dense<0xFF800000> : vector<1xf32>
    %reduce_max3A_3 = vector.multi_reduction <maximumf>, %reduce_max3A, %reduce_max3A_2 [1, 2] : vector<1x32x16xf32> to vector<1xf32>
    %reduce_max3A_4 = vector.shape_cast %reduce_max3A_3 : vector<1xf32> to vector<1x1x1xf32>
    %reduce_max3A_5 = vector.extract %reduce_max3A_4[0, 0, 0] : f32 from vector<1x1x1xf32>
    %get3A_6 = arith.constant 0 : index
    %get3A_7 = arith.constant 0 : index
    %get3A_8 = arith.constant 0 : index
    %get3A_9 = vector.load %arg4[%get3A_6, %get3A_7, %get3A_8] : memref<1x1x128xf32, #tpu.memory_space<vmem>>, vector<1x1x128xf32>
    %get3A_10 = arith.constant 0 : index
    %get3A_11 = arith.constant 0 : index
    %get3A_12 = arith.constant 0 : index
    %get3A_13 = vector.load %arg5[%get3A_10, %get3A_11, %get3A_12] : memref<1x1x128xf32, #tpu.memory_space<vmem>>, vector<1x1x128xf32>
    %add3A = arith.addf %get3A_9, %get3A_13 : vector<1x1x128xf32>
    %mul3A = arith.constant 2.000000e-01 : f32
    %mul3A_14 = vector.broadcast %mul3A : f32 to vector<1x1x128xf32>
    %mul3A_15 = arith.mulf %mul3A_14, %add3A : vector<1x1x128xf32>
    %max3A = arith.maximumf %add3A, %mul3A_15 : vector<1x1x128xf32>
    %sub3A = vector.broadcast %reduce_max3A_5 : f32 to vector<1x1x128xf32>
    %sub3A_16 = arith.subf %max3A, %sub3A : vector<1x1x128xf32>
    %exp3A = math.exp %sub3A_16 : vector<1x1x128xf32>
    %reshape3A = vector.shape_cast %exp3A : vector<1x1x128xf32> to vector<128x1xf32>
    %get3A_17 = arith.constant 0 : index
    %get3A_18 = arith.constant 0 : index
    %get3A_19 = arith.constant 0 : index
    %get3A_20 = vector.load %arg3[%get3A_17, %get3A_18, %get3A_19] : memref<2x128x64xf32, #tpu.memory_space<vmem>>, vector<1x128x64xf32>
    %get3A_21 = vector.shape_cast %get3A_20 : vector<1x128x64xf32> to vector<128x64xf32>
    %get3A_22 = arith.constant 1 : index
    %get3A_23 = arith.constant 0 : index
    %get3A_24 = arith.constant 0 : index
    %get3A_25 = vector.load %arg3[%get3A_22, %get3A_23, %get3A_24] : memref<2x128x64xf32, #tpu.memory_space<vmem>>, vector<1x128x64xf32>
    %get3A_26 = vector.shape_cast %get3A_25 : vector<1x128x64xf32> to vector<128x64xf32>
    %concatenate3A = tpu.concatenate %get3A_21, %get3A_26 in 1 : vector<128x64xf32>, vector<128x64xf32> -> vector<128x128xf32>
    %get3A_27 = arith.constant 0 : index
    %get3A_28 = arith.constant 0 : index
    %get3A_29 = arith.constant 0 : index
    %get3A_30 = vector.load %arg1[%get3A_27, %get3A_28, %get3A_29] : memref<2x128x64xf32, #tpu.memory_space<vmem>>, vector<1x128x64xf32>
    %get3A_31 = vector.shape_cast %get3A_30 : vector<1x128x64xf32> to vector<128x64xf32>
    %get3A_32 = arith.constant 1 : index
    %get3A_33 = arith.constant 0 : index
    %get3A_34 = arith.constant 0 : index
    %get3A_35 = vector.load %arg1[%get3A_32, %get3A_33, %get3A_34] : memref<2x128x64xf32, #tpu.memory_space<vmem>>, vector<1x128x64xf32>
    %get3A_36 = vector.shape_cast %get3A_35 : vector<1x128x64xf32> to vector<128x64xf32>
    %concatenate3A_37 = tpu.concatenate %get3A_31, %get3A_36 in 1 : vector<128x64xf32>, vector<128x64xf32> -> vector<128x128xf32>
    %mul3A_38 = vector.broadcast %reshape3A : vector<128x1xf32> to vector<128x128xf32>
    %mul3A_39 = arith.mulf %mul3A_38, %concatenate3A : vector<128x128xf32>
    %add3A_40 = arith.addf %concatenate3A_37, %mul3A_39 : vector<128x128xf32>
    %get3A_41 = arith.constant 0 : index
    %get3A_42 = arith.constant 0 : index
    %get3A_43 = arith.constant 0 : index
    %get3A_44 = vector.load %arg2[%get3A_41, %get3A_42, %get3A_43] : memref<1x16x128xf32, #tpu.memory_space<vmem>>, vector<1x16x128xf32>
    %get3A_45 = vector.shape_cast %get3A_44 : vector<1x16x128xf32> to vector<16x128xf32>
    %reduce_sum3A = arith.constant dense<0.000000e+00> : vector<128xf32>
    %reduce_sum3A_46 = vector.multi_reduction <add>, %get3A_45, %reduce_sum3A [0] : vector<16x128xf32> to vector<128xf32>
    %broadcast_in_dim3A = vector.shape_cast %reduce_sum3A_46 : vector<128xf32> to vector<1x128xf32>
    %reshape3A_47 = vector.shape_cast %broadcast_in_dim3A : vector<1x128xf32> to vector<128x1xf32>
    %add3A_48 = arith.addf %reshape3A_47, %reshape3A : vector<128x1xf32>
    %add3A_49 = arith.constant 1.000000e-16 : f32
    %add3A_50 = vector.broadcast %add3A_49 : f32 to vector<128x1xf32>
    %add3A_51 = arith.addf %add3A_48, %add3A_50 : vector<128x1xf32>
    %div3A = vector.broadcast %add3A_51 : vector<128x1xf32> to vector<128x128xf32>
    %div3A_52 = arith.divf %add3A_40, %div3A : vector<128x128xf32>
    %get3A_53 = arith.constant 0 : index
    %get3A_54 = arith.constant 0 : index
    %get3A_55 = vector.load %arg8[%get3A_53, %get3A_54] : memref<1x128xf32, #tpu.memory_space<vmem>>, vector<1x128xf32>
    %add3A_56 = vector.broadcast %get3A_55 : vector<1x128xf32> to vector<128x128xf32>
    %add3A_57 = arith.addf %div3A_52, %add3A_56 : vector<128x128xf32>
    %max3A_58 = arith.constant 0.000000e+00 : f32
    %max3A_59 = vector.broadcast %max3A_58 : f32 to vector<128x128xf32>
    %max3A_60 = arith.maximumf %add3A_57, %max3A_59 : vector<128x128xf32>
    %get3A_61 = arith.constant 0 : index
    %get3A_62 = arith.constant 0 : index
    %get3A_63 = vector.load %arg9[%get3A_61, %get3A_62] : memref<128x64xf32, #tpu.memory_space<vmem>>, vector<128x64xf32>
    %dot_general3A = arith.constant dense<0.000000e+00> : vector<128x64xf32>
    %dot_general3A_64 = tpu.matmul %max3A_60, %get3A_63, %dot_general3A {dimension_numbers = #tpu.dot_dimension_numbers<[1], [0], [0], [1], [0, 0, 1, 1], [], []>, transpose_lhs_hint = false} : vector<128x128xf32>, vector<128x64xf32>, vector<128x64xf32> -> vector<128x64xf32>
    %get3A_65 = arith.constant 0 : index
    %get3A_66 = arith.constant 0 : index
    %get3A_67 = arith.constant 0 : index
    %get3A_68 = vector.load %arg7[%get3A_65, %get3A_66, %get3A_67] : memref<1x1x128xf32, #tpu.memory_space<vmem>>, vector<1x1x128xf32>
    %reshape3A_69 = vector.shape_cast %get3A_68 : vector<1x1x128xf32> to vector<128x1xf32>
    %mul3A_70 = vector.broadcast %reshape3A_69 : vector<128x1xf32> to vector<128x64xf32>
    %mul3A_71 = arith.mulf %dot_general3A_64, %mul3A_70 : vector<128x64xf32>
    %slice3A = vector.extract_strided_slice %mul3A_71 {offsets = [0, 0], sizes = [128, 32], strides = [1, 1]} : vector<128x64xf32> to vector<128x32xf32>
    %swap3A = arith.constant 0 : index
    %swap3A_72 = arith.constant 0 : index
    %swap3A_73 = arith.constant 0 : index
    %swap3A_74 = vector.load %arg10[%swap3A, %swap3A_72, %swap3A_73] : memref<2x128x32xf32, #tpu.memory_space<vmem>>, vector<1x128x32xf32>
    %swap3A_75 = vector.shape_cast %swap3A_74 : vector<1x128x32xf32> to vector<128x32xf32>
    %swap3A_76 = vector.shape_cast %slice3A : vector<128x32xf32> to vector<1x128x32xf32>
    tpu.vector_store %arg10[%swap3A, %swap3A_72, %swap3A_73], %swap3A_76 {strides = array<i32>} : memref<2x128x32xf32, #tpu.memory_space<vmem>>, vector<1x128x32xf32>,
    %slice3A_77 = vector.extract_strided_slice %mul3A_71 {offsets = [0, 32], sizes = [128, 32], strides = [1, 1]} : vector<128x64xf32> to vector<128x32xf32>
    %swap3A_78 = arith.constant 1 : index
    %swap3A_79 = arith.constant 0 : index
    %swap3A_80 = arith.constant 0 : index
    %swap3A_81 = vector.load %arg10[%swap3A_78, %swap3A_79, %swap3A_80] : memref<2x128x32xf32, #tpu.memory_space<vmem>>, vector<1x128x32xf32>
    %swap3A_82 = vector.shape_cast %swap3A_81 : vector<1x128x32xf32> to vector<128x32xf32>
    %swap3A_83 = vector.shape_cast %slice3A_77 : vector<128x32xf32> to vector<1x128x32xf32>
    tpu.vector_store %arg10[%swap3A_78, %swap3A_79, %swap3A_80], %swap3A_83 {strides = array<i32>} : memref<2x128x32xf32, #tpu.memory_space<vmem>>, vector<1x128x32xf32>,
    return
  }
  func.func @transform_0(%arg0: i32) -> (i32, i32, i32) {
    %c0_i32 = arith.constant 0 : i32
    %c0_i32_0 = arith.constant 0 : i32
    %c0_i32_1 = arith.constant 0 : i32
    return %c0_i32, %arg0, %c0_i32_0 : i32, i32, i32
  }
  func.func @transform_1(%arg0: i32) -> (i32, i32, i32) {
    %c0_i32 = arith.constant 0 : i32
    %c0_i32_0 = arith.constant 0 : i32
    %c0_i32_1 = arith.constant 0 : i32
    return %c0_i32, %c0_i32_0, %arg0 : i32, i32, i32
  }
  func.func @transform_2(%arg0: i32) -> (i32, i32, i32) {
    %c0_i32 = arith.constant 0 : i32
    %c0_i32_0 = arith.constant 0 : i32
    %c0_i32_1 = arith.constant 0 : i32
    return %c0_i32, %arg0, %c0_i32_0 : i32, i32, i32
  }
  func.func @transform_3(%arg0: i32) -> (i32, i32, i32) {
    %c0_i32 = arith.constant 0 : i32
    %c0_i32_0 = arith.constant 0 : i32
    %c0_i32_1 = arith.constant 0 : i32
    return %arg0, %c0_i32, %c0_i32_0 : i32, i32, i32
  }
  func.func @transform_4(%arg0: i32) -> (i32, i32, i32) {
    %c0_i32 = arith.constant 0 : i32
    %c0_i32_0 = arith.constant 0 : i32
    %c0_i32_1 = arith.constant 0 : i32
    return %arg0, %c0_i32, %c0_i32_0 : i32, i32, i32
  }
  func.func @transform_5(%arg0: i32) -> (i32, i32) {
    %c0_i32 = arith.constant 0 : i32
    %c0_i32_0 = arith.constant 0 : i32
    %c0_i32_1 = arith.constant 0 : i32
    return %c0_i32, %c0_i32_0 : i32, i32
  }
  func.func @transform_6(%arg0: i32) -> (i32, i32, i32) {
    %c0_i32 = arith.constant 0 : i32
    %c0_i32_0 = arith.constant 0 : i32
    %c0_i32_1 = arith.constant 0 : i32
    return %arg0, %c0_i32, %c0_i32_0 : i32, i32, i32
  }
  func.func @transform_7(%arg0: i32) -> (i32, i32) {
    %c0_i32 = arith.constant 0 : i32
    %c0_i32_0 = arith.constant 0 : i32
    %c0_i32_1 = arith.constant 0 : i32
    return %c0_i32, %c0_i32_0 : i32, i32
  }
  func.func @transform_8(%arg0: i32) -> (i32, i32) {
    %c0_i32 = arith.constant 0 : i32
    %c0_i32_0 = arith.constant 0 : i32
    %c0_i32_1 = arith.constant 0 : i32
    return %c0_i32, %c0_i32_0 : i32, i32
  }
  func.func @transform_9(%arg0: i32) -> (i32, i32, i32) {
    %c0_i32 = arith.constant 0 : i32
    %c0_i32_0 = arith.constant 0 : i32
    %c0_i32_1 = arith.constant 0 : i32
    return %c0_i32, %arg0, %c0_i32_0 : i32, i32, i32
  }
}

module attributes {stable_mosaic.version = 14 : i64} {
  func.func @_tc_d_body(%arg0: i32, %arg1: memref<2x128x32xf32, #tpu.memory_space<vmem>>, %arg2: memref<2x128x32xf32, #tpu.memory_space<vmem>>, %arg3: memref<1x1x128xf32, #tpu.memory_space<vmem>>, %arg4: memref<1x64xf32, #tpu.memory_space<vmem>>, %arg5: memref<64x192xf32, #tpu.memory_space<vmem>>, %arg6: memref<1x192xf32, #tpu.memory_space<vmem>>, %arg7: memref<128x192xf32, #tpu.memory_space<vmem>>) attributes {dimension_semantics = [#tpu.dimension_semantics<arbitrary>], iteration_bounds = array<i64: 79>, scalar_prefetch = 0 : i64, scratch_operands = 0 : i64, tpu.core_type = #tpu.core_type<tc>, window_params = [{transform_indices = @transform_0, window_bounds = array<i64: 2, 128, 32>}, {transform_indices = @transform_1, window_bounds = array<i64: 2, 128, 32>}, {transform_indices = @transform_2, window_bounds = array<i64: 1, 1, 128>}, {pipeline_mode = #tpu.pipeline_mode<synchronous>, transform_indices = @transform_3, window_bounds = array<i64: 1, 64>}, {pipeline_mode = #tpu.pipeline_mode<synchronous>, transform_indices = @transform_4, window_bounds = array<i64: 64, 192>}, {pipeline_mode = #tpu.pipeline_mode<synchronous>, transform_indices = @transform_5, window_bounds = array<i64: 1, 192>}, {transform_indices = @transform_6, window_bounds = array<i64: 128, 192>}]} {
    %get3A = arith.constant 0 : index
    %get3A_0 = arith.constant 0 : index
    %get3A_1 = arith.constant 0 : index
    %get3A_2 = vector.load %arg3[%get3A, %get3A_0, %get3A_1] : memref<1x1x128xf32, #tpu.memory_space<vmem>>, vector<1x1x128xf32>
    %reshape3A = vector.shape_cast %get3A_2 : vector<1x1x128xf32> to vector<128x1xf32>
    %get3A_3 = arith.constant 0 : index
    %get3A_4 = arith.constant 0 : index
    %get3A_5 = arith.constant 0 : index
    %get3A_6 = vector.load %arg1[%get3A_3, %get3A_4, %get3A_5] : memref<2x128x32xf32, #tpu.memory_space<vmem>>, vector<1x128x32xf32>
    %get3A_7 = vector.shape_cast %get3A_6 : vector<1x128x32xf32> to vector<128x32xf32>
    %get3A_8 = arith.constant 1 : index
    %get3A_9 = arith.constant 0 : index
    %get3A_10 = arith.constant 0 : index
    %get3A_11 = vector.load %arg1[%get3A_8, %get3A_9, %get3A_10] : memref<2x128x32xf32, #tpu.memory_space<vmem>>, vector<1x128x32xf32>
    %get3A_12 = vector.shape_cast %get3A_11 : vector<1x128x32xf32> to vector<128x32xf32>
    %concatenate3A = tpu.concatenate %get3A_7, %get3A_12 in 1 : vector<128x32xf32>, vector<128x32xf32> -> vector<128x64xf32>
    %get3A_13 = arith.constant 0 : index
    %get3A_14 = arith.constant 0 : index
    %get3A_15 = arith.constant 0 : index
    %get3A_16 = vector.load %arg2[%get3A_13, %get3A_14, %get3A_15] : memref<2x128x32xf32, #tpu.memory_space<vmem>>, vector<1x128x32xf32>
    %get3A_17 = vector.shape_cast %get3A_16 : vector<1x128x32xf32> to vector<128x32xf32>
    %get3A_18 = arith.constant 1 : index
    %get3A_19 = arith.constant 0 : index
    %get3A_20 = arith.constant 0 : index
    %get3A_21 = vector.load %arg2[%get3A_18, %get3A_19, %get3A_20] : memref<2x128x32xf32, #tpu.memory_space<vmem>>, vector<1x128x32xf32>
    %get3A_22 = vector.shape_cast %get3A_21 : vector<1x128x32xf32> to vector<128x32xf32>
    %concatenate3A_23 = tpu.concatenate %get3A_17, %get3A_22 in 1 : vector<128x32xf32>, vector<128x32xf32> -> vector<128x64xf32>
    %add3A = arith.addf %concatenate3A, %concatenate3A_23 : vector<128x64xf32>
    %mul3A = vector.broadcast %reshape3A : vector<128x1xf32> to vector<128x64xf32>
    %mul3A_24 = arith.mulf %mul3A, %add3A : vector<128x64xf32>
    %get3A_25 = arith.constant 0 : index
    %get3A_26 = arith.constant 0 : index
    %get3A_27 = vector.load %arg4[%get3A_25, %get3A_26] : memref<1x64xf32, #tpu.memory_space<vmem>>, vector<1x64xf32>
    %add3A_28 = vector.broadcast %get3A_27 : vector<1x64xf32> to vector<128x64xf32>
    %add3A_29 = arith.addf %mul3A_24, %add3A_28 : vector<128x64xf32>
    %get3A_30 = arith.constant 0 : index
    %get3A_31 = arith.constant 0 : index
    %get3A_32 = vector.load %arg5[%get3A_30, %get3A_31] : memref<64x192xf32, #tpu.memory_space<vmem>>, vector<64x192xf32>
    %dot_general3A = arith.constant dense<0.000000e+00> : vector<128x192xf32>
    %dot_general3A_33 = tpu.matmul %add3A_29, %get3A_32, %dot_general3A {dimension_numbers = #tpu.dot_dimension_numbers<[1], [0], [0], [1], [0, 0, 1, 1], [], []>, transpose_lhs_hint = false} : vector<128x64xf32>, vector<64x192xf32>, vector<128x192xf32> -> vector<128x192xf32>
    %get3A_34 = arith.constant 0 : index
    %get3A_35 = arith.constant 0 : index
    %get3A_36 = vector.load %arg6[%get3A_34, %get3A_35] : memref<1x192xf32, #tpu.memory_space<vmem>>, vector<1x192xf32>
    %add3A_37 = vector.broadcast %get3A_36 : vector<1x192xf32> to vector<128x192xf32>
    %add3A_38 = arith.addf %dot_general3A_33, %add3A_37 : vector<128x192xf32>
    %swap3A = arith.constant 0 : index
    %swap3A_39 = arith.constant 0 : index
    %swap3A_40 = vector.load %arg7[%swap3A, %swap3A_39] : memref<128x192xf32, #tpu.memory_space<vmem>>, vector<128x192xf32>
    tpu.vector_store %arg7[%swap3A, %swap3A_39], %add3A_38 {strides = array<i32>} : memref<128x192xf32, #tpu.memory_space<vmem>>, vector<128x192xf32>,
    return
  }
  func.func @transform_0(%arg0: i32) -> (i32, i32, i32) {
    %c0_i32 = arith.constant 0 : i32
    %c0_i32_0 = arith.constant 0 : i32
    %c0_i32_1 = arith.constant 0 : i32
    return %c0_i32, %arg0, %c0_i32_0 : i32, i32, i32
  }
  func.func @transform_1(%arg0: i32) -> (i32, i32, i32) {
    %c0_i32 = arith.constant 0 : i32
    %c0_i32_0 = arith.constant 0 : i32
    %c0_i32_1 = arith.constant 0 : i32
    return %c0_i32, %arg0, %c0_i32_0 : i32, i32, i32
  }
  func.func @transform_2(%arg0: i32) -> (i32, i32, i32) {
    %c0_i32 = arith.constant 0 : i32
    %c0_i32_0 = arith.constant 0 : i32
    %c0_i32_1 = arith.constant 0 : i32
    return %arg0, %c0_i32, %c0_i32_0 : i32, i32, i32
  }
  func.func @transform_3(%arg0: i32) -> (i32, i32) {
    %c0_i32 = arith.constant 0 : i32
    %c0_i32_0 = arith.constant 0 : i32
    %c0_i32_1 = arith.constant 0 : i32
    return %c0_i32, %c0_i32_0 : i32, i32
  }
  func.func @transform_4(%arg0: i32) -> (i32, i32) {
    %c0_i32 = arith.constant 0 : i32
    %c0_i32_0 = arith.constant 0 : i32
    %c0_i32_1 = arith.constant 0 : i32
    return %c0_i32, %c0_i32_0 : i32, i32
  }
  func.func @transform_5(%arg0: i32) -> (i32, i32) {
    %c0_i32 = arith.constant 0 : i32
    %c0_i32_0 = arith.constant 0 : i32
    %c0_i32_1 = arith.constant 0 : i32
    return %c0_i32, %c0_i32_0 : i32, i32
  }
  func.func @transform_6(%arg0: i32) -> (i32, i32) {
    %c0_i32 = arith.constant 0 : i32
    %c0_i32_0 = arith.constant 0 : i32
    return %arg0, %c0_i32 : i32, i32
  }
}

</mosaic_0001>

<sc_bundles>
// kernel: kernel.11.cloned.1.call-start
scs
__scs_entry_jumppad:
0x0: {  	(pc) =	sbr.rel $0x88, $3  }
0x1: {  	(tag) =	ssettag $0x0;
	lr =	simm.s32 $0x1  }
0x2: {  	[smem:$0x3F95] =	sst lr;
	_ =	strace $0xD0000000  }
0x3: {  	_ = 	snop  }
0x4: {  	_ = 	snop  }
0x5: {  	_ = 	snop  }
0x6: {  	_ = 	snop  }
0x7: {  	_ = 	snop  }
__scs_overlays_trampoline_lowered:
0x8: {  	[smem:$0x3FA4] =	sst s0  }
0x9: {  	[smem:$0x3FA5] =	sst s1  }
0xa: {  	[smem:$0x3FA6] =	sst s2  }
0xb: {  	[smem:$0x3FA7] =	sst s3  }
0xc: {  	[smem:$0x3FA8] =	sst s4  }
0xd: {  	[smem:$0x3FA9] =	sst s5  }
0xe: {  	[smem:$0x3FAA] =	sst s6  }
0xf: {  	[smem:$0x3FAB] =	sst s7  }
0x10: {  	[smem:$0x3FAC] =	sst s8  }
0x11: {  	[smem:$0x3FAD] =	sst s9;
	s0 =	simm.s32 @!p0 $0x0  }
0x12: {  	s1 =	sld [smem:$0x3F93];
	s0 =	simm.s32 @p0 $0x1  }
0x13: {  	[smem:$0x3FAE] =	sst s0;
	s0 =	simm.s32 @!p1 $0x0  }
0x14: {  	s2 =	sld [smem:$0x3F92];
	s0 =	simm.s32 @p1 $0x1  }
0x15: {  	[smem:$0x3FAF] =	sst s0;
	s0 =	simm.s32 @!p2 $0x0  }
0x16: {  	s3 =	sld [smem:$0x3FDB];
	s0 =	simm.s32 @p2 $0x1  }
0x17: {  	s4 =	simm.s32 $0x1BF5;
	[smem:$0x3FB1] =	sst s0  }
0x18: {  	s0 =	sld [smem:$0x3F94];
	_ =	swait.ge [sflag:s4], $0x0  }
0x19: {  	s7 =	sld [smem:$0x3F95]  }
0x1a: {  	s8 =	sadd.s32 $0xFFFFE003, lr  }
0x1b: {  	s9 =	sadd.s32 $0xFFFFFEF7, lr;
	s5 =	simm.s32 $0xFFFFFFFF;
	p2 =	slt.u32 s8, $0xFFFFF086  }
0x1c: {  	p1 =	slt.u32 s9, $0xF7A;
	s5 =	simm.s32 @!p2 $0x0  }
0x1d: {  	s5 =	simm.s32 @p1 $0x1;
	p0 =	seq.s32 s7, s2  }
0x1e: {  	s7 =	smul.u32 @!p0 $0xF7A, s2;
	p2 =	seq.s32 @!p0 s5, $0x0  }
0x1f: {  	s9 =	smul.u32 $0xF7A, s1;
	s8 =	simm.s32 @!p0 $0x1BF5;
	p2 =	por !p2, p0  }
0x20: {  	[sflag:s8] =	ssyncset.s32 @!p0 $0xFFFFF086;
	s6 =	sadd.s32 @!p0 s3, s7;
	s7 =	simm.s32 @!p0 $0x108  }
0x21: {  	s3 =	sadd.s32 s3, s9;
	s6 =	sadd.s32 @!p0 $0x88, s6;
	s7 =	simm.s32 @p2 $0x1082  }
0x22: {  	[simem:s7], [sflag:s8] =	dma.local @!p0 [hbm:s6], $0xF7A  }
0x23: {  	s9 =	sor.u32 $0xD0000000, s2;
	s6 =	simm.s32 $0x108;
	_ =	swait.ge @!p0 [sflag:s8], $0x0  }
0x24: {  	s3 =	sadd.s32 $0x88, s3;
	s6 =	simm.s32 @!p1 $0x1082;
	[sflag:s4] =	ssyncset.s32 $0xFFFFF086  }
0x25: {  	[simem:s6], [sflag:s4] =	dma.local [hbm:s3], $0xF7A  }
0x26: {  	[smem:$0x3F95] =	sst s1;
	(tag) =	ssettag s2;
	_ =	strace s9  }
0x27: {  	s1 =	sld [smem:$0x3FA5]  }
0x28: {  	s2 =	sld [smem:$0x3FA6]  }
0x29: {  	s4 =	sld [smem:$0x3FA8]  }
0x2a: {  	p0 =	seq.s32 s5, $0x0;
	s5 =	sld [smem:$0x3FA9]  }
0x2b: {  	s6 =	sld [smem:$0x3FAA]  }
0x2c: {  	s7 =	sld [smem:$0x3FAB]  }
0x2d: {  	s3 =	simm.s32 $0x108;
	s8 =	sld [smem:$0x3FAC]  }
0x2e: {  	s3 =	simm.s32 @!p0 $0x1082;
	s9 =	sld [smem:$0x3FAD]  }
0x2f: {  	lr =	sadd.s32 s0, s3;
	s0 =	sld [smem:$0x3FA4]  }
0x30: {  	s3 =	sld [smem:$0x3FA7]  }
0x31: {  	[smem:$0x3FB0] =	sst s10  }
0x32: {  	s10 =	sld [smem:$0x3FAE];
	_ =	sdelay $0x3  }
0x33: {  	p0 =	seq.s32 s10, $0x1;
	s10 =	sld [smem:$0x3FB0];
	_ =	sdelay $0x3  }
0x34: {  	[smem:$0x3FB0] =	sst s10  }
0x35: {  	s10 =	sld [smem:$0x3FAF];
	_ =	sdelay $0x3  }
0x36: {  	p1 =	seq.s32 s10, $0x1;
	s10 =	sld [smem:$0x3FB0];
	_ =	sdelay $0x3  }
0x37: {  	[smem:$0x3FB0] =	sst s10  }
0x38: {  	s10 =	sld [smem:$0x3FB1]  }
0x39: {  	_ = 	snop;
	(pc) =	sbr.ind lr, $3  }
0x3a: {  	_ = 	snop  }
0x3b: {  	_ = 	snop  }
0x3c: {  	p2 =	seq.s32 s10, $0x1;
	s10 =	sld [smem:$0x3FB0]  }
0x3d: {  	_ =	shalt  }
0x3e: {  	_ =	shalt  }
0x3f: {  	_ =	shalt  }
0x40: {  	_ =	shalt  }
0x41: {  	_ =	shalt  }
0x42: {  	_ =	shalt  }
0x43: {  	_ =	shalt  }
0x44: {  	_ =	shalt  }
0x45: {  	_ =	shalt  }
0x46: {  	_ =	shalt  }
0x47: {  	_ =	shalt  }
0x48: {  	_ =	shalt  }
0x49: {  	_ =	shalt  }
0x4a: {  	_ =	shalt  }
0x4b: {  	_ =	shalt  }
0x4c: {  	_ =	shalt  }
0x4d: {  	_ =	shalt  }
0x4e: {  	_ =	shalt  }
0x4f: {  	_ =	shalt  }
0x50: {  	_ =	shalt  }
0x51: {  	_ =	shalt  }
0x52: {  	_ =	shalt  }
0x53: {  	_ =	shalt  }
0x54: {  	_ =	shalt  }
0x55: {  	_ =	shalt  }
0x56: {  	_ =	shalt  }
0x57: {  	_ =	shalt  }
0x58: {  	_ =	shalt  }
0x59: {  	_ =	shalt  }
0x5a: {  	_ =	shalt  }
0x5b: {  	_ =	shalt  }
0x5c: {  	_ =	shalt  }
0x5d: {  	_ =	shalt  }
0x5e: {  	_ =	shalt  }
0x5f: {  	_ =	shalt  }
0x60: {  	_ =	shalt  }
0x61: {  	_ =	shalt  }
0x62: {  	_ =	shalt  }
0x63: {  	_ =	shalt  }
0x64: {  	_ =	shalt  }
0x65: {  	_ =	shalt  }
0x66: {  	_ =	shalt  }
0x67: {  	_ =	shalt  }
0x68: {  	_ =	shalt  }
0x69: {  	_ =	shalt  }
0x6a: {  	_ =	shalt  }
0x6b: {  	_ =	shalt  }
0x6c: {  	_ =	shalt  }
0x6d: {  	_ =	shalt  }
0x6e: {  	_ =	shalt  }
0x6f: {  	_ =	shalt  }
0x70: {  	_ =	shalt  }
0x71: {  	_ =	shalt  }
0x72: {  	_ =	shalt  }
0x73: {  	_ =	shalt  }
0x74: {  	_ =	shalt  }
0x75: {  	_ =	shalt  }
0x76: {  	_ =	shalt  }
0x77: {  	_ =	shalt  }
0x78: {  	_ =	shalt  }
0x79: {  	_ =	shalt  }
0x7a: {  	_ =	shalt  }
0x7b: {  	_ =	shalt  }
0x7c: {  	_ =	shalt  }
0x7d: {  	_ =	shalt  }
0x7e: {  	_ =	shalt  }
0x7f: {  	_ =	shalt  }
0x80: {  	_ =	shalt  }
0x81: {  	_ =	shalt  }
0x82: {  	_ =	shalt  }
0x83: {  	_ =	shalt  }
0x84: {  	_ =	shalt  }
0x85: {  	_ =	shalt  }
0x86: {  	_ =	shalt  }
0x87: {  	_ =	shalt  }
.Lfunc_end0:
.L_simem_size_0:
called_computation_lowered:
.L_overlay_start_0:
0x88: {  	s2 =	sld [smem:$0x3FD9]  }
0x89: {  	s3 =	sld [smem:$0x3FFE];
	_ =	sdelay $0x1  }
0x8a: {  	s1 =	srdreg.scid  }
0x8b: {  	s0 =	sand.u32 $0x1, s1  }
0x8c: {  	s17 =	sshll.u32 s0, $0xA;
	s2 =	sadd.s32 s3, s2  }
0x8d: {  	s2 =	sadd.s32 s2, s17  }
0x8e: {  	[smem:$0x3FBC] =	sst s2  }
0x8f: {  	_ = 	snop  }
0x90: {  	s2 =	sld [smem:$0x3FD0];
	(tm) =	ssettm $0x1  }
0x91: {  	s18 =	sld [smem:$0x3FFB];
	_ =	sdelay $0x3  }
0x92: {  	_ =	strace s18  }
0x93: {  	s3 =	sld [smem:$0x3FFC];
	_ =	sdelay $0x3  }
0x94: {  	_ =	strace s3  }
0x95: {  	s3 =	sld [smem:$0x3FFD];
	_ =	sdelay $0x3  }
0x96: {  	_ =	strace s3  }
0x97: {  	_ =	strace $0x8FFFFFFF  }
0x98: {  	s19 =	sld [smem:$0x3FDB];
	_ =	sdelay $0x1  }
0x99: {  	s4 =	simm.s32 $_scs_section_size  }
0x9a: {  	s5 =	simm.s32 $_size__tile_overlayer_lowered;
	s6 =	simm.s32 $_tile_overlayer_lowered  }
0x9b: {  	s22 =	simm.s32 $0x1BFF;
	s21 =	sshll.u32 s6, $0x1;
	s3 =	sadd.s32 s4, s19  }
0x9c: {  	s7 =	simm.s32 $0x0;
	s20 =	sshll.u32 s5, $0x1;
	s5 =	sadd.s32 s21, s3  }
0x9d: {  	[timem:s7], [sflag:s22] =	dma.local [hbm:s5], s20  }
0x9e: {  	_ =	swait.ge [sflag:s22], s20  }
0x9f: {  	s4 =	ssub.s32 $0x0, s20;
	[sflag:s22] =	ssyncset.done $0x0  }
0xa0: {  	[sflag:s22] =	ssyncadd.s32 s4;
	_ =	sdelay $0x1  }
0xa1: {  	s23 =	simm.s32 $0x1B8B  }
0xa2: {  	_ =	swait.ge [sflag:s23], $0x1  }
0xa3: {  	[sflag:s23] =	ssyncset.done $0x0  }
0xa4: {  	s25 =	simm.s32 $0x1B8E;
	s24 =	sld [smem:$0x3FFE];
	[sflag:s23] =	ssyncadd.s32 $0xFFFFFFFF  }
0xa5: {  	s26 =	simm.s32 $execute0_lowered;
	[smem:$0x3FD2] =	sst s25  }
0xa6: {  	s5 =	sshll.u32 s26, $0x1;
	_ =	strace $0x80000046;
	[dreg:$0x1] =	wrdreg $0xFFFFFFFF  }
0xa7: {  	s28 =	simm.s32 $_size_execute0_lowered;
	s3 =	sadd.s32 s3, s5;
	[dreg:$0x0] =	wrdreg $0x0  }
0xa8: {  	s5 =	sshll.u32 s28, $0x1;
	[dreg:$0x2] =	wrdreg s3  }
0xa9: {  	[dreg:$0x3] =	wrdreg s5  }
0xaa: {  	[dreg:$0x4] =	wrdreg $0xC0  }
0xab: {  	_ =	task [dreg:s7], $0x5FFFF  }
0xac: {  	[dreg:$0x1] =	wrdreg $0xFFFFFFFF  }
0xad: {  	[dreg:$0x0] =	wrdreg $0x60  }
0xae: {  	[dreg:$0x2] =	wrdreg s24  }
0xaf: {  	[dreg:$0x3] =	wrdreg s2  }
0xb0: {  	[dreg:$0x4] =	wrdreg $0x9  }
0xb1: {  	_ =	task.clear_ibuf [dreg:s7], $0x5FFFF;
	_ =	strace $0x90000046  }
0xb2: {  	s29 =	simm.s32 $0x9;
	_ =	strace $0x80000048  }
0xb3: {  	_ =	swait.ge [sflag:s29], $0x1  }
0xb4: {  	[sflag:s29] =	ssyncadd.s32 $0xFFFFFFFF  }
0xb5: {  	_ =	strace $0x90000048  }
0xb6: {  	_ =	sfence  }
0xb7: {  	s30 =	sld [smem:$0x0];
	_ =	sdelay $0x2  }
0xb8: {  	s31 =	sshll.u32 s1, $0xD;
	s1 =	sshrl.u32 s1, $0x2  }
0xb9: {  	s3 =	sand.u32 $0x4000, s31;
	s1 =	sadd.s32 s1, s30  }
0xba: {  	s0 =	sor.u32 s3, s0;
	s1 =	sshll.u32 s1, $0x11  }
0xbb: {  	s0 =	sor.u32 s1, s0  }
0xbc: {  	s0 =	sadd.s32 $0x8F2B, s0  }
0xbd: {  	[sflag:s0] =	ssyncadd.remote.s32 $0x1  }
0xbe: {  	_ =	sfence.sel $0xFFFF  }
0xbf: {  	[dreg:$0x0] =	wrdreg $0xFFFFFFFF;
	(pc) =	sbr.abs _section_cstart, $3  }
0xc0: {  	[dreg:$0x1] =	wrdreg $0xFFFFFFFF  }
0xc1: {  	_ =	task.clear_ibuf [dreg:s7], $0x2FFFF;
	_ =	strace $0x9FFFFFFF  }
0xc2: {  	(tm) =	ssettm $0x7FFFFFFF  }
0xc3: {  	_ =	shalt  }
tec
execute0_lowered:
.L_overlay_start_1:
0x0: {  	(tag) =	ssettag $0x1  }
0x1: {  	s3 =	rddreg [dreg:$0x0];
	s1 =	srdreg.scid  }
0x2: {  	s0 =	stileid.u32;
	s4 =	rddreg [dreg:$0x1]  }
0x3: {  	s8 =	simm.s32 $0x0;
	s5 =	sand.u32 $0x1, s1;
	s2 =	sshll.u32 s0, $0x1  }
0x4: {  	s6 =	sor.u32 s5, s2;
	s2 =	simm.s32 $0x0;
	s5 =	ssub.s32 $0x2, s5  }
0x5: {  	s6 =	smul.u32 $0x4F0, s6;
	[smem:$0x7FF] =	sst s2;
	s7 =	sshrl.u32 s5, $0x1  }
0x6: {  	s1 =	rddreg [dreg:$0x2];
	_ =	strace $0x80000047;
	s5 =	ssub.s32 s5, s7  }
0x7: {  	s7 =	simm.s32 $0x2780;
	s3 =	sadd.s32 s6, s3;
	s4 =	sadd.s32 s4, s6  }
0x8: {  	v0 =	vimm.f32 $0.0e+00;
	v1 =	vimm.f32 $1.000000000e+00;
	s5 =	smax.u32 s5, $0x1;
	s6 =	simm.s32 $0x1;
	s3 =	sadd.s32 $0x2E00, s3  }
.LBB2_1:
0x9: {  	[tilespmem:s2], [sflag:$0x1] =	stream.linear.gather [hbm4b:s3+s2], $0x2780, $0x38;
	[tilespmem:$0x4F00] =	vst v63  }
0xa: {  	_ =	swait.ge [sflag:s6], $0x2780  }
0xb: {  	[sflag:s6] =	ssyncset.done $0x0  }
0xc: {  	s9 =	simm.s32 $0x0;
	[sflag:s6] =	ssyncadd.s32 $0xFFFFD880  }
.LBB2_2:
0xd: {  	p0 =	sne.s32 s9, $0x9DC0  }
.Ltmp0:
0xe: {  	_ = 	snop;
	(pc) =	sbr.rel @p0 .LBB2_2-.Ltmp0, $3  }
0xf: {  	_ =	sdelay $0x1  }
0x10: {  	s10 =	sshra.s32 s9, $0x2  }
0x11: {  	s9 =	sadd.s32 $0x40, s9;
	[tilespmem:s10+$0x2780] =	vst v0  }
0x12: {  	s9 =	simm.s32 $0x0  }
.LBB2_4:
0x13: {  	s10 =	sshra.s32 s9, $0x2  }
0x14: {  	v2 =	vld [tilespmem:s10+$0x0];
	_ =	sdelay $0x7  }
0x15: {  	[tilespmem:v2+s7+$0x0] =	vst.idx.add.f32.msk $0xffff, v1  }
0x16: {  	v2 =	vld [tilespmem:s10+$0x10];
	_ =	sdelay $0x7  }
0x17: {  	[tilespmem:v2+s7+$0x0] =	vst.idx.add.f32.msk $0xffff, v1  }
0x18: {  	v2 =	vld [tilespmem:s10+$0x20];
	_ =	sdelay $0x7  }
0x19: {  	[tilespmem:v2+s7+$0x0] =	vst.idx.add.f32.msk $0xffff, v1  }
0x1a: {  	v2 =	vld [tilespmem:s10+$0x30];
	_ =	sdelay $0x7  }
0x1b: {  	[tilespmem:v2+s7+$0x0] =	vst.idx.add.f32.msk $0xffff, v1  }
0x1c: {  	v2 =	vld [tilespmem:s10+$0x40];
	_ =	sdelay $0x7  }
0x1d: {  	[tilespmem:v2+s7+$0x0] =	vst.idx.add.f32.msk $0xffff, v1  }
0x1e: {  	v2 =	vld [tilespmem:s10+$0x50];
	_ =	sdelay $0x7  }
0x1f: {  	[tilespmem:v2+s7+$0x0] =	vst.idx.add.f32.msk $0xffff, v1  }
0x20: {  	v2 =	vld [tilespmem:s10+$0x60];
	_ =	sdelay $0x7  }
0x21: {  	[tilespmem:v2+s7+$0x0] =	vst.idx.add.f32.msk $0xffff, v1  }
0x22: {  	v2 =	vld [tilespmem:s10+$0x70];
	_ =	sdelay $0x2  }
0x23: {  	p0 =	sne.s32 s9, $0x9C00  }
.Ltmp1:
0x24: {  	_ = 	snop;
	(pc) =	sbr.rel @p0 .LBB2_4-.Ltmp1, $2  }
0x25: {  	_ =	sdelay $0x2  }
0x26: {  	s9 =	sadd.s32 $0x200, s9;
	[tilespmem:v2+s7+$0x0] =	vst.idx.add.f32.msk $0xffff, v1  }
0x27: {  	s8 =	sadd.s32 $0x1, s8  }
0x28: {  	p0 =	sne.s32 s8, s5  }
.Ltmp2:
0x29: {  	_ = 	snop;
	(pc) =	sbr.rel @p0 .LBB2_1-.Ltmp2, $4  }
0x2a: {  	[hbm4b:s4+s2] =	stream.linear.scatter [tilespmem:s7], [sflag:$0x1], $0x2780, $0x38;
	[tilespmem:$0x4F00] =	vst v63  }
0x2b: {  	_ =	swait.ge [sflag:s6], $0x2780  }
0x2c: {  	[sflag:s6] =	ssyncset.done $0x0  }
0x2d: {  	[sflag:s6] =	ssyncadd.s32 $0xFFFFD880  }
0x2e: {  	_ =	sfence.sel $0x180000  }
0x2f: {  	[bflag:$0x0] =	sbarrier.arrive $0xFFFF  }
0x30: {  	p0 =	sne.s32 s0, $0x0;
	_ =	strace $0x90000047  }
0x31: {  	s0 =	sadd.s32 @!p0 $0x100000, s1;
	[bflag:$0x2] =	sbarrier.arrive $0xFFFF  }
0x32: {  	[sflag:s0] =	ssyncadd.tile.s32 @!p0 $0x1;
	_ =	shalt  }
.Lfunc_end2:
_tile_overlayer_lowered:
.L_overlay_start_2:
0x33: {  	(tag) =	ssettag $0x2  }
0x34: {  	s0 =	rddreg [dreg:$0x0];
	s2 =	stileid.u32  }
0x35: {  	s1 =	rddreg [dreg:$0x1];
	p0 =	sne.s32 s2, $0x0  }
0x36: {  	s3 =	rddreg [dreg:$0x2];
	[bflag:$0x3] =	sbarrier.arrive $0xFFFF;
	s2 =	simm.s32 @!p0 $0x1C01  }
0x37: {  	[timem:s3], [sflag:s2] =	dma.local @!p0 [hbm:s0], s1  }
0x38: {  	s0 =	simm.s32 @!p0 $0x1  }
0x39: {  	_ =	swait.ge @!p0 [sflag:s0], s1  }
0x3a: {  	s1 =	ssub.s32 @!p0 $0x0, s1;
	[sflag:s0] =	ssyncset.done @!p0 $0x0  }
0x3b: {  	[sflag:s0] =	ssyncadd.s32 @!p0 s1  }
0x3c: {  	[bflag:$0x3] =	sbarrier.arrive $0xFFFF  }
0x3d: {  	_ =	shalt  }

// kernel: kernel.14.cloned.1.call-start
scs
__scs_entry_jumppad:
0x0: {  	(pc) =	sbr.rel $0x88, $3  }
0x1: {  	(tag) =	ssettag $0x0;
	lr =	simm.s32 $0x1  }
0x2: {  	[smem:$0x3F95] =	sst lr;
	_ =	strace $0xD0000000  }
0x3: {  	_ = 	snop  }
0x4: {  	_ = 	snop  }
0x5: {  	_ = 	snop  }
0x6: {  	_ = 	snop  }
0x7: {  	_ = 	snop  }
__scs_overlays_trampoline_lowered:
0x8: {  	[smem:$0x3FA4] =	sst s0  }
0x9: {  	[smem:$0x3FA5] =	sst s1  }
0xa: {  	[smem:$0x3FA6] =	sst s2  }
0xb: {  	[smem:$0x3FA7] =	sst s3  }
0xc: {  	[smem:$0x3FA8] =	sst s4  }
0xd: {  	[smem:$0x3FA9] =	sst s5  }
0xe: {  	[smem:$0x3FAA] =	sst s6  }
0xf: {  	[smem:$0x3FAB] =	sst s7  }
0x10: {  	[smem:$0x3FAC] =	sst s8  }
0x11: {  	[smem:$0x3FAD] =	sst s9;
	s0 =	simm.s32 @!p0 $0x0  }
0x12: {  	s1 =	sld [smem:$0x3F93];
	s0 =	simm.s32 @p0 $0x1  }
0x13: {  	[smem:$0x3FAE] =	sst s0;
	s0 =	simm.s32 @!p1 $0x0  }
0x14: {  	s2 =	sld [smem:$0x3F92];
	s0 =	simm.s32 @p1 $0x1  }
0x15: {  	[smem:$0x3FAF] =	sst s0;
	s0 =	simm.s32 @!p2 $0x0  }
0x16: {  	s3 =	sld [smem:$0x3FDB];
	s0 =	simm.s32 @p2 $0x1  }
0x17: {  	s4 =	simm.s32 $0x1BF5;
	[smem:$0x3FB1] =	sst s0  }
0x18: {  	s0 =	sld [smem:$0x3F94];
	_ =	swait.ge [sflag:s4], $0x0  }
0x19: {  	s7 =	sld [smem:$0x3F95]  }
0x1a: {  	s8 =	sadd.s32 $0xFFFFE003, lr  }
0x1b: {  	s9 =	sadd.s32 $0xFFFFFEF7, lr;
	s5 =	simm.s32 $0xFFFFFFFF;
	p2 =	slt.u32 s8, $0xFFFFF086  }
0x1c: {  	p1 =	slt.u32 s9, $0xF7A;
	s5 =	simm.s32 @!p2 $0x0  }
0x1d: {  	s5 =	simm.s32 @p1 $0x1;
	p0 =	seq.s32 s7, s2  }
0x1e: {  	s7 =	smul.u32 @!p0 $0xF7A, s2;
	p2 =	seq.s32 @!p0 s5, $0x0  }
0x1f: {  	s9 =	smul.u32 $0xF7A, s1;
	s8 =	simm.s32 @!p0 $0x1BF5;
	p2 =	por !p2, p0  }
0x20: {  	[sflag:s8] =	ssyncset.s32 @!p0 $0xFFFFF086;
	s6 =	sadd.s32 @!p0 s3, s7;
	s7 =	simm.s32 @!p0 $0x108  }
0x21: {  	s3 =	sadd.s32 s3, s9;
	s6 =	sadd.s32 @!p0 $0x88, s6;
	s7 =	simm.s32 @p2 $0x1082  }
0x22: {  	[simem:s7], [sflag:s8] =	dma.local @!p0 [hbm:s6], $0xF7A  }
0x23: {  	s9 =	sor.u32 $0xD0000000, s2;
	s6 =	simm.s32 $0x108;
	_ =	swait.ge @!p0 [sflag:s8], $0x0  }
0x24: {  	s3 =	sadd.s32 $0x88, s3;
	s6 =	simm.s32 @!p1 $0x1082;
	[sflag:s4] =	ssyncset.s32 $0xFFFFF086  }
0x25: {  	[simem:s6], [sflag:s4] =	dma.local [hbm:s3], $0xF7A  }
0x26: {  	[smem:$0x3F95] =	sst s1;
	(tag) =	ssettag s2;
	_ =	strace s9  }
0x27: {  	s1 =	sld [smem:$0x3FA5]  }
0x28: {  	s2 =	sld [smem:$0x3FA6]  }
0x29: {  	s4 =	sld [smem:$0x3FA8]  }
0x2a: {  	p0 =	seq.s32 s5, $0x0;
	s5 =	sld [smem:$0x3FA9]  }
0x2b: {  	s6 =	sld [smem:$0x3FAA]  }
0x2c: {  	s7 =	sld [smem:$0x3FAB]  }
0x2d: {  	s3 =	simm.s32 $0x108;
	s8 =	sld [smem:$0x3FAC]  }
0x2e: {  	s3 =	simm.s32 @!p0 $0x1082;
	s9 =	sld [smem:$0x3FAD]  }
0x2f: {  	lr =	sadd.s32 s0, s3;
	s0 =	sld [smem:$0x3FA4]  }
0x30: {  	s3 =	sld [smem:$0x3FA7]  }
0x31: {  	[smem:$0x3FB0] =	sst s10  }
0x32: {  	s10 =	sld [smem:$0x3FAE];
	_ =	sdelay $0x3  }
0x33: {  	p0 =	seq.s32 s10, $0x1;
	s10 =	sld [smem:$0x3FB0];
	_ =	sdelay $0x3  }
0x34: {  	[smem:$0x3FB0] =	sst s10  }
0x35: {  	s10 =	sld [smem:$0x3FAF];
	_ =	sdelay $0x3  }
0x36: {  	p1 =	seq.s32 s10, $0x1;
	s10 =	sld [smem:$0x3FB0];
	_ =	sdelay $0x3  }
0x37: {  	[smem:$0x3FB0] =	sst s10  }
0x38: {  	s10 =	sld [smem:$0x3FB1]  }
0x39: {  	_ = 	snop;
	(pc) =	sbr.ind lr, $3  }
0x3a: {  	_ = 	snop  }
0x3b: {  	_ = 	snop  }
0x3c: {  	p2 =	seq.s32 s10, $0x1;
	s10 =	sld [smem:$0x3FB0]  }
0x3d: {  	_ =	shalt  }
0x3e: {  	_ =	shalt  }
0x3f: {  	_ =	shalt  }
0x40: {  	_ =	shalt  }
0x41: {  	_ =	shalt  }
0x42: {  	_ =	shalt  }
0x43: {  	_ =	shalt  }
0x44: {  	_ =	shalt  }
0x45: {  	_ =	shalt  }
0x46: {  	_ =	shalt  }
0x47: {  	_ =	shalt  }
0x48: {  	_ =	shalt  }
0x49: {  	_ =	shalt  }
0x4a: {  	_ =	shalt  }
0x4b: {  	_ =	shalt  }
0x4c: {  	_ =	shalt  }
0x4d: {  	_ =	shalt  }
0x4e: {  	_ =	shalt  }
0x4f: {  	_ =	shalt  }
0x50: {  	_ =	shalt  }
0x51: {  	_ =	shalt  }
0x52: {  	_ =	shalt  }
0x53: {  	_ =	shalt  }
0x54: {  	_ =	shalt  }
0x55: {  	_ =	shalt  }
0x56: {  	_ =	shalt  }
0x57: {  	_ =	shalt  }
0x58: {  	_ =	shalt  }
0x59: {  	_ =	shalt  }
0x5a: {  	_ =	shalt  }
0x5b: {  	_ =	shalt  }
0x5c: {  	_ =	shalt  }
0x5d: {  	_ =	shalt  }
0x5e: {  	_ =	shalt  }
0x5f: {  	_ =	shalt  }
0x60: {  	_ =	shalt  }
0x61: {  	_ =	shalt  }
0x62: {  	_ =	shalt  }
0x63: {  	_ =	shalt  }
0x64: {  	_ =	shalt  }
0x65: {  	_ =	shalt  }
0x66: {  	_ =	shalt  }
0x67: {  	_ =	shalt  }
0x68: {  	_ =	shalt  }
0x69: {  	_ =	shalt  }
0x6a: {  	_ =	shalt  }
0x6b: {  	_ =	shalt  }
0x6c: {  	_ =	shalt  }
0x6d: {  	_ =	shalt  }
0x6e: {  	_ =	shalt  }
0x6f: {  	_ =	shalt  }
0x70: {  	_ =	shalt  }
0x71: {  	_ =	shalt  }
0x72: {  	_ =	shalt  }
0x73: {  	_ =	shalt  }
0x74: {  	_ =	shalt  }
0x75: {  	_ =	shalt  }
0x76: {  	_ =	shalt  }
0x77: {  	_ =	shalt  }
0x78: {  	_ =	shalt  }
0x79: {  	_ =	shalt  }
0x7a: {  	_ =	shalt  }
0x7b: {  	_ =	shalt  }
0x7c: {  	_ =	shalt  }
0x7d: {  	_ =	shalt  }
0x7e: {  	_ =	shalt  }
0x7f: {  	_ =	shalt  }
0x80: {  	_ =	shalt  }
0x81: {  	_ =	shalt  }
0x82: {  	_ =	shalt  }
0x83: {  	_ =	shalt  }
0x84: {  	_ =	shalt  }
0x85: {  	_ =	shalt  }
0x86: {  	_ =	shalt  }
0x87: {  	_ =	shalt  }
.Lfunc_end0:
.L_simem_size_0:
called_computation.1_lowered:
.L_overlay_start_0:
0x88: {  	s2 =	sld [smem:$0x3FD9]  }
0x89: {  	s3 =	sld [smem:$0x3FFE];
	_ =	sdelay $0x1  }
0x8a: {  	s1 =	srdreg.scid  }
0x8b: {  	s0 =	sand.u32 $0x1, s1  }
0x8c: {  	s17 =	sshll.u32 s0, $0xA;
	s2 =	sadd.s32 s3, s2  }
0x8d: {  	s2 =	sadd.s32 s2, s17  }
0x8e: {  	[smem:$0x3FBC] =	sst s2  }
0x8f: {  	_ = 	snop  }
0x90: {  	s2 =	sld [smem:$0x3FD0];
	(tm) =	ssettm $0x1  }
0x91: {  	s18 =	sld [smem:$0x3FFB];
	_ =	sdelay $0x3  }
0x92: {  	_ =	strace s18  }
0x93: {  	s3 =	sld [smem:$0x3FFC];
	_ =	sdelay $0x3  }
0x94: {  	_ =	strace s3  }
0x95: {  	s3 =	sld [smem:$0x3FFD];
	_ =	sdelay $0x3  }
0x96: {  	_ =	strace s3  }
0x97: {  	_ =	strace $0x8FFFFFFF  }
0x98: {  	s19 =	sld [smem:$0x3FDB];
	_ =	sdelay $0x1  }
0x99: {  	s4 =	simm.s32 $_scs_section_size  }
0x9a: {  	s5 =	simm.s32 $_size__tile_overlayer_lowered;
	s6 =	simm.s32 $_tile_overlayer_lowered  }
0x9b: {  	s22 =	simm.s32 $0x1BFF;
	s21 =	sshll.u32 s6, $0x1;
	s3 =	sadd.s32 s4, s19  }
0x9c: {  	s7 =	simm.s32 $0x0;
	s20 =	sshll.u32 s5, $0x1;
	s5 =	sadd.s32 s21, s3  }
0x9d: {  	[timem:s7], [sflag:s22] =	dma.local [hbm:s5], s20  }
0x9e: {  	_ =	swait.ge [sflag:s22], s20  }
0x9f: {  	s4 =	ssub.s32 $0x0, s20;
	[sflag:s22] =	ssyncset.done $0x0  }
0xa0: {  	[sflag:s22] =	ssyncadd.s32 s4;
	_ =	sdelay $0x1  }
0xa1: {  	s23 =	simm.s32 $0x1B8B  }
0xa2: {  	_ =	swait.ge [sflag:s23], $0x1  }
0xa3: {  	[sflag:s23] =	ssyncset.done $0x0  }
0xa4: {  	s25 =	simm.s32 $0x1B8E;
	s24 =	sld [smem:$0x3FFE];
	[sflag:s23] =	ssyncadd.s32 $0xFFFFFFFF  }
0xa5: {  	s26 =	simm.s32 $execute0_lowered;
	[smem:$0x3FD2] =	sst s25  }
0xa6: {  	s5 =	sshll.u32 s26, $0x1;
	_ =	strace $0x80000049;
	[dreg:$0x1] =	wrdreg $0xFFFFFFFF  }
0xa7: {  	s28 =	simm.s32 $_size_execute0_lowered;
	s3 =	sadd.s32 s3, s5;
	[dreg:$0x0] =	wrdreg $0x0  }
0xa8: {  	s5 =	sshll.u32 s28, $0x1;
	[dreg:$0x2] =	wrdreg s3  }
0xa9: {  	[dreg:$0x3] =	wrdreg s5  }
0xaa: {  	[dreg:$0x4] =	wrdreg $0xC0  }
0xab: {  	_ =	task [dreg:s7], $0x5FFFF  }
0xac: {  	[dreg:$0x1] =	wrdreg $0xFFFFFFFF  }
0xad: {  	[dreg:$0x0] =	wrdreg $0x60  }
0xae: {  	[dreg:$0x2] =	wrdreg s2  }
0xaf: {  	[dreg:$0x3] =	wrdreg s24  }
0xb0: {  	[dreg:$0x4] =	wrdreg $0xD2C00  }
0xb1: {  	[dreg:$0x5] =	wrdreg $0x9  }
0xb2: {  	_ =	task.clear_ibuf [dreg:s7], $0x6FFFF;
	_ =	strace $0x90000049  }
0xb3: {  	s29 =	simm.s32 $0x9;
	_ =	strace $0x8000004B  }
0xb4: {  	_ =	swait.ge [sflag:s29], $0x1  }
0xb5: {  	[sflag:s29] =	ssyncadd.s32 $0xFFFFFFFF  }
0xb6: {  	_ =	strace $0x9000004B  }
0xb7: {  	_ =	sfence  }
0xb8: {  	s30 =	sld [smem:$0x0];
	_ =	sdelay $0x2  }
0xb9: {  	s31 =	sshll.u32 s1, $0xD;
	s1 =	sshrl.u32 s1, $0x2  }
0xba: {  	s3 =	sand.u32 $0x4000, s31;
	s1 =	sadd.s32 s1, s30  }
0xbb: {  	s0 =	sor.u32 s3, s0;
	s1 =	sshll.u32 s1, $0x11  }
0xbc: {  	s0 =	sor.u32 s1, s0  }
0xbd: {  	s0 =	sadd.s32 $0x8F2B, s0  }
0xbe: {  	[sflag:s0] =	ssyncadd.remote.s32 $0x1  }
0xbf: {  	_ =	sfence.sel $0xFFFF  }
0xc0: {  	[dreg:$0x0] =	wrdreg $0xFFFFFFFF;
	(pc) =	sbr.abs _section_cstart, $3  }
0xc1: {  	[dreg:$0x1] =	wrdreg $0xFFFFFFFF  }
0xc2: {  	_ =	task.clear_ibuf [dreg:s7], $0x2FFFF;
	_ =	strace $0x9FFFFFFF  }
0xc3: {  	(tm) =	ssettm $0x7FFFFFFF  }
tec
execute0_lowered:
.L_overlay_start_1:
0x0: {  	(tag) =	ssettag $0x1  }
0x1: {  	s14 =	rddreg [dreg:$0x0]  }
0x2: {  	s4 =	rddreg [dreg:$0x1]  }
0x3: {  	s0 =	stileid.u32;
	s1 =	srdreg.scid  }
0x4: {  	s2 =	rddreg [dreg:$0x2];
	s3 =	simm.s32 $0x0;
	s18 =	simm.s32 $0x2  }
0x5: {  	s19 =	simm.s32 $0x5000;
	s20 =	simm.s32 $0x80;
	s5 =	smul.u32 $0x9E0, s0  }
0x6: {  	s21 =	simm.s32 $0x9F00;
	s22 =	simm.s32 $0x1;
	s6 =	smul.u32 $0x9E00, s0  }
0x7: {  	s11 =	sand.u32 $0x1, s1;
	[smem:$0x7FF] =	sst s3;
	s8 =	smul.u32 $0x27800, s0  }
0x8: {  	s1 =	rddreg [dreg:$0x3];
	s7 =	smul.u32 $0x9E000, s11;
	_ =	strace $0x8000004A  }
0x9: {  	s30 =	ssub.s32 $0x2, s11;
	s17 =	smul.u32 $0x13C00, s11;
	s13 =	sadd.s32 s5, s4  }
0xa: {  	s8 =	sshrl.u32 s8, $0x2;
	s31 =	sshrl.u32 s30, $0x1;
	s29 =	sadd.s32 s6, s7  }
0xb: {  	s12 =	sadd.s32 s8, s2;
	s16 =	ssub.s32 s30, s31;
	s14 =	sadd.s32 s14, s17  }
0xc: {  	s17 =	simm.s32 $0xBF00;
	s5 =	sshrl.u32 s29, $0x3;
	s7 =	sadd.s32 $0x3B40, s12  }
0xd: {  	s8 =	sadd.s32 $0x4F00, s12;
	s9 =	sadd.s32 $0x62C0, s12;
	s10 =	sadd.s32 $0x7680, s12  }
0xe: {  	s11 =	sadd.s32 $0x8A40, s12;
	s16 =	smax.u32 s16, $0x1;
	s15 =	sadd.s32 s5, s4  }
0xf: {  	s4 =	sadd.s32 s6, s2;
	s5 =	sadd.s32 $0x13C0, s12;
	s6 =	sadd.s32 $0x2780, s12  }
0x10: {  	v0 =	vimm.f32 $0.0e+00;
	v1 =	vimm.s32 $0x2710;
	s12 =	sadd.s32 $0x16A00, s13;
	s13 =	sadd.s32 $0xCC00, s13;
	s15 =	sadd.s32 $0x6F800, s15  }
.LBB2_1:
0x11: {  	s24 =	simm.s32 $0x100;
	s23 =	simm.s32 $0x0  }
.LBB2_2:
0x12: {  	p0 =	sne.s32 s24, $0x4E00;
	[tilespmem:s23+$0xBF30] =	vst v0;
	s25 =	smov.u32 s24;
	s24 =	sadd.s32 $0x100, s24  }
.Ltmp0:
0x13: {  	[tilespmem:s23+$0xBF20] =	vst v0;
	(pc) =	sbr.rel @p0 .LBB2_2-.Ltmp0, $3  }
0x14: {  	[tilespmem:s23+$0xBF00] =	vst v0  }
0x15: {  	[tilespmem:s23+$0xBF10] =	vst v0;
	_ =	sdelay $0x1  }
0x16: {  	s23 =	sshra.s32 s25, $0x2  }
0x17: {  	[tilespmem:s23+$0xBF30] =	vst v0  }
0x18: {  	[tilespmem:s23+$0xBF20] =	vst v0  }
0x19: {  	[tilespmem:s23+$0xBF00] =	vst v0  }
0x1a: {  	[tilespmem:s23+$0xBF10] =	vst v0  }
0x1b: {  	[spmem:s4] =	stream.linear.scatter [tilespmem:s17], [sflag:$0x2], $0x13C0, $0x38;
	[tilespmem:$0x170C0] =	vst v63  }
0x1c: {  	_ =	swait.ge [sflag:s18], $0x13C0  }
0x1d: {  	[sflag:s18] =	ssyncset.done $0x0  }
0x1e: {  	[sflag:s18] =	ssyncadd.s32 $0xFFFFEC40  }
0x1f: {  	[spmem:s5] =	stream.linear.scatter [tilespmem:s17], [sflag:$0x2], $0x13C0, $0x38;
	[tilespmem:$0x170C0] =	vst v63  }
0x20: {  	_ =	swait.ge [sflag:s18], $0x13C0  }
0x21: {  	[sflag:s18] =	ssyncset.done $0x0  }
0x22: {  	[sflag:s18] =	ssyncadd.s32 $0xFFFFEC40  }
0x23: {  	[spmem:s6] =	stream.linear.scatter [tilespmem:s17], [sflag:$0x2], $0x13C0, $0x38;
	[tilespmem:$0x170C0] =	vst v63  }
0x24: {  	_ =	swait.ge [sflag:s18], $0x13C0  }
0x25: {  	[sflag:s18] =	ssyncset.done $0x0  }
0x26: {  	[sflag:s18] =	ssyncadd.s32 $0xFFFFEC40  }
0x27: {  	[spmem:s7] =	stream.linear.scatter [tilespmem:s17], [sflag:$0x2], $0x13C0, $0x38;
	[tilespmem:$0x170C0] =	vst v63  }
0x28: {  	_ =	swait.ge [sflag:s18], $0x13C0  }
0x29: {  	[sflag:s18] =	ssyncset.done $0x0  }
0x2a: {  	[sflag:s18] =	ssyncadd.s32 $0xFFFFEC40  }
0x2b: {  	[spmem:s8] =	stream.linear.scatter [tilespmem:s17], [sflag:$0x2], $0x13C0, $0x38;
	[tilespmem:$0x170C0] =	vst v63  }
0x2c: {  	_ =	swait.ge [sflag:s18], $0x13C0  }
0x2d: {  	[sflag:s18] =	ssyncset.done $0x0  }
0x2e: {  	[sflag:s18] =	ssyncadd.s32 $0xFFFFEC40  }
0x2f: {  	[spmem:s9] =	stream.linear.scatter [tilespmem:s17], [sflag:$0x2], $0x13C0, $0x38;
	[tilespmem:$0x170C0] =	vst v63  }
0x30: {  	_ =	swait.ge [sflag:s18], $0x13C0  }
0x31: {  	[sflag:s18] =	ssyncset.done $0x0  }
0x32: {  	[sflag:s18] =	ssyncadd.s32 $0xFFFFEC40  }
0x33: {  	[spmem:s10] =	stream.linear.scatter [tilespmem:s17], [sflag:$0x2], $0x13C0, $0x38;
	[tilespmem:$0x170C0] =	vst v63  }
0x34: {  	_ =	swait.ge [sflag:s18], $0x13C0  }
0x35: {  	[sflag:s18] =	ssyncset.done $0x0  }
0x36: {  	[sflag:s18] =	ssyncadd.s32 $0xFFFFEC40  }
0x37: {  	[spmem:s11] =	stream.linear.scatter [tilespmem:s17], [sflag:$0x2], $0x13C0, $0x38;
	[tilespmem:$0x170C0] =	vst v63  }
0x38: {  	_ =	swait.ge [sflag:s18], $0x13C0  }
0x39: {  	[sflag:s18] =	ssyncset.done $0x0  }
0x3a: {  	s29 =	simm.s32 $0x0;
	[sflag:s18] =	ssyncadd.s32 $0xFFFFEC40  }
0x3b: {  	[tilespmem:s29], [sflag:$0x2] =	stream.linear.gather [hbm4b:s12+s29], $0x4F00, $0x38;
	[tilespmem:$0x170C0] =	vst v63  }
0x3c: {  	_ =	swait.ge [sflag:s18], $0x4F00  }
0x3d: {  	[sflag:s18] =	ssyncset.done $0x0  }
0x3e: {  	[sflag:s18] =	ssyncadd.s32 $0xFFFFB100  }
0x3f: {  	[tilespmem:s19], [sflag:$0x2] =	stream.linear.gather [hbm4b:s13+s29], $0x4F00, $0x38;
	[tilespmem:$0x170C0] =	vst v63  }
0x40: {  	_ =	swait.ge [sflag:s18], $0x4F00  }
0x41: {  	[sflag:s18] =	ssyncset.done $0x0  }
0x42: {  	[sflag:s18] =	ssyncadd.s32 $0xFFFFB100  }
0x43: {  	[tilespmem:$0x4F00] =	vst v1  }
0x44: {  	[tilespmem:$0x4F10] =	vst v1  }
0x45: {  	[tilespmem:$0x4F20] =	vst v1  }
0x46: {  	[tilespmem:$0x4F30] =	vst v1  }
0x47: {  	[tilespmem:$0x4F40] =	vst v1  }
0x48: {  	[tilespmem:$0x4F50] =	vst v1  }
0x49: {  	[tilespmem:$0x4F60] =	vst v1  }
0x4a: {  	[tilespmem:$0x4F70] =	vst v1  }
0x4b: {  	[tilespmem:$0x4F80] =	vst v1  }
0x4c: {  	[tilespmem:$0x4F90] =	vst v1  }
0x4d: {  	[tilespmem:$0x4FA0] =	vst v1  }
0x4e: {  	[tilespmem:$0x4FB0] =	vst v1  }
0x4f: {  	[tilespmem:$0x4FC0] =	vst v1  }
0x50: {  	[tilespmem:$0x4FD0] =	vst v1  }
0x51: {  	[tilespmem:$0x4FE0] =	vst v1  }
0x52: {  	[tilespmem:$0x4FF0] =	vst v1  }
0x53: {  	s30 =	simm.s32 $0x0;
	[bflag:$0x0] =	sbarrier.arrive $0xFFFF  }
0x54: {  	[tilespmem:s21], [sflag:$0x1] =	stream.indirect.gather [hbm4b:s14+s20], $0x40, s30, s20, $0xb8;
	[tilespmem:$0x170C0] =	vst v63  }
0x55: {  	_ =	swait.ge [sflag:s22], $0x2000  }
0x56: {  	[sflag:s22] =	ssyncset.done $0x0  }
0x57: {  	s31 =	simm.s32 $0x5000;
	[sflag:s22] =	ssyncadd.s32 $0xFFFFE000  }
0x58: {  	[spmem:s2] =	stream.indirect.scatter.add.f32 [tilespmem:s21], [sflag:$0x2], $0x40, s31, s20, $0xb8;
	[tilespmem:$0x170C0] =	vst v63  }
0x59: {  	_ =	swait.ge [sflag:s18], $0x2000  }
0x5a: {  	s23 =	simm.s32 $0x200;
	s24 =	simm.s32 $0x400;
	[sflag:s18] =	ssyncset.done $0x0  }
.LBB2_4:
0x5b: {  	s25 =	sshra.s32 s23, $0x2  }
0x5c: {  	[sflag:s18] =	ssyncadd.s32 $0xFFFFE000;
	s23 =	smov.u32 s24;
	s26 =	sadd.s32 $0x200, s24  }
0x5d: {  	[tilespmem:s21], [sflag:$0x1] =	stream.indirect.gather [hbm4b:s14+s20], $0x40, s25, s20, $0xb8;
	[tilespmem:$0x170C0] =	vst v63  }
0x5e: {  	p0 =	sne.s32 s24, $0x13A00;
	_ =	swait.ge [sflag:s22], $0x2000  }
.Ltmp1:
0x5f: {  	[sflag:s22] =	ssyncset.done $0x0;
	(pc) =	sbr.rel @p0 .LBB2_4-.Ltmp1, $4  }
0x60: {  	s24 =	sadd.s32 $0x5000, s25;
	[sflag:s22] =	ssyncadd.s32 $0xFFFFE000  }
0x61: {  	[spmem:s2] =	stream.indirect.scatter.add.f32 [tilespmem:s21], [sflag:$0x2], $0x40, s24, s20, $0xb8;
	[tilespmem:$0x170C0] =	vst v63  }
0x62: {  	_ =	swait.ge [sflag:s18], $0x2000  }
0x63: {  	s24 =	smov.u32 s26;
	[sflag:s18] =	ssyncset.done $0x0  }
0x64: {  	s23 =	sshra.s32 s23, $0x2;
	[sflag:s18] =	ssyncadd.s32 $0xFFFFE000  }
0x65: {  	[tilespmem:s21], [sflag:$0x1] =	stream.indirect.gather [hbm4b:s14+s20], $0x40, s23, s20, $0xb8;
	[tilespmem:$0x170C0] =	vst v63  }
0x66: {  	_ =	swait.ge [sflag:s22], $0x2000  }
0x67: {  	[sflag:s22] =	ssyncset.done $0x0  }
0x68: {  	s23 =	sadd.s32 $0x5000, s23;
	[sflag:s22] =	ssyncadd.s32 $0xFFFFE000  }
0x69: {  	[spmem:s2] =	stream.indirect.scatter.add.f32 [tilespmem:s21], [sflag:$0x2], $0x40, s23, s20, $0xb8;
	[tilespmem:$0x170C0] =	vst v63  }
0x6a: {  	_ =	swait.ge [sflag:s18], $0x2000  }
0x6b: {  	s31 =	sshll.u32 s0, $0x6;
	s3 =	sadd.s32 $0x1, s3;
	[sflag:s18] =	ssyncset.done $0x0  }
0x6c: {  	s24 =	sshrl.u32 s4, $0x3;
	p0 =	sne.s32 s3, s16;
	[sflag:s18] =	ssyncadd.s32 $0xFFFFE000  }
.Ltmp2:
0x6d: {  	s23 =	sor.u32 $0x1C02, s31;
	[bflag:$0x0] =	sbarrier.arrive $0xFFFF;
	(pc) =	sbr.rel @p0 .LBB2_1-.Ltmp2, $4  }
0x6e: {  	[hbm:s15], [sflag:s23] =	dma.local [spmem:s24], $0x13C0  }
0x6f: {  	_ =	swait.ge [sflag:s18], $0x13C0  }
0x70: {  	[sflag:s18] =	ssyncset.done $0x0  }
0x71: {  	[sflag:s18] =	ssyncadd.s32 $0xFFFFEC40  }
0x72: {  	_ =	sfence.sel $0x180000  }
0x73: {  	[bflag:$0x0] =	sbarrier.arrive $0xFFFF  }
0x74: {  	p0 =	sne.s32 s0, $0x0;
	_ =	strace $0x9000004A  }
0x75: {  	s0 =	sadd.s32 @!p0 $0x100000, s1;
	[bflag:$0x2] =	sbarrier.arrive $0xFFFF  }
0x76: {  	[sflag:s0] =	ssyncadd.tile.s32 @!p0 $0x1;
	_ =	shalt  }
.Lfunc_end2:
_tile_overlayer_lowered:
.L_overlay_start_2:
0x77: {  	(tag) =	ssettag $0x2  }
0x78: {  	s0 =	rddreg [dreg:$0x0];
	s2 =	stileid.u32  }
0x79: {  	s1 =	rddreg [dreg:$0x1];
	p0 =	sne.s32 s2, $0x0  }
0x7a: {  	s3 =	rddreg [dreg:$0x2];
	[bflag:$0x3] =	sbarrier.arrive $0xFFFF;
	s2 =	simm.s32 @!p0 $0x1C02  }
0x7b: {  	[timem:s3], [sflag:s2] =	dma.local @!p0 [hbm:s0], s1  }
0x7c: {  	s0 =	simm.s32 @!p0 $0x2  }
0x7d: {  	_ =	swait.ge @!p0 [sflag:s0], s1  }
0x7e: {  	s1 =	ssub.s32 @!p0 $0x0, s1;
	[sflag:s0] =	ssyncset.done @!p0 $0x0  }
0x7f: {  	[sflag:s0] =	ssyncadd.s32 @!p0 s1  }
0x80: {  	[bflag:$0x3] =	sbarrier.arrive $0xFFFF  }
0x81: {  	_ =	shalt  }

// kernel: kernel.17.cloned.1.call-start
scs
__scs_entry_jumppad:
0x0: {  	(pc) =	sbr.rel $0x88, $3  }
0x1: {  	(tag) =	ssettag $0x0;
	lr =	simm.s32 $0x1  }
0x2: {  	[smem:$0x3F95] =	sst lr;
	_ =	strace $0xD0000000  }
0x3: {  	_ = 	snop  }
0x4: {  	_ = 	snop  }
0x5: {  	_ = 	snop  }
0x6: {  	_ = 	snop  }
0x7: {  	_ = 	snop  }
__scs_overlays_trampoline_lowered:
0x8: {  	[smem:$0x3FA4] =	sst s0  }
0x9: {  	[smem:$0x3FA5] =	sst s1  }
0xa: {  	[smem:$0x3FA6] =	sst s2  }
0xb: {  	[smem:$0x3FA7] =	sst s3  }
0xc: {  	[smem:$0x3FA8] =	sst s4  }
0xd: {  	[smem:$0x3FA9] =	sst s5  }
0xe: {  	[smem:$0x3FAA] =	sst s6  }
0xf: {  	[smem:$0x3FAB] =	sst s7  }
0x10: {  	[smem:$0x3FAC] =	sst s8  }
0x11: {  	[smem:$0x3FAD] =	sst s9;
	s0 =	simm.s32 @!p0 $0x0  }
0x12: {  	s1 =	sld [smem:$0x3F93];
	s0 =	simm.s32 @p0 $0x1  }
0x13: {  	[smem:$0x3FAE] =	sst s0;
	s0 =	simm.s32 @!p1 $0x0  }
0x14: {  	s2 =	sld [smem:$0x3F92];
	s0 =	simm.s32 @p1 $0x1  }
0x15: {  	[smem:$0x3FAF] =	sst s0;
	s0 =	simm.s32 @!p2 $0x0  }
0x16: {  	s3 =	sld [smem:$0x3FDB];
	s0 =	simm.s32 @p2 $0x1  }
0x17: {  	s4 =	simm.s32 $0x1BF5;
	[smem:$0x3FB1] =	sst s0  }
0x18: {  	s0 =	sld [smem:$0x3F94];
	_ =	swait.ge [sflag:s4], $0x0  }
0x19: {  	s7 =	sld [smem:$0x3F95]  }
0x1a: {  	s8 =	sadd.s32 $0xFFFFE003, lr  }
0x1b: {  	s9 =	sadd.s32 $0xFFFFFEF7, lr;
	s5 =	simm.s32 $0xFFFFFFFF;
	p2 =	slt.u32 s8, $0xFFFFF086  }
0x1c: {  	p1 =	slt.u32 s9, $0xF7A;
	s5 =	simm.s32 @!p2 $0x0  }
0x1d: {  	s5 =	simm.s32 @p1 $0x1;
	p0 =	seq.s32 s7, s2  }
0x1e: {  	s7 =	smul.u32 @!p0 $0xF7A, s2;
	p2 =	seq.s32 @!p0 s5, $0x0  }
0x1f: {  	s9 =	smul.u32 $0xF7A, s1;
	s8 =	simm.s32 @!p0 $0x1BF5;
	p2 =	por !p2, p0  }
0x20: {  	[sflag:s8] =	ssyncset.s32 @!p0 $0xFFFFF086;
	s6 =	sadd.s32 @!p0 s3, s7;
	s7 =	simm.s32 @!p0 $0x108  }
0x21: {  	s3 =	sadd.s32 s3, s9;
	s6 =	sadd.s32 @!p0 $0x88, s6;
	s7 =	simm.s32 @p2 $0x1082  }
0x22: {  	[simem:s7], [sflag:s8] =	dma.local @!p0 [hbm:s6], $0xF7A  }
0x23: {  	s9 =	sor.u32 $0xD0000000, s2;
	s6 =	simm.s32 $0x108;
	_ =	swait.ge @!p0 [sflag:s8], $0x0  }
0x24: {  	s3 =	sadd.s32 $0x88, s3;
	s6 =	simm.s32 @!p1 $0x1082;
	[sflag:s4] =	ssyncset.s32 $0xFFFFF086  }
0x25: {  	[simem:s6], [sflag:s4] =	dma.local [hbm:s3], $0xF7A  }
0x26: {  	[smem:$0x3F95] =	sst s1;
	(tag) =	ssettag s2;
	_ =	strace s9  }
0x27: {  	s1 =	sld [smem:$0x3FA5]  }
0x28: {  	s2 =	sld [smem:$0x3FA6]  }
0x29: {  	s4 =	sld [smem:$0x3FA8]  }
0x2a: {  	p0 =	seq.s32 s5, $0x0;
	s5 =	sld [smem:$0x3FA9]  }
0x2b: {  	s6 =	sld [smem:$0x3FAA]  }
0x2c: {  	s7 =	sld [smem:$0x3FAB]  }
0x2d: {  	s3 =	simm.s32 $0x108;
	s8 =	sld [smem:$0x3FAC]  }
0x2e: {  	s3 =	simm.s32 @!p0 $0x1082;
	s9 =	sld [smem:$0x3FAD]  }
0x2f: {  	lr =	sadd.s32 s0, s3;
	s0 =	sld [smem:$0x3FA4]  }
0x30: {  	s3 =	sld [smem:$0x3FA7]  }
0x31: {  	[smem:$0x3FB0] =	sst s10  }
0x32: {  	s10 =	sld [smem:$0x3FAE];
	_ =	sdelay $0x3  }
0x33: {  	p0 =	seq.s32 s10, $0x1;
	s10 =	sld [smem:$0x3FB0];
	_ =	sdelay $0x3  }
0x34: {  	[smem:$0x3FB0] =	sst s10  }
0x35: {  	s10 =	sld [smem:$0x3FAF];
	_ =	sdelay $0x3  }
0x36: {  	p1 =	seq.s32 s10, $0x1;
	s10 =	sld [smem:$0x3FB0];
	_ =	sdelay $0x3  }
0x37: {  	[smem:$0x3FB0] =	sst s10  }
0x38: {  	s10 =	sld [smem:$0x3FB1]  }
0x39: {  	_ = 	snop;
	(pc) =	sbr.ind lr, $3  }
0x3a: {  	_ = 	snop  }
0x3b: {  	_ = 	snop  }
0x3c: {  	p2 =	seq.s32 s10, $0x1;
	s10 =	sld [smem:$0x3FB0]  }
0x3d: {  	_ =	shalt  }
0x3e: {  	_ =	shalt  }
0x3f: {  	_ =	shalt  }
0x40: {  	_ =	shalt  }
0x41: {  	_ =	shalt  }
0x42: {  	_ =	shalt  }
0x43: {  	_ =	shalt  }
0x44: {  	_ =	shalt  }
0x45: {  	_ =	shalt  }
0x46: {  	_ =	shalt  }
0x47: {  	_ =	shalt  }
0x48: {  	_ =	shalt  }
0x49: {  	_ =	shalt  }
0x4a: {  	_ =	shalt  }
0x4b: {  	_ =	shalt  }
0x4c: {  	_ =	shalt  }
0x4d: {  	_ =	shalt  }
0x4e: {  	_ =	shalt  }
0x4f: {  	_ =	shalt  }
0x50: {  	_ =	shalt  }
0x51: {  	_ =	shalt  }
0x52: {  	_ =	shalt  }
0x53: {  	_ =	shalt  }
0x54: {  	_ =	shalt  }
0x55: {  	_ =	shalt  }
0x56: {  	_ =	shalt  }
0x57: {  	_ =	shalt  }
0x58: {  	_ =	shalt  }
0x59: {  	_ =	shalt  }
0x5a: {  	_ =	shalt  }
0x5b: {  	_ =	shalt  }
0x5c: {  	_ =	shalt  }
0x5d: {  	_ =	shalt  }
0x5e: {  	_ =	shalt  }
0x5f: {  	_ =	shalt  }
0x60: {  	_ =	shalt  }
0x61: {  	_ =	shalt  }
0x62: {  	_ =	shalt  }
0x63: {  	_ =	shalt  }
0x64: {  	_ =	shalt  }
0x65: {  	_ =	shalt  }
0x66: {  	_ =	shalt  }
0x67: {  	_ =	shalt  }
0x68: {  	_ =	shalt  }
0x69: {  	_ =	shalt  }
0x6a: {  	_ =	shalt  }
0x6b: {  	_ =	shalt  }
0x6c: {  	_ =	shalt  }
0x6d: {  	_ =	shalt  }
0x6e: {  	_ =	shalt  }
0x6f: {  	_ =	shalt  }
0x70: {  	_ =	shalt  }
0x71: {  	_ =	shalt  }
0x72: {  	_ =	shalt  }
0x73: {  	_ =	shalt  }
0x74: {  	_ =	shalt  }
0x75: {  	_ =	shalt  }
0x76: {  	_ =	shalt  }
0x77: {  	_ =	shalt  }
0x78: {  	_ =	shalt  }
0x79: {  	_ =	shalt  }
0x7a: {  	_ =	shalt  }
0x7b: {  	_ =	shalt  }
0x7c: {  	_ =	shalt  }
0x7d: {  	_ =	shalt  }
0x7e: {  	_ =	shalt  }
0x7f: {  	_ =	shalt  }
0x80: {  	_ =	shalt  }
0x81: {  	_ =	shalt  }
0x82: {  	_ =	shalt  }
0x83: {  	_ =	shalt  }
0x84: {  	_ =	shalt  }
0x85: {  	_ =	shalt  }
0x86: {  	_ =	shalt  }
0x87: {  	_ =	shalt  }
.Lfunc_end0:
.L_simem_size_0:
called_computation.2_lowered:
.L_overlay_start_0:
0x88: {  	s2 =	sld [smem:$0x3FD9]  }
0x89: {  	s3 =	sld [smem:$0x3FFE];
	_ =	sdelay $0x1  }
0x8a: {  	s1 =	srdreg.scid  }
0x8b: {  	s0 =	sand.u32 $0x1, s1  }
0x8c: {  	s16 =	sshll.u32 s0, $0xA;
	s2 =	sadd.s32 s3, s2  }
0x8d: {  	s2 =	sadd.s32 s2, s16  }
0x8e: {  	[smem:$0x3FBC] =	sst s2  }
0x8f: {  	_ = 	snop  }
0x90: {  	(tm) =	ssettm $0x1  }
0x91: {  	s17 =	sld [smem:$0x3FFB];
	_ =	sdelay $0x3  }
0x92: {  	_ =	strace s17  }
0x93: {  	s2 =	sld [smem:$0x3FFC];
	_ =	sdelay $0x3  }
0x94: {  	_ =	strace s2  }
0x95: {  	s2 =	sld [smem:$0x3FFD];
	_ =	sdelay $0x3  }
0x96: {  	_ =	strace s2  }
0x97: {  	_ =	strace $0x8FFFFFFF  }
0x98: {  	s18 =	sld [smem:$0x3FDB];
	_ =	sdelay $0x1  }
0x99: {  	s19 =	simm.s32 $_scs_section_size  }
0x9a: {  	s4 =	simm.s32 $_size__tile_overlayer_lowered;
	s5 =	simm.s32 $_tile_overlayer_lowered  }
0x9b: {  	s22 =	simm.s32 $0x1BFF;
	s21 =	sshll.u32 s5, $0x1;
	s2 =	sadd.s32 s19, s18  }
0x9c: {  	s6 =	simm.s32 $0x0;
	s20 =	sshll.u32 s4, $0x1;
	s4 =	sadd.s32 s21, s2  }
0x9d: {  	[timem:s6], [sflag:s22] =	dma.local [hbm:s4], s20  }
0x9e: {  	_ =	swait.ge [sflag:s22], s20  }
0x9f: {  	s3 =	ssub.s32 $0x0, s20;
	[sflag:s22] =	ssyncset.done $0x0  }
0xa0: {  	[sflag:s22] =	ssyncadd.s32 s3;
	_ =	sdelay $0x1  }
0xa1: {  	s23 =	simm.s32 $0x1B8B  }
0xa2: {  	_ =	swait.ge [sflag:s23], $0x1  }
0xa3: {  	[sflag:s23] =	ssyncset.done $0x0  }
0xa4: {  	s25 =	simm.s32 $0x1B8E;
	s24 =	sld [smem:$0x3FFE];
	[sflag:s23] =	ssyncadd.s32 $0xFFFFFFFF  }
0xa5: {  	s26 =	simm.s32 $execute0_lowered;
	[smem:$0x3FD2] =	sst s25  }
0xa6: {  	s4 =	sshll.u32 s26, $0x1;
	_ =	strace $0x8000004C;
	[dreg:$0x1] =	wrdreg $0xFFFFFFFF  }
0xa7: {  	s28 =	simm.s32 $_size_execute0_lowered;
	s2 =	sadd.s32 s2, s4;
	[dreg:$0x0] =	wrdreg $0x0  }
0xa8: {  	s4 =	sshll.u32 s28, $0x1;
	[dreg:$0x2] =	wrdreg s2  }
0xa9: {  	[dreg:$0x3] =	wrdreg s4  }
0xaa: {  	[dreg:$0x4] =	wrdreg $0xC0  }
0xab: {  	_ =	task [dreg:s6], $0x5FFFF  }
0xac: {  	[dreg:$0x1] =	wrdreg $0xFFFFFFFF  }
0xad: {  	[dreg:$0x0] =	wrdreg $0x60  }
0xae: {  	[dreg:$0x2] =	wrdreg s24  }
0xaf: {  	[dreg:$0x3] =	wrdreg $0x9  }
0xb0: {  	_ =	task.clear_ibuf [dreg:s6], $0x4FFFF;
	_ =	strace $0x9000004C  }
0xb1: {  	s29 =	simm.s32 $0x9;
	_ =	strace $0x8000004E  }
0xb2: {  	_ =	swait.ge [sflag:s29], $0x1  }
0xb3: {  	[sflag:s29] =	ssyncadd.s32 $0xFFFFFFFF  }
0xb4: {  	_ =	strace $0x9000004E  }
0xb5: {  	_ =	sfence  }
0xb6: {  	s30 =	sld [smem:$0x0];
	_ =	sdelay $0x2  }
0xb7: {  	s31 =	sshll.u32 s1, $0xD;
	s1 =	sshrl.u32 s1, $0x2  }
0xb8: {  	s3 =	sand.u32 $0x4000, s31;
	s1 =	sadd.s32 s1, s30  }
0xb9: {  	s0 =	sor.u32 s3, s0;
	s1 =	sshll.u32 s1, $0x11  }
0xba: {  	s0 =	sor.u32 s1, s0  }
0xbb: {  	s0 =	sadd.s32 $0x8F2B, s0  }
0xbc: {  	[sflag:s0] =	ssyncadd.remote.s32 $0x1  }
0xbd: {  	_ =	sfence.sel $0xFFFF  }
0xbe: {  	[dreg:$0x0] =	wrdreg $0xFFFFFFFF;
	(pc) =	sbr.abs _section_cstart, $3  }
0xbf: {  	[dreg:$0x1] =	wrdreg $0xFFFFFFFF  }
0xc0: {  	_ =	task.clear_ibuf [dreg:s6], $0x2FFFF;
	_ =	strace $0x9FFFFFFF  }
0xc1: {  	(tm) =	ssettm $0x7FFFFFFF  }
tec
execute0_lowered:
.L_overlay_start_1:
0x0: {  	(tag) =	ssettag $0x1  }
0x1: {  	s5 =	rddreg [dreg:$0x0]  }
0x2: {  	s0 =	rddreg [dreg:$0x1]  }
0x3: {  	s3 =	srdreg.scid;
	s1 =	stileid.u32;
	s2 =	simm.s32 $0x0  }
0x4: {  	s10 =	simm.s32 $0x2780;
	s11 =	simm.s32 $0x4F00;
	s12 =	simm.s32 $0x7680  }
0x5: {  	s13 =	simm.s32 $0x9E00;
	s6 =	sand.u32 $0x1, s3;
	s31 =	sshll.u32 s1, $0x1  }
0x6: {  	s14 =	simm.s32 $0x0;
	[smem:$0x7FF] =	sst s2;
	s7 =	sor.u32 s6, s31  }
0x7: {  	s3 =	sadd.s32 $0x6FE00, s5;
	s4 =	sadd.s32 $0x6F800, s5;
	s8 =	smul.u32 $0x4F0, s7  }
0x8: {  	_ =	strace $0x8000004D;
	s6 =	ssub.s32 $0x2, s6;
	s7 =	sshll.u32 s7, $0x1  }
0x9: {  	s9 =	sshrl.u32 s6, $0x1;
	s7 =	sadd.s32 s7, s5;
	s8 =	sadd.s32 s8, s5  }
0xa: {  	s9 =	ssub.s32 s6, s9;
	s7 =	sadd.s32 $0x70400, s7;
	s5 =	sadd.s32 $0x97000, s8  }
0xb: {  	s6 =	sadd.s32 $0x2E00, s8;
	s8 =	smax.u32 s9, $0x1;
	s9 =	simm.s32 $0x1  }
.LBB2_1:
0xc: {  	[tilespmem:s2], [sflag:$0x1] =	stream.linear.gather [hbm4b:s5+s2], $0x2780, $0x38;
	[tilespmem:$0x9E10] =	vst v63  }
0xd: {  	_ =	swait.ge [sflag:s9], $0x2780  }
0xe: {  	[sflag:s9] =	ssyncset.done $0x0  }
0xf: {  	[sflag:s9] =	ssyncadd.s32 $0xFFFFD880  }
0x10: {  	[tilespmem:s10], [sflag:$0x1] =	stream.linear.gather [hbm4b:s6+s2], $0x2780, $0x38;
	[tilespmem:$0x9E10] =	vst v63  }
0x11: {  	_ =	swait.ge [sflag:s9], $0x2780  }
0x12: {  	[sflag:s9] =	ssyncset.done $0x0  }
0x13: {  	[sflag:s9] =	ssyncadd.s32 $0xFFFFD880  }
0x14: {  	[tilespmem:s11], [sflag:$0x1] =	stream.linear.gather [hbm4b:s3+s2], $0x2780, $0x38;
	[tilespmem:$0x9E10] =	vst v63  }
0x15: {  	_ =	swait.ge [sflag:s9], $0x2780  }
0x16: {  	[sflag:s9] =	ssyncset.done $0x0  }
0x17: {  	[sflag:s9] =	ssyncadd.s32 $0xFFFFD880  }
0x18: {  	[tilespmem:s12], [sflag:$0x1] =	stream.linear.gather [hbm4b:s4+s2], $0x2780, $0x38;
	[tilespmem:$0x9E10] =	vst v63  }
0x19: {  	_ =	swait.ge [sflag:s9], $0x2780  }
0x1a: {  	[sflag:s9] =	ssyncset.done $0x0  }
0x1b: {  	s15 =	simm.s32 $0x0;
	[sflag:s9] =	ssyncadd.s32 $0xFFFFD880  }
0x1c: {  	v0 =	vld [tilespmem:s15+$0x70]  }
0x1d: {  	v6 =	vld [tilespmem:s15+$0x27F0]  }
0x1e: {  	v9 =	vld [tilespmem:s15+$0x60]  }
0x1f: {  	v5 =	vld [tilespmem:s15+$0x27E0]  }
0x20: {  	v2 =	vld [tilespmem:s15+$0x50]  }
0x21: {  	v3 =	vld [tilespmem:s15+$0x27D0]  }
0x22: {  	v8 =	vld [tilespmem:s15+$0x40]  }
0x23: {  	v1 =	vld [tilespmem:s15+$0x27C0]  }
0x24: {  	v10 =	vld [tilespmem:s15+$0x30]  }
0x25: {  	v7 =	vld [tilespmem:s15+$0x27B0]  }
0x26: {  	v12 =	vld [tilespmem:s15+$0x20]  }
0x27: {  	v11 =	vld [tilespmem:s15+$0x27A0]  }
0x28: {  	v14 =	vld [tilespmem:s15+$0x10]  }
0x29: {  	v13 =	vld [tilespmem:s15+$0x2790]  }
0x2a: {  	v15 =	vld [tilespmem:s15+$0x0]  }
0x2b: {  	v16 =	vld [tilespmem:s15+$0x2780]  }
0x2c: {  	v4 =	vld.idx.msk [tilespmem:v0+s11+$0x0], $0xffff  }
0x2d: {  	v6 =	vld.idx.msk [tilespmem:v6+s12+$0x0], $0xffff  }
0x2e: {  	s15 =	simm.s32 $0x200;
	v0 =	vimm.f32 $-3.000000010e+38;
	v9 =	vld.idx.msk [tilespmem:v9+s11+$0x0], $0xffff  }
.LBB2_2:
0x2f: {  	p0 =	sne.s32 s15, $0x9C00;
	v17 =	vld.idx.msk [tilespmem:v5+s12+$0x0], $0xffff  }
0x30: {  	v18 =	vld.idx.msk [tilespmem:v2+s11+$0x0], $0xffff  }
0x31: {  	v3 =	vld.idx.msk [tilespmem:v3+s12+$0x0], $0xffff  }
0x32: {  	v8 =	vld.idx.msk [tilespmem:v8+s11+$0x0], $0xffff  }
0x33: {  	v10 =	vld.idx.msk [tilespmem:v10+s11+$0x0], $0xffff  }
0x34: {  	v2 =	vld.idx.msk [tilespmem:v12+s11+$0x0], $0xffff  }
0x35: {  	v5 =	vld.idx.msk [tilespmem:v14+s11+$0x0], $0xffff  }
0x36: {  	v12 =	vld.idx.msk [tilespmem:v15+s11+$0x0], $0xffff  }
0x37: {  	v14 =	vld.idx.msk [tilespmem:v16+s12+$0x0], $0xffff  }
0x38: {  	v13 =	vld.idx.msk [tilespmem:v13+s12+$0x0], $0xffff  }
0x39: {  	v11 =	vld.idx.msk [tilespmem:v11+s12+$0x0], $0xffff  }
0x3a: {  	v7 =	vld.idx.msk [tilespmem:v7+s12+$0x0], $0xffff  }
0x3b: {  	s16 =	sshra.s32 s15, $0x2;
	v1 =	vld.idx.msk [tilespmem:v1+s12+$0x0], $0xffff  }
0x3c: {  	v19 =	vld [tilespmem:s16+$0x70]  }
0x3d: {  	v12 =	vadd.f32 v14, v12;
	v20 =	vld [tilespmem:s16+$0x27F0]  }
0x3e: {  	v4 =	vadd.f32 v6, v4;
	v13 =	vadd.f32 v13, v5;
	v21 =	vld [tilespmem:s16+$0x60]  }
0x3f: {  	v9 =	vadd.f32 v17, v9;
	v6 =	vmul.f32 $2.000000030e-01, v12;
	v11 =	vadd.f32 v11, v2;
	v5 =	vld [tilespmem:s16+$0x27E0]  }
0x40: {  	v15 =	vadd.f32 v3, v18;
	v14 =	vmul.f32 $2.000000030e-01, v13;
	v7 =	vadd.f32 v7, v10;
	v2 =	vld [tilespmem:s16+$0x50]  }
0x41: {  	v6 =	vmax.f32 v12, v6;
	v10 =	vmul.f32 $2.000000030e-01, v11;
	v12 =	vadd.f32 v1, v8;
	v3 =	vld [tilespmem:s16+$0x27D0]  }
0x42: {  	v0 =	vmax.f32 v0, v6;
	v6 =	vmax.f32 v13, v14;
	v13 =	vmul.f32 $2.000000030e-01, v7;
	v8 =	vld [tilespmem:s16+$0x40]  }
0x43: {  	v0 =	vmax.f32 v0, v6;
	v6 =	vmax.f32 v11, v10;
	v11 =	vmul.f32 $2.000000030e-01, v12;
	v1 =	vld [tilespmem:s16+$0x27C0]  }
0x44: {  	v0 =	vmax.f32 v0, v6;
	v6 =	vmax.f32 v7, v13;
	v13 =	vmul.f32 $2.000000030e-01, v15;
	v10 =	vld [tilespmem:s16+$0x30]  }
0x45: {  	v14 =	vmul.f32 $2.000000030e-01, v9;
	v0 =	vmax.f32 v0, v6;
	v6 =	vmax.f32 v12, v11;
	v7 =	vld [tilespmem:s16+$0x27B0]  }
0x46: {  	v0 =	vmax.f32 v0, v6;
	v6 =	vmax.f32 v15, v13;
	v13 =	vmul.f32 $2.000000030e-01, v4;
	v12 =	vld [tilespmem:s16+$0x20]  }
0x47: {  	v0 =	vmax.f32 v0, v6;
	v6 =	vmax.f32 v9, v14;
	v11 =	vld [tilespmem:s16+$0x27A0]  }
0x48: {  	v0 =	vmax.f32 v0, v6;
	v4 =	vmax.f32 v4, v13;
	v14 =	vld [tilespmem:s16+$0x10]  }
0x49: {  	v0 =	vmax.f32 v0, v4;
	v13 =	vld [tilespmem:s16+$0x2790]  }
.Ltmp0:
0x4a: {  	v15 =	vld [tilespmem:s16+$0x0];
	(pc) =	sbr.rel @p0 .LBB2_2-.Ltmp0, $4  }
0x4b: {  	v16 =	vld [tilespmem:s16+$0x2780]  }
0x4c: {  	v4 =	vld.idx.msk [tilespmem:v19+s11+$0x0], $0xffff  }
0x4d: {  	v6 =	vld.idx.msk [tilespmem:v20+s12+$0x0], $0xffff  }
0x4e: {  	s15 =	sadd.s32 $0x200, s15;
	v9 =	vld.idx.msk [tilespmem:v21+s11+$0x0], $0xffff  }
0x4f: {  	_ =	sdelay $0x3  }
0x50: {  	v5 =	vld.idx.msk [tilespmem:v5+s12+$0x0], $0xffff  }
0x51: {  	v8 =	vld.idx.msk [tilespmem:v8+s11+$0x0], $0xffff  }
0x52: {  	v10 =	vld.idx.msk [tilespmem:v10+s11+$0x0], $0xffff  }
0x53: {  	v12 =	vld.idx.msk [tilespmem:v12+s11+$0x0], $0xffff  }
0x54: {  	v14 =	vld.idx.msk [tilespmem:v14+s11+$0x0], $0xffff  }
0x55: {  	v15 =	vld.idx.msk [tilespmem:v15+s11+$0x0], $0xffff  }
0x56: {  	v13 =	vld.idx.msk [tilespmem:v13+s12+$0x0], $0xffff  }
0x57: {  	v11 =	vld.idx.msk [tilespmem:v11+s12+$0x0], $0xffff  }
0x58: {  	v16 =	vld.idx.msk [tilespmem:v16+s12+$0x0], $0xffff  }
0x59: {  	v7 =	vld.idx.msk [tilespmem:v7+s12+$0x0], $0xffff  }
0x5a: {  	v1 =	vld.idx.msk [tilespmem:v1+s12+$0x0], $0xffff  }
0x5b: {  	v2 =	vld.idx.msk [tilespmem:v2+s11+$0x0], $0xffff  }
0x5c: {  	v3 =	vld.idx.msk [tilespmem:v3+s12+$0x0], $0xffff  }
0x5d: {  	v15 =	vadd.f32 v16, v15  }
0x5e: {  	v4 =	vadd.f32 v6, v4;
	v13 =	vadd.f32 v13, v14  }
0x5f: {  	v11 =	vadd.f32 v11, v12;
	v5 =	vadd.f32 v5, v9;
	v54 =	vmul.f32 $2.000000030e-01, v15  }
0x60: {  	v7 =	vadd.f32 v7, v10;
	v1 =	vadd.f32 v1, v8;
	v55 =	vmul.f32 $2.000000030e-01, v13  }
0x61: {  	s15 =	simm.s32 $0x0;
	v2 =	vadd.f32 v3, v2;
	v58 =	vmul.f32 $2.000000030e-01, v11;
	v57 =	vmax.f32 v15, v54  }
0x62: {  	v56 =	vld [tilespmem:s15+$0x4F00];
	v60 =	vmul.f32 $2.000000030e-01, v7;
	v9 =	vmax.f32 v13, v55;
	v0 =	vmax.f32 v0, v57  }
0x63: {  	v59 =	vld [tilespmem:s15+$0x7680];
	v61 =	vmul.f32 $2.000000030e-01, v1;
	v3 =	vmax.f32 v11, v58;
	v0 =	vmax.f32 v0, v9  }
0x64: {  	v62 =	vmul.f32 $2.000000030e-01, v2;
	v0 =	vmax.f32 v0, v3;
	v3 =	vmax.f32 v7, v60  }
0x65: {  	v1 =	vmax.f32 v1, v61;
	v0 =	vmax.f32 v0, v3;
	v3 =	vmul.f32 $2.000000030e-01, v5  }
0x66: {  	v0 =	vmax.f32 v0, v1;
	v1 =	vmax.f32 v2, v62;
	v2 =	vmul.f32 $2.000000030e-01, v4  }
0x67: {  	s16 =	simm.s32 $0x10;
	v0 =	vmax.f32 v0, v1;
	v1 =	vmax.f32 v5, v3  }
0x68: {  	v63 =	vadd.f32 v59, v56;
	v0 =	vmax.f32 v0, v1;
	v2 =	vmax.f32 v4, v2;
	v1 =	vld [tilespmem:s16+$0x4F00]  }
0x69: {  	v0 =	vmax.f32 v0, v2;
	v2 =	vld [tilespmem:s16+$0x7680]  }
0x6a: {  	v3 =	vmul.f32 $2.000000030e-01, v63;
	_ =	sdelay $0x1  }
0x6b: {  	s15 =	simm.s32 $0x80;
	v3 =	vmax.f32 v63, v3  }
.LBB2_4:
0x6c: {  	s16 =	sshra.s32 s15, $0x2;
	v0 =	vmax.f32 v0, v3;
	p0 =	sne.s32 s15, $0x9DC0  }
.Ltmp1:
0x6d: {  	s15 =	sadd.s32 $0x40, s15;
	v3 =	vadd.f32 v2, v1;
	v1 =	vld [tilespmem:s16+$0x4F00];
	(pc) =	sbr.rel @p0 .LBB2_4-.Ltmp1, $3  }
0x6e: {  	v2 =	vld [tilespmem:s16+$0x7680]  }
0x6f: {  	v4 =	vmul.f32 $2.000000030e-01, v3;
	_ =	sdelay $0x1  }
0x70: {  	v3 =	vmax.f32 v3, v4  }
0x71: {  	_ = 	snop  }
0x72: {  	v1 =	vadd.f32 v2, v1;
	_ =	sdelay $0x1  }
0x73: {  	v2 =	vmul.f32 $2.000000030e-01, v1;
	_ =	sdelay $0x1  }
0x74: {  	v0 =	vmax.f32 v0, v3;
	s14 =	sadd.s32 $0x1, s14;
	v1 =	vmax.f32 v1, v2  }
0x75: {  	p0 =	sne.s32 s14, s8;
	v0 =	vmax.f32 v0, v1  }
.Ltmp2:
0x76: {  	[tilespmem:$0x9E00] =	vst v0;
	(pc) =	sbr.rel @p0 .LBB2_1-.Ltmp2, $4  }
0x77: {  	[hbm4b:s7+s2] =	stream.linear.scatter [tilespmem:s13], [sflag:$0x1], $0x10, $0x38;
	[tilespmem:$0x9E10] =	vst v63  }
0x78: {  	_ =	swait.ge [sflag:s9], $0x10  }
0x79: {  	[sflag:s9] =	ssyncset.done $0x0  }
0x7a: {  	[sflag:s9] =	ssyncadd.s32 $0xFFFFFFF0  }
0x7b: {  	_ =	sfence.sel $0x180000  }
0x7c: {  	[bflag:$0x0] =	sbarrier.arrive $0xFFFF  }
0x7d: {  	p0 =	sne.s32 s1, $0x0;
	_ =	strace $0x9000004D  }
0x7e: {  	s0 =	sadd.s32 @!p0 $0x100000, s0;
	[bflag:$0x2] =	sbarrier.arrive $0xFFFF  }
0x7f: {  	[sflag:s0] =	ssyncadd.tile.s32 @!p0 $0x1;
	_ =	shalt  }
.Lfunc_end2:
_tile_overlayer_lowered:
.L_overlay_start_2:
0x80: {  	(tag) =	ssettag $0x2  }
0x81: {  	s0 =	rddreg [dreg:$0x0];
	s2 =	stileid.u32  }
0x82: {  	s1 =	rddreg [dreg:$0x1];
	p0 =	sne.s32 s2, $0x0  }
0x83: {  	s3 =	rddreg [dreg:$0x2];
	[bflag:$0x3] =	sbarrier.arrive $0xFFFF;
	s2 =	simm.s32 @!p0 $0x1C01  }
0x84: {  	[timem:s3], [sflag:s2] =	dma.local @!p0 [hbm:s0], s1  }
0x85: {  	s0 =	simm.s32 @!p0 $0x1  }
0x86: {  	_ =	swait.ge @!p0 [sflag:s0], s1  }
0x87: {  	s1 =	ssub.s32 @!p0 $0x0, s1;
	[sflag:s0] =	ssyncset.done @!p0 $0x0  }
0x88: {  	[sflag:s0] =	ssyncadd.s32 @!p0 s1  }
0x89: {  	[bflag:$0x3] =	sbarrier.arrive $0xFFFF  }
0x8a: {  	_ =	shalt  }

// kernel: kernel.20.cloned.1.call-start
scs
__scs_entry_jumppad:
0x0: {  	(pc) =	sbr.rel $0x88, $3  }
0x1: {  	(tag) =	ssettag $0x0;
	lr =	simm.s32 $0x1  }
0x2: {  	[smem:$0x3F95] =	sst lr;
	_ =	strace $0xD0000000  }
0x3: {  	_ = 	snop  }
0x4: {  	_ = 	snop  }
0x5: {  	_ = 	snop  }
0x6: {  	_ = 	snop  }
0x7: {  	_ = 	snop  }
__scs_overlays_trampoline_lowered:
0x8: {  	[smem:$0x3FA4] =	sst s0  }
0x9: {  	[smem:$0x3FA5] =	sst s1  }
0xa: {  	[smem:$0x3FA6] =	sst s2  }
0xb: {  	[smem:$0x3FA7] =	sst s3  }
0xc: {  	[smem:$0x3FA8] =	sst s4  }
0xd: {  	[smem:$0x3FA9] =	sst s5  }
0xe: {  	[smem:$0x3FAA] =	sst s6  }
0xf: {  	[smem:$0x3FAB] =	sst s7  }
0x10: {  	[smem:$0x3FAC] =	sst s8  }
0x11: {  	[smem:$0x3FAD] =	sst s9;
	s0 =	simm.s32 @!p0 $0x0  }
0x12: {  	s1 =	sld [smem:$0x3F93];
	s0 =	simm.s32 @p0 $0x1  }
0x13: {  	[smem:$0x3FAE] =	sst s0;
	s0 =	simm.s32 @!p1 $0x0  }
0x14: {  	s2 =	sld [smem:$0x3F92];
	s0 =	simm.s32 @p1 $0x1  }
0x15: {  	[smem:$0x3FAF] =	sst s0;
	s0 =	simm.s32 @!p2 $0x0  }
0x16: {  	s3 =	sld [smem:$0x3FDB];
	s0 =	simm.s32 @p2 $0x1  }
0x17: {  	s4 =	simm.s32 $0x1BF5;
	[smem:$0x3FB1] =	sst s0  }
0x18: {  	s0 =	sld [smem:$0x3F94];
	_ =	swait.ge [sflag:s4], $0x0  }
0x19: {  	s7 =	sld [smem:$0x3F95]  }
0x1a: {  	s8 =	sadd.s32 $0xFFFFE003, lr  }
0x1b: {  	s9 =	sadd.s32 $0xFFFFFEF7, lr;
	s5 =	simm.s32 $0xFFFFFFFF;
	p2 =	slt.u32 s8, $0xFFFFF086  }
0x1c: {  	p1 =	slt.u32 s9, $0xF7A;
	s5 =	simm.s32 @!p2 $0x0  }
0x1d: {  	s5 =	simm.s32 @p1 $0x1;
	p0 =	seq.s32 s7, s2  }
0x1e: {  	s7 =	smul.u32 @!p0 $0xF7A, s2;
	p2 =	seq.s32 @!p0 s5, $0x0  }
0x1f: {  	s9 =	smul.u32 $0xF7A, s1;
	s8 =	simm.s32 @!p0 $0x1BF5;
	p2 =	por !p2, p0  }
0x20: {  	[sflag:s8] =	ssyncset.s32 @!p0 $0xFFFFF086;
	s6 =	sadd.s32 @!p0 s3, s7;
	s7 =	simm.s32 @!p0 $0x108  }
0x21: {  	s3 =	sadd.s32 s3, s9;
	s6 =	sadd.s32 @!p0 $0x88, s6;
	s7 =	simm.s32 @p2 $0x1082  }
0x22: {  	[simem:s7], [sflag:s8] =	dma.local @!p0 [hbm:s6], $0xF7A  }
0x23: {  	s9 =	sor.u32 $0xD0000000, s2;
	s6 =	simm.s32 $0x108;
	_ =	swait.ge @!p0 [sflag:s8], $0x0  }
0x24: {  	s3 =	sadd.s32 $0x88, s3;
	s6 =	simm.s32 @!p1 $0x1082;
	[sflag:s4] =	ssyncset.s32 $0xFFFFF086  }
0x25: {  	[simem:s6], [sflag:s4] =	dma.local [hbm:s3], $0xF7A  }
0x26: {  	[smem:$0x3F95] =	sst s1;
	(tag) =	ssettag s2;
	_ =	strace s9  }
0x27: {  	s1 =	sld [smem:$0x3FA5]  }
0x28: {  	s2 =	sld [smem:$0x3FA6]  }
0x29: {  	s4 =	sld [smem:$0x3FA8]  }
0x2a: {  	p0 =	seq.s32 s5, $0x0;
	s5 =	sld [smem:$0x3FA9]  }
0x2b: {  	s6 =	sld [smem:$0x3FAA]  }
0x2c: {  	s7 =	sld [smem:$0x3FAB]  }
0x2d: {  	s3 =	simm.s32 $0x108;
	s8 =	sld [smem:$0x3FAC]  }
0x2e: {  	s3 =	simm.s32 @!p0 $0x1082;
	s9 =	sld [smem:$0x3FAD]  }
0x2f: {  	lr =	sadd.s32 s0, s3;
	s0 =	sld [smem:$0x3FA4]  }
0x30: {  	s3 =	sld [smem:$0x3FA7]  }
0x31: {  	[smem:$0x3FB0] =	sst s10  }
0x32: {  	s10 =	sld [smem:$0x3FAE];
	_ =	sdelay $0x3  }
0x33: {  	p0 =	seq.s32 s10, $0x1;
	s10 =	sld [smem:$0x3FB0];
	_ =	sdelay $0x3  }
0x34: {  	[smem:$0x3FB0] =	sst s10  }
0x35: {  	s10 =	sld [smem:$0x3FAF];
	_ =	sdelay $0x3  }
0x36: {  	p1 =	seq.s32 s10, $0x1;
	s10 =	sld [smem:$0x3FB0];
	_ =	sdelay $0x3  }
0x37: {  	[smem:$0x3FB0] =	sst s10  }
0x38: {  	s10 =	sld [smem:$0x3FB1]  }
0x39: {  	_ = 	snop;
	(pc) =	sbr.ind lr, $3  }
0x3a: {  	_ = 	snop  }
0x3b: {  	_ = 	snop  }
0x3c: {  	p2 =	seq.s32 s10, $0x1;
	s10 =	sld [smem:$0x3FB0]  }
0x3d: {  	_ =	shalt  }
0x3e: {  	_ =	shalt  }
0x3f: {  	_ =	shalt  }
0x40: {  	_ =	shalt  }
0x41: {  	_ =	shalt  }
0x42: {  	_ =	shalt  }
0x43: {  	_ =	shalt  }
0x44: {  	_ =	shalt  }
0x45: {  	_ =	shalt  }
0x46: {  	_ =	shalt  }
0x47: {  	_ =	shalt  }
0x48: {  	_ =	shalt  }
0x49: {  	_ =	shalt  }
0x4a: {  	_ =	shalt  }
0x4b: {  	_ =	shalt  }
0x4c: {  	_ =	shalt  }
0x4d: {  	_ =	shalt  }
0x4e: {  	_ =	shalt  }
0x4f: {  	_ =	shalt  }
0x50: {  	_ =	shalt  }
0x51: {  	_ =	shalt  }
0x52: {  	_ =	shalt  }
0x53: {  	_ =	shalt  }
0x54: {  	_ =	shalt  }
0x55: {  	_ =	shalt  }
0x56: {  	_ =	shalt  }
0x57: {  	_ =	shalt  }
0x58: {  	_ =	shalt  }
0x59: {  	_ =	shalt  }
0x5a: {  	_ =	shalt  }
0x5b: {  	_ =	shalt  }
0x5c: {  	_ =	shalt  }
0x5d: {  	_ =	shalt  }
0x5e: {  	_ =	shalt  }
0x5f: {  	_ =	shalt  }
0x60: {  	_ =	shalt  }
0x61: {  	_ =	shalt  }
0x62: {  	_ =	shalt  }
0x63: {  	_ =	shalt  }
0x64: {  	_ =	shalt  }
0x65: {  	_ =	shalt  }
0x66: {  	_ =	shalt  }
0x67: {  	_ =	shalt  }
0x68: {  	_ =	shalt  }
0x69: {  	_ =	shalt  }
0x6a: {  	_ =	shalt  }
0x6b: {  	_ =	shalt  }
0x6c: {  	_ =	shalt  }
0x6d: {  	_ =	shalt  }
0x6e: {  	_ =	shalt  }
0x6f: {  	_ =	shalt  }
0x70: {  	_ =	shalt  }
0x71: {  	_ =	shalt  }
0x72: {  	_ =	shalt  }
0x73: {  	_ =	shalt  }
0x74: {  	_ =	shalt  }
0x75: {  	_ =	shalt  }
0x76: {  	_ =	shalt  }
0x77: {  	_ =	shalt  }
0x78: {  	_ =	shalt  }
0x79: {  	_ =	shalt  }
0x7a: {  	_ =	shalt  }
0x7b: {  	_ =	shalt  }
0x7c: {  	_ =	shalt  }
0x7d: {  	_ =	shalt  }
0x7e: {  	_ =	shalt  }
0x7f: {  	_ =	shalt  }
0x80: {  	_ =	shalt  }
0x81: {  	_ =	shalt  }
0x82: {  	_ =	shalt  }
0x83: {  	_ =	shalt  }
0x84: {  	_ =	shalt  }
0x85: {  	_ =	shalt  }
0x86: {  	_ =	shalt  }
0x87: {  	_ =	shalt  }
.Lfunc_end0:
.L_simem_size_0:
called_computation.3_lowered:
.L_overlay_start_0:
0x88: {  	s2 =	sld [smem:$0x3FD9]  }
0x89: {  	s3 =	sld [smem:$0x3FFE];
	_ =	sdelay $0x1  }
0x8a: {  	s1 =	srdreg.scid  }
0x8b: {  	s0 =	sand.u32 $0x1, s1  }
0x8c: {  	s17 =	sshll.u32 s0, $0xA;
	s2 =	sadd.s32 s3, s2  }
0x8d: {  	s2 =	sadd.s32 s2, s17  }
0x8e: {  	[smem:$0x3FBC] =	sst s2  }
0x8f: {  	_ = 	snop  }
0x90: {  	s2 =	sld [smem:$0x3FD0];
	(tm) =	ssettm $0x1  }
0x91: {  	s18 =	sld [smem:$0x3FFB];
	_ =	sdelay $0x3  }
0x92: {  	_ =	strace s18  }
0x93: {  	s3 =	sld [smem:$0x3FFC];
	_ =	sdelay $0x3  }
0x94: {  	_ =	strace s3  }
0x95: {  	s3 =	sld [smem:$0x3FFD];
	_ =	sdelay $0x3  }
0x96: {  	_ =	strace s3  }
0x97: {  	_ =	strace $0x8FFFFFFF  }
0x98: {  	s19 =	sld [smem:$0x3FDB];
	_ =	sdelay $0x1  }
0x99: {  	s4 =	simm.s32 $_scs_section_size  }
0x9a: {  	s5 =	simm.s32 $_size__tile_overlayer_lowered;
	s6 =	simm.s32 $_tile_overlayer_lowered  }
0x9b: {  	s22 =	simm.s32 $0x1BFF;
	s21 =	sshll.u32 s6, $0x1;
	s3 =	sadd.s32 s4, s19  }
0x9c: {  	s7 =	simm.s32 $0x0;
	s20 =	sshll.u32 s5, $0x1;
	s5 =	sadd.s32 s21, s3  }
0x9d: {  	[timem:s7], [sflag:s22] =	dma.local [hbm:s5], s20  }
0x9e: {  	_ =	swait.ge [sflag:s22], s20  }
0x9f: {  	s4 =	ssub.s32 $0x0, s20;
	[sflag:s22] =	ssyncset.done $0x0  }
0xa0: {  	[sflag:s22] =	ssyncadd.s32 s4;
	_ =	sdelay $0x1  }
0xa1: {  	s23 =	simm.s32 $0x1B8B  }
0xa2: {  	_ =	swait.ge [sflag:s23], $0x1  }
0xa3: {  	[sflag:s23] =	ssyncset.done $0x0  }
0xa4: {  	s25 =	simm.s32 $0x1B8E;
	s24 =	sld [smem:$0x3FFE];
	[sflag:s23] =	ssyncadd.s32 $0xFFFFFFFF  }
0xa5: {  	s26 =	simm.s32 $execute0_lowered;
	[smem:$0x3FD2] =	sst s25  }
0xa6: {  	s5 =	sshll.u32 s26, $0x1;
	_ =	strace $0x8000004F;
	[dreg:$0x1] =	wrdreg $0xFFFFFFFF  }
0xa7: {  	s28 =	simm.s32 $_size_execute0_lowered;
	s3 =	sadd.s32 s3, s5;
	[dreg:$0x0] =	wrdreg $0x0  }
0xa8: {  	s5 =	sshll.u32 s28, $0x1;
	[dreg:$0x2] =	wrdreg s3  }
0xa9: {  	[dreg:$0x3] =	wrdreg s5  }
0xaa: {  	[dreg:$0x4] =	wrdreg $0xC0  }
0xab: {  	_ =	task [dreg:s7], $0x5FFFF  }
0xac: {  	[dreg:$0x1] =	wrdreg $0xFFFFFFFF  }
0xad: {  	[dreg:$0x0] =	wrdreg $0x60  }
0xae: {  	[dreg:$0x2] =	wrdreg s2  }
0xaf: {  	[dreg:$0x3] =	wrdreg s24  }
0xb0: {  	[dreg:$0x4] =	wrdreg $0x158000  }
0xb1: {  	[dreg:$0x5] =	wrdreg $0x9  }
0xb2: {  	_ =	task.clear_ibuf [dreg:s7], $0x6FFFF;
	_ =	strace $0x9000004F  }
0xb3: {  	s29 =	simm.s32 $0x9;
	_ =	strace $0x80000051  }
0xb4: {  	_ =	swait.ge [sflag:s29], $0x1  }
0xb5: {  	[sflag:s29] =	ssyncadd.s32 $0xFFFFFFFF  }
0xb6: {  	_ =	strace $0x90000051  }
0xb7: {  	_ =	sfence  }
0xb8: {  	s30 =	sld [smem:$0x0];
	_ =	sdelay $0x2  }
0xb9: {  	s31 =	sshll.u32 s1, $0xD;
	s1 =	sshrl.u32 s1, $0x2  }
0xba: {  	s3 =	sand.u32 $0x4000, s31;
	s1 =	sadd.s32 s1, s30  }
0xbb: {  	s0 =	sor.u32 s3, s0;
	s1 =	sshll.u32 s1, $0x11  }
0xbc: {  	s0 =	sor.u32 s1, s0  }
0xbd: {  	s0 =	sadd.s32 $0x8F2B, s0  }
0xbe: {  	[sflag:s0] =	ssyncadd.remote.s32 $0x1  }
0xbf: {  	_ =	sfence.sel $0xFFFF  }
0xc0: {  	[dreg:$0x0] =	wrdreg $0xFFFFFFFF;
	(pc) =	sbr.abs _section_cstart, $3  }
0xc1: {  	[dreg:$0x1] =	wrdreg $0xFFFFFFFF  }
0xc2: {  	_ =	task.clear_ibuf [dreg:s7], $0x2FFFF;
	_ =	strace $0x9FFFFFFF  }
0xc3: {  	(tm) =	ssettm $0x7FFFFFFF  }
tec
execute0_lowered:
.L_overlay_start_1:
0x0: {  	(tag) =	ssettag $0x1  }
0x1: {  	s0 =	rddreg [dreg:$0x0]  }
0x2: {  	s1 =	rddreg [dreg:$0x1]  }
0x3: {  	s2 =	rddreg [dreg:$0x2];
	s10 =	stileid.u32  }
0x4: {  	s4 =	srdreg.scid;
	s6 =	simm.s32 $0x0;
	s28 =	simm.s32 $0x1  }
0x5: {  	s29 =	simm.s32 $0x12E00;
	s30 =	simm.s32 $0x2;
	s3 =	smul.u32 $0x9E0, s10  }
0x6: {  	s4 =	sand.u32 $0x1, s4;
	s5 =	smul.u32 $0x9E00, s10;
	[smem:$0x7FF] =	sst s6  }
0x7: {  	s8 =	sadd.s32 $0x6FE00, s1;
	s19 =	sadd.s32 $0x6F800, s1;
	s20 =	smul.u32 $0x2780, s10  }
0x8: {  	s22 =	smul.u32 $0x27800, s10;
	_ =	strace $0x80000050;
	[dreg:$0x4] =	wrdreg s8  }
0x9: {  	s9 =	sadd.s32 $0x70400, s1;
	s18 =	smul.u32 $0x9E000, s4;
	[dreg:$0x5] =	wrdreg s19  }
0xa: {  	s31 =	simm.s32 $0x0;
	s7 =	smul.u32 $0x27800, s4;
	[dreg:$0x6] =	wrdreg s9  }
0xb: {  	s4 =	ssub.s32 $0x2, s4;
	s19 =	simm.s32 $0x3;
	s3 =	sadd.s32 s3, s1  }
0xc: {  	s23 =	sshrl.u32 s4, $0x1;
	s8 =	sshrl.u32 s22, $0x2;
	s22 =	simm.s32 $0xC680  }
0xd: {  	s21 =	sadd.s32 s5, s18;
	s7 =	sadd.s32 s20, s7;
	s4 =	ssub.s32 s4, s23  }
0xe: {  	s24 =	sadd.s32 s8, s2;
	s12 =	sadd.s32 $0x16A00, s3;
	s26 =	sshrl.u32 s18, $0x3  }
0xf: {  	s13 =	sadd.s32 $0xCC00, s3;
	s18 =	simm.s32 $0xEE00;
	s9 =	sshrl.u32 s21, $0x3  }
0x10: {  	s7 =	sshrl.u32 s7, $0x3;
	s8 =	sadd.s32 $0x2000, s24;
	s25 =	sadd.s32 $0x4000, s24  }
0x11: {  	s10 =	sadd.s32 $0x6000, s24;
	s11 =	sadd.s32 $0x8000, s24;
	s14 =	sadd.s32 s0, s26  }
0x12: {  	s17 =	smax.u32 s4, $0x1;
	s21 =	simm.s32 $0x9F00;
	s24 =	simm.s32 $0x80  }
0x13: {  	s26 =	simm.s32 $0x12E80;
	s15 =	sadd.s32 s9, s1;
	[dreg:$0x7] =	wrdreg s8  }
0x14: {  	s1 =	sadd.s32 s7, s1;
	s7 =	sadd.s32 s5, s2;
	[dreg:$0x8] =	wrdreg s25  }
0x15: {  	v0 =	vimm.f32 $0.0e+00;
	v1 =	vimm.s32 $0x2710;
	s25 =	simm.s32 $0x10E00;
	s15 =	sadd.s32 $0x70600, s15;
	s16 =	sadd.s32 $0x2E00, s1  }
.LBB2_1:
0x16: {  	s1 =	simm.s32 $0x100;
	s0 =	simm.s32 $0x0  }
.LBB2_2:
0x17: {  	p0 =	sne.s32 s1, $0x7F00;
	[tilespmem:s0+$0xEE30] =	vst v0;
	s3 =	smov.u32 s1;
	s1 =	sadd.s32 $0x100, s1  }
.Ltmp0:
0x18: {  	[tilespmem:s0+$0xEE20] =	vst v0;
	(pc) =	sbr.rel @p0 .LBB2_2-.Ltmp0, $3  }
0x19: {  	[tilespmem:s0+$0xEE00] =	vst v0  }
0x1a: {  	[tilespmem:s0+$0xEE10] =	vst v0;
	_ =	sdelay $0x1  }
0x1b: {  	s0 =	sshra.s32 s3, $0x2  }
0x1c: {  	[tilespmem:s0+$0xEE30] =	vst v0  }
0x1d: {  	[tilespmem:s0+$0xEE20] =	vst v0  }
0x1e: {  	[tilespmem:s0+$0xEE00] =	vst v0  }
0x1f: {  	[tilespmem:s0+$0xEE10] =	vst v0  }
0x20: {  	[spmem:s7] =	stream.linear.scatter [tilespmem:s18], [sflag:$0x3], $0x2000, $0x38;
	[tilespmem:$0x1F600] =	vst v63  }
0x21: {  	_ =	swait.ge [sflag:s19], $0x2000  }
0x22: {  	[sflag:s19] =	ssyncset.done $0x0  }
0x23: {  	s5 =	rddreg [dreg:$0x7];
	[sflag:s19] =	ssyncadd.s32 $0xFFFFE000  }
0x24: {  	[spmem:s5] =	stream.linear.scatter [tilespmem:s18], [sflag:$0x3], $0x2000, $0x38;
	[tilespmem:$0x1F600] =	vst v63  }
0x25: {  	_ =	swait.ge [sflag:s19], $0x2000  }
0x26: {  	[sflag:s19] =	ssyncset.done $0x0  }
0x27: {  	s6 =	rddreg [dreg:$0x8];
	[sflag:s19] =	ssyncadd.s32 $0xFFFFE000  }
0x28: {  	[spmem:s6] =	stream.linear.scatter [tilespmem:s18], [sflag:$0x3], $0x2000, $0x38;
	[tilespmem:$0x1F600] =	vst v63  }
0x29: {  	_ =	swait.ge [sflag:s19], $0x2000  }
0x2a: {  	[sflag:s19] =	ssyncset.done $0x0  }
0x2b: {  	[sflag:s19] =	ssyncadd.s32 $0xFFFFE000  }
0x2c: {  	[spmem:s10] =	stream.linear.scatter [tilespmem:s18], [sflag:$0x3], $0x2000, $0x38;
	[tilespmem:$0x1F600] =	vst v63  }
0x2d: {  	_ =	swait.ge [sflag:s19], $0x2000  }
0x2e: {  	[sflag:s19] =	ssyncset.done $0x0  }
0x2f: {  	[sflag:s19] =	ssyncadd.s32 $0xFFFFE000  }
0x30: {  	[spmem:s11] =	stream.linear.scatter [tilespmem:s18], [sflag:$0x3], $0x1E00, $0x38;
	[tilespmem:$0x1F600] =	vst v63  }
0x31: {  	_ =	swait.ge [sflag:s19], $0x1E00  }
0x32: {  	[sflag:s19] =	ssyncset.done $0x0  }
0x33: {  	s8 =	simm.s32 $0x0;
	[sflag:s19] =	ssyncadd.s32 $0xFFFFE200  }
0x34: {  	[tilespmem:s8], [sflag:$0x3] =	stream.linear.gather [hbm4b:s12+s8], $0x4F00, $0x38;
	[tilespmem:$0x1F600] =	vst v63  }
0x35: {  	_ =	swait.ge [sflag:s19], $0x4F00  }
0x36: {  	[sflag:s19] =	ssyncset.done $0x0  }
0x37: {  	s1 =	simm.s32 $0x5000;
	[sflag:s19] =	ssyncadd.s32 $0xFFFFB100  }
0x38: {  	[tilespmem:s1], [sflag:$0x3] =	stream.linear.gather [hbm4b:s13+s8], $0x4F00, $0x38;
	[tilespmem:$0x1F600] =	vst v63  }
0x39: {  	_ =	swait.ge [sflag:s19], $0x4F00  }
0x3a: {  	[sflag:s19] =	ssyncset.done $0x0  }
0x3b: {  	s9 =	rddreg [dreg:$0x4];
	[sflag:s19] =	ssyncadd.s32 $0xFFFFB100  }
0x3c: {  	[tilespmem:s21], [sflag:$0x3] =	stream.linear.gather [hbm4b:s9+s8], $0x2780, $0x38;
	[tilespmem:$0x1F600] =	vst v63  }
0x3d: {  	_ =	swait.ge [sflag:s19], $0x2780  }
0x3e: {  	[sflag:s19] =	ssyncset.done $0x0  }
0x3f: {  	s20 =	rddreg [dreg:$0x5];
	[sflag:s19] =	ssyncadd.s32 $0xFFFFD880  }
0x40: {  	[tilespmem:s22], [sflag:$0x3] =	stream.linear.gather [hbm4b:s20+s8], $0x2780, $0x38;
	[tilespmem:$0x1F600] =	vst v63  }
0x41: {  	_ =	swait.ge [sflag:s19], $0x2780  }
0x42: {  	[sflag:s19] =	ssyncset.done $0x0  }
0x43: {  	s3 =	simm.s32 $0x15600;
	s23 =	rddreg [dreg:$0x6];
	[sflag:s19] =	ssyncadd.s32 $0xFFFFD880  }
0x44: {  	[tilespmem:s3], [sflag:$0x3] =	stream.linear.gather [hbm4b:s23+s8], $0x200, $0x38;
	[tilespmem:$0x1F600] =	vst v63  }
0x45: {  	_ =	swait.ge [sflag:s19], $0x200  }
0x46: {  	[sflag:s19] =	ssyncset.done $0x0  }
0x47: {  	s0 =	simm.s32 $0x40;
	s1 =	simm.s32 $0x0;
	[sflag:s19] =	ssyncadd.s32 $0xFFFFFE00  }
.LBB2_4:
0x48: {  	p0 =	sne.s32 s0, $0x9DC0;
	[tilespmem:s1+$0x12E80] =	vst v0;
	s1 =	smov.u32 s0;
	s0 =	sadd.s32 $0x40, s0  }
.Ltmp1:
0x49: {  	(pc) =	sbr.rel @p0 .LBB2_4-.Ltmp1, $2  }
0x4a: {  	_ =	sdelay $0x2  }
0x4b: {  	s1 =	sshra.s32 s1, $0x2  }
0x4c: {  	[tilespmem:s1+$0x12E80] =	vst v0  }
0x4d: {  	v2 =	vld [tilespmem:$0x15600]  }
0x4e: {  	v3 =	vld [tilespmem:$0x15610]  }
0x4f: {  	v4 =	vld [tilespmem:$0x15620]  }
0x50: {  	v5 =	vld [tilespmem:$0x15630]  }
0x51: {  	v6 =	vld [tilespmem:$0x15640]  }
0x52: {  	v7 =	vld [tilespmem:$0x15650];
	v2 =	vmax.f32 v2, $-3.000000010e+38  }
0x53: {  	v2 =	vmax.f32 v2, v3;
	v3 =	vld [tilespmem:$0x15660]  }
0x54: {  	v44 =	vld [tilespmem:$0x15670];
	v2 =	vmax.f32 v2, v4  }
0x55: {  	v45 =	vld [tilespmem:$0x15680];
	v2 =	vmax.f32 v2, v5  }
0x56: {  	v46 =	vld [tilespmem:$0x15690];
	v2 =	vmax.f32 v2, v6  }
0x57: {  	v47 =	vld [tilespmem:$0x156A0];
	v2 =	vmax.f32 v2, v7  }
0x58: {  	v2 =	vmax.f32 v2, v3;
	v3 =	vld [tilespmem:$0x156B0]  }
0x59: {  	v48 =	vld [tilespmem:$0x156C0];
	v2 =	vmax.f32 v2, v44  }
0x5a: {  	v49 =	vld [tilespmem:$0x156D0];
	v2 =	vmax.f32 v2, v45  }
0x5b: {  	v50 =	vld [tilespmem:$0x156E0];
	v2 =	vmax.f32 v2, v46  }
0x5c: {  	v51 =	vld [tilespmem:$0x156F0];
	v2 =	vmax.f32 v2, v47  }
0x5d: {  	v2 =	vmax.f32 v2, v3;
	v3 =	vld [tilespmem:$0x15700]  }
0x5e: {  	v52 =	vld [tilespmem:$0x15710];
	v2 =	vmax.f32 v2, v48  }
0x5f: {  	v53 =	vld [tilespmem:$0x15720];
	v2 =	vmax.f32 v2, v49  }
0x60: {  	v54 =	vld [tilespmem:$0x15730];
	v2 =	vmax.f32 v2, v50  }
0x61: {  	v55 =	vld [tilespmem:$0x15740];
	v2 =	vmax.f32 v2, v51  }
0x62: {  	v2 =	vmax.f32 v2, v3;
	v3 =	vld [tilespmem:$0x15750]  }
0x63: {  	v56 =	vld [tilespmem:$0x15760];
	v2 =	vmax.f32 v2, v52  }
0x64: {  	v57 =	vld [tilespmem:$0x15770];
	v2 =	vmax.f32 v2, v53  }
0x65: {  	v58 =	vld [tilespmem:$0x15780];
	v2 =	vmax.f32 v2, v54  }
0x66: {  	v59 =	vld [tilespmem:$0x15790];
	v2 =	vmax.f32 v2, v55  }
0x67: {  	v2 =	vmax.f32 v2, v3;
	v3 =	vld [tilespmem:$0x157A0]  }
0x68: {  	v60 =	vld [tilespmem:$0x157B0];
	v2 =	vmax.f32 v2, v56  }
0x69: {  	v61 =	vld [tilespmem:$0x157C0];
	v2 =	vmax.f32 v2, v57  }
0x6a: {  	v62 =	vld [tilespmem:$0x157D0];
	v2 =	vmax.f32 v2, v58  }
0x6b: {  	v63 =	vld [tilespmem:$0x157E0];
	v2 =	vmax.f32 v2, v59  }
0x6c: {  	v2 =	vmax.f32 v2, v3;
	v3 =	vld [tilespmem:$0x157F0]  }
0x6d: {  	v2 =	vmax.f32 v2, v60  }
0x6e: {  	v2 =	vmax.f32 v2, v61  }
0x6f: {  	v2 =	vmax.f32 v2, v62  }
0x70: {  	v2 =	vmax.f32 v2, v63  }
0x71: {  	v2 =	vmax.f32 v2, v3  }
0x72: {  	(xrf0) =	vmax.scan.msk.f32 $0xffff, v2;
	_ =	sdelay $0x5  }
0x73: {  	v2, _, _ =	vpop (xrf0)  }
0x74: {  	[bflag:$0x0] =	sbarrier.arrive $0xFFFF  }
0x75: {  	[tilespmem:$0x4F00] =	vst v1  }
0x76: {  	[tilespmem:$0x4F10] =	vst v1  }
0x77: {  	[tilespmem:$0x4F20] =	vst v1  }
0x78: {  	[tilespmem:$0x4F30] =	vst v1  }
0x79: {  	[tilespmem:$0x4F40] =	vst v1  }
0x7a: {  	[tilespmem:$0x4F50] =	vst v1  }
0x7b: {  	[tilespmem:$0x4F60] =	vst v1  }
0x7c: {  	[tilespmem:$0x4F70] =	vst v1  }
0x7d: {  	[tilespmem:$0x4F80] =	vst v1  }
0x7e: {  	[tilespmem:$0x4F90] =	vst v1  }
0x7f: {  	[tilespmem:$0x4FA0] =	vst v1  }
0x80: {  	[tilespmem:$0x4FB0] =	vst v1  }
0x81: {  	[tilespmem:$0x4FC0] =	vst v1  }
0x82: {  	[tilespmem:$0x4FD0] =	vst v1  }
0x83: {  	[tilespmem:$0x4FE0] =	vst v1  }
0x84: {  	s0 =	simm.s32 $0x0;
	[tilespmem:$0x4FF0] =	vst v1  }
0x85: {  	[tilespmem:s18], [sflag:$0x1] =	stream.indirect.gather [hbm4b:s14+s24], $0x40, s0, s24, $0xb8;
	[tilespmem:$0x1F600] =	vst v63  }
0x86: {  	s3 =	simm.s32 $0x0  }
0x87: {  	v2 =	vbroadcast v2, $0xF;
	[tilespmem:s25], [sflag:$0x2] =	stream.indirect.gather [hbm4b:s14+s24], $0x40, s24, s24, $0xb8;
	[tilespmem:$0x1F600] =	vst v63  }
.LBB2_6:
0x88: {  	s20 =	sshll.u32 s3, $0x8  }
0x89: {  	v3 =	vld [tilespmem:s20+$0x0]  }
0x8a: {  	v4 =	vld [tilespmem:s20+$0x5000];
	_ =	sdelay $0x6  }
0x8b: {  	v3 =	vld.idx.msk [tilespmem:v3+s21+$0x0], $0xffff  }
0x8c: {  	v5 =	vld.idx.msk [tilespmem:v4+s22+$0x0], $0xffff;
	_ =	sdelay $0x4  }
0x8d: {  	v3 =	vadd.f32 v5, v3;
	_ =	sdelay $0x1  }
0x8e: {  	v5 =	vmul.f32 $2.000000030e-01, v3;
	_ =	sdelay $0x1  }
0x8f: {  	v3 =	vmax.f32 v3, v5  }
0x90: {  	v3 =	vsub.f32 v3, v2;
	_ =	sdelay $0x1  }
0x91: {  	v3 =	vmul.f32 $1.442695020e+00, v3;
	_ =	sdelay $0x1  }
0x92: {  	(erf) = vpow2.f32 v3;
	_ =	sdelay $0x8  }
0x93: {  	v3 =	vpop (erf)  }
0x94: {  	[tilespmem:v4+s26+$0x0] =	vst.idx.add.f32.msk $0xffff, v3  }
0x95: {  	[tilespmem:$0x12E00] =	vst v3  }
0x96: {  	v3 =	vld [tilespmem:s20+$0x10]  }
0x97: {  	v4 =	vld [tilespmem:s20+$0x5010];
	_ =	sdelay $0x6  }
0x98: {  	v3 =	vld.idx.msk [tilespmem:v3+s21+$0x0], $0xffff  }
0x99: {  	v5 =	vld.idx.msk [tilespmem:v4+s22+$0x0], $0xffff;
	_ =	sdelay $0x4  }
0x9a: {  	v3 =	vadd.f32 v5, v3;
	_ =	sdelay $0x1  }
0x9b: {  	v5 =	vmul.f32 $2.000000030e-01, v3;
	_ =	sdelay $0x1  }
0x9c: {  	v3 =	vmax.f32 v3, v5  }
0x9d: {  	v3 =	vsub.f32 v3, v2;
	_ =	sdelay $0x1  }
0x9e: {  	v3 =	vmul.f32 $1.442695020e+00, v3;
	_ =	sdelay $0x1  }
0x9f: {  	(erf) = vpow2.f32 v3;
	_ =	sdelay $0x8  }
0xa0: {  	v3 =	vpop (erf)  }
0xa1: {  	[tilespmem:v4+s26+$0x0] =	vst.idx.add.f32.msk $0xffff, v3  }
0xa2: {  	[tilespmem:$0x12E10] =	vst v3  }
0xa3: {  	v3 =	vld [tilespmem:s20+$0x20]  }
0xa4: {  	v4 =	vld [tilespmem:s20+$0x5020];
	_ =	sdelay $0x6  }
0xa5: {  	v3 =	vld.idx.msk [tilespmem:v3+s21+$0x0], $0xffff  }
0xa6: {  	v5 =	vld.idx.msk [tilespmem:v4+s22+$0x0], $0xffff;
	_ =	sdelay $0x4  }
0xa7: {  	v3 =	vadd.f32 v5, v3;
	_ =	sdelay $0x1  }
0xa8: {  	v5 =	vmul.f32 $2.000000030e-01, v3;
	_ =	sdelay $0x1  }
0xa9: {  	v3 =	vmax.f32 v3, v5  }
0xaa: {  	v3 =	vsub.f32 v3, v2;
	_ =	sdelay $0x1  }
0xab: {  	v3 =	vmul.f32 $1.442695020e+00, v3;
	_ =	sdelay $0x1  }
0xac: {  	(erf) = vpow2.f32 v3;
	_ =	sdelay $0x8  }
0xad: {  	v3 =	vpop (erf)  }
0xae: {  	[tilespmem:v4+s26+$0x0] =	vst.idx.add.f32.msk $0xffff, v3  }
0xaf: {  	[tilespmem:$0x12E20] =	vst v3  }
0xb0: {  	v3 =	vld [tilespmem:s20+$0x30]  }
0xb1: {  	v4 =	vld [tilespmem:s20+$0x5030];
	_ =	sdelay $0x6  }
0xb2: {  	v3 =	vld.idx.msk [tilespmem:v3+s21+$0x0], $0xffff  }
0xb3: {  	v5 =	vld.idx.msk [tilespmem:v4+s22+$0x0], $0xffff;
	_ =	sdelay $0x4  }
0xb4: {  	v3 =	vadd.f32 v5, v3;
	_ =	sdelay $0x1  }
0xb5: {  	v5 =	vmul.f32 $2.000000030e-01, v3;
	_ =	sdelay $0x1  }
0xb6: {  	v3 =	vmax.f32 v3, v5  }
0xb7: {  	v3 =	vsub.f32 v3, v2;
	_ =	sdelay $0x1  }
0xb8: {  	v3 =	vmul.f32 $1.442695020e+00, v3;
	_ =	sdelay $0x1  }
0xb9: {  	(erf) = vpow2.f32 v3;
	_ =	sdelay $0x8  }
0xba: {  	v3 =	vpop (erf)  }
0xbb: {  	[tilespmem:v4+s26+$0x0] =	vst.idx.add.f32.msk $0xffff, v3  }
0xbc: {  	[tilespmem:$0x12E30] =	vst v3  }
0xbd: {  	v3 =	vld [tilespmem:s20+$0x40]  }
0xbe: {  	v4 =	vld [tilespmem:s20+$0x5040];
	_ =	sdelay $0x6  }
0xbf: {  	v3 =	vld.idx.msk [tilespmem:v3+s21+$0x0], $0xffff  }
0xc0: {  	v5 =	vld.idx.msk [tilespmem:v4+s22+$0x0], $0xffff;
	_ =	sdelay $0x4  }
0xc1: {  	v3 =	vadd.f32 v5, v3;
	_ =	sdelay $0x1  }
0xc2: {  	v5 =	vmul.f32 $2.000000030e-01, v3;
	_ =	sdelay $0x1  }
0xc3: {  	v3 =	vmax.f32 v3, v5  }
0xc4: {  	v3 =	vsub.f32 v3, v2;
	_ =	sdelay $0x1  }
0xc5: {  	v3 =	vmul.f32 $1.442695020e+00, v3;
	_ =	sdelay $0x1  }
0xc6: {  	(erf) = vpow2.f32 v3;
	_ =	sdelay $0x8  }
0xc7: {  	v3 =	vpop (erf)  }
0xc8: {  	[tilespmem:v4+s26+$0x0] =	vst.idx.add.f32.msk $0xffff, v3  }
0xc9: {  	[tilespmem:$0x12E40] =	vst v3  }
0xca: {  	v3 =	vld [tilespmem:s20+$0x50]  }
0xcb: {  	v4 =	vld [tilespmem:s20+$0x5050];
	_ =	sdelay $0x6  }
0xcc: {  	v3 =	vld.idx.msk [tilespmem:v3+s21+$0x0], $0xffff  }
0xcd: {  	v5 =	vld.idx.msk [tilespmem:v4+s22+$0x0], $0xffff;
	_ =	sdelay $0x4  }
0xce: {  	v3 =	vadd.f32 v5, v3;
	_ =	sdelay $0x1  }
0xcf: {  	v5 =	vmul.f32 $2.000000030e-01, v3;
	_ =	sdelay $0x1  }
0xd0: {  	v3 =	vmax.f32 v3, v5  }
0xd1: {  	v3 =	vsub.f32 v3, v2;
	_ =	sdelay $0x1  }
0xd2: {  	v3 =	vmul.f32 $1.442695020e+00, v3;
	_ =	sdelay $0x1  }
0xd3: {  	(erf) = vpow2.f32 v3;
	_ =	sdelay $0x8  }
0xd4: {  	v3 =	vpop (erf)  }
0xd5: {  	[tilespmem:v4+s26+$0x0] =	vst.idx.add.f32.msk $0xffff, v3  }
0xd6: {  	[tilespmem:$0x12E50] =	vst v3  }
0xd7: {  	v3 =	vld [tilespmem:s20+$0x60]  }
0xd8: {  	v4 =	vld [tilespmem:s20+$0x5060];
	_ =	sdelay $0x6  }
0xd9: {  	v3 =	vld.idx.msk [tilespmem:v3+s21+$0x0], $0xffff  }
0xda: {  	v5 =	vld.idx.msk [tilespmem:v4+s22+$0x0], $0xffff;
	_ =	sdelay $0x4  }
0xdb: {  	v3 =	vadd.f32 v5, v3;
	_ =	sdelay $0x1  }
0xdc: {  	v5 =	vmul.f32 $2.000000030e-01, v3;
	_ =	sdelay $0x1  }
0xdd: {  	v3 =	vmax.f32 v3, v5  }
0xde: {  	v3 =	vsub.f32 v3, v2;
	_ =	sdelay $0x1  }
0xdf: {  	v3 =	vmul.f32 $1.442695020e+00, v3;
	_ =	sdelay $0x1  }
0xe0: {  	(erf) = vpow2.f32 v3;
	_ =	sdelay $0x8  }
0xe1: {  	v3 =	vpop (erf)  }
0xe2: {  	[tilespmem:v4+s26+$0x0] =	vst.idx.add.f32.msk $0xffff, v3  }
0xe3: {  	[tilespmem:$0x12E60] =	vst v3  }
0xe4: {  	v3 =	vld [tilespmem:s20+$0x70]  }
0xe5: {  	v4 =	vld [tilespmem:s20+$0x5070];
	_ =	sdelay $0x6  }
0xe6: {  	v3 =	vld.idx.msk [tilespmem:v3+s21+$0x0], $0xffff  }
0xe7: {  	v5 =	vld.idx.msk [tilespmem:v4+s22+$0x0], $0xffff;
	_ =	sdelay $0x4  }
0xe8: {  	v3 =	vadd.f32 v5, v3;
	_ =	sdelay $0x1  }
0xe9: {  	v5 =	vmul.f32 $2.000000030e-01, v3;
	_ =	sdelay $0x1  }
0xea: {  	v3 =	vmax.f32 v3, v5  }
0xeb: {  	v3 =	vsub.f32 v3, v2;
	_ =	sdelay $0x1  }
0xec: {  	v3 =	vmul.f32 $1.442695020e+00, v3;
	_ =	sdelay $0x1  }
0xed: {  	(erf) = vpow2.f32 v3;
	_ =	sdelay $0x7  }
0xee: {  	v3 =	vmov s0  }
0xef: {  	v3 =	vand.u32 $0xFFFFFFFE, v3;
	v5 =	vpop (erf)  }
0xf0: {  	v3 =	vbroadcast v3, $0x0;
	[tilespmem:v4+s26+$0x0] =	vst.idx.add.f32.msk $0xffff, v5  }
0xf1: {  	[tilespmem:$0x12E70] =	vst v5  }
0xf2: {  	_ =	swait.ge [sflag:s28], $0x2000  }
0xf3: {  	[sflag:s28] =	ssyncset.done $0x0  }
0xf4: {  	s1 =	simm.s32 $0xEE40;
	[sflag:s28] =	ssyncadd.s32 $0xFFFFE000  }
0xf5: {  	v4 =	vld [tilespmem:s1+$0xFFFFFFF0]  }
0xf6: {  	v3 =	vld.idx.msk [tilespmem:v3+s29+$0x0], $0xffff  }
0xf7: {  	v5 =	vld [tilespmem:s1+$0xFFFFFFC0]  }
0xf8: {  	v6 =	vld [tilespmem:s1+$0xFFFFFFD0]  }
0xf9: {  	v7 =	vld [tilespmem:s1+$0xFFFFFFE0];
	_ =	sdelay $0x1  }
0xfa: {  	s4 =	simm.s32 $0x1;
	v4 =	vmul.f32 v4, v3  }
0xfb: {  	v8 =	vmov s4;
	v5 =	vmul.f32 v5, v3  }
0xfc: {  	v6 =	vmul.f32 v6, v3;
	[tilespmem:s1+$0xFFFFFFF0] =	vst v4  }
0xfd: {  	v3 =	vmul.f32 v7, v3;
	[tilespmem:s1+$0xFFFFFFC0] =	vst v5  }
0xfe: {  	v7 =	vld [tilespmem:s1+$0x0];
	[tilespmem:s1+$0xFFFFFFD0] =	vst v6  }
0xff: {  	[tilespmem:s1+$0xFFFFFFE0] =	vst v3;
	v4 =	vld [tilespmem:s1+$0x30]  }
0x100: {  	v3 =	vld.idx.msk [tilespmem:v8+s29+$0x0], $0xffff  }
0x101: {  	s4 =	simm.s32 $0x2;
	v6 =	vld [tilespmem:s1+$0x10]  }
0x102: {  	s6 =	simm.s32 $0x4;
	s5 =	simm.s32 $0xEE40;
	s23 =	sadd.s32 $0x5000, s20;
	v5 =	vld [tilespmem:s1+$0x20];
	v8 =	vmov s4  }
.LBB2_7:
0x103: {  	p0 =	sne.s32 s6, $0x7E  }
0x104: {  	v8 =	vand.u32 $0xFFFFFFFE, v8;
	s1 =	sadd.s32 $0x80, s1;
	s8 =	smov.u32 s6;
	s6 =	sadd.s32 $0x2, s6  }
0x105: {  	v8 =	vbroadcast v8, $0x0;
	v7 =	vmul.f32 v7, v3  }
0x106: {  	v4 =	vmul.f32 v4, v3;
	v6 =	vmul.f32 v6, v3  }
0x107: {  	[tilespmem:s5+$0x0] =	vst v7;
	v3 =	vmul.f32 v5, v3  }
0x108: {  	[tilespmem:s5+$0x30] =	vst v4  }
0x109: {  	v4 =	vld [tilespmem:s1+$0xFFFFFFF0];
	[tilespmem:s5+$0x10] =	vst v6  }
0x10a: {  	v5 =	vld [tilespmem:s1+$0xFFFFFFD0];
	[tilespmem:s5+$0x20] =	vst v3;
	s5 =	smov.u32 s1  }
0x10b: {  	v3 =	vld.idx.msk [tilespmem:v8+s29+$0x0], $0xffff  }
0x10c: {  	v6 =	vld [tilespmem:s1+$0xFFFFFFC0]  }
0x10d: {  	v7 =	vld [tilespmem:s1+$0xFFFFFFE0];
	_ =	sdelay $0x3  }
0x10e: {  	s9 =	sadd.s32 $0x1, s4;
	s4 =	smov.u32 s8;
	v4 =	vmul.f32 v4, v3;
	v6 =	vmul.f32 v6, v3  }
0x10f: {  	v5 =	vmul.f32 v5, v3;
	v3 =	vmul.f32 v7, v3;
	v7 =	vmov s9  }
0x110: {  	[tilespmem:s1+$0xFFFFFFF0] =	vst v4  }
0x111: {  	[tilespmem:s1+$0xFFFFFFC0] =	vst v6  }
0x112: {  	[tilespmem:s1+$0xFFFFFFD0] =	vst v5  }
0x113: {  	[tilespmem:s1+$0xFFFFFFE0] =	vst v3;
	v4 =	vld [tilespmem:s1+$0x30]  }
.Ltmp2:
0x114: {  	v3 =	vld.idx.msk [tilespmem:v7+s29+$0x0], $0xffff;
	(pc) =	sbr.rel @p0 .LBB2_7-.Ltmp2, $4  }
0x115: {  	v7 =	vld [tilespmem:s1+$0x0]  }
0x116: {  	v6 =	vld [tilespmem:s1+$0x10]  }
0x117: {  	v5 =	vld [tilespmem:s1+$0x20]  }
0x118: {  	v8 =	vmov s4  }
0x119: {  	v8 =	vand.u32 $0xFFFFFFFE, v8  }
0x11a: {  	v4 =	vmul.f32 v4, v3;
	v8 =	vbroadcast v8, $0x0  }
0x11b: {  	v7 =	vmul.f32 v7, v3  }
0x11c: {  	v6 =	vmul.f32 v6, v3;
	[tilespmem:s5+$0x30] =	vst v4  }
0x11d: {  	s1 =	sadd.s32 $0x80, s1;
	[tilespmem:s5+$0x0] =	vst v7;
	v3 =	vmul.f32 v5, v3  }
0x11e: {  	v4 =	vld [tilespmem:s1+$0xFFFFFFF0];
	[tilespmem:s5+$0x10] =	vst v6  }
0x11f: {  	[tilespmem:s5+$0x20] =	vst v3  }
0x120: {  	v3 =	vld.idx.msk [tilespmem:v8+s29+$0x0], $0xffff  }
0x121: {  	v5 =	vld [tilespmem:s1+$0xFFFFFFC0]  }
0x122: {  	v6 =	vld [tilespmem:s1+$0xFFFFFFD0]  }
0x123: {  	v7 =	vld [tilespmem:s1+$0xFFFFFFE0];
	_ =	sdelay $0x1  }
0x124: {  	s4 =	sadd.s32 $0x1, s4;
	v4 =	vmul.f32 v4, v3  }
0x125: {  	v8 =	vmov s4;
	v5 =	vmul.f32 v5, v3  }
0x126: {  	v6 =	vmul.f32 v6, v3;
	[tilespmem:s1+$0xFFFFFFF0] =	vst v4  }
0x127: {  	v3 =	vmul.f32 v7, v3;
	[tilespmem:s1+$0xFFFFFFC0] =	vst v5  }
0x128: {  	[tilespmem:s1+$0xFFFFFFD0] =	vst v6  }
0x129: {  	[tilespmem:s1+$0xFFFFFFE0] =	vst v3;
	v4 =	vld [tilespmem:s1+$0x0]  }
0x12a: {  	v3 =	vld.idx.msk [tilespmem:v8+s29+$0x0], $0xffff  }
0x12b: {  	v5 =	vld [tilespmem:s1+$0x30]  }
0x12c: {  	v6 =	vld [tilespmem:s1+$0x10]  }
0x12d: {  	v7 =	vld [tilespmem:s1+$0x20];
	_ =	sdelay $0x1  }
0x12e: {  	v4 =	vmul.f32 v4, v3  }
0x12f: {  	v5 =	vmul.f32 v5, v3  }
0x130: {  	v6 =	vmul.f32 v6, v3;
	[tilespmem:s1+$0x0] =	vst v4  }
0x131: {  	v3 =	vmul.f32 v7, v3;
	[tilespmem:s1+$0x30] =	vst v5  }
0x132: {  	[tilespmem:s1+$0x10] =	vst v6  }
0x133: {  	[tilespmem:s1+$0x20] =	vst v3  }
0x134: {  	[spmem:s2] =	stream.indirect.scatter.add.f32 [tilespmem:s18], [sflag:$0x3], $0x40, s23, s24, $0xb8;
	[tilespmem:$0x1F600] =	vst v63  }
0x135: {  	_ =	swait.ge [sflag:s19], $0x2000  }
0x136: {  	s23 =	sand.u32 $0x3FFFFF00, s20;
	[sflag:s19] =	ssyncset.done $0x0  }
0x137: {  	s4 =	sor.u32 $0x80, s20;
	s9 =	sadd.s32 $0x100, s23;
	[sflag:s19] =	ssyncadd.s32 $0xFFFFE000  }
0x138: {  	[tilespmem:s18], [sflag:$0x1] =	stream.indirect.gather [hbm4b:s14+s24], $0x40, s9, s24, $0xb8;
	[tilespmem:$0x1F600] =	vst v63  }
0x139: {  	v3 =	vld [tilespmem:s4+$0x0]  }
0x13a: {  	v4 =	vld [tilespmem:s20+$0x5080];
	_ =	sdelay $0x6  }
0x13b: {  	v3 =	vld.idx.msk [tilespmem:v3+s21+$0x0], $0xffff  }
0x13c: {  	v5 =	vld.idx.msk [tilespmem:v4+s22+$0x0], $0xffff;
	_ =	sdelay $0x4  }
0x13d: {  	v3 =	vadd.f32 v5, v3;
	_ =	sdelay $0x1  }
0x13e: {  	v5 =	vmul.f32 $2.000000030e-01, v3;
	_ =	sdelay $0x1  }
0x13f: {  	v3 =	vmax.f32 v3, v5  }
0x140: {  	v3 =	vsub.f32 v3, v2;
	_ =	sdelay $0x1  }
0x141: {  	v3 =	vmul.f32 $1.442695020e+00, v3;
	_ =	sdelay $0x1  }
0x142: {  	(erf) = vpow2.f32 v3;
	_ =	sdelay $0x8  }
0x143: {  	v3 =	vpop (erf)  }
0x144: {  	[tilespmem:v4+s26+$0x0] =	vst.idx.add.f32.msk $0xffff, v3  }
0x145: {  	s5 =	sor.u32 $0x90, s20;
	[tilespmem:$0x12E00] =	vst v3  }
0x146: {  	v3 =	vld [tilespmem:s5+$0x0]  }
0x147: {  	v4 =	vld [tilespmem:s20+$0x5090];
	_ =	sdelay $0x6  }
0x148: {  	v3 =	vld.idx.msk [tilespmem:v3+s21+$0x0], $0xffff  }
0x149: {  	v5 =	vld.idx.msk [tilespmem:v4+s22+$0x0], $0xffff;
	_ =	sdelay $0x4  }
0x14a: {  	v3 =	vadd.f32 v5, v3;
	_ =	sdelay $0x1  }
0x14b: {  	v5 =	vmul.f32 $2.000000030e-01, v3;
	_ =	sdelay $0x1  }
0x14c: {  	v3 =	vmax.f32 v3, v5  }
0x14d: {  	v3 =	vsub.f32 v3, v2;
	_ =	sdelay $0x1  }
0x14e: {  	v3 =	vmul.f32 $1.442695020e+00, v3;
	_ =	sdelay $0x1  }
0x14f: {  	(erf) = vpow2.f32 v3;
	_ =	sdelay $0x8  }
0x150: {  	v3 =	vpop (erf)  }
0x151: {  	[tilespmem:v4+s26+$0x0] =	vst.idx.add.f32.msk $0xffff, v3  }
0x152: {  	s6 =	sor.u32 $0xA0, s20;
	[tilespmem:$0x12E10] =	vst v3  }
0x153: {  	v3 =	vld [tilespmem:s6+$0x0]  }
0x154: {  	v4 =	vld [tilespmem:s20+$0x50A0];
	_ =	sdelay $0x6  }
0x155: {  	v3 =	vld.idx.msk [tilespmem:v3+s21+$0x0], $0xffff  }
0x156: {  	v5 =	vld.idx.msk [tilespmem:v4+s22+$0x0], $0xffff;
	_ =	sdelay $0x4  }
0x157: {  	v3 =	vadd.f32 v5, v3;
	_ =	sdelay $0x1  }
0x158: {  	v5 =	vmul.f32 $2.000000030e-01, v3;
	_ =	sdelay $0x1  }
0x159: {  	v3 =	vmax.f32 v3, v5  }
0x15a: {  	v3 =	vsub.f32 v3, v2;
	_ =	sdelay $0x1  }
0x15b: {  	v3 =	vmul.f32 $1.442695020e+00, v3;
	_ =	sdelay $0x1  }
0x15c: {  	(erf) = vpow2.f32 v3;
	_ =	sdelay $0x8  }
0x15d: {  	v3 =	vpop (erf)  }
0x15e: {  	[tilespmem:v4+s26+$0x0] =	vst.idx.add.f32.msk $0xffff, v3  }
0x15f: {  	s8 =	sor.u32 $0xB0, s20;
	[tilespmem:$0x12E20] =	vst v3  }
0x160: {  	v3 =	vld [tilespmem:s8+$0x0]  }
0x161: {  	v4 =	vld [tilespmem:s20+$0x50B0];
	_ =	sdelay $0x6  }
0x162: {  	v3 =	vld.idx.msk [tilespmem:v3+s21+$0x0], $0xffff  }
0x163: {  	v5 =	vld.idx.msk [tilespmem:v4+s22+$0x0], $0xffff;
	_ =	sdelay $0x4  }
0x164: {  	v3 =	vadd.f32 v5, v3;
	_ =	sdelay $0x1  }
0x165: {  	v5 =	vmul.f32 $2.000000030e-01, v3;
	_ =	sdelay $0x1  }
0x166: {  	v3 =	vmax.f32 v3, v5  }
0x167: {  	v3 =	vsub.f32 v3, v2;
	_ =	sdelay $0x1  }
0x168: {  	v3 =	vmul.f32 $1.442695020e+00, v3;
	_ =	sdelay $0x1  }
0x169: {  	(erf) = vpow2.f32 v3;
	_ =	sdelay $0x8  }
0x16a: {  	v3 =	vpop (erf)  }
0x16b: {  	[tilespmem:v4+s26+$0x0] =	vst.idx.add.f32.msk $0xffff, v3  }
0x16c: {  	s9 =	sor.u32 $0xC0, s20;
	[tilespmem:$0x12E30] =	vst v3  }
0x16d: {  	v3 =	vld [tilespmem:s9+$0x0]  }
0x16e: {  	v4 =	vld [tilespmem:s20+$0x50C0];
	_ =	sdelay $0x6  }
0x16f: {  	v3 =	vld.idx.msk [tilespmem:v3+s21+$0x0], $0xffff  }
0x170: {  	v5 =	vld.idx.msk [tilespmem:v4+s22+$0x0], $0xffff;
	_ =	sdelay $0x4  }
0x171: {  	v3 =	vadd.f32 v5, v3;
	_ =	sdelay $0x1  }
0x172: {  	v5 =	vmul.f32 $2.000000030e-01, v3;
	_ =	sdelay $0x1  }
0x173: {  	v3 =	vmax.f32 v3, v5  }
0x174: {  	v3 =	vsub.f32 v3, v2;
	_ =	sdelay $0x1  }
0x175: {  	v3 =	vmul.f32 $1.442695020e+00, v3;
	_ =	sdelay $0x1  }
0x176: {  	(erf) = vpow2.f32 v3;
	_ =	sdelay $0x8  }
0x177: {  	v3 =	vpop (erf)  }
0x178: {  	[tilespmem:v4+s26+$0x0] =	vst.idx.add.f32.msk $0xffff, v3  }
0x179: {  	s4 =	sor.u32 $0xD0, s20;
	[tilespmem:$0x12E40] =	vst v3  }
0x17a: {  	v3 =	vld [tilespmem:s4+$0x0]  }
0x17b: {  	v4 =	vld [tilespmem:s20+$0x50D0];
	_ =	sdelay $0x6  }
0x17c: {  	v3 =	vld.idx.msk [tilespmem:v3+s21+$0x0], $0xffff  }
0x17d: {  	v5 =	vld.idx.msk [tilespmem:v4+s22+$0x0], $0xffff;
	_ =	sdelay $0x4  }
0x17e: {  	v3 =	vadd.f32 v5, v3;
	_ =	sdelay $0x1  }
0x17f: {  	v5 =	vmul.f32 $2.000000030e-01, v3;
	_ =	sdelay $0x1  }
0x180: {  	v3 =	vmax.f32 v3, v5  }
0x181: {  	v3 =	vsub.f32 v3, v2;
	_ =	sdelay $0x1  }
0x182: {  	v3 =	vmul.f32 $1.442695020e+00, v3;
	_ =	sdelay $0x1  }
0x183: {  	(erf) = vpow2.f32 v3;
	_ =	sdelay $0x8  }
0x184: {  	v3 =	vpop (erf)  }
0x185: {  	[tilespmem:v4+s26+$0x0] =	vst.idx.add.f32.msk $0xffff, v3  }
0x186: {  	s5 =	sor.u32 $0xE0, s20;
	[tilespmem:$0x12E50] =	vst v3  }
0x187: {  	v3 =	vld [tilespmem:s5+$0x0]  }
0x188: {  	v4 =	vld [tilespmem:s20+$0x50E0];
	_ =	sdelay $0x6  }
0x189: {  	v3 =	vld.idx.msk [tilespmem:v3+s21+$0x0], $0xffff  }
0x18a: {  	v5 =	vld.idx.msk [tilespmem:v4+s22+$0x0], $0xffff;
	_ =	sdelay $0x4  }
0x18b: {  	v3 =	vadd.f32 v5, v3;
	_ =	sdelay $0x1  }
0x18c: {  	v5 =	vmul.f32 $2.000000030e-01, v3;
	_ =	sdelay $0x1  }
0x18d: {  	v3 =	vmax.f32 v3, v5  }
0x18e: {  	v3 =	vsub.f32 v3, v2;
	_ =	sdelay $0x1  }
0x18f: {  	v3 =	vmul.f32 $1.442695020e+00, v3;
	_ =	sdelay $0x1  }
0x190: {  	(erf) = vpow2.f32 v3;
	_ =	sdelay $0x8  }
0x191: {  	v3 =	vpop (erf)  }
0x192: {  	[tilespmem:v4+s26+$0x0] =	vst.idx.add.f32.msk $0xffff, v3  }
0x193: {  	s6 =	sor.u32 $0xF0, s20;
	[tilespmem:$0x12E60] =	vst v3  }
0x194: {  	v3 =	vld [tilespmem:s6+$0x0]  }
0x195: {  	v4 =	vld [tilespmem:s20+$0x50F0];
	_ =	sdelay $0x6  }
0x196: {  	v3 =	vld.idx.msk [tilespmem:v3+s21+$0x0], $0xffff  }
0x197: {  	v5 =	vld.idx.msk [tilespmem:v4+s22+$0x0], $0xffff;
	_ =	sdelay $0x4  }
0x198: {  	v3 =	vadd.f32 v5, v3;
	_ =	sdelay $0x1  }
0x199: {  	v5 =	vmul.f32 $2.000000030e-01, v3;
	_ =	sdelay $0x1  }
0x19a: {  	v3 =	vmax.f32 v3, v5  }
0x19b: {  	v3 =	vsub.f32 v3, v2;
	_ =	sdelay $0x1  }
0x19c: {  	v3 =	vmul.f32 $1.442695020e+00, v3;
	_ =	sdelay $0x1  }
0x19d: {  	(erf) = vpow2.f32 v3;
	_ =	sdelay $0x6  }
0x19e: {  	s8 =	simm.s32 $0x0  }
0x19f: {  	v3 =	vmov s8  }
0x1a0: {  	v3 =	vand.u32 $0xFFFFFFFE, v3;
	v5 =	vpop (erf)  }
0x1a1: {  	v3 =	vbroadcast v3, $0x0;
	[tilespmem:v4+s26+$0x0] =	vst.idx.add.f32.msk $0xffff, v5  }
0x1a2: {  	[tilespmem:$0x12E70] =	vst v5  }
0x1a3: {  	_ =	swait.ge [sflag:s30], $0x2000  }
0x1a4: {  	[sflag:s30] =	ssyncset.done $0x0  }
0x1a5: {  	s1 =	simm.s32 $0x10E40;
	[sflag:s30] =	ssyncadd.s32 $0xFFFFE000  }
0x1a6: {  	v4 =	vld [tilespmem:s1+$0xFFFFFFF0]  }
0x1a7: {  	v3 =	vld.idx.msk [tilespmem:v3+s29+$0x0], $0xffff  }
0x1a8: {  	v5 =	vld [tilespmem:s1+$0xFFFFFFC0]  }
0x1a9: {  	v6 =	vld [tilespmem:s1+$0xFFFFFFD0]  }
0x1aa: {  	v7 =	vld [tilespmem:s1+$0xFFFFFFE0];
	_ =	sdelay $0x1  }
0x1ab: {  	s9 =	simm.s32 $0x1;
	v4 =	vmul.f32 v4, v3  }
0x1ac: {  	v8 =	vmov s9;
	v5 =	vmul.f32 v5, v3  }
0x1ad: {  	v6 =	vmul.f32 v6, v3;
	[tilespmem:s1+$0xFFFFFFF0] =	vst v4  }
0x1ae: {  	v3 =	vmul.f32 v7, v3;
	[tilespmem:s1+$0xFFFFFFC0] =	vst v5  }
0x1af: {  	v7 =	vld [tilespmem:s1+$0x0];
	[tilespmem:s1+$0xFFFFFFD0] =	vst v6  }
0x1b0: {  	[tilespmem:s1+$0xFFFFFFE0] =	vst v3;
	v4 =	vld [tilespmem:s1+$0x30]  }
0x1b1: {  	v3 =	vld.idx.msk [tilespmem:v8+s29+$0x0], $0xffff  }
0x1b2: {  	s4 =	simm.s32 $0x2;
	v6 =	vld [tilespmem:s1+$0x10]  }
0x1b3: {  	s5 =	simm.s32 $0x10E40;
	s20 =	sadd.s32 $0x5080, s20;
	s6 =	simm.s32 $0x4;
	v5 =	vld [tilespmem:s1+$0x20];
	v8 =	vmov s4  }
.LBB2_9:
0x1b4: {  	p0 =	sne.s32 s6, $0x7E  }
0x1b5: {  	v8 =	vand.u32 $0xFFFFFFFE, v8;
	s1 =	sadd.s32 $0x80, s1;
	s8 =	smov.u32 s6;
	s6 =	sadd.s32 $0x2, s6  }
0x1b6: {  	v8 =	vbroadcast v8, $0x0;
	v7 =	vmul.f32 v7, v3  }
0x1b7: {  	v4 =	vmul.f32 v4, v3;
	v6 =	vmul.f32 v6, v3  }
0x1b8: {  	[tilespmem:s5+$0x0] =	vst v7;
	v3 =	vmul.f32 v5, v3  }
0x1b9: {  	[tilespmem:s5+$0x30] =	vst v4  }
0x1ba: {  	v4 =	vld [tilespmem:s1+$0xFFFFFFF0];
	[tilespmem:s5+$0x10] =	vst v6  }
0x1bb: {  	v5 =	vld [tilespmem:s1+$0xFFFFFFD0];
	[tilespmem:s5+$0x20] =	vst v3;
	s5 =	smov.u32 s1  }
0x1bc: {  	v3 =	vld.idx.msk [tilespmem:v8+s29+$0x0], $0xffff  }
0x1bd: {  	v6 =	vld [tilespmem:s1+$0xFFFFFFC0]  }
0x1be: {  	v7 =	vld [tilespmem:s1+$0xFFFFFFE0];
	_ =	sdelay $0x3  }
0x1bf: {  	s9 =	sadd.s32 $0x1, s4;
	s4 =	smov.u32 s8;
	v4 =	vmul.f32 v4, v3;
	v6 =	vmul.f32 v6, v3  }
0x1c0: {  	v5 =	vmul.f32 v5, v3;
	v3 =	vmul.f32 v7, v3;
	v7 =	vmov s9  }
0x1c1: {  	[tilespmem:s1+$0xFFFFFFF0] =	vst v4  }
0x1c2: {  	[tilespmem:s1+$0xFFFFFFC0] =	vst v6  }
0x1c3: {  	[tilespmem:s1+$0xFFFFFFD0] =	vst v5  }
0x1c4: {  	[tilespmem:s1+$0xFFFFFFE0] =	vst v3;
	v4 =	vld [tilespmem:s1+$0x30]  }
.Ltmp3:
0x1c5: {  	v3 =	vld.idx.msk [tilespmem:v7+s29+$0x0], $0xffff;
	(pc) =	sbr.rel @p0 .LBB2_9-.Ltmp3, $4  }
0x1c6: {  	v7 =	vld [tilespmem:s1+$0x0]  }
0x1c7: {  	v6 =	vld [tilespmem:s1+$0x10]  }
0x1c8: {  	v5 =	vld [tilespmem:s1+$0x20]  }
0x1c9: {  	v8 =	vmov s4  }
0x1ca: {  	v8 =	vand.u32 $0xFFFFFFFE, v8  }
0x1cb: {  	v4 =	vmul.f32 v4, v3;
	v8 =	vbroadcast v8, $0x0  }
0x1cc: {  	v7 =	vmul.f32 v7, v3  }
0x1cd: {  	v6 =	vmul.f32 v6, v3;
	[tilespmem:s5+$0x30] =	vst v4  }
0x1ce: {  	s1 =	sadd.s32 $0x80, s1;
	[tilespmem:s5+$0x0] =	vst v7;
	v3 =	vmul.f32 v5, v3  }
0x1cf: {  	v56 =	vld [tilespmem:s1+$0xFFFFFFF0];
	[tilespmem:s5+$0x10] =	vst v6  }
0x1d0: {  	[tilespmem:s5+$0x20] =	vst v3  }
0x1d1: {  	v3 =	vld.idx.msk [tilespmem:v8+s29+$0x0], $0xffff  }
0x1d2: {  	v57 =	vld [tilespmem:s1+$0xFFFFFFC0]  }
0x1d3: {  	v58 =	vld [tilespmem:s1+$0xFFFFFFD0]  }
0x1d4: {  	v7 =	vld [tilespmem:s1+$0xFFFFFFE0];
	_ =	sdelay $0x1  }
0x1d5: {  	s4 =	sadd.s32 $0x1, s4;
	v4 =	vmul.f32 v56, v3  }
0x1d6: {  	v59 =	vmov s4;
	v5 =	vmul.f32 v57, v3  }
0x1d7: {  	v6 =	vmul.f32 v58, v3;
	[tilespmem:s1+$0xFFFFFFF0] =	vst v4  }
0x1d8: {  	v3 =	vmul.f32 v7, v3;
	[tilespmem:s1+$0xFFFFFFC0] =	vst v5  }
0x1d9: {  	[tilespmem:s1+$0xFFFFFFD0] =	vst v6  }
0x1da: {  	v60 =	vld [tilespmem:s1+$0x0];
	[tilespmem:s1+$0xFFFFFFE0] =	vst v3  }
0x1db: {  	v3 =	vld.idx.msk [tilespmem:v59+s29+$0x0], $0xffff  }
0x1dc: {  	v61 =	vld [tilespmem:s1+$0x30]  }
0x1dd: {  	v62 =	vld [tilespmem:s1+$0x10]  }
0x1de: {  	v63 =	vld [tilespmem:s1+$0x20];
	_ =	sdelay $0x1  }
0x1df: {  	v4 =	vmul.f32 v60, v3  }
0x1e0: {  	v5 =	vmul.f32 v61, v3  }
0x1e1: {  	v6 =	vmul.f32 v62, v3;
	[tilespmem:s1+$0x0] =	vst v4  }
0x1e2: {  	v3 =	vmul.f32 v63, v3;
	[tilespmem:s1+$0x30] =	vst v5  }
0x1e3: {  	s3 =	sadd.s32 $0x1, s3;
	[tilespmem:s1+$0x10] =	vst v6  }
0x1e4: {  	p0 =	sne.s32 s3, $0x4F;
	[tilespmem:s1+$0x20] =	vst v3  }
0x1e5: {  	[spmem:s2] =	stream.indirect.scatter.add.f32 [tilespmem:s25], [sflag:$0x3], $0x40, s20, s24, $0xb8;
	[tilespmem:$0x1F600] =	vst v63  }
.Ltmp4:
0x1e6: {  	_ = 	snop;
	(pc) =	sbr.rel @p0 .LBB2_6-.Ltmp4, $4  }
0x1e7: {  	_ =	swait.ge [sflag:s19], $0x2000  }
0x1e8: {  	[sflag:s19] =	ssyncset.done $0x0  }
0x1e9: {  	s23 =	sadd.s32 $0x180, s23;
	[sflag:s19] =	ssyncadd.s32 $0xFFFFE000  }
0x1ea: {  	[tilespmem:s25], [sflag:$0x2] =	stream.indirect.gather [hbm4b:s14+s24], $0x40, s23, s24, $0xb8;
	[tilespmem:$0x1F600] =	vst v63  }
0x1eb: {  	_ =	swait.ge [sflag:s28], $0x2000  }
0x1ec: {  	[sflag:s28] =	ssyncset.done $0x0  }
0x1ed: {  	[sflag:s28] =	ssyncadd.s32 $0xFFFFE000  }
0x1ee: {  	_ =	swait.ge [sflag:s30], $0x2000  }
0x1ef: {  	s0 =	stileid.u32;
	[sflag:s30] =	ssyncset.done $0x0  }
0x1f0: {  	s0 =	sshll.u32 s0, $0x6;
	[sflag:s30] =	ssyncadd.s32 $0xFFFFE000  }
0x1f1: {  	s1 =	sshrl.u32 s7, $0x3;
	s0 =	sor.u32 $0x1C03, s0;
	[bflag:$0x0] =	sbarrier.arrive $0xFFFF  }
0x1f2: {  	[hbm:s15], [sflag:s0] =	dma.local [spmem:s1], $0x13C0  }
0x1f3: {  	s31 =	sadd.s32 $0x1, s31;
	_ =	swait.ge [sflag:s19], $0x13C0  }
0x1f4: {  	p0 =	sne.s32 s31, s17;
	[sflag:s19] =	ssyncset.done $0x0  }
.Ltmp5:
0x1f5: {  	s23 =	simm.s32 $0x0;
	[sflag:s19] =	ssyncadd.s32 $0xFFFFEC40;
	(pc) =	sbr.rel @p0 .LBB2_1-.Ltmp5, $4  }
0x1f6: {  	[hbm4b:s16+s23] =	stream.linear.scatter [tilespmem:s26], [sflag:$0x3], $0x2780, $0x38;
	[tilespmem:$0x1F600] =	vst v63  }
0x1f7: {  	_ =	swait.ge [sflag:s19], $0x2780  }
0x1f8: {  	[sflag:s19] =	ssyncset.done $0x0  }
0x1f9: {  	[sflag:s19] =	ssyncadd.s32 $0xFFFFD880  }
0x1fa: {  	_ =	sfence.sel $0x180000  }
0x1fb: {  	[bflag:$0x0] =	sbarrier.arrive $0xFFFF  }
0x1fc: {  	_ =	strace $0x90000050  }
0x1fd: {  	s0 =	stileid.u32;
	[bflag:$0x2] =	sbarrier.arrive $0xFFFF  }
0x1fe: {  	p0 =	sne.s32 s0, $0x0;
	s0 =	rddreg [dreg:$0x3]  }
0x1ff: {  	s0 =	sadd.s32 @!p0 $0x100000, s0  }
0x200: {  	[sflag:s0] =	ssyncadd.tile.s32 @!p0 $0x1;
	_ =	shalt  }
.Lfunc_end2:
_tile_overlayer_lowered:
.L_overlay_start_2:
0x201: {  	(tag) =	ssettag $0x2  }
0x202: {  	s0 =	rddreg [dreg:$0x0];
	s2 =	stileid.u32  }
0x203: {  	s1 =	rddreg [dreg:$0x1];
	p0 =	sne.s32 s2, $0x0  }
0x204: {  	s3 =	rddreg [dreg:$0x2];
	[bflag:$0x3] =	sbarrier.arrive $0xFFFF;
	s2 =	simm.s32 @!p0 $0x1C03  }
0x205: {  	[timem:s3], [sflag:s2] =	dma.local @!p0 [hbm:s0], s1  }
0x206: {  	s0 =	simm.s32 @!p0 $0x3  }
0x207: {  	_ =	swait.ge @!p0 [sflag:s0], s1  }
0x208: {  	s1 =	ssub.s32 @!p0 $0x0, s1;
	[sflag:s0] =	ssyncset.done @!p0 $0x0  }
0x209: {  	[sflag:s0] =	ssyncadd.s32 @!p0 s1  }
0x20a: {  	[bflag:$0x3] =	sbarrier.arrive $0xFFFF  }
0x20b: {  	_ =	shalt  }

// kernel: kernel.23.cloned.1.call-start
scs
__scs_entry_jumppad:
0x0: {  	(pc) =	sbr.rel $0x88, $3  }
0x1: {  	(tag) =	ssettag $0x0;
	lr =	simm.s32 $0x1  }
0x2: {  	[smem:$0x3F95] =	sst lr;
	_ =	strace $0xD0000000  }
0x3: {  	_ = 	snop  }
0x4: {  	_ = 	snop  }
0x5: {  	_ = 	snop  }
0x6: {  	_ = 	snop  }
0x7: {  	_ = 	snop  }
__scs_overlays_trampoline_lowered:
0x8: {  	[smem:$0x3FA4] =	sst s0  }
0x9: {  	[smem:$0x3FA5] =	sst s1  }
0xa: {  	[smem:$0x3FA6] =	sst s2  }
0xb: {  	[smem:$0x3FA7] =	sst s3  }
0xc: {  	[smem:$0x3FA8] =	sst s4  }
0xd: {  	[smem:$0x3FA9] =	sst s5  }
0xe: {  	[smem:$0x3FAA] =	sst s6  }
0xf: {  	[smem:$0x3FAB] =	sst s7  }
0x10: {  	[smem:$0x3FAC] =	sst s8  }
0x11: {  	[smem:$0x3FAD] =	sst s9;
	s0 =	simm.s32 @!p0 $0x0  }
0x12: {  	s1 =	sld [smem:$0x3F93];
	s0 =	simm.s32 @p0 $0x1  }
0x13: {  	[smem:$0x3FAE] =	sst s0;
	s0 =	simm.s32 @!p1 $0x0  }
0x14: {  	s2 =	sld [smem:$0x3F92];
	s0 =	simm.s32 @p1 $0x1  }
0x15: {  	[smem:$0x3FAF] =	sst s0;
	s0 =	simm.s32 @!p2 $0x0  }
0x16: {  	s3 =	sld [smem:$0x3FDB];
	s0 =	simm.s32 @p2 $0x1  }
0x17: {  	s4 =	simm.s32 $0x1BF5;
	[smem:$0x3FB1] =	sst s0  }
0x18: {  	s0 =	sld [smem:$0x3F94];
	_ =	swait.ge [sflag:s4], $0x0  }
0x19: {  	s7 =	sld [smem:$0x3F95]  }
0x1a: {  	s8 =	sadd.s32 $0xFFFFE003, lr  }
0x1b: {  	s9 =	sadd.s32 $0xFFFFFEF7, lr;
	s5 =	simm.s32 $0xFFFFFFFF;
	p2 =	slt.u32 s8, $0xFFFFF086  }
0x1c: {  	p1 =	slt.u32 s9, $0xF7A;
	s5 =	simm.s32 @!p2 $0x0  }
0x1d: {  	s5 =	simm.s32 @p1 $0x1;
	p0 =	seq.s32 s7, s2  }
0x1e: {  	s7 =	smul.u32 @!p0 $0xF7A, s2;
	p2 =	seq.s32 @!p0 s5, $0x0  }
0x1f: {  	s9 =	smul.u32 $0xF7A, s1;
	s8 =	simm.s32 @!p0 $0x1BF5;
	p2 =	por !p2, p0  }
0x20: {  	[sflag:s8] =	ssyncset.s32 @!p0 $0xFFFFF086;
	s6 =	sadd.s32 @!p0 s3, s7;
	s7 =	simm.s32 @!p0 $0x108  }
0x21: {  	s3 =	sadd.s32 s3, s9;
	s6 =	sadd.s32 @!p0 $0x88, s6;
	s7 =	simm.s32 @p2 $0x1082  }
0x22: {  	[simem:s7], [sflag:s8] =	dma.local @!p0 [hbm:s6], $0xF7A  }
0x23: {  	s9 =	sor.u32 $0xD0000000, s2;
	s6 =	simm.s32 $0x108;
	_ =	swait.ge @!p0 [sflag:s8], $0x0  }
0x24: {  	s3 =	sadd.s32 $0x88, s3;
	s6 =	simm.s32 @!p1 $0x1082;
	[sflag:s4] =	ssyncset.s32 $0xFFFFF086  }
0x25: {  	[simem:s6], [sflag:s4] =	dma.local [hbm:s3], $0xF7A  }
0x26: {  	[smem:$0x3F95] =	sst s1;
	(tag) =	ssettag s2;
	_ =	strace s9  }
0x27: {  	s1 =	sld [smem:$0x3FA5]  }
0x28: {  	s2 =	sld [smem:$0x3FA6]  }
0x29: {  	s4 =	sld [smem:$0x3FA8]  }
0x2a: {  	p0 =	seq.s32 s5, $0x0;
	s5 =	sld [smem:$0x3FA9]  }
0x2b: {  	s6 =	sld [smem:$0x3FAA]  }
0x2c: {  	s7 =	sld [smem:$0x3FAB]  }
0x2d: {  	s3 =	simm.s32 $0x108;
	s8 =	sld [smem:$0x3FAC]  }
0x2e: {  	s3 =	simm.s32 @!p0 $0x1082;
	s9 =	sld [smem:$0x3FAD]  }
0x2f: {  	lr =	sadd.s32 s0, s3;
	s0 =	sld [smem:$0x3FA4]  }
0x30: {  	s3 =	sld [smem:$0x3FA7]  }
0x31: {  	[smem:$0x3FB0] =	sst s10  }
0x32: {  	s10 =	sld [smem:$0x3FAE];
	_ =	sdelay $0x3  }
0x33: {  	p0 =	seq.s32 s10, $0x1;
	s10 =	sld [smem:$0x3FB0];
	_ =	sdelay $0x3  }
0x34: {  	[smem:$0x3FB0] =	sst s10  }
0x35: {  	s10 =	sld [smem:$0x3FAF];
	_ =	sdelay $0x3  }
0x36: {  	p1 =	seq.s32 s10, $0x1;
	s10 =	sld [smem:$0x3FB0];
	_ =	sdelay $0x3  }
0x37: {  	[smem:$0x3FB0] =	sst s10  }
0x38: {  	s10 =	sld [smem:$0x3FB1]  }
0x39: {  	_ = 	snop;
	(pc) =	sbr.ind lr, $3  }
0x3a: {  	_ = 	snop  }
0x3b: {  	_ = 	snop  }
0x3c: {  	p2 =	seq.s32 s10, $0x1;
	s10 =	sld [smem:$0x3FB0]  }
0x3d: {  	_ =	shalt  }
0x3e: {  	_ =	shalt  }
0x3f: {  	_ =	shalt  }
0x40: {  	_ =	shalt  }
0x41: {  	_ =	shalt  }
0x42: {  	_ =	shalt  }
0x43: {  	_ =	shalt  }
0x44: {  	_ =	shalt  }
0x45: {  	_ =	shalt  }
0x46: {  	_ =	shalt  }
0x47: {  	_ =	shalt  }
0x48: {  	_ =	shalt  }
0x49: {  	_ =	shalt  }
0x4a: {  	_ =	shalt  }
0x4b: {  	_ =	shalt  }
0x4c: {  	_ =	shalt  }
0x4d: {  	_ =	shalt  }
0x4e: {  	_ =	shalt  }
0x4f: {  	_ =	shalt  }
0x50: {  	_ =	shalt  }
0x51: {  	_ =	shalt  }
0x52: {  	_ =	shalt  }
0x53: {  	_ =	shalt  }
0x54: {  	_ =	shalt  }
0x55: {  	_ =	shalt  }
0x56: {  	_ =	shalt  }
0x57: {  	_ =	shalt  }
0x58: {  	_ =	shalt  }
0x59: {  	_ =	shalt  }
0x5a: {  	_ =	shalt  }
0x5b: {  	_ =	shalt  }
0x5c: {  	_ =	shalt  }
0x5d: {  	_ =	shalt  }
0x5e: {  	_ =	shalt  }
0x5f: {  	_ =	shalt  }
0x60: {  	_ =	shalt  }
0x61: {  	_ =	shalt  }
0x62: {  	_ =	shalt  }
0x63: {  	_ =	shalt  }
0x64: {  	_ =	shalt  }
0x65: {  	_ =	shalt  }
0x66: {  	_ =	shalt  }
0x67: {  	_ =	shalt  }
0x68: {  	_ =	shalt  }
0x69: {  	_ =	shalt  }
0x6a: {  	_ =	shalt  }
0x6b: {  	_ =	shalt  }
0x6c: {  	_ =	shalt  }
0x6d: {  	_ =	shalt  }
0x6e: {  	_ =	shalt  }
0x6f: {  	_ =	shalt  }
0x70: {  	_ =	shalt  }
0x71: {  	_ =	shalt  }
0x72: {  	_ =	shalt  }
0x73: {  	_ =	shalt  }
0x74: {  	_ =	shalt  }
0x75: {  	_ =	shalt  }
0x76: {  	_ =	shalt  }
0x77: {  	_ =	shalt  }
0x78: {  	_ =	shalt  }
0x79: {  	_ =	shalt  }
0x7a: {  	_ =	shalt  }
0x7b: {  	_ =	shalt  }
0x7c: {  	_ =	shalt  }
0x7d: {  	_ =	shalt  }
0x7e: {  	_ =	shalt  }
0x7f: {  	_ =	shalt  }
0x80: {  	_ =	shalt  }
0x81: {  	_ =	shalt  }
0x82: {  	_ =	shalt  }
0x83: {  	_ =	shalt  }
0x84: {  	_ =	shalt  }
0x85: {  	_ =	shalt  }
0x86: {  	_ =	shalt  }
0x87: {  	_ =	shalt  }
.Lfunc_end0:
.L_simem_size_0:
called_computation.4_lowered:
.L_overlay_start_0:
0x88: {  	s2 =	sld [smem:$0x3FD9]  }
0x89: {  	s3 =	sld [smem:$0x3FFE];
	_ =	sdelay $0x1  }
0x8a: {  	s1 =	srdreg.scid  }
0x8b: {  	s0 =	sand.u32 $0x1, s1  }
0x8c: {  	s17 =	sshll.u32 s0, $0xA;
	s2 =	sadd.s32 s3, s2  }
0x8d: {  	s2 =	sadd.s32 s2, s17  }
0x8e: {  	[smem:$0x3FBC] =	sst s2  }
0x8f: {  	_ = 	snop  }
0x90: {  	s2 =	sld [smem:$0x3FD0];
	(tm) =	ssettm $0x1  }
0x91: {  	s18 =	sld [smem:$0x3FFB];
	_ =	sdelay $0x3  }
0x92: {  	_ =	strace s18  }
0x93: {  	s3 =	sld [smem:$0x3FFC];
	_ =	sdelay $0x3  }
0x94: {  	_ =	strace s3  }
0x95: {  	s3 =	sld [smem:$0x3FFD];
	_ =	sdelay $0x3  }
0x96: {  	_ =	strace s3  }
0x97: {  	_ =	strace $0x8FFFFFFF  }
0x98: {  	s19 =	sld [smem:$0x3FDB];
	_ =	sdelay $0x1  }
0x99: {  	s4 =	simm.s32 $_scs_section_size  }
0x9a: {  	s5 =	simm.s32 $_size__tile_overlayer_lowered;
	s6 =	simm.s32 $_tile_overlayer_lowered  }
0x9b: {  	s22 =	simm.s32 $0x1BFF;
	s21 =	sshll.u32 s6, $0x1;
	s3 =	sadd.s32 s4, s19  }
0x9c: {  	s7 =	simm.s32 $0x0;
	s20 =	sshll.u32 s5, $0x1;
	s5 =	sadd.s32 s21, s3  }
0x9d: {  	[timem:s7], [sflag:s22] =	dma.local [hbm:s5], s20  }
0x9e: {  	_ =	swait.ge [sflag:s22], s20  }
0x9f: {  	s4 =	ssub.s32 $0x0, s20;
	[sflag:s22] =	ssyncset.done $0x0  }
0xa0: {  	[sflag:s22] =	ssyncadd.s32 s4;
	_ =	sdelay $0x1  }
0xa1: {  	s23 =	simm.s32 $0x1B8B  }
0xa2: {  	_ =	swait.ge [sflag:s23], $0x1  }
0xa3: {  	[sflag:s23] =	ssyncset.done $0x0  }
0xa4: {  	s25 =	simm.s32 $0x1B8E;
	s24 =	sld [smem:$0x3FFE];
	[sflag:s23] =	ssyncadd.s32 $0xFFFFFFFF  }
0xa5: {  	s26 =	simm.s32 $execute0_lowered;
	[smem:$0x3FD2] =	sst s25  }
0xa6: {  	s5 =	sshll.u32 s26, $0x1;
	_ =	strace $0x80000052;
	[dreg:$0x1] =	wrdreg $0xFFFFFFFF  }
0xa7: {  	s28 =	simm.s32 $_size_execute0_lowered;
	s3 =	sadd.s32 s3, s5;
	[dreg:$0x0] =	wrdreg $0x0  }
0xa8: {  	s5 =	sshll.u32 s28, $0x1;
	[dreg:$0x2] =	wrdreg s3  }
0xa9: {  	[dreg:$0x3] =	wrdreg s5  }
0xaa: {  	[dreg:$0x4] =	wrdreg $0xC0  }
0xab: {  	_ =	task [dreg:s7], $0x5FFFF  }
0xac: {  	[dreg:$0x1] =	wrdreg $0xFFFFFFFF  }
0xad: {  	[dreg:$0x0] =	wrdreg $0x60  }
0xae: {  	[dreg:$0x2] =	wrdreg s2  }
0xaf: {  	[dreg:$0x3] =	wrdreg s24  }
0xb0: {  	[dreg:$0x4] =	wrdreg $0xB8E00  }
0xb1: {  	[dreg:$0x5] =	wrdreg $0x9  }
0xb2: {  	_ =	task.clear_ibuf [dreg:s7], $0x6FFFF;
	_ =	strace $0x90000052  }
0xb3: {  	s29 =	simm.s32 $0x9;
	_ =	strace $0x80000054  }
0xb4: {  	_ =	swait.ge [sflag:s29], $0x1  }
0xb5: {  	[sflag:s29] =	ssyncadd.s32 $0xFFFFFFFF  }
0xb6: {  	_ =	strace $0x90000054  }
0xb7: {  	_ =	sfence  }
0xb8: {  	s30 =	sld [smem:$0x0];
	_ =	sdelay $0x2  }
0xb9: {  	s31 =	sshll.u32 s1, $0xD;
	s1 =	sshrl.u32 s1, $0x2  }
0xba: {  	s3 =	sand.u32 $0x4000, s31;
	s1 =	sadd.s32 s1, s30  }
0xbb: {  	s0 =	sor.u32 s3, s0;
	s1 =	sshll.u32 s1, $0x11  }
0xbc: {  	s0 =	sor.u32 s1, s0  }
0xbd: {  	s0 =	sadd.s32 $0x8F2B, s0  }
0xbe: {  	[sflag:s0] =	ssyncadd.remote.s32 $0x1  }
0xbf: {  	_ =	sfence.sel $0xFFFF  }
0xc0: {  	[dreg:$0x0] =	wrdreg $0xFFFFFFFF;
	(pc) =	sbr.abs _section_cstart, $3  }
0xc1: {  	[dreg:$0x1] =	wrdreg $0xFFFFFFFF  }
0xc2: {  	_ =	task.clear_ibuf [dreg:s7], $0x2FFFF;
	_ =	strace $0x9FFFFFFF  }
0xc3: {  	(tm) =	ssettm $0x7FFFFFFF  }
tec
execute0_lowered:
.L_overlay_start_1:
0x0: {  	(tag) =	ssettag $0x1  }
0x1: {  	s14 =	rddreg [dreg:$0x0]  }
0x2: {  	s4 =	rddreg [dreg:$0x1]  }
0x3: {  	s0 =	stileid.u32;
	s1 =	srdreg.scid  }
0x4: {  	s2 =	rddreg [dreg:$0x2];
	s3 =	simm.s32 $0x0;
	s18 =	simm.s32 $0x2  }
0x5: {  	s19 =	simm.s32 $0x5000;
	s20 =	simm.s32 $0x80;
	s5 =	smul.u32 $0x9E0, s0  }
0x6: {  	s21 =	simm.s32 $0x9F00;
	s22 =	simm.s32 $0x1;
	s6 =	smul.u32 $0x4F00, s0  }
0x7: {  	s11 =	sand.u32 $0x1, s1;
	[smem:$0x7FF] =	sst s3;
	s8 =	smul.u32 $0x13C00, s0  }
0x8: {  	s1 =	rddreg [dreg:$0x3];
	s7 =	smul.u32 $0x4F000, s11;
	_ =	strace $0x80000053  }
0x9: {  	s30 =	ssub.s32 $0x2, s11;
	s17 =	smul.u32 $0x9E00, s11;
	s13 =	sadd.s32 s5, s4  }
0xa: {  	s8 =	sshrl.u32 s8, $0x2;
	s31 =	sshrl.u32 s30, $0x1;
	s29 =	sadd.s32 s6, s7  }
0xb: {  	s12 =	sadd.s32 s8, s2;
	s16 =	ssub.s32 s30, s31;
	s14 =	sadd.s32 s14, s17  }
0xc: {  	s17 =	simm.s32 $0xAF00;
	s5 =	sshrl.u32 s29, $0x3;
	s7 =	sadd.s32 $0x1DA0, s12  }
0xd: {  	s8 =	sadd.s32 $0x2780, s12;
	s9 =	sadd.s32 $0x3160, s12;
	s10 =	sadd.s32 $0x3B40, s12  }
0xe: {  	s11 =	sadd.s32 $0x4520, s12;
	s16 =	smax.u32 s16, $0x1;
	s15 =	sadd.s32 s5, s4  }
0xf: {  	s4 =	sadd.s32 s6, s2;
	s5 =	sadd.s32 $0x9E0, s12;
	s6 =	sadd.s32 $0x13C0, s12  }
0x10: {  	v0 =	vimm.f32 $0.0e+00;
	v1 =	vimm.s32 $0x2710;
	s12 =	sadd.s32 $0x16A00, s13;
	s13 =	sadd.s32 $0xCC00, s13;
	s15 =	sadd.s32 $0x6F800, s15  }
.LBB2_1:
0x11: {  	s23 =	simm.s32 $0x80;
	s24 =	simm.s32 $0x0  }
.LBB2_2:
0x12: {  	p0 =	sne.s32 s23, $0x2700;
	[tilespmem:s24+$0xAF00] =	vst v0;
	s25 =	smov.u32 s23;
	s23 =	sadd.s32 $0x80, s23  }
.Ltmp0:
0x13: {  	[tilespmem:s24+$0xAF10] =	vst v0;
	(pc) =	sbr.rel @p0 .LBB2_2-.Ltmp0, $2  }
0x14: {  	_ =	sdelay $0x2  }
0x15: {  	s24 =	sshra.s32 s25, $0x2  }
0x16: {  	[tilespmem:s24+$0xAF00] =	vst v0  }
0x17: {  	[tilespmem:s24+$0xAF10] =	vst v0  }
0x18: {  	[spmem:s4] =	stream.linear.scatter [tilespmem:s17], [sflag:$0x2], $0x9E0, $0x38;
	[tilespmem:$0x107E0] =	vst v63  }
0x19: {  	_ =	swait.ge [sflag:s18], $0x9E0  }
0x1a: {  	[sflag:s18] =	ssyncset.done $0x0  }
0x1b: {  	[sflag:s18] =	ssyncadd.s32 $0xFFFFF620  }
0x1c: {  	[spmem:s5] =	stream.linear.scatter [tilespmem:s17], [sflag:$0x2], $0x9E0, $0x38;
	[tilespmem:$0x107E0] =	vst v63  }
0x1d: {  	_ =	swait.ge [sflag:s18], $0x9E0  }
0x1e: {  	[sflag:s18] =	ssyncset.done $0x0  }
0x1f: {  	[sflag:s18] =	ssyncadd.s32 $0xFFFFF620  }
0x20: {  	[spmem:s6] =	stream.linear.scatter [tilespmem:s17], [sflag:$0x2], $0x9E0, $0x38;
	[tilespmem:$0x107E0] =	vst v63  }
0x21: {  	_ =	swait.ge [sflag:s18], $0x9E0  }
0x22: {  	[sflag:s18] =	ssyncset.done $0x0  }
0x23: {  	[sflag:s18] =	ssyncadd.s32 $0xFFFFF620  }
0x24: {  	[spmem:s7] =	stream.linear.scatter [tilespmem:s17], [sflag:$0x2], $0x9E0, $0x38;
	[tilespmem:$0x107E0] =	vst v63  }
0x25: {  	_ =	swait.ge [sflag:s18], $0x9E0  }
0x26: {  	[sflag:s18] =	ssyncset.done $0x0  }
0x27: {  	[sflag:s18] =	ssyncadd.s32 $0xFFFFF620  }
0x28: {  	[spmem:s8] =	stream.linear.scatter [tilespmem:s17], [sflag:$0x2], $0x9E0, $0x38;
	[tilespmem:$0x107E0] =	vst v63  }
0x29: {  	_ =	swait.ge [sflag:s18], $0x9E0  }
0x2a: {  	[sflag:s18] =	ssyncset.done $0x0  }
0x2b: {  	[sflag:s18] =	ssyncadd.s32 $0xFFFFF620  }
0x2c: {  	[spmem:s9] =	stream.linear.scatter [tilespmem:s17], [sflag:$0x2], $0x9E0, $0x38;
	[tilespmem:$0x107E0] =	vst v63  }
0x2d: {  	_ =	swait.ge [sflag:s18], $0x9E0  }
0x2e: {  	[sflag:s18] =	ssyncset.done $0x0  }
0x2f: {  	[sflag:s18] =	ssyncadd.s32 $0xFFFFF620  }
0x30: {  	[spmem:s10] =	stream.linear.scatter [tilespmem:s17], [sflag:$0x2], $0x9E0, $0x38;
	[tilespmem:$0x107E0] =	vst v63  }
0x31: {  	_ =	swait.ge [sflag:s18], $0x9E0  }
0x32: {  	[sflag:s18] =	ssyncset.done $0x0  }
0x33: {  	[sflag:s18] =	ssyncadd.s32 $0xFFFFF620  }
0x34: {  	[spmem:s11] =	stream.linear.scatter [tilespmem:s17], [sflag:$0x2], $0x9E0, $0x38;
	[tilespmem:$0x107E0] =	vst v63  }
0x35: {  	_ =	swait.ge [sflag:s18], $0x9E0  }
0x36: {  	[sflag:s18] =	ssyncset.done $0x0  }
0x37: {  	s23 =	simm.s32 $0x0;
	[sflag:s18] =	ssyncadd.s32 $0xFFFFF620  }
0x38: {  	[tilespmem:s23], [sflag:$0x2] =	stream.linear.gather [hbm4b:s12+s23], $0x4F00, $0x38;
	[tilespmem:$0x107E0] =	vst v63  }
0x39: {  	_ =	swait.ge [sflag:s18], $0x4F00  }
0x3a: {  	[sflag:s18] =	ssyncset.done $0x0  }
0x3b: {  	[sflag:s18] =	ssyncadd.s32 $0xFFFFB100  }
0x3c: {  	[tilespmem:s19], [sflag:$0x2] =	stream.linear.gather [hbm4b:s13+s23], $0x4F00, $0x38;
	[tilespmem:$0x107E0] =	vst v63  }
0x3d: {  	_ =	swait.ge [sflag:s18], $0x4F00  }
0x3e: {  	[sflag:s18] =	ssyncset.done $0x0  }
0x3f: {  	[sflag:s18] =	ssyncadd.s32 $0xFFFFB100  }
0x40: {  	[tilespmem:$0x4F00] =	vst v1  }
0x41: {  	[tilespmem:$0x4F10] =	vst v1  }
0x42: {  	[tilespmem:$0x4F20] =	vst v1  }
0x43: {  	[tilespmem:$0x4F30] =	vst v1  }
0x44: {  	[tilespmem:$0x4F40] =	vst v1  }
0x45: {  	[tilespmem:$0x4F50] =	vst v1  }
0x46: {  	[tilespmem:$0x4F60] =	vst v1  }
0x47: {  	[tilespmem:$0x4F70] =	vst v1  }
0x48: {  	[tilespmem:$0x4F80] =	vst v1  }
0x49: {  	[tilespmem:$0x4F90] =	vst v1  }
0x4a: {  	[tilespmem:$0x4FA0] =	vst v1  }
0x4b: {  	[tilespmem:$0x4FB0] =	vst v1  }
0x4c: {  	[tilespmem:$0x4FC0] =	vst v1  }
0x4d: {  	[tilespmem:$0x4FD0] =	vst v1  }
0x4e: {  	[tilespmem:$0x4FE0] =	vst v1  }
0x4f: {  	[tilespmem:$0x4FF0] =	vst v1  }
0x50: {  	s30 =	simm.s32 $0x0;
	[bflag:$0x0] =	sbarrier.arrive $0xFFFF  }
0x51: {  	[tilespmem:s21], [sflag:$0x1] =	stream.indirect.gather [hbm4b:s14+s20], $0x20, s30, s20, $0xb8;
	[tilespmem:$0x107E0] =	vst v63  }
0x52: {  	_ =	swait.ge [sflag:s22], $0x1000  }
0x53: {  	[sflag:s22] =	ssyncset.done $0x0  }
0x54: {  	s31 =	simm.s32 $0x5000;
	[sflag:s22] =	ssyncadd.s32 $0xFFFFF000  }
0x55: {  	[spmem:s2] =	stream.indirect.scatter.add.f32 [tilespmem:s21], [sflag:$0x2], $0x20, s31, s20, $0xb8;
	[tilespmem:$0x107E0] =	vst v63  }
0x56: {  	_ =	swait.ge [sflag:s18], $0x1000  }
0x57: {  	s24 =	simm.s32 $0x400;
	s23 =	simm.s32 $0x200;
	[sflag:s18] =	ssyncset.done $0x0  }
.LBB2_4:
0x58: {  	s25 =	sshra.s32 s23, $0x2  }
0x59: {  	[sflag:s18] =	ssyncadd.s32 $0xFFFFF000;
	s23 =	smov.u32 s24;
	s26 =	sadd.s32 $0x200, s24  }
0x5a: {  	[tilespmem:s21], [sflag:$0x1] =	stream.indirect.gather [hbm4b:s14+s20], $0x20, s25, s20, $0xb8;
	[tilespmem:$0x107E0] =	vst v63  }
0x5b: {  	p0 =	sne.s32 s24, $0x13A00;
	_ =	swait.ge [sflag:s22], $0x1000  }
.Ltmp1:
0x5c: {  	[sflag:s22] =	ssyncset.done $0x0;
	(pc) =	sbr.rel @p0 .LBB2_4-.Ltmp1, $4  }
0x5d: {  	s24 =	sadd.s32 $0x5000, s25;
	[sflag:s22] =	ssyncadd.s32 $0xFFFFF000  }
0x5e: {  	[spmem:s2] =	stream.indirect.scatter.add.f32 [tilespmem:s21], [sflag:$0x2], $0x20, s24, s20, $0xb8;
	[tilespmem:$0x107E0] =	vst v63  }
0x5f: {  	_ =	swait.ge [sflag:s18], $0x1000  }
0x60: {  	s24 =	smov.u32 s26;
	[sflag:s18] =	ssyncset.done $0x0  }
0x61: {  	s23 =	sshra.s32 s23, $0x2;
	[sflag:s18] =	ssyncadd.s32 $0xFFFFF000  }
0x62: {  	[tilespmem:s21], [sflag:$0x1] =	stream.indirect.gather [hbm4b:s14+s20], $0x20, s23, s20, $0xb8;
	[tilespmem:$0x107E0] =	vst v63  }
0x63: {  	_ =	swait.ge [sflag:s22], $0x1000  }
0x64: {  	[sflag:s22] =	ssyncset.done $0x0  }
0x65: {  	s23 =	sadd.s32 $0x5000, s23;
	[sflag:s22] =	ssyncadd.s32 $0xFFFFF000  }
0x66: {  	[spmem:s2] =	stream.indirect.scatter.add.f32 [tilespmem:s21], [sflag:$0x2], $0x20, s23, s20, $0xb8;
	[tilespmem:$0x107E0] =	vst v63  }
0x67: {  	_ =	swait.ge [sflag:s18], $0x1000  }
0x68: {  	s31 =	sshll.u32 s0, $0x6;
	s3 =	sadd.s32 $0x1, s3;
	[sflag:s18] =	ssyncset.done $0x0  }
0x69: {  	s24 =	sshrl.u32 s4, $0x3;
	p0 =	sne.s32 s3, s16;
	[sflag:s18] =	ssyncadd.s32 $0xFFFFF000  }
.Ltmp2:
0x6a: {  	s23 =	sor.u32 $0x1C02, s31;
	[bflag:$0x0] =	sbarrier.arrive $0xFFFF;
	(pc) =	sbr.rel @p0 .LBB2_1-.Ltmp2, $4  }
0x6b: {  	[hbm:s15], [sflag:s23] =	dma.local [spmem:s24], $0x9E0  }
0x6c: {  	_ =	swait.ge [sflag:s18], $0x9E0  }
0x6d: {  	[sflag:s18] =	ssyncset.done $0x0  }
0x6e: {  	[sflag:s18] =	ssyncadd.s32 $0xFFFFF620  }
0x6f: {  	_ =	sfence.sel $0x180000  }
0x70: {  	[bflag:$0x0] =	sbarrier.arrive $0xFFFF  }
0x71: {  	p0 =	sne.s32 s0, $0x0;
	_ =	strace $0x90000053  }
0x72: {  	s0 =	sadd.s32 @!p0 $0x100000, s1;
	[bflag:$0x2] =	sbarrier.arrive $0xFFFF  }
0x73: {  	[sflag:s0] =	ssyncadd.tile.s32 @!p0 $0x1;
	_ =	shalt  }
.Lfunc_end2:
_tile_overlayer_lowered:
.L_overlay_start_2:
0x74: {  	(tag) =	ssettag $0x2  }
0x75: {  	s0 =	rddreg [dreg:$0x0];
	s2 =	stileid.u32  }
0x76: {  	s1 =	rddreg [dreg:$0x1];
	p0 =	sne.s32 s2, $0x0  }
0x77: {  	s3 =	rddreg [dreg:$0x2];
	[bflag:$0x3] =	sbarrier.arrive $0xFFFF;
	s2 =	simm.s32 @!p0 $0x1C02  }
0x78: {  	[timem:s3], [sflag:s2] =	dma.local @!p0 [hbm:s0], s1  }
0x79: {  	s0 =	simm.s32 @!p0 $0x2  }
0x7a: {  	_ =	swait.ge @!p0 [sflag:s0], s1  }
0x7b: {  	s1 =	ssub.s32 @!p0 $0x0, s1;
	[sflag:s0] =	ssyncset.done @!p0 $0x0  }
0x7c: {  	[sflag:s0] =	ssyncadd.s32 @!p0 s1  }
0x7d: {  	[bflag:$0x3] =	sbarrier.arrive $0xFFFF  }
0x7e: {  	_ =	shalt  }

</sc_bundles>
